<compile_context>
chip_gen: v7x
topology: tpu7x:2x2x1
jax: 0.10.2.dev20260603
libtpu: 0.0.44.dev20260713+nightly
codegen_flags: <defaults>
</compile_context>

<pallas_src>
import functools

import jax
import jax.numpy as jnp
from jax import lax
from jax.experimental import pallas as pl
from jax.experimental.pallas import tpu as pltpu
from jax.experimental.pallas import tpu_sc as plsc

N = 10000
E = 320000
D = 128
HEADS = 4
DH = 32

NC = 2
NS = 16
NPAD = 10240
K = 128
EPAD = 327680
NCH = EPAD // (NC * NS * K)
ROWS_PER_SUB = NPAD // NS
INV_SQRT_DH = 1.0 / (DH ** 0.5)

_MESH = plsc.VectorSubcoreMesh(core_axis_name="c", subcore_axis_name="s",
                               num_cores=NC, num_subcores=NS)
_SC_PARAMS = pltpu.CompilerParams(needs_layout_passes=False,
                                  use_tc_tiling_on_sc=False)


@functools.partial(
    pl.kernel,
    out_type=jax.ShapeDtypeStruct((NC * NS, NPAD), jnp.float32),
    mesh=_MESH,
    compiler_params=_SC_PARAMS,
    scratch_types=[
        pltpu.VMEM((NPAD,), jnp.float32),
        pltpu.VMEM((NCH, K), jnp.int32),
    ],
)
def _sc_degree(dst2d, out_hbm, hist, dbuf):
    c = lax.axis_index("c")
    s = lax.axis_index("s")
    tid = c * NS + s

    zero16 = jnp.zeros((16,), jnp.float32)

    def zbody(i, _):
        hist[pl.ds(i * 16, 16)] = zero16
        return 0

    lax.fori_loop(0, NPAD // 16, zbody, 0)

    pltpu.sync_copy(dst2d.at[pl.ds(tid * NCH, NCH)], dbuf)

    ones16 = jnp.ones((16,), jnp.float32)

    def body(i, _):
        r = i // (K // 16)
        g = i % (K // 16)
        dvec = dbuf[r, pl.ds(g * 16, 16)]
        plsc.addupdate_scatter(hist, [dvec], ones16)
        return 0

    lax.fori_loop(0, NCH * (K // 16), body, 0)
    pltpu.sync_copy(hist, out_hbm.at[tid])


GIB = 8


@functools.partial(
    pl.kernel,
    out_type=jax.ShapeDtypeStruct((NC, NPAD, D), jnp.float32),
    mesh=_MESH,
    compiler_params=_SC_PARAMS,
    scratch_types=[
        pltpu.VMEM_SHARED((NPAD, D), jnp.float32),
        pltpu.VMEM((GIB, K), jnp.int32),
        pltpu.VMEM((GIB, K), jnp.int32),
        pltpu.VMEM((K, D), jnp.float32),
        pltpu.VMEM((K, D), jnp.float32),
        pltpu.SemaphoreType.DMA,
        pltpu.SemaphoreType.DMA,
    ],
)
def _sc_gcn(src2d, dst2d, g_hbm, out_hbm, acc, sidx, didx, ga, gb, sa, sb):
    c = lax.axis_index("c")
    s = lax.axis_index("s")
    tid = c * NS + s

    zero16 = jnp.zeros((16,), jnp.float32)

    def zbody(i, _):
        ga[i // 8, pl.ds((i % 8) * 16, 16)] = zero16
        return 0

    lax.fori_loop(0, 128 * 8, zbody, 0)
    for r in range(ROWS_PER_SUB // 128):
        pltpu.sync_copy(ga, acc.at[pl.ds(s * ROWS_PER_SUB + r * 128, 128)])
    plsc.subcore_barrier()

    base = tid * NCH
    NB = NCH // GIB

    def stage(bi):
        pltpu.sync_copy(src2d.at[pl.ds(base + bi * GIB, GIB)], sidx)
        pltpu.sync_copy(dst2d.at[pl.ds(base + bi * GIB, GIB)], didx)

    stage(0)
    pltpu.async_copy(g_hbm.at[sidx.at[0]], ga, sa)

    def pair(pj):
        j0 = pj * 2
        pltpu.make_async_copy(g_hbm.at[sidx.at[j0]], ga, sa).wait()
        pltpu.async_copy(g_hbm.at[sidx.at[j0 + 1]], gb, sb)
        pltpu.sync_copy(ga, acc.at[didx.at[j0]], add=True)
        pltpu.make_async_copy(g_hbm.at[sidx.at[j0 + 1]], gb, sb).wait()

    def pairs(pj, _):
        pair(pj)
        pltpu.async_copy(g_hbm.at[sidx.at[pj * 2 + 2]], ga, sa)
        pltpu.sync_copy(gb, acc.at[didx.at[pj * 2 + 1]], add=True)
        return 0

    def block(bi, _):
        lax.fori_loop(0, GIB // 2 - 1, pairs, 0)
        pair(GIB // 2 - 1)
        pltpu.sync_copy(gb, acc.at[didx.at[GIB - 1]], add=True)
        bn = jnp.minimum(bi + 1, NB - 1)
        stage(bn)
        pltpu.async_copy(g_hbm.at[sidx.at[0]], ga, sa)
        return 0

    lax.fori_loop(0, NB, block, 0)
    pltpu.make_async_copy(g_hbm.at[sidx.at[0]], ga, sa).wait()
    plsc.subcore_barrier()
    for r in range(ROWS_PER_SUB // 128):
        r0 = s * ROWS_PER_SUB + r * 128
        pltpu.sync_copy(acc.at[pl.ds(r0, 128)], out_hbm.at[c, pl.ds(r0, 128)])


KA = 32
NCHA = EPAD // (NC * NS * KA)
AIB = 16


@functools.partial(
    pl.kernel,
    out_type=(
        jax.ShapeDtypeStruct((NC, NPAD, D), jnp.float32),
        jax.ShapeDtypeStruct((NC, NPAD, 16), jnp.float32),
    ),
    mesh=_MESH,
    compiler_params=_SC_PARAMS,
    scratch_types=[
        pltpu.VMEM_SHARED((NPAD, D), jnp.float32),
        pltpu.VMEM_SHARED((NPAD, 16), jnp.float32),
        pltpu.VMEM((AIB, KA), jnp.int32),
        pltpu.VMEM((AIB, KA), jnp.int32),
        pltpu.VMEM((AIB * KA // 128, 128), jnp.int32),
        pltpu.VMEM((KA, D), jnp.float32),
        pltpu.VMEM((KA, D), jnp.float32),
        pltpu.VMEM((KA, D), jnp.float32),
        pltpu.VMEM((AIB * KA, 16), jnp.float32),
        pltpu.VMEM((KA, D), jnp.float32),
        pltpu.VMEM((KA, D), jnp.float32),
        pltpu.VMEM((KA, D), jnp.float32),
        pltpu.SemaphoreType.DMA,
        pltpu.SemaphoreType.DMA,
    ],
)
def _sc_attn(src2d, dst2d, dst128, q_hbm, k_hbm, v_hbm, outn_hbm, outd_hbm,
             accn, accd, sidx, didx, didxf, qa, ka, va, ea, qb, kb, vb,
             sema, semb):
    c = lax.axis_index("c")
    s = lax.axis_index("s")
    tid = c * NS + s

    zero16 = jnp.zeros((16,), jnp.float32)

    def zbody(i, _):
        qa[i // 8, pl.ds((i % 8) * 16, 16)] = zero16
        return 0

    lax.fori_loop(0, KA * 8, zbody, 0)

    def zebody(i, _):
        ea[i] = zero16
        return 0

    lax.fori_loop(0, AIB * KA, zebody, 0)
    for r in range(ROWS_PER_SUB // KA):
        pltpu.sync_copy(qa, accn.at[pl.ds(s * ROWS_PER_SUB + r * KA, KA)])
    pltpu.sync_copy(ea, accd.at[pl.ds(s * ROWS_PER_SUB, AIB * KA)])
    pltpu.sync_copy(
        ea.at[pl.ds(0, ROWS_PER_SUB - AIB * KA)],
        accd.at[pl.ds(s * ROWS_PER_SUB + AIB * KA, ROWS_PER_SUB - AIB * KA)])
    plsc.subcore_barrier()

    iota16 = lax.iota(jnp.int32, 16)
    base = tid * NCHA
    NBA = NCHA // AIB

    ROWS_ST = AIB * KA // 128

    def stage(bi):
        pltpu.sync_copy(src2d.at[pl.ds(base + bi * AIB, AIB)], sidx)
        pltpu.sync_copy(dst2d.at[pl.ds(base + bi * AIB, AIB)], didx)
        pltpu.sync_copy(
            dst128.at[pl.ds((base + bi * AIB) * KA // 128, ROWS_ST)], didxf)

    def issue(j, q_, k_, v_, sem):
        pltpu.async_copy(q_hbm.at[didx.at[j]], q_, sem)
        pltpu.async_copy(k_hbm.at[sidx.at[j]], k_, sem)
        pltpu.async_copy(v_hbm.at[sidx.at[j]], v_, sem)

    def waitall(j, q_, k_, v_, sem):
        pltpu.make_async_copy(q_hbm.at[didx.at[j]], q_, sem).wait()
        pltpu.make_async_copy(k_hbm.at[sidx.at[j]], k_, sem).wait()
        pltpu.make_async_copy(v_hbm.at[sidx.at[j]], v_, sem).wait()

    def compute(j, q_, k_, v_):
        ebase = j * KA

        def one(e):
            ex = []
            for h in range(HEADS):
                p = (q_[e, pl.ds(h * DH, 16)] * k_[e, pl.ds(h * DH, 16)]
                     + q_[e, pl.ds(h * DH + 16, 16)]
                     * k_[e, pl.ds(h * DH + 16, 16)])
                sh = jnp.sum(p)
                ex.append(jnp.exp(jnp.full((16,), sh, jnp.float32)))
            erow = jnp.zeros((16,), jnp.float32)
            for h in range(HEADS):
                erow = jnp.where(iota16 == h, ex[h], erow)
            ea[ebase + e] = erow
            for jj in range(D // 16):
                v_[e, pl.ds(jj * 16, 16)] = (
                    v_[e, pl.ds(jj * 16, 16)] * ex[jj // 2])

        def edge1(e, _):
            one(e)
            return 0

        lax.fori_loop(0, KA, edge1, 0)

    def scatter(j, v_):
        pltpu.sync_copy(v_, accn.at[didx.at[j]], add=True)

    def scatter_e():
        for j in range(AIB * KA // 128):
            pltpu.sync_copy(ea.at[pl.ds(j * 128, 128)],
                            accd.at[didxf.at[j]], add=True)

    stage(0)
    issue(0, qa, ka, va, sema)

    def pair(pj):
        j0 = pj * 2
        waitall(j0, qa, ka, va, sema)
        issue(j0 + 1, qb, kb, vb, semb)
        compute(j0, qa, ka, va)
        scatter(j0, va)
        waitall(j0 + 1, qb, kb, vb, semb)

    def pairs(pj, _):
        pair(pj)
        issue(pj * 2 + 2, qa, ka, va, sema)
        compute(pj * 2 + 1, qb, kb, vb)
        scatter(pj * 2 + 1, vb)
        return 0

    def block(bi, _):
        lax.fori_loop(0, AIB // 2 - 1, pairs, 0)
        pair(AIB // 2 - 1)
        compute(AIB - 1, qb, kb, vb)
        scatter(AIB - 1, vb)
        scatter_e()
        bn = jnp.minimum(bi + 1, NBA - 1)
        stage(bn)
        issue(0, qa, ka, va, sema)
        return 0

    lax.fori_loop(0, NBA, block, 0)
    waitall(0, qa, ka, va, sema)
    plsc.subcore_barrier()
    for r in range(ROWS_PER_SUB // 128):
        r0 = s * ROWS_PER_SUB + r * 128
        pltpu.sync_copy(accn.at[pl.ds(r0, 128)], outn_hbm.at[c, pl.ds(r0, 128)])
    pltpu.sync_copy(accd.at[pl.ds(s * ROWS_PER_SUB, ROWS_PER_SUB)],
                    outd_hbm.at[c, pl.ds(s * ROWS_PER_SUB, ROWS_PER_SUB)])


_R = 512


def _tc_prep_body(x_ref, w1_ref, degp_ref, g_ref, resid_ref, dinv_ref):
    deg = jnp.sum(degp_ref[...], axis=0) + 1.0
    dinv = lax.rsqrt(deg)
    h0 = jnp.dot(x_ref[...], w1_ref[...], preferred_element_type=jnp.float32)
    g = h0 * dinv[:, None]
    g_ref[...] = g
    resid_ref[...] = g * dinv[:, None]
    dinv_ref[...] = dinv


def _tc_prep(x, w1, degp):
    return pl.pallas_call(
        _tc_prep_body,
        grid=(NPAD // _R,),
        in_specs=[
            pl.BlockSpec((_R, D), lambda i: (i, 0)),
            pl.BlockSpec((D, D), lambda i: (0, 0)),
            pl.BlockSpec((NC * NS, _R), lambda i: (0, i)),
        ],
        out_specs=[
            pl.BlockSpec((_R, D), lambda i: (i, 0)),
            pl.BlockSpec((_R, D), lambda i: (i, 0)),
            pl.BlockSpec((_R,), lambda i: (i,)),
        ],
        out_shape=[
            jax.ShapeDtypeStruct((NPAD, D), jnp.float32),
            jax.ShapeDtypeStruct((NPAD, D), jnp.float32),
            jax.ShapeDtypeStruct((NPAD,), jnp.float32),
        ],
    )(x, w1, degp)


def _tc_mix_body(agg0_ref, agg1_ref, dinv_ref, resid_ref, b1_ref,
                 wq_ref, bq_ref, wk_ref, bk_ref, wv_ref, bv_ref,
                 ws_ref, bs_ref, q_ref, k_ref, v_ref, skip_ref):
    dinv = dinv_ref[...]
    h = (agg0_ref[...] + agg1_ref[...]) * dinv[:, None] + resid_ref[...]
    h = jnp.maximum(h + b1_ref[...][None, :], 0.0)
    q = jnp.dot(h, wq_ref[...], preferred_element_type=jnp.float32)
    q_ref[...] = (q + bq_ref[...][None, :]) * INV_SQRT_DH
    k = jnp.dot(h, wk_ref[...], preferred_element_type=jnp.float32)
    k_ref[...] = k + bk_ref[...][None, :]
    v = jnp.dot(h, wv_ref[...], preferred_element_type=jnp.float32)
    v_ref[...] = v + bv_ref[...][None, :]
    sk = jnp.dot(h, ws_ref[...], preferred_element_type=jnp.float32)
    skip_ref[...] = sk + bs_ref[...][None, :]


def _tc_mix(agg0, agg1, dinv, resid, b1, wq, bq, wk, bk, wv, bv, ws, bs):
    row = pl.BlockSpec((_R, D), lambda i: (i, 0))
    wsp = pl.BlockSpec((D, D), lambda i: (0, 0))
    bsp = pl.BlockSpec((D,), lambda i: (0,))
    return pl.pallas_call(
        _tc_mix_body,
        grid=(NPAD // _R,),
        in_specs=[row, row, pl.BlockSpec((_R,), lambda i: (i,)), row, bsp,
                  wsp, bsp, wsp, bsp, wsp, bsp, wsp, bsp],
        out_specs=[row, row, row, row],
        out_shape=[jax.ShapeDtypeStruct((NPAD, D), jnp.float32)] * 4,
    )(agg0, agg1, dinv, resid, b1, wq, bq, wk, bk, wv, bv, ws, bs)


def _tc_final_body(n0_ref, n1_ref, d0_ref, d1_ref, skip_ref, out_ref):
    den = d0_ref[...] + d1_ref[...] + 1e-16
    den4 = den[:, :HEADS]
    denx = jnp.broadcast_to(den4[:, :, None], (_R, HEADS, DH)).reshape(_R, D)
    out_ref[...] = (n0_ref[...] + n1_ref[...]) / denx + skip_ref[...]


def _tc_final(n0, n1, d0, d1, skip):
    row = pl.BlockSpec((_R, D), lambda i: (i, 0))
    drow = pl.BlockSpec((_R, 16), lambda i: (i, 0))
    return pl.pallas_call(
        _tc_final_body,
        grid=(NPAD // _R,),
        in_specs=[row, row, drow, drow, row],
        out_specs=row,
        out_shape=jax.ShapeDtypeStruct((NPAD, D), jnp.float32),
    )(n0, n1, d0, d1, skip)




def kernel(x, edge_index, W1, b1, Wq, bq, Wk, bk, Wv, bv, Wskip, bskip):
    src = edge_index[0]
    dst = edge_index[1]
    padv = N + jnp.arange(EPAD - E, dtype=jnp.int32) % (NPAD - N)
    src2d = jnp.concatenate([src, padv]).reshape(EPAD // K, K)
    dst2d = jnp.concatenate([dst, padv]).reshape(EPAD // K, K)
    xp = jnp.pad(x, ((0, NPAD - N), (0, 0)))

    degp = _sc_degree(dst2d)
    g, resid, dinv = _tc_prep(xp, W1, degp)
    agg = _sc_gcn(src2d, dst2d, g)
    q, k, v, skip = _tc_mix(agg[0], agg[1], dinv, resid, b1,
                            Wq, bq, Wk, bk, Wv, bv, Wskip, bskip)
    srcK = src2d.reshape(EPAD // KA, KA)
    dstK = lax.optimization_barrier(dst2d.reshape(EPAD // KA, KA))
    num, den = _sc_attn(srcK, dstK, dst2d, q, k, v)
    out = _tc_final(num[0], num[1], den[0], den[1], skip)
    return out[:N]

# --- scband reference (transcript-rebuilt; emitter-appended) ---
"""Pipeline reference for scband-spatial-layer-16604343566575 (READ-ONLY COPY).

The authoritative reference and input builder live on the scoring server;
editing this copy changes nothing except your own understanding.
"""

import jax, jax.numpy as jnp
import numpy as np

N = 10000
E = 320000
D_IN = 128
D_HID = 128
HEADS = 4
D_HEAD = 32  # out_channels per head; concat -> 128


def setup_inputs(seed: int = 0) -> dict:
    key = jax.random.key(seed)
    ks = jax.random.split(key, 12)
    x = jax.random.normal(ks[0], (N, D_IN), dtype=jnp.float32)
    edge_index = jax.random.randint(ks[1], (2, E), 0, N, dtype=jnp.int32)
    s1 = 1.0 / np.sqrt(D_IN)
    s2 = 1.0 / np.sqrt(D_HID)
    W1 = jax.random.normal(ks[2], (D_IN, D_HID), dtype=jnp.float32) * s1
    b1 = jnp.zeros((D_HID,), dtype=jnp.float32)
    Wq = jax.random.normal(ks[3], (D_HID, HEADS * D_HEAD), dtype=jnp.float32) * s2
    bq = jnp.zeros((HEADS * D_HEAD,), dtype=jnp.float32)
    Wk = jax.random.normal(ks[4], (D_HID, HEADS * D_HEAD), dtype=jnp.float32) * s2
    bk = jnp.zeros((HEADS * D_HEAD,), dtype=jnp.float32)
    Wv = jax.random.normal(ks[5], (D_HID, HEADS * D_HEAD), dtype=jnp.float32) * s2
    bv = jnp.zeros((HEADS * D_HEAD,), dtype=jnp.float32)
    Wskip = jax.random.normal(ks[6], (D_HID, HEADS * D_HEAD), dtype=jnp.float32) * s2
    bskip = jnp.zeros((HEADS * D_HEAD,), dtype=jnp.float32)
    return {"x": x, "edge_index": edge_index, "W1": W1, "b1": b1, "Wq": Wq, "bq": bq,
            "Wk": Wk, "bk": bk, "Wv": Wv, "bv": bv, "Wskip": Wskip, "bskip": bskip}


def _gcn_conv(x, edge_index, W, b):
    # PyG GCNConv: lin -> add self loops -> sym norm -> scatter-add -> + bias
    h = x @ W
    src, dst = edge_index[0], edge_index[1]
    loop = jnp.arange(N, dtype=src.dtype)
    src2 = jnp.concatenate([src, loop])
    dst2 = jnp.concatenate([dst, loop])
    ones = jnp.ones((src2.shape[0],), dtype=h.dtype)
    deg = jax.ops.segment_sum(ones, dst2, num_segments=N)
    dinv = jnp.where(deg > 0, jax.lax.rsqrt(jnp.maximum(deg, 1e-12)), 0.0)
    norm = dinv[src2] * dinv[dst2]
    msg = h[src2] * norm[:, None]
    out = jax.ops.segment_sum(msg, dst2, num_segments=N)
    return out + b


def _transformer_conv(x, edge_index, Wq, bq, Wk, bk, Wv, bv, Wskip, bskip):
    # PyG TransformerConv (concat=True, root_weight=True, no self loops)
    src, dst = edge_index[0], edge_index[1]
    q = (x @ Wq + bq).reshape(N, HEADS, D_HEAD)
    k = (x @ Wk + bk).reshape(N, HEADS, D_HEAD)
    v = (x @ Wv + bv).reshape(N, HEADS, D_HEAD)
    qi = q[dst]  # [E, H, Dh]
    kj = k[src]
    vj = v[src]
    logits = jnp.sum(qi * kj, axis=-1) / np.sqrt(D_HEAD)  # [E, H]
    m = jax.ops.segment_max(logits, dst, num_segments=N)  # [N, H]
    ex = jnp.exp(logits - m[dst])
    denom = jax.ops.segment_sum(ex, dst, num_segments=N)[dst] + 1e-16
    alpha = ex / denom  # [E, H]
    out = jax.ops.segment_sum(alpha[:, :, None] * vj, dst, num_segments=N)  # [N, H, Dh]
    out = out.reshape(N, HEADS * D_HEAD)
    return out + (x @ Wskip + bskip)


def reference(x, edge_index, W1, b1, Wq, bq, Wk, bk, Wv, bv, Wskip, bskip):
    h = jax.nn.relu(_gcn_conv(x, edge_index, W1, b1))
    return _transformer_conv(h, edge_index, Wq, bq, Wk, bk, Wv, bv, Wskip, bskip)

if __name__ == "__main__":
    import jax
    _d = setup_inputs()
    print(jax.jit(kernel)(*tuple(_d.values())))

</pallas_src>

<mosaic_0001>
#map = affine_map<(d0, d1) -> (0, 0)>
#map1 = affine_map<(d0, d1) -> (0, 0, 0)>
module attributes {stable_mosaic.version = 14 : i64} {
  func.func @_sc_gcn(%arg0: i32, %arg1: i32, %arg2: memref<2560x128xi32, #tpu.memory_space<hbm>>, %arg3: memref<2560x128xi32, #tpu.memory_space<hbm>>, %arg4: memref<10240x128xf32, #tpu.memory_space<hbm>>, %arg5: memref<2x10240x128xf32, #tpu.memory_space<hbm>>, %arg6: memref<10240x128xf32, #tpu.memory_space<vmem_shared>>, %arg7: memref<8x128xi32, #tpu.memory_space<vmem>>, %arg8: memref<8x128xi32, #tpu.memory_space<vmem>>, %arg9: memref<128x128xf32, #tpu.memory_space<vmem>>, %arg10: memref<128x128xf32, #tpu.memory_space<vmem>>, %arg11: memref<!tpu.dma_semaphore, #tpu.memory_space<semaphore_mem>>, %arg12: memref<!tpu.dma_semaphore, #tpu.memory_space<semaphore_mem>>) attributes {dimension_semantics = [#tpu.dimension_semantics<core_parallel>, #tpu.dimension_semantics<subcore_parallel>], iteration_bounds = array<i64: 2, 16>, scalar_prefetch = 0 : i64, scratch_operands = 7 : i64, tpu.core_type = #tpu.core_type<sc_vector_subcore>, window_params = [{transform_indices = #map}, {transform_indices = #map}, {transform_indices = #map}, {transform_indices = #map1}]} {
    %mul3A = arith.constant 16 : i32
    %mul3A_0 = arith.muli %arg0, %mul3A : i32
    %add3A = arith.addi %mul3A_0, %arg1 : i32
    %broadcast_in_dim3A = arith.constant 0.000000e+00 : f32
    %broadcast_in_dim3A_1 = vector.broadcast %broadcast_in_dim3A : f32 to vector<16xf32>
    %scan3A = arith.constant 0 : i32
    %scan3A_2 = arith.constant 0 : i32
    %scan3A_3 = arith.constant 1024 : i32
    %scan3A_4 = arith.addi %scan3A_2, %scan3A_3 : i32
    %scan3A_5 = arith.constant 1 : i32
    %scan3A_6 = scf.for %scan3A_74 = %scan3A_2 to %scan3A_4 step %scan3A_5 iter_args(%scan3A_75 = %scan3A) -> (i32)  : i32 {
      %jit3A = arith.constant 8 : i32
      %div3A = arith.divsi %scan3A_74, %jit3A : i32
      %sign3A = arith.constant 0 : i32
      %sign3A_76 = arith.cmpi sgt, %scan3A_74, %sign3A : i32
      %sign3A_77 = arith.extui %sign3A_76 : i1 to i32
      %sign3A_78 = arith.constant 0 : i32
      %sign3A_79 = arith.cmpi slt, %scan3A_74, %sign3A_78 : i32
      %sign3A_80 = arith.extui %sign3A_79 : i1 to i32
      %sign3A_81 = arith.subi %sign3A_77, %sign3A_80 : i32
      %sign3A_82 = arith.constant 0 : i32
      %sign3A_83 = arith.cmpi sgt, %jit3A, %sign3A_82 : i32
      %sign3A_84 = arith.extui %sign3A_83 : i1 to i32
      %sign3A_85 = arith.constant 0 : i32
      %sign3A_86 = arith.cmpi slt, %jit3A, %sign3A_85 : i32
      %sign3A_87 = arith.extui %sign3A_86 : i1 to i32
      %sign3A_88 = arith.subi %sign3A_84, %sign3A_87 : i32
      %ne3A = arith.cmpi ne, %sign3A_81, %sign3A_88 : i32
      %rem3A = arith.remsi %scan3A_74, %jit3A : i32
      %ne3A_89 = arith.constant 0 : i32
      %ne3A_90 = arith.cmpi ne, %rem3A, %ne3A_89 : i32
      %and3A = arith.andi %ne3A, %ne3A_90 : i1
      %sub3A = arith.constant 1 : i32
      %sub3A_91 = arith.subi %div3A, %sub3A : i32
      %select_n3A = arith.select %and3A, %sub3A_91, %div3A : i32
      %jit3A_92 = arith.constant 8 : i32
      %eq3A = arith.constant 0 : i32
      %eq3A_93 = arith.cmpi eq, %jit3A_92, %eq3A : i32
      %jit3A_94 = arith.constant 1 : i32
      %select_n3A_95 = arith.select %eq3A_93, %jit3A_94, %jit3A_92 : i32
      %rem3A_96 = arith.remsi %scan3A_74, %select_n3A_95 : i32
      %ne3A_97 = arith.constant 0 : i32
      %ne3A_98 = arith.cmpi ne, %rem3A_96, %ne3A_97 : i32
      %lt3A = arith.constant 0 : i32
      %lt3A_99 = arith.cmpi slt, %rem3A_96, %lt3A : i32
      %lt3A_100 = arith.constant 0 : i32
      %lt3A_101 = arith.cmpi slt, %select_n3A_95, %lt3A_100 : i32
      %ne3A_102 = arith.xori %lt3A_99, %lt3A_101 : i1
      %and3A_103 = arith.andi %ne3A_102, %ne3A_98 : i1
      %add3A_104 = arith.addi %rem3A_96, %select_n3A_95 : i32
      %select_n3A_105 = arith.select %and3A_103, %add3A_104, %rem3A_96 : i32
      %mul3A_106 = arith.constant 16 : i32
      %mul3A_107 = arith.muli %select_n3A_105, %mul3A_106 : i32
      %swap3A = arith.index_cast %select_n3A : i32 to index
      %swap3A_108 = arith.index_cast %mul3A_107 : i32 to index
      %swap3A_109 = tpu.vector_load %arg9[%swap3A, %swap3A_108] {strides = array<i32>} : memref<128x128xf32, #tpu.memory_space<vmem>>, vector<16xf32>,
      tpu.vector_store %arg9[%swap3A, %swap3A_108], %broadcast_in_dim3A_1 {strides = array<i32>} : memref<128x128xf32, #tpu.memory_space<vmem>>, vector<16xf32>,
      %scan3A_110 = arith.constant 0 : i32
      scf.yield %scan3A_110 : i32
    }
    %scan3A_7 = arith.constant 1024 : i32
    %mul3A_8 = arith.constant 640 : i32
    %mul3A_9 = arith.muli %arg1, %mul3A_8 : i32
    %add3A_10 = arith.constant 0 : i32
    %add3A_11 = arith.addi %mul3A_9, %add3A_10 : i32
    "tpu.region"() ({
      %run_scoped3A = tpu.sem_alloc : memref<!tpu.dma_semaphore, #tpu.memory_space<semaphore_mem>>
      %dma_start3A_74 = arith.constant 0 : i32
      %dma_start3A_75 = tpu.memref_slice %arg6[%add3A_11, %dma_start3A_74] : memref<10240x128xf32, #tpu.memory_space<vmem_shared>> -> memref<128x128xf32, #tpu.memory_space<vmem_shared>>
      %dma_start3A_76 = arith.constant 0 : i32
      %dma_start3A_77 = tpu.memref_slice %arg6[%add3A_11, %dma_start3A_76] : memref<10240x128xf32, #tpu.memory_space<vmem_shared>> -> memref<128x128xf32, #tpu.memory_space<vmem_shared>>
      tpu.enqueue_dma source(%arg9 : memref<128x128xf32, #tpu.memory_space<vmem>>) target(%dma_start3A_77 : memref<128x128xf32, #tpu.memory_space<vmem_shared>>) target_semaphore(%run_scoped3A : memref<!tpu.dma_semaphore, #tpu.memory_space<semaphore_mem>>)
      %dma_wait3A_78 = arith.constant 0 : i32
      %dma_wait3A_79 = tpu.memref_slice %arg6[%add3A_11, %dma_wait3A_78] : memref<10240x128xf32, #tpu.memory_space<vmem_shared>> -> memref<128x128xf32, #tpu.memory_space<vmem_shared>>
      %dma_wait3A_80 = arith.constant 0 : i32
      %dma_wait3A_81 = tpu.memref_slice %arg6[%add3A_11, %dma_wait3A_80] : memref<10240x128xf32, #tpu.memory_space<vmem_shared>> -> memref<128x128xf32, #tpu.memory_space<vmem_shared>>
      tpu.wait_dma2 semaphore(%run_scoped3A : memref<!tpu.dma_semaphore, #tpu.memory_space<semaphore_mem>>) src(%arg9 : memref<128x128xf32, #tpu.memory_space<vmem>>) dst(%dma_wait3A_81 : memref<128x128xf32, #tpu.memory_space<vmem_shared>>)
      tpu.yield
    }) : () -> ()
    %mul3A_12 = arith.constant 640 : i32
    %mul3A_13 = arith.muli %arg1, %mul3A_12 : i32
    %add3A_14 = arith.constant 128 : i32
    %add3A_15 = arith.addi %mul3A_13, %add3A_14 : i32
    "tpu.region"() ({
      %run_scoped3A = tpu.sem_alloc : memref<!tpu.dma_semaphore, #tpu.memory_space<semaphore_mem>>
      %dma_start3A_74 = arith.constant 0 : i32
      %dma_start3A_75 = tpu.memref_slice %arg6[%add3A_15, %dma_start3A_74] : memref<10240x128xf32, #tpu.memory_space<vmem_shared>> -> memref<128x128xf32, #tpu.memory_space<vmem_shared>>
      %dma_start3A_76 = arith.constant 0 : i32
      %dma_start3A_77 = tpu.memref_slice %arg6[%add3A_15, %dma_start3A_76] : memref<10240x128xf32, #tpu.memory_space<vmem_shared>> -> memref<128x128xf32, #tpu.memory_space<vmem_shared>>
      tpu.enqueue_dma source(%arg9 : memref<128x128xf32, #tpu.memory_space<vmem>>) target(%dma_start3A_77 : memref<128x128xf32, #tpu.memory_space<vmem_shared>>) target_semaphore(%run_scoped3A : memref<!tpu.dma_semaphore, #tpu.memory_space<semaphore_mem>>)
      %dma_wait3A_78 = arith.constant 0 : i32
      %dma_wait3A_79 = tpu.memref_slice %arg6[%add3A_15, %dma_wait3A_78] : memref<10240x128xf32, #tpu.memory_space<vmem_shared>> -> memref<128x128xf32, #tpu.memory_space<vmem_shared>>
      %dma_wait3A_80 = arith.constant 0 : i32
      %dma_wait3A_81 = tpu.memref_slice %arg6[%add3A_15, %dma_wait3A_80] : memref<10240x128xf32, #tpu.memory_space<vmem_shared>> -> memref<128x128xf32, #tpu.memory_space<vmem_shared>>
      tpu.wait_dma2 semaphore(%run_scoped3A : memref<!tpu.dma_semaphore, #tpu.memory_space<semaphore_mem>>) src(%arg9 : memref<128x128xf32, #tpu.memory_space<vmem>>) dst(%dma_wait3A_81 : memref<128x128xf32, #tpu.memory_space<vmem_shared>>)
      tpu.yield
    }) : () -> ()
    %mul3A_16 = arith.constant 640 : i32
    %mul3A_17 = arith.muli %arg1, %mul3A_16 : i32
    %add3A_18 = arith.constant 256 : i32
    %add3A_19 = arith.addi %mul3A_17, %add3A_18 : i32
    "tpu.region"() ({
      %run_scoped3A = tpu.sem_alloc : memref<!tpu.dma_semaphore, #tpu.memory_space<semaphore_mem>>
      %dma_start3A_74 = arith.constant 0 : i32
      %dma_start3A_75 = tpu.memref_slice %arg6[%add3A_19, %dma_start3A_74] : memref<10240x128xf32, #tpu.memory_space<vmem_shared>> -> memref<128x128xf32, #tpu.memory_space<vmem_shared>>
      %dma_start3A_76 = arith.constant 0 : i32
      %dma_start3A_77 = tpu.memref_slice %arg6[%add3A_19, %dma_start3A_76] : memref<10240x128xf32, #tpu.memory_space<vmem_shared>> -> memref<128x128xf32, #tpu.memory_space<vmem_shared>>
      tpu.enqueue_dma source(%arg9 : memref<128x128xf32, #tpu.memory_space<vmem>>) target(%dma_start3A_77 : memref<128x128xf32, #tpu.memory_space<vmem_shared>>) target_semaphore(%run_scoped3A : memref<!tpu.dma_semaphore, #tpu.memory_space<semaphore_mem>>)
      %dma_wait3A_78 = arith.constant 0 : i32
      %dma_wait3A_79 = tpu.memref_slice %arg6[%add3A_19, %dma_wait3A_78] : memref<10240x128xf32, #tpu.memory_space<vmem_shared>> -> memref<128x128xf32, #tpu.memory_space<vmem_shared>>
      %dma_wait3A_80 = arith.constant 0 : i32
      %dma_wait3A_81 = tpu.memref_slice %arg6[%add3A_19, %dma_wait3A_80] : memref<10240x128xf32, #tpu.memory_space<vmem_shared>> -> memref<128x128xf32, #tpu.memory_space<vmem_shared>>
      tpu.wait_dma2 semaphore(%run_scoped3A : memref<!tpu.dma_semaphore, #tpu.memory_space<semaphore_mem>>) src(%arg9 : memref<128x128xf32, #tpu.memory_space<vmem>>) dst(%dma_wait3A_81 : memref<128x128xf32, #tpu.memory_space<vmem_shared>>)
      tpu.yield
    }) : () -> ()
    %mul3A_20 = arith.constant 640 : i32
    %mul3A_21 = arith.muli %arg1, %mul3A_20 : i32
    %add3A_22 = arith.constant 384 : i32
    %add3A_23 = arith.addi %mul3A_21, %add3A_22 : i32
    "tpu.region"() ({
      %run_scoped3A = tpu.sem_alloc : memref<!tpu.dma_semaphore, #tpu.memory_space<semaphore_mem>>
      %dma_start3A_74 = arith.constant 0 : i32
      %dma_start3A_75 = tpu.memref_slice %arg6[%add3A_23, %dma_start3A_74] : memref<10240x128xf32, #tpu.memory_space<vmem_shared>> -> memref<128x128xf32, #tpu.memory_space<vmem_shared>>
      %dma_start3A_76 = arith.constant 0 : i32
      %dma_start3A_77 = tpu.memref_slice %arg6[%add3A_23, %dma_start3A_76] : memref<10240x128xf32, #tpu.memory_space<vmem_shared>> -> memref<128x128xf32, #tpu.memory_space<vmem_shared>>
      tpu.enqueue_dma source(%arg9 : memref<128x128xf32, #tpu.memory_space<vmem>>) target(%dma_start3A_77 : memref<128x128xf32, #tpu.memory_space<vmem_shared>>) target_semaphore(%run_scoped3A : memref<!tpu.dma_semaphore, #tpu.memory_space<semaphore_mem>>)
      %dma_wait3A_78 = arith.constant 0 : i32
      %dma_wait3A_79 = tpu.memref_slice %arg6[%add3A_23, %dma_wait3A_78] : memref<10240x128xf32, #tpu.memory_space<vmem_shared>> -> memref<128x128xf32, #tpu.memory_space<vmem_shared>>
      %dma_wait3A_80 = arith.constant 0 : i32
      %dma_wait3A_81 = tpu.memref_slice %arg6[%add3A_23, %dma_wait3A_80] : memref<10240x128xf32, #tpu.memory_space<vmem_shared>> -> memref<128x128xf32, #tpu.memory_space<vmem_shared>>
      tpu.wait_dma2 semaphore(%run_scoped3A : memref<!tpu.dma_semaphore, #tpu.memory_space<semaphore_mem>>) src(%arg9 : memref<128x128xf32, #tpu.memory_space<vmem>>) dst(%dma_wait3A_81 : memref<128x128xf32, #tpu.memory_space<vmem_shared>>)
      tpu.yield
    }) : () -> ()
    %mul3A_24 = arith.constant 640 : i32
    %mul3A_25 = arith.muli %arg1, %mul3A_24 : i32
    %add3A_26 = arith.constant 512 : i32
    %add3A_27 = arith.addi %mul3A_25, %add3A_26 : i32
    "tpu.region"() ({
      %run_scoped3A = tpu.sem_alloc : memref<!tpu.dma_semaphore, #tpu.memory_space<semaphore_mem>>
      %dma_start3A_74 = arith.constant 0 : i32
      %dma_start3A_75 = tpu.memref_slice %arg6[%add3A_27, %dma_start3A_74] : memref<10240x128xf32, #tpu.memory_space<vmem_shared>> -> memref<128x128xf32, #tpu.memory_space<vmem_shared>>
      %dma_start3A_76 = arith.constant 0 : i32
      %dma_start3A_77 = tpu.memref_slice %arg6[%add3A_27, %dma_start3A_76] : memref<10240x128xf32, #tpu.memory_space<vmem_shared>> -> memref<128x128xf32, #tpu.memory_space<vmem_shared>>
      tpu.enqueue_dma source(%arg9 : memref<128x128xf32, #tpu.memory_space<vmem>>) target(%dma_start3A_77 : memref<128x128xf32, #tpu.memory_space<vmem_shared>>) target_semaphore(%run_scoped3A : memref<!tpu.dma_semaphore, #tpu.memory_space<semaphore_mem>>)
      %dma_wait3A_78 = arith.constant 0 : i32
      %dma_wait3A_79 = tpu.memref_slice %arg6[%add3A_27, %dma_wait3A_78] : memref<10240x128xf32, #tpu.memory_space<vmem_shared>> -> memref<128x128xf32, #tpu.memory_space<vmem_shared>>
      %dma_wait3A_80 = arith.constant 0 : i32
      %dma_wait3A_81 = tpu.memref_slice %arg6[%add3A_27, %dma_wait3A_80] : memref<10240x128xf32, #tpu.memory_space<vmem_shared>> -> memref<128x128xf32, #tpu.memory_space<vmem_shared>>
      tpu.wait_dma2 semaphore(%run_scoped3A : memref<!tpu.dma_semaphore, #tpu.memory_space<semaphore_mem>>) src(%arg9 : memref<128x128xf32, #tpu.memory_space<vmem>>) dst(%dma_wait3A_81 : memref<128x128xf32, #tpu.memory_space<vmem_shared>>)
      tpu.yield
    }) : () -> ()
    %barrier3A = arith.constant 0 : index
    tpu.barrier barrier_id(%barrier3A)
    %mul3A_28 = arith.constant 80 : i32
    %mul3A_29 = arith.muli %add3A, %mul3A_28 : i32
    %add3A_30 = arith.constant 0 : i32
    %add3A_31 = arith.addi %mul3A_29, %add3A_30 : i32
    "tpu.region"() ({
      %run_scoped3A = tpu.sem_alloc : memref<!tpu.dma_semaphore, #tpu.memory_space<semaphore_mem>>
      %dma_start3A_74 = arith.constant 0 : i32
      %dma_start3A_75 = tpu.memref_slice %arg2[%add3A_31, %dma_start3A_74] : memref<2560x128xi32, #tpu.memory_space<hbm>> -> memref<8x128xi32, #tpu.memory_space<hbm>>
      %dma_start3A_76 = arith.constant 0 : i32
      %dma_start3A_77 = tpu.memref_slice %arg2[%add3A_31, %dma_start3A_76] : memref<2560x128xi32, #tpu.memory_space<hbm>> -> memref<8x128xi32, #tpu.memory_space<hbm>>
      tpu.enqueue_dma source(%dma_start3A_77 : memref<8x128xi32, #tpu.memory_space<hbm>>) target(%arg7 : memref<8x128xi32, #tpu.memory_space<vmem>>) target_semaphore(%run_scoped3A : memref<!tpu.dma_semaphore, #tpu.memory_space<semaphore_mem>>)
      %dma_wait3A_78 = arith.constant 0 : i32
      %dma_wait3A_79 = tpu.memref_slice %arg2[%add3A_31, %dma_wait3A_78] : memref<2560x128xi32, #tpu.memory_space<hbm>> -> memref<8x128xi32, #tpu.memory_space<hbm>>
      %dma_wait3A_80 = arith.constant 0 : i32
      %dma_wait3A_81 = tpu.memref_slice %arg2[%add3A_31, %dma_wait3A_80] : memref<2560x128xi32, #tpu.memory_space<hbm>> -> memref<8x128xi32, #tpu.memory_space<hbm>>
      tpu.wait_dma2 semaphore(%run_scoped3A : memref<!tpu.dma_semaphore, #tpu.memory_space<semaphore_mem>>) src(%dma_wait3A_81 : memref<8x128xi32, #tpu.memory_space<hbm>>) dst(%arg7 : memref<8x128xi32, #tpu.memory_space<vmem>>)
      tpu.yield
    }) : () -> ()
    %add3A_32 = arith.constant 0 : i32
    %add3A_33 = arith.addi %mul3A_29, %add3A_32 : i32
    "tpu.region"() ({
      %run_scoped3A = tpu.sem_alloc : memref<!tpu.dma_semaphore, #tpu.memory_space<semaphore_mem>>
      %dma_start3A_74 = arith.constant 0 : i32
      %dma_start3A_75 = tpu.memref_slice %arg3[%add3A_33, %dma_start3A_74] : memref<2560x128xi32, #tpu.memory_space<hbm>> -> memref<8x128xi32, #tpu.memory_space<hbm>>
      %dma_start3A_76 = arith.constant 0 : i32
      %dma_start3A_77 = tpu.memref_slice %arg3[%add3A_33, %dma_start3A_76] : memref<2560x128xi32, #tpu.memory_space<hbm>> -> memref<8x128xi32, #tpu.memory_space<hbm>>
      tpu.enqueue_dma source(%dma_start3A_77 : memref<8x128xi32, #tpu.memory_space<hbm>>) target(%arg8 : memref<8x128xi32, #tpu.memory_space<vmem>>) target_semaphore(%run_scoped3A : memref<!tpu.dma_semaphore, #tpu.memory_space<semaphore_mem>>)
      %dma_wait3A_78 = arith.constant 0 : i32
      %dma_wait3A_79 = tpu.memref_slice %arg3[%add3A_33, %dma_wait3A_78] : memref<2560x128xi32, #tpu.memory_space<hbm>> -> memref<8x128xi32, #tpu.memory_space<hbm>>
      %dma_wait3A_80 = arith.constant 0 : i32
      %dma_wait3A_81 = tpu.memref_slice %arg3[%add3A_33, %dma_wait3A_80] : memref<2560x128xi32, #tpu.memory_space<hbm>> -> memref<8x128xi32, #tpu.memory_space<hbm>>
      tpu.wait_dma2 semaphore(%run_scoped3A : memref<!tpu.dma_semaphore, #tpu.memory_space<semaphore_mem>>) src(%dma_wait3A_81 : memref<8x128xi32, #tpu.memory_space<hbm>>) dst(%arg8 : memref<8x128xi32, #tpu.memory_space<vmem>>)
      tpu.yield
    }) : () -> ()
    %dma_start3A = arith.constant 0 : i32
    %dma_start3A_34 = arith.constant 0 : i32
    %dma_start3A_35 = tpu.memref_slice %arg7[%dma_start3A, %dma_start3A_34] : memref<8x128xi32, #tpu.memory_space<vmem>> -> memref<1x128xi32, #tpu.memory_space<vmem>>
    %dma_start3A_36 = tpu.memref_squeeze %dma_start3A_35 : memref<1x128xi32, #tpu.memory_space<vmem>> -> memref<128xi32, #tpu.memory_space<vmem>>
    %dma_start3A_37 = arith.constant 0 : i32
    %dma_start3A_38 = arith.constant 0 : i32
    %dma_start3A_39 = tpu.memref_slice %arg4[%dma_start3A_37, %dma_start3A_38] : memref<10240x128xf32, #tpu.memory_space<hbm>> -> memref<10240x128xf32, #tpu.memory_space<hbm>>
    tpu.enqueue_indirect_dma source(%dma_start3A_39 : memref<10240x128xf32, #tpu.memory_space<hbm>>) target(%arg9 : memref<128x128xf32, #tpu.memory_space<vmem>>) offsets(%dma_start3A_36 : memref<128xi32, #tpu.memory_space<vmem>>) semaphore(%arg11 : memref<!tpu.dma_semaphore, #tpu.memory_space<semaphore_mem>>)
    %scan3A_40 = arith.constant 0 : i32
    %scan3A_41 = arith.constant 0 : i32
    %scan3A_42 = arith.constant 10 : i32
    %scan3A_43 = arith.addi %scan3A_41, %scan3A_42 : i32
    %scan3A_44 = arith.constant 1 : i32
    %scan3A_45 = scf.for %scan3A_74 = %scan3A_41 to %scan3A_43 step %scan3A_44 iter_args(%scan3A_75 = %scan3A_40) -> (i32)  : i32 {
      %scan3A_76 = arith.constant 0 : i32
      %scan3A_77 = arith.constant 0 : i32
      %scan3A_78 = arith.constant 3 : i32
      %scan3A_79 = arith.addi %scan3A_77, %scan3A_78 : i32
      %scan3A_80 = arith.constant 1 : i32
      %scan3A_81 = scf.for %scan3A_122 = %scan3A_77 to %scan3A_79 step %scan3A_80 iter_args(%scan3A_123 = %scan3A_76) -> (i32)  : i32 {
        %mul3A_124 = arith.constant 2 : i32
        %mul3A_125 = arith.muli %scan3A_122, %mul3A_124 : i32
        %dma_wait3A_126 = arith.constant 0 : i32
        %dma_wait3A_127 = tpu.memref_slice %arg7[%mul3A_125, %dma_wait3A_126] : memref<8x128xi32, #tpu.memory_space<vmem>> -> memref<1x128xi32, #tpu.memory_space<vmem>>
        %dma_wait3A_128 = tpu.memref_squeeze %dma_wait3A_127 : memref<1x128xi32, #tpu.memory_space<vmem>> -> memref<128xi32, #tpu.memory_space<vmem>>
        %dma_wait3A_129 = arith.constant 0 : i32
        %dma_wait3A_130 = arith.constant 0 : i32
        %dma_wait3A_131 = tpu.memref_slice %arg4[%dma_wait3A_129, %dma_wait3A_130] : memref<10240x128xf32, #tpu.memory_space<hbm>> -> memref<10240x128xf32, #tpu.memory_space<hbm>>
        tpu.wait_indirect_dma semaphore(%arg11 : memref<!tpu.dma_semaphore, #tpu.memory_space<semaphore_mem>>) src(%dma_wait3A_131 : memref<10240x128xf32, #tpu.memory_space<hbm>>) dst(%arg9 : memref<128x128xf32, #tpu.memory_space<vmem>>)
        %add3A_132 = arith.constant 1 : i32
        %add3A_133 = arith.addi %mul3A_125, %add3A_132 : i32
        %dma_start3A_134 = arith.constant 0 : i32
        %dma_start3A_135 = tpu.memref_slice %arg7[%add3A_133, %dma_start3A_134] : memref<8x128xi32, #tpu.memory_space<vmem>> -> memref<1x128xi32, #tpu.memory_space<vmem>>
        %dma_start3A_136 = tpu.memref_squeeze %dma_start3A_135 : memref<1x128xi32, #tpu.memory_space<vmem>> -> memref<128xi32, #tpu.memory_space<vmem>>
        %dma_start3A_137 = arith.constant 0 : i32
        %dma_start3A_138 = arith.constant 0 : i32
        %dma_start3A_139 = tpu.memref_slice %arg4[%dma_start3A_137, %dma_start3A_138] : memref<10240x128xf32, #tpu.memory_space<hbm>> -> memref<10240x128xf32, #tpu.memory_space<hbm>>
        tpu.enqueue_indirect_dma source(%dma_start3A_139 : memref<10240x128xf32, #tpu.memory_space<hbm>>) target(%arg10 : memref<128x128xf32, #tpu.memory_space<vmem>>) offsets(%dma_start3A_136 : memref<128xi32, #tpu.memory_space<vmem>>) semaphore(%arg12 : memref<!tpu.dma_semaphore, #tpu.memory_space<semaphore_mem>>)
        "tpu.region"() ({
          %run_scoped3A_163 = tpu.sem_alloc : memref<!tpu.dma_semaphore, #tpu.memory_space<semaphore_mem>>
          %dma_start3A_164 = arith.constant 0 : i32
          %dma_start3A_165 = tpu.memref_slice %arg8[%mul3A_125, %dma_start3A_164] : memref<8x128xi32, #tpu.memory_space<vmem>> -> memref<1x128xi32, #tpu.memory_space<vmem>>
          %dma_start3A_166 = tpu.memref_squeeze %dma_start3A_165 : memref<1x128xi32, #tpu.memory_space<vmem>> -> memref<128xi32, #tpu.memory_space<vmem>>
          %dma_start3A_167 = arith.constant 0 : i32
          %dma_start3A_168 = arith.constant 0 : i32
          %dma_start3A_169 = tpu.memref_slice %arg6[%dma_start3A_167, %dma_start3A_168] : memref<10240x128xf32, #tpu.memory_space<vmem_shared>> -> memref<10240x128xf32, #tpu.memory_space<vmem_shared>>
          tpu.enqueue_indirect_dma source(%arg9 : memref<128x128xf32, #tpu.memory_space<vmem>>) target(%dma_start3A_169 : memref<10240x128xf32, #tpu.memory_space<vmem_shared>>) offsets(%dma_start3A_166 : memref<128xi32, #tpu.memory_space<vmem>>) semaphore(%run_scoped3A_163 : memref<!tpu.dma_semaphore, #tpu.memory_space<semaphore_mem>>) {add = true}
          %dma_wait3A_170 = arith.constant 0 : i32
          %dma_wait3A_171 = tpu.memref_slice %arg8[%mul3A_125, %dma_wait3A_170] : memref<8x128xi32, #tpu.memory_space<vmem>> -> memref<1x128xi32, #tpu.memory_space<vmem>>
          %dma_wait3A_172 = tpu.memref_squeeze %dma_wait3A_171 : memref<1x128xi32, #tpu.memory_space<vmem>> -> memref<128xi32, #tpu.memory_space<vmem>>
          %dma_wait3A_173 = arith.constant 0 : i32
          %dma_wait3A_174 = arith.constant 0 : i32
          %dma_wait3A_175 = tpu.memref_slice %arg6[%dma_wait3A_173, %dma_wait3A_174] : memref<10240x128xf32, #tpu.memory_space<vmem_shared>> -> memref<10240x128xf32, #tpu.memory_space<vmem_shared>>
          tpu.wait_indirect_dma semaphore(%run_scoped3A_163 : memref<!tpu.dma_semaphore, #tpu.memory_space<semaphore_mem>>) src(%arg9 : memref<128x128xf32, #tpu.memory_space<vmem>>) dst(%dma_wait3A_175 : memref<10240x128xf32, #tpu.memory_space<vmem_shared>>)
          tpu.yield
        }) : () -> ()
        %add3A_140 = arith.constant 1 : i32
        %add3A_141 = arith.addi %mul3A_125, %add3A_140 : i32
        %dma_wait3A_142 = arith.constant 0 : i32
        %dma_wait3A_143 = tpu.memref_slice %arg7[%add3A_141, %dma_wait3A_142] : memref<8x128xi32, #tpu.memory_space<vmem>> -> memref<1x128xi32, #tpu.memory_space<vmem>>
        %dma_wait3A_144 = tpu.memref_squeeze %dma_wait3A_143 : memref<1x128xi32, #tpu.memory_space<vmem>> -> memref<128xi32, #tpu.memory_space<vmem>>
        %dma_wait3A_145 = arith.constant 0 : i32
        %dma_wait3A_146 = arith.constant 0 : i32
        %dma_wait3A_147 = tpu.memref_slice %arg4[%dma_wait3A_145, %dma_wait3A_146] : memref<10240x128xf32, #tpu.memory_space<hbm>> -> memref<10240x128xf32, #tpu.memory_space<hbm>>
        tpu.wait_indirect_dma semaphore(%arg12 : memref<!tpu.dma_semaphore, #tpu.memory_space<semaphore_mem>>) src(%dma_wait3A_147 : memref<10240x128xf32, #tpu.memory_space<hbm>>) dst(%arg10 : memref<128x128xf32, #tpu.memory_space<vmem>>)
        %mul3A_148 = arith.constant 2 : i32
        %mul3A_149 = arith.muli %scan3A_122, %mul3A_148 : i32
        %add3A_150 = arith.constant 2 : i32
        %add3A_151 = arith.addi %mul3A_149, %add3A_150 : i32
        %dma_start3A_152 = arith.constant 0 : i32
        %dma_start3A_153 = tpu.memref_slice %arg7[%add3A_151, %dma_start3A_152] : memref<8x128xi32, #tpu.memory_space<vmem>> -> memref<1x128xi32, #tpu.memory_space<vmem>>
        %dma_start3A_154 = tpu.memref_squeeze %dma_start3A_153 : memref<1x128xi32, #tpu.memory_space<vmem>> -> memref<128xi32, #tpu.memory_space<vmem>>
        %dma_start3A_155 = arith.constant 0 : i32
        %dma_start3A_156 = arith.constant 0 : i32
        %dma_start3A_157 = tpu.memref_slice %arg4[%dma_start3A_155, %dma_start3A_156] : memref<10240x128xf32, #tpu.memory_space<hbm>> -> memref<10240x128xf32, #tpu.memory_space<hbm>>
        tpu.enqueue_indirect_dma source(%dma_start3A_157 : memref<10240x128xf32, #tpu.memory_space<hbm>>) target(%arg9 : memref<128x128xf32, #tpu.memory_space<vmem>>) offsets(%dma_start3A_154 : memref<128xi32, #tpu.memory_space<vmem>>) semaphore(%arg11 : memref<!tpu.dma_semaphore, #tpu.memory_space<semaphore_mem>>)
        %mul3A_158 = arith.constant 2 : i32
        %mul3A_159 = arith.muli %scan3A_122, %mul3A_158 : i32
        %add3A_160 = arith.constant 1 : i32
        %add3A_161 = arith.addi %mul3A_159, %add3A_160 : i32
        "tpu.region"() ({
          %run_scoped3A_163 = tpu.sem_alloc : memref<!tpu.dma_semaphore, #tpu.memory_space<semaphore_mem>>
          %dma_start3A_164 = arith.constant 0 : i32
          %dma_start3A_165 = tpu.memref_slice %arg8[%add3A_161, %dma_start3A_164] : memref<8x128xi32, #tpu.memory_space<vmem>> -> memref<1x128xi32, #tpu.memory_space<vmem>>
          %dma_start3A_166 = tpu.memref_squeeze %dma_start3A_165 : memref<1x128xi32, #tpu.memory_space<vmem>> -> memref<128xi32, #tpu.memory_space<vmem>>
          %dma_start3A_167 = arith.constant 0 : i32
          %dma_start3A_168 = arith.constant 0 : i32
          %dma_start3A_169 = tpu.memref_slice %arg6[%dma_start3A_167, %dma_start3A_168] : memref<10240x128xf32, #tpu.memory_space<vmem_shared>> -> memref<10240x128xf32, #tpu.memory_space<vmem_shared>>
          tpu.enqueue_indirect_dma source(%arg10 : memref<128x128xf32, #tpu.memory_space<vmem>>) target(%dma_start3A_169 : memref<10240x128xf32, #tpu.memory_space<vmem_shared>>) offsets(%dma_start3A_166 : memref<128xi32, #tpu.memory_space<vmem>>) semaphore(%run_scoped3A_163 : memref<!tpu.dma_semaphore, #tpu.memory_space<semaphore_mem>>) {add = true}
          %dma_wait3A_170 = arith.constant 0 : i32
          %dma_wait3A_171 = tpu.memref_slice %arg8[%add3A_161, %dma_wait3A_170] : memref<8x128xi32, #tpu.memory_space<vmem>> -> memref<1x128xi32, #tpu.memory_space<vmem>>
          %dma_wait3A_172 = tpu.memref_squeeze %dma_wait3A_171 : memref<1x128xi32, #tpu.memory_space<vmem>> -> memref<128xi32, #tpu.memory_space<vmem>>
          %dma_wait3A_173 = arith.constant 0 : i32
          %dma_wait3A_174 = arith.constant 0 : i32
          %dma_wait3A_175 = tpu.memref_slice %arg6[%dma_wait3A_173, %dma_wait3A_174] : memref<10240x128xf32, #tpu.memory_space<vmem_shared>> -> memref<10240x128xf32, #tpu.memory_space<vmem_shared>>
          tpu.wait_indirect_dma semaphore(%run_scoped3A_163 : memref<!tpu.dma_semaphore, #tpu.memory_space<semaphore_mem>>) src(%arg10 : memref<128x128xf32, #tpu.memory_space<vmem>>) dst(%dma_wait3A_175 : memref<10240x128xf32, #tpu.memory_space<vmem_shared>>)
          tpu.yield
        }) : () -> ()
        %scan3A_162 = arith.constant 0 : i32
        scf.yield %scan3A_162 : i32
      }
      %scan3A_82 = arith.constant 3 : i32
      %dma_wait3A_83 = arith.constant 6 : i32
      %dma_wait3A_84 = arith.constant 0 : i32
      %dma_wait3A_85 = tpu.memref_slice %arg7[%dma_wait3A_83, %dma_wait3A_84] : memref<8x128xi32, #tpu.memory_space<vmem>> -> memref<1x128xi32, #tpu.memory_space<vmem>>
      %dma_wait3A_86 = tpu.memref_squeeze %dma_wait3A_85 : memref<1x128xi32, #tpu.memory_space<vmem>> -> memref<128xi32, #tpu.memory_space<vmem>>
      %dma_wait3A_87 = arith.constant 0 : i32
      %dma_wait3A_88 = arith.constant 0 : i32
      %dma_wait3A_89 = tpu.memref_slice %arg4[%dma_wait3A_87, %dma_wait3A_88] : memref<10240x128xf32, #tpu.memory_space<hbm>> -> memref<10240x128xf32, #tpu.memory_space<hbm>>
      tpu.wait_indirect_dma semaphore(%arg11 : memref<!tpu.dma_semaphore, #tpu.memory_space<semaphore_mem>>) src(%dma_wait3A_89 : memref<10240x128xf32, #tpu.memory_space<hbm>>) dst(%arg9 : memref<128x128xf32, #tpu.memory_space<vmem>>)
      %dma_start3A_90 = arith.constant 7 : i32
      %dma_start3A_91 = arith.constant 0 : i32
      %dma_start3A_92 = tpu.memref_slice %arg7[%dma_start3A_90, %dma_start3A_91] : memref<8x128xi32, #tpu.memory_space<vmem>> -> memref<1x128xi32, #tpu.memory_space<vmem>>
      %dma_start3A_93 = tpu.memref_squeeze %dma_start3A_92 : memref<1x128xi32, #tpu.memory_space<vmem>> -> memref<128xi32, #tpu.memory_space<vmem>>
      %dma_start3A_94 = arith.constant 0 : i32
      %dma_start3A_95 = arith.constant 0 : i32
      %dma_start3A_96 = tpu.memref_slice %arg4[%dma_start3A_94, %dma_start3A_95] : memref<10240x128xf32, #tpu.memory_space<hbm>> -> memref<10240x128xf32, #tpu.memory_space<hbm>>
      tpu.enqueue_indirect_dma source(%dma_start3A_96 : memref<10240x128xf32, #tpu.memory_space<hbm>>) target(%arg10 : memref<128x128xf32, #tpu.memory_space<vmem>>) offsets(%dma_start3A_93 : memref<128xi32, #tpu.memory_space<vmem>>) semaphore(%arg12 : memref<!tpu.dma_semaphore, #tpu.memory_space<semaphore_mem>>)
      %run_scoped3A = arith.constant 6 : i32
      "tpu.region"() ({
        %run_scoped3A_122 = tpu.sem_alloc : memref<!tpu.dma_semaphore, #tpu.memory_space<semaphore_mem>>
        %dma_start3A_123 = arith.constant 0 : i32
        %dma_start3A_124 = tpu.memref_slice %arg8[%run_scoped3A, %dma_start3A_123] : memref<8x128xi32, #tpu.memory_space<vmem>> -> memref<1x128xi32, #tpu.memory_space<vmem>>
        %dma_start3A_125 = tpu.memref_squeeze %dma_start3A_124 : memref<1x128xi32, #tpu.memory_space<vmem>> -> memref<128xi32, #tpu.memory_space<vmem>>
        %dma_start3A_126 = arith.constant 0 : i32
        %dma_start3A_127 = arith.constant 0 : i32
        %dma_start3A_128 = tpu.memref_slice %arg6[%dma_start3A_126, %dma_start3A_127] : memref<10240x128xf32, #tpu.memory_space<vmem_shared>> -> memref<10240x128xf32, #tpu.memory_space<vmem_shared>>
        tpu.enqueue_indirect_dma source(%arg9 : memref<128x128xf32, #tpu.memory_space<vmem>>) target(%dma_start3A_128 : memref<10240x128xf32, #tpu.memory_space<vmem_shared>>) offsets(%dma_start3A_125 : memref<128xi32, #tpu.memory_space<vmem>>) semaphore(%run_scoped3A_122 : memref<!tpu.dma_semaphore, #tpu.memory_space<semaphore_mem>>) {add = true}
        %dma_wait3A_129 = arith.constant 0 : i32
        %dma_wait3A_130 = tpu.memref_slice %arg8[%run_scoped3A, %dma_wait3A_129] : memref<8x128xi32, #tpu.memory_space<vmem>> -> memref<1x128xi32, #tpu.memory_space<vmem>>
        %dma_wait3A_131 = tpu.memref_squeeze %dma_wait3A_130 : memref<1x128xi32, #tpu.memory_space<vmem>> -> memref<128xi32, #tpu.memory_space<vmem>>
        %dma_wait3A_132 = arith.constant 0 : i32
        %dma_wait3A_133 = arith.constant 0 : i32
        %dma_wait3A_134 = tpu.memref_slice %arg6[%dma_wait3A_132, %dma_wait3A_133] : memref<10240x128xf32, #tpu.memory_space<vmem_shared>> -> memref<10240x128xf32, #tpu.memory_space<vmem_shared>>
        tpu.wait_indirect_dma semaphore(%run_scoped3A_122 : memref<!tpu.dma_semaphore, #tpu.memory_space<semaphore_mem>>) src(%arg9 : memref<128x128xf32, #tpu.memory_space<vmem>>) dst(%dma_wait3A_134 : memref<10240x128xf32, #tpu.memory_space<vmem_shared>>)
        tpu.yield
      }) : () -> ()
      %dma_wait3A_97 = arith.constant 7 : i32
      %dma_wait3A_98 = arith.constant 0 : i32
      %dma_wait3A_99 = tpu.memref_slice %arg7[%dma_wait3A_97, %dma_wait3A_98] : memref<8x128xi32, #tpu.memory_space<vmem>> -> memref<1x128xi32, #tpu.memory_space<vmem>>
      %dma_wait3A_100 = tpu.memref_squeeze %dma_wait3A_99 : memref<1x128xi32, #tpu.memory_space<vmem>> -> memref<128xi32, #tpu.memory_space<vmem>>
      %dma_wait3A_101 = arith.constant 0 : i32
      %dma_wait3A_102 = arith.constant 0 : i32
      %dma_wait3A_103 = tpu.memref_slice %arg4[%dma_wait3A_101, %dma_wait3A_102] : memref<10240x128xf32, #tpu.memory_space<hbm>> -> memref<10240x128xf32, #tpu.memory_space<hbm>>
      tpu.wait_indirect_dma semaphore(%arg12 : memref<!tpu.dma_semaphore, #tpu.memory_space<semaphore_mem>>) src(%dma_wait3A_103 : memref<10240x128xf32, #tpu.memory_space<hbm>>) dst(%arg10 : memref<128x128xf32, #tpu.memory_space<vmem>>)
      %run_scoped3A_104 = arith.constant 7 : i32
      "tpu.region"() ({
        %run_scoped3A_122 = tpu.sem_alloc : memref<!tpu.dma_semaphore, #tpu.memory_space<semaphore_mem>>
        %dma_start3A_123 = arith.constant 0 : i32
        %dma_start3A_124 = tpu.memref_slice %arg8[%run_scoped3A_104, %dma_start3A_123] : memref<8x128xi32, #tpu.memory_space<vmem>> -> memref<1x128xi32, #tpu.memory_space<vmem>>
        %dma_start3A_125 = tpu.memref_squeeze %dma_start3A_124 : memref<1x128xi32, #tpu.memory_space<vmem>> -> memref<128xi32, #tpu.memory_space<vmem>>
        %dma_start3A_126 = arith.constant 0 : i32
        %dma_start3A_127 = arith.constant 0 : i32
        %dma_start3A_128 = tpu.memref_slice %arg6[%dma_start3A_126, %dma_start3A_127] : memref<10240x128xf32, #tpu.memory_space<vmem_shared>> -> memref<10240x128xf32, #tpu.memory_space<vmem_shared>>
        tpu.enqueue_indirect_dma source(%arg10 : memref<128x128xf32, #tpu.memory_space<vmem>>) target(%dma_start3A_128 : memref<10240x128xf32, #tpu.memory_space<vmem_shared>>) offsets(%dma_start3A_125 : memref<128xi32, #tpu.memory_space<vmem>>) semaphore(%run_scoped3A_122 : memref<!tpu.dma_semaphore, #tpu.memory_space<semaphore_mem>>) {add = true}
        %dma_wait3A_129 = arith.constant 0 : i32
        %dma_wait3A_130 = tpu.memref_slice %arg8[%run_scoped3A_104, %dma_wait3A_129] : memref<8x128xi32, #tpu.memory_space<vmem>> -> memref<1x128xi32, #tpu.memory_space<vmem>>
        %dma_wait3A_131 = tpu.memref_squeeze %dma_wait3A_130 : memref<1x128xi32, #tpu.memory_space<vmem>> -> memref<128xi32, #tpu.memory_space<vmem>>
        %dma_wait3A_132 = arith.constant 0 : i32
        %dma_wait3A_133 = arith.constant 0 : i32
        %dma_wait3A_134 = tpu.memref_slice %arg6[%dma_wait3A_132, %dma_wait3A_133] : memref<10240x128xf32, #tpu.memory_space<vmem_shared>> -> memref<10240x128xf32, #tpu.memory_space<vmem_shared>>
        tpu.wait_indirect_dma semaphore(%run_scoped3A_122 : memref<!tpu.dma_semaphore, #tpu.memory_space<semaphore_mem>>) src(%arg10 : memref<128x128xf32, #tpu.memory_space<vmem>>) dst(%dma_wait3A_134 : memref<10240x128xf32, #tpu.memory_space<vmem_shared>>)
        tpu.yield
      }) : () -> ()
      %add3A_105 = arith.constant 1 : i32
      %add3A_106 = arith.addi %scan3A_74, %add3A_105 : i32
      %min3A = arith.constant 9 : i32
      %min3A_107 = arith.minsi %add3A_106, %min3A : i32
      %mul3A_108 = arith.constant 8 : i32
      %mul3A_109 = arith.muli %min3A_107, %mul3A_108 : i32
      %add3A_110 = arith.addi %mul3A_29, %mul3A_109 : i32
      "tpu.region"() ({
        %run_scoped3A_122 = tpu.sem_alloc : memref<!tpu.dma_semaphore, #tpu.memory_space<semaphore_mem>>
        %dma_start3A_123 = arith.constant 0 : i32
        %dma_start3A_124 = tpu.memref_slice %arg2[%add3A_110, %dma_start3A_123] : memref<2560x128xi32, #tpu.memory_space<hbm>> -> memref<8x128xi32, #tpu.memory_space<hbm>>
        %dma_start3A_125 = arith.constant 0 : i32
        %dma_start3A_126 = tpu.memref_slice %arg2[%add3A_110, %dma_start3A_125] : memref<2560x128xi32, #tpu.memory_space<hbm>> -> memref<8x128xi32, #tpu.memory_space<hbm>>
        tpu.enqueue_dma source(%dma_start3A_126 : memref<8x128xi32, #tpu.memory_space<hbm>>) target(%arg7 : memref<8x128xi32, #tpu.memory_space<vmem>>) target_semaphore(%run_scoped3A_122 : memref<!tpu.dma_semaphore, #tpu.memory_space<semaphore_mem>>)
        %dma_wait3A_127 = arith.constant 0 : i32
        %dma_wait3A_128 = tpu.memref_slice %arg2[%add3A_110, %dma_wait3A_127] : memref<2560x128xi32, #tpu.memory_space<hbm>> -> memref<8x128xi32, #tpu.memory_space<hbm>>
        %dma_wait3A_129 = arith.constant 0 : i32
        %dma_wait3A_130 = tpu.memref_slice %arg2[%add3A_110, %dma_wait3A_129] : memref<2560x128xi32, #tpu.memory_space<hbm>> -> memref<8x128xi32, #tpu.memory_space<hbm>>
        tpu.wait_dma2 semaphore(%run_scoped3A_122 : memref<!tpu.dma_semaphore, #tpu.memory_space<semaphore_mem>>) src(%dma_wait3A_130 : memref<8x128xi32, #tpu.memory_space<hbm>>) dst(%arg7 : memref<8x128xi32, #tpu.memory_space<vmem>>)
        tpu.yield
      }) : () -> ()
      %mul3A_111 = arith.constant 8 : i32
      %mul3A_112 = arith.muli %min3A_107, %mul3A_111 : i32
      %add3A_113 = arith.addi %mul3A_29, %mul3A_112 : i32
      "tpu.region"() ({
        %run_scoped3A_122 = tpu.sem_alloc : memref<!tpu.dma_semaphore, #tpu.memory_space<semaphore_mem>>
        %dma_start3A_123 = arith.constant 0 : i32
        %dma_start3A_124 = tpu.memref_slice %arg3[%add3A_113, %dma_start3A_123] : memref<2560x128xi32, #tpu.memory_space<hbm>> -> memref<8x128xi32, #tpu.memory_space<hbm>>
        %dma_start3A_125 = arith.constant 0 : i32
        %dma_start3A_126 = tpu.memref_slice %arg3[%add3A_113, %dma_start3A_125] : memref<2560x128xi32, #tpu.memory_space<hbm>> -> memref<8x128xi32, #tpu.memory_space<hbm>>
        tpu.enqueue_dma source(%dma_start3A_126 : memref<8x128xi32, #tpu.memory_space<hbm>>) target(%arg8 : memref<8x128xi32, #tpu.memory_space<vmem>>) target_semaphore(%run_scoped3A_122 : memref<!tpu.dma_semaphore, #tpu.memory_space<semaphore_mem>>)
        %dma_wait3A_127 = arith.constant 0 : i32
        %dma_wait3A_128 = tpu.memref_slice %arg3[%add3A_113, %dma_wait3A_127] : memref<2560x128xi32, #tpu.memory_space<hbm>> -> memref<8x128xi32, #tpu.memory_space<hbm>>
        %dma_wait3A_129 = arith.constant 0 : i32
        %dma_wait3A_130 = tpu.memref_slice %arg3[%add3A_113, %dma_wait3A_129] : memref<2560x128xi32, #tpu.memory_space<hbm>> -> memref<8x128xi32, #tpu.memory_space<hbm>>
        tpu.wait_dma2 semaphore(%run_scoped3A_122 : memref<!tpu.dma_semaphore, #tpu.memory_space<semaphore_mem>>) src(%dma_wait3A_130 : memref<8x128xi32, #tpu.memory_space<hbm>>) dst(%arg8 : memref<8x128xi32, #tpu.memory_space<vmem>>)
        tpu.yield
      }) : () -> ()
      %dma_start3A_114 = arith.constant 0 : i32
      %dma_start3A_115 = arith.constant 0 : i32
      %dma_start3A_116 = tpu.memref_slice %arg7[%dma_start3A_114, %dma_start3A_115] : memref<8x128xi32, #tpu.memory_space<vmem>> -> memref<1x128xi32, #tpu.memory_space<vmem>>
      %dma_start3A_117 = tpu.memref_squeeze %dma_start3A_116 : memref<1x128xi32, #tpu.memory_space<vmem>> -> memref<128xi32, #tpu.memory_space<vmem>>
      %dma_start3A_118 = arith.constant 0 : i32
      %dma_start3A_119 = arith.constant 0 : i32
      %dma_start3A_120 = tpu.memref_slice %arg4[%dma_start3A_118, %dma_start3A_119] : memref<10240x128xf32, #tpu.memory_space<hbm>> -> memref<10240x128xf32, #tpu.memory_space<hbm>>
      tpu.enqueue_indirect_dma source(%dma_start3A_120 : memref<10240x128xf32, #tpu.memory_space<hbm>>) target(%arg9 : memref<128x128xf32, #tpu.memory_space<vmem>>) offsets(%dma_start3A_117 : memref<128xi32, #tpu.memory_space<vmem>>) semaphore(%arg11 : memref<!tpu.dma_semaphore, #tpu.memory_space<semaphore_mem>>)
      %scan3A_121 = arith.constant 0 : i32
      scf.yield %scan3A_121 : i32
    }
    %scan3A_46 = arith.constant 10 : i32
    %dma_wait3A = arith.constant 0 : i32
    %dma_wait3A_47 = arith.constant 0 : i32
    %dma_wait3A_48 = tpu.memref_slice %arg7[%dma_wait3A, %dma_wait3A_47] : memref<8x128xi32, #tpu.memory_space<vmem>> -> memref<1x128xi32, #tpu.memory_space<vmem>>
    %dma_wait3A_49 = tpu.memref_squeeze %dma_wait3A_48 : memref<1x128xi32, #tpu.memory_space<vmem>> -> memref<128xi32, #tpu.memory_space<vmem>>
    %dma_wait3A_50 = arith.constant 0 : i32
    %dma_wait3A_51 = arith.constant 0 : i32
    %dma_wait3A_52 = tpu.memref_slice %arg4[%dma_wait3A_50, %dma_wait3A_51] : memref<10240x128xf32, #tpu.memory_space<hbm>> -> memref<10240x128xf32, #tpu.memory_space<hbm>>
    tpu.wait_indirect_dma semaphore(%arg11 : memref<!tpu.dma_semaphore, #tpu.memory_space<semaphore_mem>>) src(%dma_wait3A_52 : memref<10240x128xf32, #tpu.memory_space<hbm>>) dst(%arg9 : memref<128x128xf32, #tpu.memory_space<vmem>>)
    %barrier3A_53 = arith.constant 0 : index
    tpu.barrier barrier_id(%barrier3A_53)
    %mul3A_54 = arith.constant 640 : i32
    %mul3A_55 = arith.muli %arg1, %mul3A_54 : i32
    %add3A_56 = arith.constant 0 : i32
    %add3A_57 = arith.addi %mul3A_55, %add3A_56 : i32
    "tpu.region"() ({
      %run_scoped3A = tpu.sem_alloc : memref<!tpu.dma_semaphore, #tpu.memory_space<semaphore_mem>>
      %dma_start3A_74 = arith.constant 0 : i32
      %dma_start3A_75 = tpu.memref_slice %arg5[%arg0, %add3A_57, %dma_start3A_74] : memref<2x10240x128xf32, #tpu.memory_space<hbm>> -> memref<1x128x128xf32, #tpu.memory_space<hbm>>
      %dma_start3A_76 = tpu.memref_squeeze %dma_start3A_75 : memref<1x128x128xf32, #tpu.memory_space<hbm>> -> memref<128x128xf32, #tpu.memory_space<hbm>>
      %dma_start3A_77 = arith.constant 0 : i32
      %dma_start3A_78 = tpu.memref_slice %arg6[%add3A_57, %dma_start3A_77] : memref<10240x128xf32, #tpu.memory_space<vmem_shared>> -> memref<128x128xf32, #tpu.memory_space<vmem_shared>>
      tpu.enqueue_dma source(%dma_start3A_78 : memref<128x128xf32, #tpu.memory_space<vmem_shared>>) target(%dma_start3A_76 : memref<128x128xf32, #tpu.memory_space<hbm>>) target_semaphore(%run_scoped3A : memref<!tpu.dma_semaphore, #tpu.memory_space<semaphore_mem>>)
      %dma_wait3A_79 = arith.constant 0 : i32
      %dma_wait3A_80 = tpu.memref_slice %arg5[%arg0, %add3A_57, %dma_wait3A_79] : memref<2x10240x128xf32, #tpu.memory_space<hbm>> -> memref<1x128x128xf32, #tpu.memory_space<hbm>>
      %dma_wait3A_81 = tpu.memref_squeeze %dma_wait3A_80 : memref<1x128x128xf32, #tpu.memory_space<hbm>> -> memref<128x128xf32, #tpu.memory_space<hbm>>
      %dma_wait3A_82 = arith.constant 0 : i32
      %dma_wait3A_83 = tpu.memref_slice %arg6[%add3A_57, %dma_wait3A_82] : memref<10240x128xf32, #tpu.memory_space<vmem_shared>> -> memref<128x128xf32, #tpu.memory_space<vmem_shared>>
      tpu.wait_dma2 semaphore(%run_scoped3A : memref<!tpu.dma_semaphore, #tpu.memory_space<semaphore_mem>>) src(%dma_wait3A_83 : memref<128x128xf32, #tpu.memory_space<vmem_shared>>) dst(%dma_wait3A_81 : memref<128x128xf32, #tpu.memory_space<hbm>>)
      tpu.yield
    }) : () -> ()
    %mul3A_58 = arith.constant 640 : i32
    %mul3A_59 = arith.muli %arg1, %mul3A_58 : i32
    %add3A_60 = arith.constant 128 : i32
    %add3A_61 = arith.addi %mul3A_59, %add3A_60 : i32
    "tpu.region"() ({
      %run_scoped3A = tpu.sem_alloc : memref<!tpu.dma_semaphore, #tpu.memory_space<semaphore_mem>>
      %dma_start3A_74 = arith.constant 0 : i32
      %dma_start3A_75 = tpu.memref_slice %arg5[%arg0, %add3A_61, %dma_start3A_74] : memref<2x10240x128xf32, #tpu.memory_space<hbm>> -> memref<1x128x128xf32, #tpu.memory_space<hbm>>
      %dma_start3A_76 = tpu.memref_squeeze %dma_start3A_75 : memref<1x128x128xf32, #tpu.memory_space<hbm>> -> memref<128x128xf32, #tpu.memory_space<hbm>>
      %dma_start3A_77 = arith.constant 0 : i32
      %dma_start3A_78 = tpu.memref_slice %arg6[%add3A_61, %dma_start3A_77] : memref<10240x128xf32, #tpu.memory_space<vmem_shared>> -> memref<128x128xf32, #tpu.memory_space<vmem_shared>>
      tpu.enqueue_dma source(%dma_start3A_78 : memref<128x128xf32, #tpu.memory_space<vmem_shared>>) target(%dma_start3A_76 : memref<128x128xf32, #tpu.memory_space<hbm>>) target_semaphore(%run_scoped3A : memref<!tpu.dma_semaphore, #tpu.memory_space<semaphore_mem>>)
      %dma_wait3A_79 = arith.constant 0 : i32
      %dma_wait3A_80 = tpu.memref_slice %arg5[%arg0, %add3A_61, %dma_wait3A_79] : memref<2x10240x128xf32, #tpu.memory_space<hbm>> -> memref<1x128x128xf32, #tpu.memory_space<hbm>>
      %dma_wait3A_81 = tpu.memref_squeeze %dma_wait3A_80 : memref<1x128x128xf32, #tpu.memory_space<hbm>> -> memref<128x128xf32, #tpu.memory_space<hbm>>
      %dma_wait3A_82 = arith.constant 0 : i32
      %dma_wait3A_83 = tpu.memref_slice %arg6[%add3A_61, %dma_wait3A_82] : memref<10240x128xf32, #tpu.memory_space<vmem_shared>> -> memref<128x128xf32, #tpu.memory_space<vmem_shared>>
      tpu.wait_dma2 semaphore(%run_scoped3A : memref<!tpu.dma_semaphore, #tpu.memory_space<semaphore_mem>>) src(%dma_wait3A_83 : memref<128x128xf32, #tpu.memory_space<vmem_shared>>) dst(%dma_wait3A_81 : memref<128x128xf32, #tpu.memory_space<hbm>>)
      tpu.yield
    }) : () -> ()
    %mul3A_62 = arith.constant 640 : i32
    %mul3A_63 = arith.muli %arg1, %mul3A_62 : i32
    %add3A_64 = arith.constant 256 : i32
    %add3A_65 = arith.addi %mul3A_63, %add3A_64 : i32
    "tpu.region"() ({
      %run_scoped3A = tpu.sem_alloc : memref<!tpu.dma_semaphore, #tpu.memory_space<semaphore_mem>>
      %dma_start3A_74 = arith.constant 0 : i32
      %dma_start3A_75 = tpu.memref_slice %arg5[%arg0, %add3A_65, %dma_start3A_74] : memref<2x10240x128xf32, #tpu.memory_space<hbm>> -> memref<1x128x128xf32, #tpu.memory_space<hbm>>
      %dma_start3A_76 = tpu.memref_squeeze %dma_start3A_75 : memref<1x128x128xf32, #tpu.memory_space<hbm>> -> memref<128x128xf32, #tpu.memory_space<hbm>>
      %dma_start3A_77 = arith.constant 0 : i32
      %dma_start3A_78 = tpu.memref_slice %arg6[%add3A_65, %dma_start3A_77] : memref<10240x128xf32, #tpu.memory_space<vmem_shared>> -> memref<128x128xf32, #tpu.memory_space<vmem_shared>>
      tpu.enqueue_dma source(%dma_start3A_78 : memref<128x128xf32, #tpu.memory_space<vmem_shared>>) target(%dma_start3A_76 : memref<128x128xf32, #tpu.memory_space<hbm>>) target_semaphore(%run_scoped3A : memref<!tpu.dma_semaphore, #tpu.memory_space<semaphore_mem>>)
      %dma_wait3A_79 = arith.constant 0 : i32
      %dma_wait3A_80 = tpu.memref_slice %arg5[%arg0, %add3A_65, %dma_wait3A_79] : memref<2x10240x128xf32, #tpu.memory_space<hbm>> -> memref<1x128x128xf32, #tpu.memory_space<hbm>>
      %dma_wait3A_81 = tpu.memref_squeeze %dma_wait3A_80 : memref<1x128x128xf32, #tpu.memory_space<hbm>> -> memref<128x128xf32, #tpu.memory_space<hbm>>
      %dma_wait3A_82 = arith.constant 0 : i32
      %dma_wait3A_83 = tpu.memref_slice %arg6[%add3A_65, %dma_wait3A_82] : memref<10240x128xf32, #tpu.memory_space<vmem_shared>> -> memref<128x128xf32, #tpu.memory_space<vmem_shared>>
      tpu.wait_dma2 semaphore(%run_scoped3A : memref<!tpu.dma_semaphore, #tpu.memory_space<semaphore_mem>>) src(%dma_wait3A_83 : memref<128x128xf32, #tpu.memory_space<vmem_shared>>) dst(%dma_wait3A_81 : memref<128x128xf32, #tpu.memory_space<hbm>>)
      tpu.yield
    }) : () -> ()
    %mul3A_66 = arith.constant 640 : i32
    %mul3A_67 = arith.muli %arg1, %mul3A_66 : i32
    %add3A_68 = arith.constant 384 : i32
    %add3A_69 = arith.addi %mul3A_67, %add3A_68 : i32
    "tpu.region"() ({
      %run_scoped3A = tpu.sem_alloc : memref<!tpu.dma_semaphore, #tpu.memory_space<semaphore_mem>>
      %dma_start3A_74 = arith.constant 0 : i32
      %dma_start3A_75 = tpu.memref_slice %arg5[%arg0, %add3A_69, %dma_start3A_74] : memref<2x10240x128xf32, #tpu.memory_space<hbm>> -> memref<1x128x128xf32, #tpu.memory_space<hbm>>
      %dma_start3A_76 = tpu.memref_squeeze %dma_start3A_75 : memref<1x128x128xf32, #tpu.memory_space<hbm>> -> memref<128x128xf32, #tpu.memory_space<hbm>>
      %dma_start3A_77 = arith.constant 0 : i32
      %dma_start3A_78 = tpu.memref_slice %arg6[%add3A_69, %dma_start3A_77] : memref<10240x128xf32, #tpu.memory_space<vmem_shared>> -> memref<128x128xf32, #tpu.memory_space<vmem_shared>>
      tpu.enqueue_dma source(%dma_start3A_78 : memref<128x128xf32, #tpu.memory_space<vmem_shared>>) target(%dma_start3A_76 : memref<128x128xf32, #tpu.memory_space<hbm>>) target_semaphore(%run_scoped3A : memref<!tpu.dma_semaphore, #tpu.memory_space<semaphore_mem>>)
      %dma_wait3A_79 = arith.constant 0 : i32
      %dma_wait3A_80 = tpu.memref_slice %arg5[%arg0, %add3A_69, %dma_wait3A_79] : memref<2x10240x128xf32, #tpu.memory_space<hbm>> -> memref<1x128x128xf32, #tpu.memory_space<hbm>>
      %dma_wait3A_81 = tpu.memref_squeeze %dma_wait3A_80 : memref<1x128x128xf32, #tpu.memory_space<hbm>> -> memref<128x128xf32, #tpu.memory_space<hbm>>
      %dma_wait3A_82 = arith.constant 0 : i32
      %dma_wait3A_83 = tpu.memref_slice %arg6[%add3A_69, %dma_wait3A_82] : memref<10240x128xf32, #tpu.memory_space<vmem_shared>> -> memref<128x128xf32, #tpu.memory_space<vmem_shared>>
      tpu.wait_dma2 semaphore(%run_scoped3A : memref<!tpu.dma_semaphore, #tpu.memory_space<semaphore_mem>>) src(%dma_wait3A_83 : memref<128x128xf32, #tpu.memory_space<vmem_shared>>) dst(%dma_wait3A_81 : memref<128x128xf32, #tpu.memory_space<hbm>>)
      tpu.yield
    }) : () -> ()
    %mul3A_70 = arith.constant 640 : i32
    %mul3A_71 = arith.muli %arg1, %mul3A_70 : i32
    %add3A_72 = arith.constant 512 : i32
    %add3A_73 = arith.addi %mul3A_71, %add3A_72 : i32
    "tpu.region"() ({
      %run_scoped3A = tpu.sem_alloc : memref<!tpu.dma_semaphore, #tpu.memory_space<semaphore_mem>>
      %dma_start3A_74 = arith.constant 0 : i32
      %dma_start3A_75 = tpu.memref_slice %arg5[%arg0, %add3A_73, %dma_start3A_74] : memref<2x10240x128xf32, #tpu.memory_space<hbm>> -> memref<1x128x128xf32, #tpu.memory_space<hbm>>
      %dma_start3A_76 = tpu.memref_squeeze %dma_start3A_75 : memref<1x128x128xf32, #tpu.memory_space<hbm>> -> memref<128x128xf32, #tpu.memory_space<hbm>>
      %dma_start3A_77 = arith.constant 0 : i32
      %dma_start3A_78 = tpu.memref_slice %arg6[%add3A_73, %dma_start3A_77] : memref<10240x128xf32, #tpu.memory_space<vmem_shared>> -> memref<128x128xf32, #tpu.memory_space<vmem_shared>>
      tpu.enqueue_dma source(%dma_start3A_78 : memref<128x128xf32, #tpu.memory_space<vmem_shared>>) target(%dma_start3A_76 : memref<128x128xf32, #tpu.memory_space<hbm>>) target_semaphore(%run_scoped3A : memref<!tpu.dma_semaphore, #tpu.memory_space<semaphore_mem>>)
      %dma_wait3A_79 = arith.constant 0 : i32
      %dma_wait3A_80 = tpu.memref_slice %arg5[%arg0, %add3A_73, %dma_wait3A_79] : memref<2x10240x128xf32, #tpu.memory_space<hbm>> -> memref<1x128x128xf32, #tpu.memory_space<hbm>>
      %dma_wait3A_81 = tpu.memref_squeeze %dma_wait3A_80 : memref<1x128x128xf32, #tpu.memory_space<hbm>> -> memref<128x128xf32, #tpu.memory_space<hbm>>
      %dma_wait3A_82 = arith.constant 0 : i32
      %dma_wait3A_83 = tpu.memref_slice %arg6[%add3A_73, %dma_wait3A_82] : memref<10240x128xf32, #tpu.memory_space<vmem_shared>> -> memref<128x128xf32, #tpu.memory_space<vmem_shared>>
      tpu.wait_dma2 semaphore(%run_scoped3A : memref<!tpu.dma_semaphore, #tpu.memory_space<semaphore_mem>>) src(%dma_wait3A_83 : memref<128x128xf32, #tpu.memory_space<vmem_shared>>) dst(%dma_wait3A_81 : memref<128x128xf32, #tpu.memory_space<hbm>>)
      tpu.yield
    }) : () -> ()
    return
  }
}

#map = affine_map<(d0, d1) -> (0, 0)>
#map1 = affine_map<(d0, d1) -> (0, 0, 0)>
module attributes {stable_mosaic.version = 14 : i64} {
  func.func @_sc_attn(%arg0: i32, %arg1: i32, %arg2: memref<10240x32xi32, #tpu.memory_space<hbm>>, %arg3: memref<10240x32xi32, #tpu.memory_space<hbm>>, %arg4: memref<2560x128xi32, #tpu.memory_space<hbm>>, %arg5: memref<10240x128xf32, #tpu.memory_space<hbm>>, %arg6: memref<10240x128xf32, #tpu.memory_space<hbm>>, %arg7: memref<10240x128xf32, #tpu.memory_space<hbm>>, %arg8: memref<2x10240x128xf32, #tpu.memory_space<hbm>>, %arg9: memref<2x10240x16xf32, #tpu.memory_space<hbm>>, %arg10: memref<10240x128xf32, #tpu.memory_space<vmem_shared>>, %arg11: memref<10240x16xf32, #tpu.memory_space<vmem_shared>>, %arg12: memref<16x32xi32, #tpu.memory_space<vmem>>, %arg13: memref<16x32xi32, #tpu.memory_space<vmem>>, %arg14: memref<4x128xi32, #tpu.memory_space<vmem>>, %arg15: memref<32x128xf32, #tpu.memory_space<vmem>>, %arg16: memref<32x128xf32, #tpu.memory_space<vmem>>, %arg17: memref<32x128xf32, #tpu.memory_space<vmem>>, %arg18: memref<512x16xf32, #tpu.memory_space<vmem>>, %arg19: memref<32x128xf32, #tpu.memory_space<vmem>>, %arg20: memref<32x128xf32, #tpu.memory_space<vmem>>, %arg21: memref<32x128xf32, #tpu.memory_space<vmem>>, %arg22: memref<!tpu.dma_semaphore, #tpu.memory_space<semaphore_mem>>, %arg23: memref<!tpu.dma_semaphore, #tpu.memory_space<semaphore_mem>>) attributes {dimension_semantics = [#tpu.dimension_semantics<core_parallel>, #tpu.dimension_semantics<subcore_parallel>], iteration_bounds = array<i64: 2, 16>, scalar_prefetch = 0 : i64, scratch_operands = 14 : i64, tpu.core_type = #tpu.core_type<sc_vector_subcore>, window_params = [{transform_indices = #map}, {transform_indices = #map}, {transform_indices = #map}, {transform_indices = #map}, {transform_indices = #map}, {transform_indices = #map}, {transform_indices = #map1}, {transform_indices = #map1}]} {
    %mul3A = arith.constant 16 : i32
    %mul3A_0 = arith.muli %arg0, %mul3A : i32
    %add3A = arith.addi %mul3A_0, %arg1 : i32
    %broadcast_in_dim3A = arith.constant 0.000000e+00 : f32
    %broadcast_in_dim3A_1 = vector.broadcast %broadcast_in_dim3A : f32 to vector<16xf32>
    %scan3A = arith.constant 0 : i32
    %scan3A_2 = arith.constant 0 : i32
    %scan3A_3 = arith.constant 256 : i32
    %scan3A_4 = arith.addi %scan3A_2, %scan3A_3 : i32
    %scan3A_5 = arith.constant 1 : i32
    %scan3A_6 = scf.for %scan3A_199 = %scan3A_2 to %scan3A_4 step %scan3A_5 iter_args(%scan3A_200 = %scan3A) -> (i32)  : i32 {
      %jit3A_201 = arith.constant 8 : i32
      %div3A_202 = arith.divsi %scan3A_199, %jit3A_201 : i32
      %sign3A_203 = arith.constant 0 : i32
      %sign3A_204 = arith.cmpi sgt, %scan3A_199, %sign3A_203 : i32
      %sign3A_205 = arith.extui %sign3A_204 : i1 to i32
      %sign3A_206 = arith.constant 0 : i32
      %sign3A_207 = arith.cmpi slt, %scan3A_199, %sign3A_206 : i32
      %sign3A_208 = arith.extui %sign3A_207 : i1 to i32
      %sign3A_209 = arith.subi %sign3A_205, %sign3A_208 : i32
      %sign3A_210 = arith.constant 0 : i32
      %sign3A_211 = arith.cmpi sgt, %jit3A_201, %sign3A_210 : i32
      %sign3A_212 = arith.extui %sign3A_211 : i1 to i32
      %sign3A_213 = arith.constant 0 : i32
      %sign3A_214 = arith.cmpi slt, %jit3A_201, %sign3A_213 : i32
      %sign3A_215 = arith.extui %sign3A_214 : i1 to i32
      %sign3A_216 = arith.subi %sign3A_212, %sign3A_215 : i32
      %ne3A_217 = arith.cmpi ne, %sign3A_209, %sign3A_216 : i32
      %rem3A_218 = arith.remsi %scan3A_199, %jit3A_201 : i32
      %ne3A_219 = arith.constant 0 : i32
      %ne3A_220 = arith.cmpi ne, %rem3A_218, %ne3A_219 : i32
      %and3A_221 = arith.andi %ne3A_217, %ne3A_220 : i1
      %sub3A_222 = arith.constant 1 : i32
      %sub3A_223 = arith.subi %div3A_202, %sub3A_222 : i32
      %select_n3A_224 = arith.select %and3A_221, %sub3A_223, %div3A_202 : i32
      %jit3A_225 = arith.constant 8 : i32
      %eq3A = arith.constant 0 : i32
      %eq3A_226 = arith.cmpi eq, %jit3A_225, %eq3A : i32
      %jit3A_227 = arith.constant 1 : i32
      %select_n3A_228 = arith.select %eq3A_226, %jit3A_227, %jit3A_225 : i32
      %rem3A_229 = arith.remsi %scan3A_199, %select_n3A_228 : i32
      %ne3A_230 = arith.constant 0 : i32
      %ne3A_231 = arith.cmpi ne, %rem3A_229, %ne3A_230 : i32
      %lt3A = arith.constant 0 : i32
      %lt3A_232 = arith.cmpi slt, %rem3A_229, %lt3A : i32
      %lt3A_233 = arith.constant 0 : i32
      %lt3A_234 = arith.cmpi slt, %select_n3A_228, %lt3A_233 : i32
      %ne3A_235 = arith.xori %lt3A_232, %lt3A_234 : i1
      %and3A_236 = arith.andi %ne3A_235, %ne3A_231 : i1
      %add3A_237 = arith.addi %rem3A_229, %select_n3A_228 : i32
      %select_n3A_238 = arith.select %and3A_236, %add3A_237, %rem3A_229 : i32
      %mul3A_239 = arith.constant 16 : i32
      %mul3A_240 = arith.muli %select_n3A_238, %mul3A_239 : i32
      %swap3A = arith.index_cast %select_n3A_224 : i32 to index
      %swap3A_241 = arith.index_cast %mul3A_240 : i32 to index
      %swap3A_242 = tpu.vector_load %arg15[%swap3A, %swap3A_241] {strides = array<i32>} : memref<32x128xf32, #tpu.memory_space<vmem>>, vector<16xf32>,
      tpu.vector_store %arg15[%swap3A, %swap3A_241], %broadcast_in_dim3A_1 {strides = array<i32>} : memref<32x128xf32, #tpu.memory_space<vmem>>, vector<16xf32>,
      %scan3A_243 = arith.constant 0 : i32
      scf.yield %scan3A_243 : i32
    }
    %scan3A_7 = arith.constant 256 : i32
    %scan3A_8 = arith.constant 0 : i32
    %scan3A_9 = arith.constant 0 : i32
    %scan3A_10 = arith.constant 512 : i32
    %scan3A_11 = arith.addi %scan3A_9, %scan3A_10 : i32
    %scan3A_12 = arith.constant 1 : i32
    %scan3A_13 = scf.for %scan3A_199 = %scan3A_9 to %scan3A_11 step %scan3A_12 iter_args(%scan3A_200 = %scan3A_8) -> (i32)  : i32 {
      %swap3A = arith.index_cast %scan3A_199 : i32 to index
      %swap3A_201 = arith.constant 0 : index
      %swap3A_202 = tpu.vector_load %arg18[%swap3A, %swap3A_201] {strides = array<i32>} : memref<512x16xf32, #tpu.memory_space<vmem>>, vector<16xf32>,
      tpu.vector_store %arg18[%swap3A, %swap3A_201], %broadcast_in_dim3A_1 {strides = array<i32>} : memref<512x16xf32, #tpu.memory_space<vmem>>, vector<16xf32>,
      %scan3A_203 = arith.constant 0 : i32
      scf.yield %scan3A_203 : i32
    }
    %scan3A_14 = arith.constant 512 : i32
    %mul3A_15 = arith.constant 640 : i32
    %mul3A_16 = arith.muli %arg1, %mul3A_15 : i32
    %add3A_17 = arith.constant 0 : i32
    %add3A_18 = arith.addi %mul3A_16, %add3A_17 : i32
    "tpu.region"() ({
      %run_scoped3A = tpu.sem_alloc : memref<!tpu.dma_semaphore, #tpu.memory_space<semaphore_mem>>
      %dma_start3A_199 = arith.constant 0 : i32
      %dma_start3A_200 = tpu.memref_slice %arg10[%add3A_18, %dma_start3A_199] : memref<10240x128xf32, #tpu.memory_space<vmem_shared>> -> memref<32x128xf32, #tpu.memory_space<vmem_shared>>
      %dma_start3A_201 = arith.constant 0 : i32
      %dma_start3A_202 = tpu.memref_slice %arg10[%add3A_18, %dma_start3A_201] : memref<10240x128xf32, #tpu.memory_space<vmem_shared>> -> memref<32x128xf32, #tpu.memory_space<vmem_shared>>
      tpu.enqueue_dma source(%arg15 : memref<32x128xf32, #tpu.memory_space<vmem>>) target(%dma_start3A_202 : memref<32x128xf32, #tpu.memory_space<vmem_shared>>) target_semaphore(%run_scoped3A : memref<!tpu.dma_semaphore, #tpu.memory_space<semaphore_mem>>)
      %dma_wait3A_203 = arith.constant 0 : i32
      %dma_wait3A_204 = tpu.memref_slice %arg10[%add3A_18, %dma_wait3A_203] : memref<10240x128xf32, #tpu.memory_space<vmem_shared>> -> memref<32x128xf32, #tpu.memory_space<vmem_shared>>
      %dma_wait3A_205 = arith.constant 0 : i32
      %dma_wait3A_206 = tpu.memref_slice %arg10[%add3A_18, %dma_wait3A_205] : memref<10240x128xf32, #tpu.memory_space<vmem_shared>> -> memref<32x128xf32, #tpu.memory_space<vmem_shared>>
      tpu.wait_dma2 semaphore(%run_scoped3A : memref<!tpu.dma_semaphore, #tpu.memory_space<semaphore_mem>>) src(%arg15 : memref<32x128xf32, #tpu.memory_space<vmem>>) dst(%dma_wait3A_206 : memref<32x128xf32, #tpu.memory_space<vmem_shared>>)
      tpu.yield
    }) : () -> ()
    %mul3A_19 = arith.constant 640 : i32
    %mul3A_20 = arith.muli %arg1, %mul3A_19 : i32
    %add3A_21 = arith.constant 32 : i32
    %add3A_22 = arith.addi %mul3A_20, %add3A_21 : i32
    "tpu.region"() ({
      %run_scoped3A = tpu.sem_alloc : memref<!tpu.dma_semaphore, #tpu.memory_space<semaphore_mem>>
      %dma_start3A_199 = arith.constant 0 : i32
      %dma_start3A_200 = tpu.memref_slice %arg10[%add3A_22, %dma_start3A_199] : memref<10240x128xf32, #tpu.memory_space<vmem_shared>> -> memref<32x128xf32, #tpu.memory_space<vmem_shared>>
      %dma_start3A_201 = arith.constant 0 : i32
      %dma_start3A_202 = tpu.memref_slice %arg10[%add3A_22, %dma_start3A_201] : memref<10240x128xf32, #tpu.memory_space<vmem_shared>> -> memref<32x128xf32, #tpu.memory_space<vmem_shared>>
      tpu.enqueue_dma source(%arg15 : memref<32x128xf32, #tpu.memory_space<vmem>>) target(%dma_start3A_202 : memref<32x128xf32, #tpu.memory_space<vmem_shared>>) target_semaphore(%run_scoped3A : memref<!tpu.dma_semaphore, #tpu.memory_space<semaphore_mem>>)
      %dma_wait3A_203 = arith.constant 0 : i32
      %dma_wait3A_204 = tpu.memref_slice %arg10[%add3A_22, %dma_wait3A_203] : memref<10240x128xf32, #tpu.memory_space<vmem_shared>> -> memref<32x128xf32, #tpu.memory_space<vmem_shared>>
      %dma_wait3A_205 = arith.constant 0 : i32
      %dma_wait3A_206 = tpu.memref_slice %arg10[%add3A_22, %dma_wait3A_205] : memref<10240x128xf32, #tpu.memory_space<vmem_shared>> -> memref<32x128xf32, #tpu.memory_space<vmem_shared>>
      tpu.wait_dma2 semaphore(%run_scoped3A : memref<!tpu.dma_semaphore, #tpu.memory_space<semaphore_mem>>) src(%arg15 : memref<32x128xf32, #tpu.memory_space<vmem>>) dst(%dma_wait3A_206 : memref<32x128xf32, #tpu.memory_space<vmem_shared>>)
      tpu.yield
    }) : () -> ()
    %mul3A_23 = arith.constant 640 : i32
    %mul3A_24 = arith.muli %arg1, %mul3A_23 : i32
    %add3A_25 = arith.constant 64 : i32
    %add3A_26 = arith.addi %mul3A_24, %add3A_25 : i32
    "tpu.region"() ({
      %run_scoped3A = tpu.sem_alloc : memref<!tpu.dma_semaphore, #tpu.memory_space<semaphore_mem>>
      %dma_start3A_199 = arith.constant 0 : i32
      %dma_start3A_200 = tpu.memref_slice %arg10[%add3A_26, %dma_start3A_199] : memref<10240x128xf32, #tpu.memory_space<vmem_shared>> -> memref<32x128xf32, #tpu.memory_space<vmem_shared>>
      %dma_start3A_201 = arith.constant 0 : i32
      %dma_start3A_202 = tpu.memref_slice %arg10[%add3A_26, %dma_start3A_201] : memref<10240x128xf32, #tpu.memory_space<vmem_shared>> -> memref<32x128xf32, #tpu.memory_space<vmem_shared>>
      tpu.enqueue_dma source(%arg15 : memref<32x128xf32, #tpu.memory_space<vmem>>) target(%dma_start3A_202 : memref<32x128xf32, #tpu.memory_space<vmem_shared>>) target_semaphore(%run_scoped3A : memref<!tpu.dma_semaphore, #tpu.memory_space<semaphore_mem>>)
      %dma_wait3A_203 = arith.constant 0 : i32
      %dma_wait3A_204 = tpu.memref_slice %arg10[%add3A_26, %dma_wait3A_203] : memref<10240x128xf32, #tpu.memory_space<vmem_shared>> -> memref<32x128xf32, #tpu.memory_space<vmem_shared>>
      %dma_wait3A_205 = arith.constant 0 : i32
      %dma_wait3A_206 = tpu.memref_slice %arg10[%add3A_26, %dma_wait3A_205] : memref<10240x128xf32, #tpu.memory_space<vmem_shared>> -> memref<32x128xf32, #tpu.memory_space<vmem_shared>>
      tpu.wait_dma2 semaphore(%run_scoped3A : memref<!tpu.dma_semaphore, #tpu.memory_space<semaphore_mem>>) src(%arg15 : memref<32x128xf32, #tpu.memory_space<vmem>>) dst(%dma_wait3A_206 : memref<32x128xf32, #tpu.memory_space<vmem_shared>>)
      tpu.yield
    }) : () -> ()
    %mul3A_27 = arith.constant 640 : i32
    %mul3A_28 = arith.muli %arg1, %mul3A_27 : i32
    %add3A_29 = arith.constant 96 : i32
    %add3A_30 = arith.addi %mul3A_28, %add3A_29 : i32
    "tpu.region"() ({
      %run_scoped3A = tpu.sem_alloc : memref<!tpu.dma_semaphore, #tpu.memory_space<semaphore_mem>>
      %dma_start3A_199 = arith.constant 0 : i32
      %dma_start3A_200 = tpu.memref_slice %arg10[%add3A_30, %dma_start3A_199] : memref<10240x128xf32, #tpu.memory_space<vmem_shared>> -> memref<32x128xf32, #tpu.memory_space<vmem_shared>>
      %dma_start3A_201 = arith.constant 0 : i32
      %dma_start3A_202 = tpu.memref_slice %arg10[%add3A_30, %dma_start3A_201] : memref<10240x128xf32, #tpu.memory_space<vmem_shared>> -> memref<32x128xf32, #tpu.memory_space<vmem_shared>>
      tpu.enqueue_dma source(%arg15 : memref<32x128xf32, #tpu.memory_space<vmem>>) target(%dma_start3A_202 : memref<32x128xf32, #tpu.memory_space<vmem_shared>>) target_semaphore(%run_scoped3A : memref<!tpu.dma_semaphore, #tpu.memory_space<semaphore_mem>>)
      %dma_wait3A_203 = arith.constant 0 : i32
      %dma_wait3A_204 = tpu.memref_slice %arg10[%add3A_30, %dma_wait3A_203] : memref<10240x128xf32, #tpu.memory_space<vmem_shared>> -> memref<32x128xf32, #tpu.memory_space<vmem_shared>>
      %dma_wait3A_205 = arith.constant 0 : i32
      %dma_wait3A_206 = tpu.memref_slice %arg10[%add3A_30, %dma_wait3A_205] : memref<10240x128xf32, #tpu.memory_space<vmem_shared>> -> memref<32x128xf32, #tpu.memory_space<vmem_shared>>
      tpu.wait_dma2 semaphore(%run_scoped3A : memref<!tpu.dma_semaphore, #tpu.memory_space<semaphore_mem>>) src(%arg15 : memref<32x128xf32, #tpu.memory_space<vmem>>) dst(%dma_wait3A_206 : memref<32x128xf32, #tpu.memory_space<vmem_shared>>)
      tpu.yield
    }) : () -> ()
    %mul3A_31 = arith.constant 640 : i32
    %mul3A_32 = arith.muli %arg1, %mul3A_31 : i32
    %add3A_33 = arith.constant 128 : i32
    %add3A_34 = arith.addi %mul3A_32, %add3A_33 : i32
    "tpu.region"() ({
      %run_scoped3A = tpu.sem_alloc : memref<!tpu.dma_semaphore, #tpu.memory_space<semaphore_mem>>
      %dma_start3A_199 = arith.constant 0 : i32
      %dma_start3A_200 = tpu.memref_slice %arg10[%add3A_34, %dma_start3A_199] : memref<10240x128xf32, #tpu.memory_space<vmem_shared>> -> memref<32x128xf32, #tpu.memory_space<vmem_shared>>
      %dma_start3A_201 = arith.constant 0 : i32
      %dma_start3A_202 = tpu.memref_slice %arg10[%add3A_34, %dma_start3A_201] : memref<10240x128xf32, #tpu.memory_space<vmem_shared>> -> memref<32x128xf32, #tpu.memory_space<vmem_shared>>
      tpu.enqueue_dma source(%arg15 : memref<32x128xf32, #tpu.memory_space<vmem>>) target(%dma_start3A_202 : memref<32x128xf32, #tpu.memory_space<vmem_shared>>) target_semaphore(%run_scoped3A : memref<!tpu.dma_semaphore, #tpu.memory_space<semaphore_mem>>)
      %dma_wait3A_203 = arith.constant 0 : i32
      %dma_wait3A_204 = tpu.memref_slice %arg10[%add3A_34, %dma_wait3A_203] : memref<10240x128xf32, #tpu.memory_space<vmem_shared>> -> memref<32x128xf32, #tpu.memory_space<vmem_shared>>
      %dma_wait3A_205 = arith.constant 0 : i32
      %dma_wait3A_206 = tpu.memref_slice %arg10[%add3A_34, %dma_wait3A_205] : memref<10240x128xf32, #tpu.memory_space<vmem_shared>> -> memref<32x128xf32, #tpu.memory_space<vmem_shared>>
      tpu.wait_dma2 semaphore(%run_scoped3A : memref<!tpu.dma_semaphore, #tpu.memory_space<semaphore_mem>>) src(%arg15 : memref<32x128xf32, #tpu.memory_space<vmem>>) dst(%dma_wait3A_206 : memref<32x128xf32, #tpu.memory_space<vmem_shared>>)
      tpu.yield
    }) : () -> ()
    %mul3A_35 = arith.constant 640 : i32
    %mul3A_36 = arith.muli %arg1, %mul3A_35 : i32
    %add3A_37 = arith.constant 160 : i32
    %add3A_38 = arith.addi %mul3A_36, %add3A_37 : i32
    "tpu.region"() ({
      %run_scoped3A = tpu.sem_alloc : memref<!tpu.dma_semaphore, #tpu.memory_space<semaphore_mem>>
      %dma_start3A_199 = arith.constant 0 : i32
      %dma_start3A_200 = tpu.memref_slice %arg10[%add3A_38, %dma_start3A_199] : memref<10240x128xf32, #tpu.memory_space<vmem_shared>> -> memref<32x128xf32, #tpu.memory_space<vmem_shared>>
      %dma_start3A_201 = arith.constant 0 : i32
      %dma_start3A_202 = tpu.memref_slice %arg10[%add3A_38, %dma_start3A_201] : memref<10240x128xf32, #tpu.memory_space<vmem_shared>> -> memref<32x128xf32, #tpu.memory_space<vmem_shared>>
      tpu.enqueue_dma source(%arg15 : memref<32x128xf32, #tpu.memory_space<vmem>>) target(%dma_start3A_202 : memref<32x128xf32, #tpu.memory_space<vmem_shared>>) target_semaphore(%run_scoped3A : memref<!tpu.dma_semaphore, #tpu.memory_space<semaphore_mem>>)
      %dma_wait3A_203 = arith.constant 0 : i32
      %dma_wait3A_204 = tpu.memref_slice %arg10[%add3A_38, %dma_wait3A_203] : memref<10240x128xf32, #tpu.memory_space<vmem_shared>> -> memref<32x128xf32, #tpu.memory_space<vmem_shared>>
      %dma_wait3A_205 = arith.constant 0 : i32
      %dma_wait3A_206 = tpu.memref_slice %arg10[%add3A_38, %dma_wait3A_205] : memref<10240x128xf32, #tpu.memory_space<vmem_shared>> -> memref<32x128xf32, #tpu.memory_space<vmem_shared>>
      tpu.wait_dma2 semaphore(%run_scoped3A : memref<!tpu.dma_semaphore, #tpu.memory_space<semaphore_mem>>) src(%arg15 : memref<32x128xf32, #tpu.memory_space<vmem>>) dst(%dma_wait3A_206 : memref<32x128xf32, #tpu.memory_space<vmem_shared>>)
      tpu.yield
    }) : () -> ()
    %mul3A_39 = arith.constant 640 : i32
    %mul3A_40 = arith.muli %arg1, %mul3A_39 : i32
    %add3A_41 = arith.constant 192 : i32
    %add3A_42 = arith.addi %mul3A_40, %add3A_41 : i32
    "tpu.region"() ({
      %run_scoped3A = tpu.sem_alloc : memref<!tpu.dma_semaphore, #tpu.memory_space<semaphore_mem>>
      %dma_start3A_199 = arith.constant 0 : i32
      %dma_start3A_200 = tpu.memref_slice %arg10[%add3A_42, %dma_start3A_199] : memref<10240x128xf32, #tpu.memory_space<vmem_shared>> -> memref<32x128xf32, #tpu.memory_space<vmem_shared>>
      %dma_start3A_201 = arith.constant 0 : i32
      %dma_start3A_202 = tpu.memref_slice %arg10[%add3A_42, %dma_start3A_201] : memref<10240x128xf32, #tpu.memory_space<vmem_shared>> -> memref<32x128xf32, #tpu.memory_space<vmem_shared>>
      tpu.enqueue_dma source(%arg15 : memref<32x128xf32, #tpu.memory_space<vmem>>) target(%dma_start3A_202 : memref<32x128xf32, #tpu.memory_space<vmem_shared>>) target_semaphore(%run_scoped3A : memref<!tpu.dma_semaphore, #tpu.memory_space<semaphore_mem>>)
      %dma_wait3A_203 = arith.constant 0 : i32
      %dma_wait3A_204 = tpu.memref_slice %arg10[%add3A_42, %dma_wait3A_203] : memref<10240x128xf32, #tpu.memory_space<vmem_shared>> -> memref<32x128xf32, #tpu.memory_space<vmem_shared>>
      %dma_wait3A_205 = arith.constant 0 : i32
      %dma_wait3A_206 = tpu.memref_slice %arg10[%add3A_42, %dma_wait3A_205] : memref<10240x128xf32, #tpu.memory_space<vmem_shared>> -> memref<32x128xf32, #tpu.memory_space<vmem_shared>>
      tpu.wait_dma2 semaphore(%run_scoped3A : memref<!tpu.dma_semaphore, #tpu.memory_space<semaphore_mem>>) src(%arg15 : memref<32x128xf32, #tpu.memory_space<vmem>>) dst(%dma_wait3A_206 : memref<32x128xf32, #tpu.memory_space<vmem_shared>>)
      tpu.yield
    }) : () -> ()
    %mul3A_43 = arith.constant 640 : i32
    %mul3A_44 = arith.muli %arg1, %mul3A_43 : i32
    %add3A_45 = arith.constant 224 : i32
    %add3A_46 = arith.addi %mul3A_44, %add3A_45 : i32
    "tpu.region"() ({
      %run_scoped3A = tpu.sem_alloc : memref<!tpu.dma_semaphore, #tpu.memory_space<semaphore_mem>>
      %dma_start3A_199 = arith.constant 0 : i32
      %dma_start3A_200 = tpu.memref_slice %arg10[%add3A_46, %dma_start3A_199] : memref<10240x128xf32, #tpu.memory_space<vmem_shared>> -> memref<32x128xf32, #tpu.memory_space<vmem_shared>>
      %dma_start3A_201 = arith.constant 0 : i32
      %dma_start3A_202 = tpu.memref_slice %arg10[%add3A_46, %dma_start3A_201] : memref<10240x128xf32, #tpu.memory_space<vmem_shared>> -> memref<32x128xf32, #tpu.memory_space<vmem_shared>>
      tpu.enqueue_dma source(%arg15 : memref<32x128xf32, #tpu.memory_space<vmem>>) target(%dma_start3A_202 : memref<32x128xf32, #tpu.memory_space<vmem_shared>>) target_semaphore(%run_scoped3A : memref<!tpu.dma_semaphore, #tpu.memory_space<semaphore_mem>>)
      %dma_wait3A_203 = arith.constant 0 : i32
      %dma_wait3A_204 = tpu.memref_slice %arg10[%add3A_46, %dma_wait3A_203] : memref<10240x128xf32, #tpu.memory_space<vmem_shared>> -> memref<32x128xf32, #tpu.memory_space<vmem_shared>>
      %dma_wait3A_205 = arith.constant 0 : i32
      %dma_wait3A_206 = tpu.memref_slice %arg10[%add3A_46, %dma_wait3A_205] : memref<10240x128xf32, #tpu.memory_space<vmem_shared>> -> memref<32x128xf32, #tpu.memory_space<vmem_shared>>
      tpu.wait_dma2 semaphore(%run_scoped3A : memref<!tpu.dma_semaphore, #tpu.memory_space<semaphore_mem>>) src(%arg15 : memref<32x128xf32, #tpu.memory_space<vmem>>) dst(%dma_wait3A_206 : memref<32x128xf32, #tpu.memory_space<vmem_shared>>)
      tpu.yield
    }) : () -> ()
    %mul3A_47 = arith.constant 640 : i32
    %mul3A_48 = arith.muli %arg1, %mul3A_47 : i32
    %add3A_49 = arith.constant 256 : i32
    %add3A_50 = arith.addi %mul3A_48, %add3A_49 : i32
    "tpu.region"() ({
      %run_scoped3A = tpu.sem_alloc : memref<!tpu.dma_semaphore, #tpu.memory_space<semaphore_mem>>
      %dma_start3A_199 = arith.constant 0 : i32
      %dma_start3A_200 = tpu.memref_slice %arg10[%add3A_50, %dma_start3A_199] : memref<10240x128xf32, #tpu.memory_space<vmem_shared>> -> memref<32x128xf32, #tpu.memory_space<vmem_shared>>
      %dma_start3A_201 = arith.constant 0 : i32
      %dma_start3A_202 = tpu.memref_slice %arg10[%add3A_50, %dma_start3A_201] : memref<10240x128xf32, #tpu.memory_space<vmem_shared>> -> memref<32x128xf32, #tpu.memory_space<vmem_shared>>
      tpu.enqueue_dma source(%arg15 : memref<32x128xf32, #tpu.memory_space<vmem>>) target(%dma_start3A_202 : memref<32x128xf32, #tpu.memory_space<vmem_shared>>) target_semaphore(%run_scoped3A : memref<!tpu.dma_semaphore, #tpu.memory_space<semaphore_mem>>)
      %dma_wait3A_203 = arith.constant 0 : i32
      %dma_wait3A_204 = tpu.memref_slice %arg10[%add3A_50, %dma_wait3A_203] : memref<10240x128xf32, #tpu.memory_space<vmem_shared>> -> memref<32x128xf32, #tpu.memory_space<vmem_shared>>
      %dma_wait3A_205 = arith.constant 0 : i32
      %dma_wait3A_206 = tpu.memref_slice %arg10[%add3A_50, %dma_wait3A_205] : memref<10240x128xf32, #tpu.memory_space<vmem_shared>> -> memref<32x128xf32, #tpu.memory_space<vmem_shared>>
      tpu.wait_dma2 semaphore(%run_scoped3A : memref<!tpu.dma_semaphore, #tpu.memory_space<semaphore_mem>>) src(%arg15 : memref<32x128xf32, #tpu.memory_space<vmem>>) dst(%dma_wait3A_206 : memref<32x128xf32, #tpu.memory_space<vmem_shared>>)
      tpu.yield
    }) : () -> ()
    %mul3A_51 = arith.constant 640 : i32
    %mul3A_52 = arith.muli %arg1, %mul3A_51 : i32
    %add3A_53 = arith.constant 288 : i32
    %add3A_54 = arith.addi %mul3A_52, %add3A_53 : i32
    "tpu.region"() ({
      %run_scoped3A = tpu.sem_alloc : memref<!tpu.dma_semaphore, #tpu.memory_space<semaphore_mem>>
      %dma_start3A_199 = arith.constant 0 : i32
      %dma_start3A_200 = tpu.memref_slice %arg10[%add3A_54, %dma_start3A_199] : memref<10240x128xf32, #tpu.memory_space<vmem_shared>> -> memref<32x128xf32, #tpu.memory_space<vmem_shared>>
      %dma_start3A_201 = arith.constant 0 : i32
      %dma_start3A_202 = tpu.memref_slice %arg10[%add3A_54, %dma_start3A_201] : memref<10240x128xf32, #tpu.memory_space<vmem_shared>> -> memref<32x128xf32, #tpu.memory_space<vmem_shared>>
      tpu.enqueue_dma source(%arg15 : memref<32x128xf32, #tpu.memory_space<vmem>>) target(%dma_start3A_202 : memref<32x128xf32, #tpu.memory_space<vmem_shared>>) target_semaphore(%run_scoped3A : memref<!tpu.dma_semaphore, #tpu.memory_space<semaphore_mem>>)
      %dma_wait3A_203 = arith.constant 0 : i32
      %dma_wait3A_204 = tpu.memref_slice %arg10[%add3A_54, %dma_wait3A_203] : memref<10240x128xf32, #tpu.memory_space<vmem_shared>> -> memref<32x128xf32, #tpu.memory_space<vmem_shared>>
      %dma_wait3A_205 = arith.constant 0 : i32
      %dma_wait3A_206 = tpu.memref_slice %arg10[%add3A_54, %dma_wait3A_205] : memref<10240x128xf32, #tpu.memory_space<vmem_shared>> -> memref<32x128xf32, #tpu.memory_space<vmem_shared>>
      tpu.wait_dma2 semaphore(%run_scoped3A : memref<!tpu.dma_semaphore, #tpu.memory_space<semaphore_mem>>) src(%arg15 : memref<32x128xf32, #tpu.memory_space<vmem>>) dst(%dma_wait3A_206 : memref<32x128xf32, #tpu.memory_space<vmem_shared>>)
      tpu.yield
    }) : () -> ()
    %mul3A_55 = arith.constant 640 : i32
    %mul3A_56 = arith.muli %arg1, %mul3A_55 : i32
    %add3A_57 = arith.constant 320 : i32
    %add3A_58 = arith.addi %mul3A_56, %add3A_57 : i32
    "tpu.region"() ({
      %run_scoped3A = tpu.sem_alloc : memref<!tpu.dma_semaphore, #tpu.memory_space<semaphore_mem>>
      %dma_start3A_199 = arith.constant 0 : i32
      %dma_start3A_200 = tpu.memref_slice %arg10[%add3A_58, %dma_start3A_199] : memref<10240x128xf32, #tpu.memory_space<vmem_shared>> -> memref<32x128xf32, #tpu.memory_space<vmem_shared>>
      %dma_start3A_201 = arith.constant 0 : i32
      %dma_start3A_202 = tpu.memref_slice %arg10[%add3A_58, %dma_start3A_201] : memref<10240x128xf32, #tpu.memory_space<vmem_shared>> -> memref<32x128xf32, #tpu.memory_space<vmem_shared>>
      tpu.enqueue_dma source(%arg15 : memref<32x128xf32, #tpu.memory_space<vmem>>) target(%dma_start3A_202 : memref<32x128xf32, #tpu.memory_space<vmem_shared>>) target_semaphore(%run_scoped3A : memref<!tpu.dma_semaphore, #tpu.memory_space<semaphore_mem>>)
      %dma_wait3A_203 = arith.constant 0 : i32
      %dma_wait3A_204 = tpu.memref_slice %arg10[%add3A_58, %dma_wait3A_203] : memref<10240x128xf32, #tpu.memory_space<vmem_shared>> -> memref<32x128xf32, #tpu.memory_space<vmem_shared>>
      %dma_wait3A_205 = arith.constant 0 : i32
      %dma_wait3A_206 = tpu.memref_slice %arg10[%add3A_58, %dma_wait3A_205] : memref<10240x128xf32, #tpu.memory_space<vmem_shared>> -> memref<32x128xf32, #tpu.memory_space<vmem_shared>>
      tpu.wait_dma2 semaphore(%run_scoped3A : memref<!tpu.dma_semaphore, #tpu.memory_space<semaphore_mem>>) src(%arg15 : memref<32x128xf32, #tpu.memory_space<vmem>>) dst(%dma_wait3A_206 : memref<32x128xf32, #tpu.memory_space<vmem_shared>>)
      tpu.yield
    }) : () -> ()
    %mul3A_59 = arith.constant 640 : i32
    %mul3A_60 = arith.muli %arg1, %mul3A_59 : i32
    %add3A_61 = arith.constant 352 : i32
    %add3A_62 = arith.addi %mul3A_60, %add3A_61 : i32
    "tpu.region"() ({
      %run_scoped3A = tpu.sem_alloc : memref<!tpu.dma_semaphore, #tpu.memory_space<semaphore_mem>>
      %dma_start3A_199 = arith.constant 0 : i32
      %dma_start3A_200 = tpu.memref_slice %arg10[%add3A_62, %dma_start3A_199] : memref<10240x128xf32, #tpu.memory_space<vmem_shared>> -> memref<32x128xf32, #tpu.memory_space<vmem_shared>>
      %dma_start3A_201 = arith.constant 0 : i32
      %dma_start3A_202 = tpu.memref_slice %arg10[%add3A_62, %dma_start3A_201] : memref<10240x128xf32, #tpu.memory_space<vmem_shared>> -> memref<32x128xf32, #tpu.memory_space<vmem_shared>>
      tpu.enqueue_dma source(%arg15 : memref<32x128xf32, #tpu.memory_space<vmem>>) target(%dma_start3A_202 : memref<32x128xf32, #tpu.memory_space<vmem_shared>>) target_semaphore(%run_scoped3A : memref<!tpu.dma_semaphore, #tpu.memory_space<semaphore_mem>>)
      %dma_wait3A_203 = arith.constant 0 : i32
      %dma_wait3A_204 = tpu.memref_slice %arg10[%add3A_62, %dma_wait3A_203] : memref<10240x128xf32, #tpu.memory_space<vmem_shared>> -> memref<32x128xf32, #tpu.memory_space<vmem_shared>>
      %dma_wait3A_205 = arith.constant 0 : i32
      %dma_wait3A_206 = tpu.memref_slice %arg10[%add3A_62, %dma_wait3A_205] : memref<10240x128xf32, #tpu.memory_space<vmem_shared>> -> memref<32x128xf32, #tpu.memory_space<vmem_shared>>
      tpu.wait_dma2 semaphore(%run_scoped3A : memref<!tpu.dma_semaphore, #tpu.memory_space<semaphore_mem>>) src(%arg15 : memref<32x128xf32, #tpu.memory_space<vmem>>) dst(%dma_wait3A_206 : memref<32x128xf32, #tpu.memory_space<vmem_shared>>)
      tpu.yield
    }) : () -> ()
    %mul3A_63 = arith.constant 640 : i32
    %mul3A_64 = arith.muli %arg1, %mul3A_63 : i32
    %add3A_65 = arith.constant 384 : i32
    %add3A_66 = arith.addi %mul3A_64, %add3A_65 : i32
    "tpu.region"() ({
      %run_scoped3A = tpu.sem_alloc : memref<!tpu.dma_semaphore, #tpu.memory_space<semaphore_mem>>
      %dma_start3A_199 = arith.constant 0 : i32
      %dma_start3A_200 = tpu.memref_slice %arg10[%add3A_66, %dma_start3A_199] : memref<10240x128xf32, #tpu.memory_space<vmem_shared>> -> memref<32x128xf32, #tpu.memory_space<vmem_shared>>
      %dma_start3A_201 = arith.constant 0 : i32
      %dma_start3A_202 = tpu.memref_slice %arg10[%add3A_66, %dma_start3A_201] : memref<10240x128xf32, #tpu.memory_space<vmem_shared>> -> memref<32x128xf32, #tpu.memory_space<vmem_shared>>
      tpu.enqueue_dma source(%arg15 : memref<32x128xf32, #tpu.memory_space<vmem>>) target(%dma_start3A_202 : memref<32x128xf32, #tpu.memory_space<vmem_shared>>) target_semaphore(%run_scoped3A : memref<!tpu.dma_semaphore, #tpu.memory_space<semaphore_mem>>)
      %dma_wait3A_203 = arith.constant 0 : i32
      %dma_wait3A_204 = tpu.memref_slice %arg10[%add3A_66, %dma_wait3A_203] : memref<10240x128xf32, #tpu.memory_space<vmem_shared>> -> memref<32x128xf32, #tpu.memory_space<vmem_shared>>
      %dma_wait3A_205 = arith.constant 0 : i32
      %dma_wait3A_206 = tpu.memref_slice %arg10[%add3A_66, %dma_wait3A_205] : memref<10240x128xf32, #tpu.memory_space<vmem_shared>> -> memref<32x128xf32, #tpu.memory_space<vmem_shared>>
      tpu.wait_dma2 semaphore(%run_scoped3A : memref<!tpu.dma_semaphore, #tpu.memory_space<semaphore_mem>>) src(%arg15 : memref<32x128xf32, #tpu.memory_space<vmem>>) dst(%dma_wait3A_206 : memref<32x128xf32, #tpu.memory_space<vmem_shared>>)
      tpu.yield
    }) : () -> ()
    %mul3A_67 = arith.constant 640 : i32
    %mul3A_68 = arith.muli %arg1, %mul3A_67 : i32
    %add3A_69 = arith.constant 416 : i32
    %add3A_70 = arith.addi %mul3A_68, %add3A_69 : i32
    "tpu.region"() ({
      %run_scoped3A = tpu.sem_alloc : memref<!tpu.dma_semaphore, #tpu.memory_space<semaphore_mem>>
      %dma_start3A_199 = arith.constant 0 : i32
      %dma_start3A_200 = tpu.memref_slice %arg10[%add3A_70, %dma_start3A_199] : memref<10240x128xf32, #tpu.memory_space<vmem_shared>> -> memref<32x128xf32, #tpu.memory_space<vmem_shared>>
      %dma_start3A_201 = arith.constant 0 : i32
      %dma_start3A_202 = tpu.memref_slice %arg10[%add3A_70, %dma_start3A_201] : memref<10240x128xf32, #tpu.memory_space<vmem_shared>> -> memref<32x128xf32, #tpu.memory_space<vmem_shared>>
      tpu.enqueue_dma source(%arg15 : memref<32x128xf32, #tpu.memory_space<vmem>>) target(%dma_start3A_202 : memref<32x128xf32, #tpu.memory_space<vmem_shared>>) target_semaphore(%run_scoped3A : memref<!tpu.dma_semaphore, #tpu.memory_space<semaphore_mem>>)
      %dma_wait3A_203 = arith.constant 0 : i32
      %dma_wait3A_204 = tpu.memref_slice %arg10[%add3A_70, %dma_wait3A_203] : memref<10240x128xf32, #tpu.memory_space<vmem_shared>> -> memref<32x128xf32, #tpu.memory_space<vmem_shared>>
      %dma_wait3A_205 = arith.constant 0 : i32
      %dma_wait3A_206 = tpu.memref_slice %arg10[%add3A_70, %dma_wait3A_205] : memref<10240x128xf32, #tpu.memory_space<vmem_shared>> -> memref<32x128xf32, #tpu.memory_space<vmem_shared>>
      tpu.wait_dma2 semaphore(%run_scoped3A : memref<!tpu.dma_semaphore, #tpu.memory_space<semaphore_mem>>) src(%arg15 : memref<32x128xf32, #tpu.memory_space<vmem>>) dst(%dma_wait3A_206 : memref<32x128xf32, #tpu.memory_space<vmem_shared>>)
      tpu.yield
    }) : () -> ()
    %mul3A_71 = arith.constant 640 : i32
    %mul3A_72 = arith.muli %arg1, %mul3A_71 : i32
    %add3A_73 = arith.constant 448 : i32
    %add3A_74 = arith.addi %mul3A_72, %add3A_73 : i32
    "tpu.region"() ({
      %run_scoped3A = tpu.sem_alloc : memref<!tpu.dma_semaphore, #tpu.memory_space<semaphore_mem>>
      %dma_start3A_199 = arith.constant 0 : i32
      %dma_start3A_200 = tpu.memref_slice %arg10[%add3A_74, %dma_start3A_199] : memref<10240x128xf32, #tpu.memory_space<vmem_shared>> -> memref<32x128xf32, #tpu.memory_space<vmem_shared>>
      %dma_start3A_201 = arith.constant 0 : i32
      %dma_start3A_202 = tpu.memref_slice %arg10[%add3A_74, %dma_start3A_201] : memref<10240x128xf32, #tpu.memory_space<vmem_shared>> -> memref<32x128xf32, #tpu.memory_space<vmem_shared>>
      tpu.enqueue_dma source(%arg15 : memref<32x128xf32, #tpu.memory_space<vmem>>) target(%dma_start3A_202 : memref<32x128xf32, #tpu.memory_space<vmem_shared>>) target_semaphore(%run_scoped3A : memref<!tpu.dma_semaphore, #tpu.memory_space<semaphore_mem>>)
      %dma_wait3A_203 = arith.constant 0 : i32
      %dma_wait3A_204 = tpu.memref_slice %arg10[%add3A_74, %dma_wait3A_203] : memref<10240x128xf32, #tpu.memory_space<vmem_shared>> -> memref<32x128xf32, #tpu.memory_space<vmem_shared>>
      %dma_wait3A_205 = arith.constant 0 : i32
      %dma_wait3A_206 = tpu.memref_slice %arg10[%add3A_74, %dma_wait3A_205] : memref<10240x128xf32, #tpu.memory_space<vmem_shared>> -> memref<32x128xf32, #tpu.memory_space<vmem_shared>>
      tpu.wait_dma2 semaphore(%run_scoped3A : memref<!tpu.dma_semaphore, #tpu.memory_space<semaphore_mem>>) src(%arg15 : memref<32x128xf32, #tpu.memory_space<vmem>>) dst(%dma_wait3A_206 : memref<32x128xf32, #tpu.memory_space<vmem_shared>>)
      tpu.yield
    }) : () -> ()
    %mul3A_75 = arith.constant 640 : i32
    %mul3A_76 = arith.muli %arg1, %mul3A_75 : i32
    %add3A_77 = arith.constant 480 : i32
    %add3A_78 = arith.addi %mul3A_76, %add3A_77 : i32
    "tpu.region"() ({
      %run_scoped3A = tpu.sem_alloc : memref<!tpu.dma_semaphore, #tpu.memory_space<semaphore_mem>>
      %dma_start3A_199 = arith.constant 0 : i32
      %dma_start3A_200 = tpu.memref_slice %arg10[%add3A_78, %dma_start3A_199] : memref<10240x128xf32, #tpu.memory_space<vmem_shared>> -> memref<32x128xf32, #tpu.memory_space<vmem_shared>>
      %dma_start3A_201 = arith.constant 0 : i32
      %dma_start3A_202 = tpu.memref_slice %arg10[%add3A_78, %dma_start3A_201] : memref<10240x128xf32, #tpu.memory_space<vmem_shared>> -> memref<32x128xf32, #tpu.memory_space<vmem_shared>>
      tpu.enqueue_dma source(%arg15 : memref<32x128xf32, #tpu.memory_space<vmem>>) target(%dma_start3A_202 : memref<32x128xf32, #tpu.memory_space<vmem_shared>>) target_semaphore(%run_scoped3A : memref<!tpu.dma_semaphore, #tpu.memory_space<semaphore_mem>>)
      %dma_wait3A_203 = arith.constant 0 : i32
      %dma_wait3A_204 = tpu.memref_slice %arg10[%add3A_78, %dma_wait3A_203] : memref<10240x128xf32, #tpu.memory_space<vmem_shared>> -> memref<32x128xf32, #tpu.memory_space<vmem_shared>>
      %dma_wait3A_205 = arith.constant 0 : i32
      %dma_wait3A_206 = tpu.memref_slice %arg10[%add3A_78, %dma_wait3A_205] : memref<10240x128xf32, #tpu.memory_space<vmem_shared>> -> memref<32x128xf32, #tpu.memory_space<vmem_shared>>
      tpu.wait_dma2 semaphore(%run_scoped3A : memref<!tpu.dma_semaphore, #tpu.memory_space<semaphore_mem>>) src(%arg15 : memref<32x128xf32, #tpu.memory_space<vmem>>) dst(%dma_wait3A_206 : memref<32x128xf32, #tpu.memory_space<vmem_shared>>)
      tpu.yield
    }) : () -> ()
    %mul3A_79 = arith.constant 640 : i32
    %mul3A_80 = arith.muli %arg1, %mul3A_79 : i32
    %add3A_81 = arith.constant 512 : i32
    %add3A_82 = arith.addi %mul3A_80, %add3A_81 : i32
    "tpu.region"() ({
      %run_scoped3A = tpu.sem_alloc : memref<!tpu.dma_semaphore, #tpu.memory_space<semaphore_mem>>
      %dma_start3A_199 = arith.constant 0 : i32
      %dma_start3A_200 = tpu.memref_slice %arg10[%add3A_82, %dma_start3A_199] : memref<10240x128xf32, #tpu.memory_space<vmem_shared>> -> memref<32x128xf32, #tpu.memory_space<vmem_shared>>
      %dma_start3A_201 = arith.constant 0 : i32
      %dma_start3A_202 = tpu.memref_slice %arg10[%add3A_82, %dma_start3A_201] : memref<10240x128xf32, #tpu.memory_space<vmem_shared>> -> memref<32x128xf32, #tpu.memory_space<vmem_shared>>
      tpu.enqueue_dma source(%arg15 : memref<32x128xf32, #tpu.memory_space<vmem>>) target(%dma_start3A_202 : memref<32x128xf32, #tpu.memory_space<vmem_shared>>) target_semaphore(%run_scoped3A : memref<!tpu.dma_semaphore, #tpu.memory_space<semaphore_mem>>)
      %dma_wait3A_203 = arith.constant 0 : i32
      %dma_wait3A_204 = tpu.memref_slice %arg10[%add3A_82, %dma_wait3A_203] : memref<10240x128xf32, #tpu.memory_space<vmem_shared>> -> memref<32x128xf32, #tpu.memory_space<vmem_shared>>
      %dma_wait3A_205 = arith.constant 0 : i32
      %dma_wait3A_206 = tpu.memref_slice %arg10[%add3A_82, %dma_wait3A_205] : memref<10240x128xf32, #tpu.memory_space<vmem_shared>> -> memref<32x128xf32, #tpu.memory_space<vmem_shared>>
      tpu.wait_dma2 semaphore(%run_scoped3A : memref<!tpu.dma_semaphore, #tpu.memory_space<semaphore_mem>>) src(%arg15 : memref<32x128xf32, #tpu.memory_space<vmem>>) dst(%dma_wait3A_206 : memref<32x128xf32, #tpu.memory_space<vmem_shared>>)
      tpu.yield
    }) : () -> ()
    %mul3A_83 = arith.constant 640 : i32
    %mul3A_84 = arith.muli %arg1, %mul3A_83 : i32
    %add3A_85 = arith.constant 544 : i32
    %add3A_86 = arith.addi %mul3A_84, %add3A_85 : i32
    "tpu.region"() ({
      %run_scoped3A = tpu.sem_alloc : memref<!tpu.dma_semaphore, #tpu.memory_space<semaphore_mem>>
      %dma_start3A_199 = arith.constant 0 : i32
      %dma_start3A_200 = tpu.memref_slice %arg10[%add3A_86, %dma_start3A_199] : memref<10240x128xf32, #tpu.memory_space<vmem_shared>> -> memref<32x128xf32, #tpu.memory_space<vmem_shared>>
      %dma_start3A_201 = arith.constant 0 : i32
      %dma_start3A_202 = tpu.memref_slice %arg10[%add3A_86, %dma_start3A_201] : memref<10240x128xf32, #tpu.memory_space<vmem_shared>> -> memref<32x128xf32, #tpu.memory_space<vmem_shared>>
      tpu.enqueue_dma source(%arg15 : memref<32x128xf32, #tpu.memory_space<vmem>>) target(%dma_start3A_202 : memref<32x128xf32, #tpu.memory_space<vmem_shared>>) target_semaphore(%run_scoped3A : memref<!tpu.dma_semaphore, #tpu.memory_space<semaphore_mem>>)
      %dma_wait3A_203 = arith.constant 0 : i32
      %dma_wait3A_204 = tpu.memref_slice %arg10[%add3A_86, %dma_wait3A_203] : memref<10240x128xf32, #tpu.memory_space<vmem_shared>> -> memref<32x128xf32, #tpu.memory_space<vmem_shared>>
      %dma_wait3A_205 = arith.constant 0 : i32
      %dma_wait3A_206 = tpu.memref_slice %arg10[%add3A_86, %dma_wait3A_205] : memref<10240x128xf32, #tpu.memory_space<vmem_shared>> -> memref<32x128xf32, #tpu.memory_space<vmem_shared>>
      tpu.wait_dma2 semaphore(%run_scoped3A : memref<!tpu.dma_semaphore, #tpu.memory_space<semaphore_mem>>) src(%arg15 : memref<32x128xf32, #tpu.memory_space<vmem>>) dst(%dma_wait3A_206 : memref<32x128xf32, #tpu.memory_space<vmem_shared>>)
      tpu.yield
    }) : () -> ()
    %mul3A_87 = arith.constant 640 : i32
    %mul3A_88 = arith.muli %arg1, %mul3A_87 : i32
    %add3A_89 = arith.constant 576 : i32
    %add3A_90 = arith.addi %mul3A_88, %add3A_89 : i32
    "tpu.region"() ({
      %run_scoped3A = tpu.sem_alloc : memref<!tpu.dma_semaphore, #tpu.memory_space<semaphore_mem>>
      %dma_start3A_199 = arith.constant 0 : i32
      %dma_start3A_200 = tpu.memref_slice %arg10[%add3A_90, %dma_start3A_199] : memref<10240x128xf32, #tpu.memory_space<vmem_shared>> -> memref<32x128xf32, #tpu.memory_space<vmem_shared>>
      %dma_start3A_201 = arith.constant 0 : i32
      %dma_start3A_202 = tpu.memref_slice %arg10[%add3A_90, %dma_start3A_201] : memref<10240x128xf32, #tpu.memory_space<vmem_shared>> -> memref<32x128xf32, #tpu.memory_space<vmem_shared>>
      tpu.enqueue_dma source(%arg15 : memref<32x128xf32, #tpu.memory_space<vmem>>) target(%dma_start3A_202 : memref<32x128xf32, #tpu.memory_space<vmem_shared>>) target_semaphore(%run_scoped3A : memref<!tpu.dma_semaphore, #tpu.memory_space<semaphore_mem>>)
      %dma_wait3A_203 = arith.constant 0 : i32
      %dma_wait3A_204 = tpu.memref_slice %arg10[%add3A_90, %dma_wait3A_203] : memref<10240x128xf32, #tpu.memory_space<vmem_shared>> -> memref<32x128xf32, #tpu.memory_space<vmem_shared>>
      %dma_wait3A_205 = arith.constant 0 : i32
      %dma_wait3A_206 = tpu.memref_slice %arg10[%add3A_90, %dma_wait3A_205] : memref<10240x128xf32, #tpu.memory_space<vmem_shared>> -> memref<32x128xf32, #tpu.memory_space<vmem_shared>>
      tpu.wait_dma2 semaphore(%run_scoped3A : memref<!tpu.dma_semaphore, #tpu.memory_space<semaphore_mem>>) src(%arg15 : memref<32x128xf32, #tpu.memory_space<vmem>>) dst(%dma_wait3A_206 : memref<32x128xf32, #tpu.memory_space<vmem_shared>>)
      tpu.yield
    }) : () -> ()
    %mul3A_91 = arith.constant 640 : i32
    %mul3A_92 = arith.muli %arg1, %mul3A_91 : i32
    %add3A_93 = arith.constant 608 : i32
    %add3A_94 = arith.addi %mul3A_92, %add3A_93 : i32
    "tpu.region"() ({
      %run_scoped3A = tpu.sem_alloc : memref<!tpu.dma_semaphore, #tpu.memory_space<semaphore_mem>>
      %dma_start3A_199 = arith.constant 0 : i32
      %dma_start3A_200 = tpu.memref_slice %arg10[%add3A_94, %dma_start3A_199] : memref<10240x128xf32, #tpu.memory_space<vmem_shared>> -> memref<32x128xf32, #tpu.memory_space<vmem_shared>>
      %dma_start3A_201 = arith.constant 0 : i32
      %dma_start3A_202 = tpu.memref_slice %arg10[%add3A_94, %dma_start3A_201] : memref<10240x128xf32, #tpu.memory_space<vmem_shared>> -> memref<32x128xf32, #tpu.memory_space<vmem_shared>>
      tpu.enqueue_dma source(%arg15 : memref<32x128xf32, #tpu.memory_space<vmem>>) target(%dma_start3A_202 : memref<32x128xf32, #tpu.memory_space<vmem_shared>>) target_semaphore(%run_scoped3A : memref<!tpu.dma_semaphore, #tpu.memory_space<semaphore_mem>>)
      %dma_wait3A_203 = arith.constant 0 : i32
      %dma_wait3A_204 = tpu.memref_slice %arg10[%add3A_94, %dma_wait3A_203] : memref<10240x128xf32, #tpu.memory_space<vmem_shared>> -> memref<32x128xf32, #tpu.memory_space<vmem_shared>>
      %dma_wait3A_205 = arith.constant 0 : i32
      %dma_wait3A_206 = tpu.memref_slice %arg10[%add3A_94, %dma_wait3A_205] : memref<10240x128xf32, #tpu.memory_space<vmem_shared>> -> memref<32x128xf32, #tpu.memory_space<vmem_shared>>
      tpu.wait_dma2 semaphore(%run_scoped3A : memref<!tpu.dma_semaphore, #tpu.memory_space<semaphore_mem>>) src(%arg15 : memref<32x128xf32, #tpu.memory_space<vmem>>) dst(%dma_wait3A_206 : memref<32x128xf32, #tpu.memory_space<vmem_shared>>)
      tpu.yield
    }) : () -> ()
    %mul3A_95 = arith.constant 640 : i32
    %mul3A_96 = arith.muli %arg1, %mul3A_95 : i32
    "tpu.region"() ({
      %run_scoped3A = tpu.sem_alloc : memref<!tpu.dma_semaphore, #tpu.memory_space<semaphore_mem>>
      %dma_start3A_199 = arith.constant 0 : i32
      %dma_start3A_200 = tpu.memref_slice %arg11[%mul3A_96, %dma_start3A_199] : memref<10240x16xf32, #tpu.memory_space<vmem_shared>> -> memref<512x16xf32, #tpu.memory_space<vmem_shared>>
      %dma_start3A_201 = arith.constant 0 : i32
      %dma_start3A_202 = tpu.memref_slice %arg11[%mul3A_96, %dma_start3A_201] : memref<10240x16xf32, #tpu.memory_space<vmem_shared>> -> memref<512x16xf32, #tpu.memory_space<vmem_shared>>
      tpu.enqueue_dma source(%arg18 : memref<512x16xf32, #tpu.memory_space<vmem>>) target(%dma_start3A_202 : memref<512x16xf32, #tpu.memory_space<vmem_shared>>) target_semaphore(%run_scoped3A : memref<!tpu.dma_semaphore, #tpu.memory_space<semaphore_mem>>)
      %dma_wait3A_203 = arith.constant 0 : i32
      %dma_wait3A_204 = tpu.memref_slice %arg11[%mul3A_96, %dma_wait3A_203] : memref<10240x16xf32, #tpu.memory_space<vmem_shared>> -> memref<512x16xf32, #tpu.memory_space<vmem_shared>>
      %dma_wait3A_205 = arith.constant 0 : i32
      %dma_wait3A_206 = tpu.memref_slice %arg11[%mul3A_96, %dma_wait3A_205] : memref<10240x16xf32, #tpu.memory_space<vmem_shared>> -> memref<512x16xf32, #tpu.memory_space<vmem_shared>>
      tpu.wait_dma2 semaphore(%run_scoped3A : memref<!tpu.dma_semaphore, #tpu.memory_space<semaphore_mem>>) src(%arg18 : memref<512x16xf32, #tpu.memory_space<vmem>>) dst(%dma_wait3A_206 : memref<512x16xf32, #tpu.memory_space<vmem_shared>>)
      tpu.yield
    }) : () -> ()
    %mul3A_97 = arith.constant 640 : i32
    %mul3A_98 = arith.muli %arg1, %mul3A_97 : i32
    %add3A_99 = arith.constant 512 : i32
    %add3A_100 = arith.addi %mul3A_98, %add3A_99 : i32
    "tpu.region"() ({
      %run_scoped3A = tpu.sem_alloc : memref<!tpu.dma_semaphore, #tpu.memory_space<semaphore_mem>>
      %dma_start3A_199 = arith.constant 0 : i32
      %dma_start3A_200 = arith.constant 0 : i32
      %dma_start3A_201 = tpu.memref_slice %arg18[%dma_start3A_199, %dma_start3A_200] : memref<512x16xf32, #tpu.memory_space<vmem>> -> memref<128x16xf32, #tpu.memory_space<vmem>>
      %dma_start3A_202 = arith.constant 0 : i32
      %dma_start3A_203 = tpu.memref_slice %arg11[%add3A_100, %dma_start3A_202] : memref<10240x16xf32, #tpu.memory_space<vmem_shared>> -> memref<128x16xf32, #tpu.memory_space<vmem_shared>>
      %dma_start3A_204 = arith.constant 0 : i32
      %dma_start3A_205 = tpu.memref_slice %arg11[%add3A_100, %dma_start3A_204] : memref<10240x16xf32, #tpu.memory_space<vmem_shared>> -> memref<128x16xf32, #tpu.memory_space<vmem_shared>>
      %dma_start3A_206 = arith.constant 0 : i32
      %dma_start3A_207 = arith.constant 0 : i32
      %dma_start3A_208 = tpu.memref_slice %arg18[%dma_start3A_206, %dma_start3A_207] : memref<512x16xf32, #tpu.memory_space<vmem>> -> memref<128x16xf32, #tpu.memory_space<vmem>>
      tpu.enqueue_dma source(%dma_start3A_208 : memref<128x16xf32, #tpu.memory_space<vmem>>) target(%dma_start3A_205 : memref<128x16xf32, #tpu.memory_space<vmem_shared>>) target_semaphore(%run_scoped3A : memref<!tpu.dma_semaphore, #tpu.memory_space<semaphore_mem>>)
      %dma_wait3A_209 = arith.constant 0 : i32
      %dma_wait3A_210 = arith.constant 0 : i32
      %dma_wait3A_211 = tpu.memref_slice %arg18[%dma_wait3A_209, %dma_wait3A_210] : memref<512x16xf32, #tpu.memory_space<vmem>> -> memref<128x16xf32, #tpu.memory_space<vmem>>
      %dma_wait3A_212 = arith.constant 0 : i32
      %dma_wait3A_213 = tpu.memref_slice %arg11[%add3A_100, %dma_wait3A_212] : memref<10240x16xf32, #tpu.memory_space<vmem_shared>> -> memref<128x16xf32, #tpu.memory_space<vmem_shared>>
      %dma_wait3A_214 = arith.constant 0 : i32
      %dma_wait3A_215 = tpu.memref_slice %arg11[%add3A_100, %dma_wait3A_214] : memref<10240x16xf32, #tpu.memory_space<vmem_shared>> -> memref<128x16xf32, #tpu.memory_space<vmem_shared>>
      %dma_wait3A_216 = arith.constant 0 : i32
      %dma_wait3A_217 = arith.constant 0 : i32
      %dma_wait3A_218 = tpu.memref_slice %arg18[%dma_wait3A_216, %dma_wait3A_217] : memref<512x16xf32, #tpu.memory_space<vmem>> -> memref<128x16xf32, #tpu.memory_space<vmem>>
      tpu.wait_dma2 semaphore(%run_scoped3A : memref<!tpu.dma_semaphore, #tpu.memory_space<semaphore_mem>>) src(%dma_wait3A_218 : memref<128x16xf32, #tpu.memory_space<vmem>>) dst(%dma_wait3A_215 : memref<128x16xf32, #tpu.memory_space<vmem_shared>>)
      tpu.yield
    }) : () -> ()
    %barrier3A = arith.constant 0 : index
    tpu.barrier barrier_id(%barrier3A)
    %iota3A = tpu.iota {dimensions = array<i32: 0>} : vector<16xi32>
    %mul3A_101 = arith.constant 320 : i32
    %mul3A_102 = arith.muli %add3A, %mul3A_101 : i32
    %add3A_103 = arith.constant 0 : i32
    %add3A_104 = arith.addi %mul3A_102, %add3A_103 : i32
    "tpu.region"() ({
      %run_scoped3A = tpu.sem_alloc : memref<!tpu.dma_semaphore, #tpu.memory_space<semaphore_mem>>
      %dma_start3A_199 = arith.constant 0 : i32
      %dma_start3A_200 = tpu.memref_slice %arg2[%add3A_104, %dma_start3A_199] : memref<10240x32xi32, #tpu.memory_space<hbm>> -> memref<16x32xi32, #tpu.memory_space<hbm>>
      %dma_start3A_201 = arith.constant 0 : i32
      %dma_start3A_202 = tpu.memref_slice %arg2[%add3A_104, %dma_start3A_201] : memref<10240x32xi32, #tpu.memory_space<hbm>> -> memref<16x32xi32, #tpu.memory_space<hbm>>
      tpu.enqueue_dma source(%dma_start3A_202 : memref<16x32xi32, #tpu.memory_space<hbm>>) target(%arg12 : memref<16x32xi32, #tpu.memory_space<vmem>>) target_semaphore(%run_scoped3A : memref<!tpu.dma_semaphore, #tpu.memory_space<semaphore_mem>>)
      %dma_wait3A_203 = arith.constant 0 : i32
      %dma_wait3A_204 = tpu.memref_slice %arg2[%add3A_104, %dma_wait3A_203] : memref<10240x32xi32, #tpu.memory_space<hbm>> -> memref<16x32xi32, #tpu.memory_space<hbm>>
      %dma_wait3A_205 = arith.constant 0 : i32
      %dma_wait3A_206 = tpu.memref_slice %arg2[%add3A_104, %dma_wait3A_205] : memref<10240x32xi32, #tpu.memory_space<hbm>> -> memref<16x32xi32, #tpu.memory_space<hbm>>
      tpu.wait_dma2 semaphore(%run_scoped3A : memref<!tpu.dma_semaphore, #tpu.memory_space<semaphore_mem>>) src(%dma_wait3A_206 : memref<16x32xi32, #tpu.memory_space<hbm>>) dst(%arg12 : memref<16x32xi32, #tpu.memory_space<vmem>>)
      tpu.yield
    }) : () -> ()
    %add3A_105 = arith.constant 0 : i32
    %add3A_106 = arith.addi %mul3A_102, %add3A_105 : i32
    "tpu.region"() ({
      %run_scoped3A = tpu.sem_alloc : memref<!tpu.dma_semaphore, #tpu.memory_space<semaphore_mem>>
      %dma_start3A_199 = arith.constant 0 : i32
      %dma_start3A_200 = tpu.memref_slice %arg3[%add3A_106, %dma_start3A_199] : memref<10240x32xi32, #tpu.memory_space<hbm>> -> memref<16x32xi32, #tpu.memory_space<hbm>>
      %dma_start3A_201 = arith.constant 0 : i32
      %dma_start3A_202 = tpu.memref_slice %arg3[%add3A_106, %dma_start3A_201] : memref<10240x32xi32, #tpu.memory_space<hbm>> -> memref<16x32xi32, #tpu.memory_space<hbm>>
      tpu.enqueue_dma source(%dma_start3A_202 : memref<16x32xi32, #tpu.memory_space<hbm>>) target(%arg13 : memref<16x32xi32, #tpu.memory_space<vmem>>) target_semaphore(%run_scoped3A : memref<!tpu.dma_semaphore, #tpu.memory_space<semaphore_mem>>)
      %dma_wait3A_203 = arith.constant 0 : i32
      %dma_wait3A_204 = tpu.memref_slice %arg3[%add3A_106, %dma_wait3A_203] : memref<10240x32xi32, #tpu.memory_space<hbm>> -> memref<16x32xi32, #tpu.memory_space<hbm>>
      %dma_wait3A_205 = arith.constant 0 : i32
      %dma_wait3A_206 = tpu.memref_slice %arg3[%add3A_106, %dma_wait3A_205] : memref<10240x32xi32, #tpu.memory_space<hbm>> -> memref<16x32xi32, #tpu.memory_space<hbm>>
      tpu.wait_dma2 semaphore(%run_scoped3A : memref<!tpu.dma_semaphore, #tpu.memory_space<semaphore_mem>>) src(%dma_wait3A_206 : memref<16x32xi32, #tpu.memory_space<hbm>>) dst(%arg13 : memref<16x32xi32, #tpu.memory_space<vmem>>)
      tpu.yield
    }) : () -> ()
    %add3A_107 = arith.constant 0 : i32
    %add3A_108 = arith.addi %mul3A_102, %add3A_107 : i32
    %mul3A_109 = arith.constant 32 : i32
    %mul3A_110 = arith.muli %add3A_108, %mul3A_109 : i32
    %jit3A = arith.constant 128 : i32
    %div3A = arith.divsi %mul3A_110, %jit3A : i32
    %sign3A = arith.constant 0 : i32
    %sign3A_111 = arith.cmpi sgt, %mul3A_110, %sign3A : i32
    %sign3A_112 = arith.extui %sign3A_111 : i1 to i32
    %sign3A_113 = arith.constant 0 : i32
    %sign3A_114 = arith.cmpi slt, %mul3A_110, %sign3A_113 : i32
    %sign3A_115 = arith.extui %sign3A_114 : i1 to i32
    %sign3A_116 = arith.subi %sign3A_112, %sign3A_115 : i32
    %sign3A_117 = arith.constant 0 : i32
    %sign3A_118 = arith.cmpi sgt, %jit3A, %sign3A_117 : i32
    %sign3A_119 = arith.extui %sign3A_118 : i1 to i32
    %sign3A_120 = arith.constant 0 : i32
    %sign3A_121 = arith.cmpi slt, %jit3A, %sign3A_120 : i32
    %sign3A_122 = arith.extui %sign3A_121 : i1 to i32
    %sign3A_123 = arith.subi %sign3A_119, %sign3A_122 : i32
    %ne3A = arith.cmpi ne, %sign3A_116, %sign3A_123 : i32
    %rem3A = arith.remsi %mul3A_110, %jit3A : i32
    %ne3A_124 = arith.constant 0 : i32
    %ne3A_125 = arith.cmpi ne, %rem3A, %ne3A_124 : i32
    %and3A = arith.andi %ne3A, %ne3A_125 : i1
    %sub3A = arith.constant 1 : i32
    %sub3A_126 = arith.subi %div3A, %sub3A : i32
    %select_n3A = arith.select %and3A, %sub3A_126, %div3A : i32
    "tpu.region"() ({
      %run_scoped3A = tpu.sem_alloc : memref<!tpu.dma_semaphore, #tpu.memory_space<semaphore_mem>>
      %dma_start3A_199 = arith.constant 0 : i32
      %dma_start3A_200 = tpu.memref_slice %arg4[%select_n3A, %dma_start3A_199] : memref<2560x128xi32, #tpu.memory_space<hbm>> -> memref<4x128xi32, #tpu.memory_space<hbm>>
      %dma_start3A_201 = arith.constant 0 : i32
      %dma_start3A_202 = tpu.memref_slice %arg4[%select_n3A, %dma_start3A_201] : memref<2560x128xi32, #tpu.memory_space<hbm>> -> memref<4x128xi32, #tpu.memory_space<hbm>>
      tpu.enqueue_dma source(%dma_start3A_202 : memref<4x128xi32, #tpu.memory_space<hbm>>) target(%arg14 : memref<4x128xi32, #tpu.memory_space<vmem>>) target_semaphore(%run_scoped3A : memref<!tpu.dma_semaphore, #tpu.memory_space<semaphore_mem>>)
      %dma_wait3A_203 = arith.constant 0 : i32
      %dma_wait3A_204 = tpu.memref_slice %arg4[%select_n3A, %dma_wait3A_203] : memref<2560x128xi32, #tpu.memory_space<hbm>> -> memref<4x128xi32, #tpu.memory_space<hbm>>
      %dma_wait3A_205 = arith.constant 0 : i32
      %dma_wait3A_206 = tpu.memref_slice %arg4[%select_n3A, %dma_wait3A_205] : memref<2560x128xi32, #tpu.memory_space<hbm>> -> memref<4x128xi32, #tpu.memory_space<hbm>>
      tpu.wait_dma2 semaphore(%run_scoped3A : memref<!tpu.dma_semaphore, #tpu.memory_space<semaphore_mem>>) src(%dma_wait3A_206 : memref<4x128xi32, #tpu.memory_space<hbm>>) dst(%arg14 : memref<4x128xi32, #tpu.memory_space<vmem>>)
      tpu.yield
    }) : () -> ()
    %dma_start3A = arith.constant 0 : i32
    %dma_start3A_127 = arith.constant 0 : i32
    %dma_start3A_128 = tpu.memref_slice %arg13[%dma_start3A, %dma_start3A_127] : memref<16x32xi32, #tpu.memory_space<vmem>> -> memref<1x32xi32, #tpu.memory_space<vmem>>
    %dma_start3A_129 = tpu.memref_squeeze %dma_start3A_128 : memref<1x32xi32, #tpu.memory_space<vmem>> -> memref<32xi32, #tpu.memory_space<vmem>>
    %dma_start3A_130 = arith.constant 0 : i32
    %dma_start3A_131 = arith.constant 0 : i32
    %dma_start3A_132 = tpu.memref_slice %arg5[%dma_start3A_130, %dma_start3A_131] : memref<10240x128xf32, #tpu.memory_space<hbm>> -> memref<10240x128xf32, #tpu.memory_space<hbm>>
    tpu.enqueue_indirect_dma source(%dma_start3A_132 : memref<10240x128xf32, #tpu.memory_space<hbm>>) target(%arg15 : memref<32x128xf32, #tpu.memory_space<vmem>>) offsets(%dma_start3A_129 : memref<32xi32, #tpu.memory_space<vmem>>) semaphore(%arg22 : memref<!tpu.dma_semaphore, #tpu.memory_space<semaphore_mem>>)
    %dma_start3A_133 = arith.constant 0 : i32
    %dma_start3A_134 = arith.constant 0 : i32
    %dma_start3A_135 = tpu.memref_slice %arg12[%dma_start3A_133, %dma_start3A_134] : memref<16x32xi32, #tpu.memory_space<vmem>> -> memref<1x32xi32, #tpu.memory_space<vmem>>
    %dma_start3A_136 = tpu.memref_squeeze %dma_start3A_135 : memref<1x32xi32, #tpu.memory_space<vmem>> -> memref<32xi32, #tpu.memory_space<vmem>>
    %dma_start3A_137 = arith.constant 0 : i32
    %dma_start3A_138 = arith.constant 0 : i32
    %dma_start3A_139 = tpu.memref_slice %arg6[%dma_start3A_137, %dma_start3A_138] : memref<10240x128xf32, #tpu.memory_space<hbm>> -> memref<10240x128xf32, #tpu.memory_space<hbm>>
    tpu.enqueue_indirect_dma source(%dma_start3A_139 : memref<10240x128xf32, #tpu.memory_space<hbm>>) target(%arg16 : memref<32x128xf32, #tpu.memory_space<vmem>>) offsets(%dma_start3A_136 : memref<32xi32, #tpu.memory_space<vmem>>) semaphore(%arg22 : memref<!tpu.dma_semaphore, #tpu.memory_space<semaphore_mem>>)
    %dma_start3A_140 = arith.constant 0 : i32
    %dma_start3A_141 = arith.constant 0 : i32
    %dma_start3A_142 = tpu.memref_slice %arg12[%dma_start3A_140, %dma_start3A_141] : memref<16x32xi32, #tpu.memory_space<vmem>> -> memref<1x32xi32, #tpu.memory_space<vmem>>
    %dma_start3A_143 = tpu.memref_squeeze %dma_start3A_142 : memref<1x32xi32, #tpu.memory_space<vmem>> -> memref<32xi32, #tpu.memory_space<vmem>>
    %dma_start3A_144 = arith.constant 0 : i32
    %dma_start3A_145 = arith.constant 0 : i32
    %dma_start3A_146 = tpu.memref_slice %arg7[%dma_start3A_144, %dma_start3A_145] : memref<10240x128xf32, #tpu.memory_space<hbm>> -> memref<10240x128xf32, #tpu.memory_space<hbm>>
    tpu.enqueue_indirect_dma source(%dma_start3A_146 : memref<10240x128xf32, #tpu.memory_space<hbm>>) target(%arg17 : memref<32x128xf32, #tpu.memory_space<vmem>>) offsets(%dma_start3A_143 : memref<32xi32, #tpu.memory_space<vmem>>) semaphore(%arg22 : memref<!tpu.dma_semaphore, #tpu.memory_space<semaphore_mem>>)
    %scan3A_147 = arith.constant 0 : i32
    %scan3A_148 = arith.constant 0 : i32
    %scan3A_149 = arith.constant 20 : i32
    %scan3A_150 = arith.addi %scan3A_148, %scan3A_149 : i32
    %scan3A_151 = arith.constant 1 : i32
    %scan3A_152 = scf.for %scan3A_199 = %scan3A_148 to %scan3A_150 step %scan3A_151 iter_args(%scan3A_200 = %scan3A_147) -> (i32)  : i32 {
      %scan3A_201 = arith.constant 0 : i32
      %scan3A_202 = arith.constant 0 : i32
      %scan3A_203 = arith.constant 7 : i32
      %scan3A_204 = arith.addi %scan3A_202, %scan3A_203 : i32
      %scan3A_205 = arith.constant 1 : i32
      %scan3A_206 = scf.for %scan3A_350 = %scan3A_202 to %scan3A_204 step %scan3A_205 iter_args(%scan3A_351 = %scan3A_201) -> (i32)  : i32 {
        %mul3A_352 = arith.constant 2 : i32
        %mul3A_353 = arith.muli %scan3A_350, %mul3A_352 : i32
        %dma_wait3A_354 = arith.constant 0 : i32
        %dma_wait3A_355 = tpu.memref_slice %arg13[%mul3A_353, %dma_wait3A_354] : memref<16x32xi32, #tpu.memory_space<vmem>> -> memref<1x32xi32, #tpu.memory_space<vmem>>
        %dma_wait3A_356 = tpu.memref_squeeze %dma_wait3A_355 : memref<1x32xi32, #tpu.memory_space<vmem>> -> memref<32xi32, #tpu.memory_space<vmem>>
        %dma_wait3A_357 = arith.constant 0 : i32
        %dma_wait3A_358 = arith.constant 0 : i32
        %dma_wait3A_359 = tpu.memref_slice %arg5[%dma_wait3A_357, %dma_wait3A_358] : memref<10240x128xf32, #tpu.memory_space<hbm>> -> memref<10240x128xf32, #tpu.memory_space<hbm>>
        tpu.wait_indirect_dma semaphore(%arg22 : memref<!tpu.dma_semaphore, #tpu.memory_space<semaphore_mem>>) src(%dma_wait3A_359 : memref<10240x128xf32, #tpu.memory_space<hbm>>) dst(%arg15 : memref<32x128xf32, #tpu.memory_space<vmem>>)
        %dma_wait3A_360 = arith.constant 0 : i32
        %dma_wait3A_361 = tpu.memref_slice %arg12[%mul3A_353, %dma_wait3A_360] : memref<16x32xi32, #tpu.memory_space<vmem>> -> memref<1x32xi32, #tpu.memory_space<vmem>>
        %dma_wait3A_362 = tpu.memref_squeeze %dma_wait3A_361 : memref<1x32xi32, #tpu.memory_space<vmem>> -> memref<32xi32, #tpu.memory_space<vmem>>
        %dma_wait3A_363 = arith.constant 0 : i32
        %dma_wait3A_364 = arith.constant 0 : i32
        %dma_wait3A_365 = tpu.memref_slice %arg6[%dma_wait3A_363, %dma_wait3A_364] : memref<10240x128xf32, #tpu.memory_space<hbm>> -> memref<10240x128xf32, #tpu.memory_space<hbm>>
        tpu.wait_indirect_dma semaphore(%arg22 : memref<!tpu.dma_semaphore, #tpu.memory_space<semaphore_mem>>) src(%dma_wait3A_365 : memref<10240x128xf32, #tpu.memory_space<hbm>>) dst(%arg16 : memref<32x128xf32, #tpu.memory_space<vmem>>)
        %dma_wait3A_366 = arith.constant 0 : i32
        %dma_wait3A_367 = tpu.memref_slice %arg12[%mul3A_353, %dma_wait3A_366] : memref<16x32xi32, #tpu.memory_space<vmem>> -> memref<1x32xi32, #tpu.memory_space<vmem>>
        %dma_wait3A_368 = tpu.memref_squeeze %dma_wait3A_367 : memref<1x32xi32, #tpu.memory_space<vmem>> -> memref<32xi32, #tpu.memory_space<vmem>>
        %dma_wait3A_369 = arith.constant 0 : i32
        %dma_wait3A_370 = arith.constant 0 : i32
        %dma_wait3A_371 = tpu.memref_slice %arg7[%dma_wait3A_369, %dma_wait3A_370] : memref<10240x128xf32, #tpu.memory_space<hbm>> -> memref<10240x128xf32, #tpu.memory_space<hbm>>
        tpu.wait_indirect_dma semaphore(%arg22 : memref<!tpu.dma_semaphore, #tpu.memory_space<semaphore_mem>>) src(%dma_wait3A_371 : memref<10240x128xf32, #tpu.memory_space<hbm>>) dst(%arg17 : memref<32x128xf32, #tpu.memory_space<vmem>>)
        %add3A_372 = arith.constant 1 : i32
        %add3A_373 = arith.addi %mul3A_353, %add3A_372 : i32
        %dma_start3A_374 = arith.constant 0 : i32
        %dma_start3A_375 = tpu.memref_slice %arg13[%add3A_373, %dma_start3A_374] : memref<16x32xi32, #tpu.memory_space<vmem>> -> memref<1x32xi32, #tpu.memory_space<vmem>>
        %dma_start3A_376 = tpu.memref_squeeze %dma_start3A_375 : memref<1x32xi32, #tpu.memory_space<vmem>> -> memref<32xi32, #tpu.memory_space<vmem>>
        %dma_start3A_377 = arith.constant 0 : i32
        %dma_start3A_378 = arith.constant 0 : i32
        %dma_start3A_379 = tpu.memref_slice %arg5[%dma_start3A_377, %dma_start3A_378] : memref<10240x128xf32, #tpu.memory_space<hbm>> -> memref<10240x128xf32, #tpu.memory_space<hbm>>
        tpu.enqueue_indirect_dma source(%dma_start3A_379 : memref<10240x128xf32, #tpu.memory_space<hbm>>) target(%arg19 : memref<32x128xf32, #tpu.memory_space<vmem>>) offsets(%dma_start3A_376 : memref<32xi32, #tpu.memory_space<vmem>>) semaphore(%arg23 : memref<!tpu.dma_semaphore, #tpu.memory_space<semaphore_mem>>)
        %dma_start3A_380 = arith.constant 0 : i32
        %dma_start3A_381 = tpu.memref_slice %arg12[%add3A_373, %dma_start3A_380] : memref<16x32xi32, #tpu.memory_space<vmem>> -> memref<1x32xi32, #tpu.memory_space<vmem>>
        %dma_start3A_382 = tpu.memref_squeeze %dma_start3A_381 : memref<1x32xi32, #tpu.memory_space<vmem>> -> memref<32xi32, #tpu.memory_space<vmem>>
        %dma_start3A_383 = arith.constant 0 : i32
        %dma_start3A_384 = arith.constant 0 : i32
        %dma_start3A_385 = tpu.memref_slice %arg6[%dma_start3A_383, %dma_start3A_384] : memref<10240x128xf32, #tpu.memory_space<hbm>> -> memref<10240x128xf32, #tpu.memory_space<hbm>>
        tpu.enqueue_indirect_dma source(%dma_start3A_385 : memref<10240x128xf32, #tpu.memory_space<hbm>>) target(%arg20 : memref<32x128xf32, #tpu.memory_space<vmem>>) offsets(%dma_start3A_382 : memref<32xi32, #tpu.memory_space<vmem>>) semaphore(%arg23 : memref<!tpu.dma_semaphore, #tpu.memory_space<semaphore_mem>>)
        %dma_start3A_386 = arith.constant 0 : i32
        %dma_start3A_387 = tpu.memref_slice %arg12[%add3A_373, %dma_start3A_386] : memref<16x32xi32, #tpu.memory_space<vmem>> -> memref<1x32xi32, #tpu.memory_space<vmem>>
        %dma_start3A_388 = tpu.memref_squeeze %dma_start3A_387 : memref<1x32xi32, #tpu.memory_space<vmem>> -> memref<32xi32, #tpu.memory_space<vmem>>
        %dma_start3A_389 = arith.constant 0 : i32
        %dma_start3A_390 = arith.constant 0 : i32
        %dma_start3A_391 = tpu.memref_slice %arg7[%dma_start3A_389, %dma_start3A_390] : memref<10240x128xf32, #tpu.memory_space<hbm>> -> memref<10240x128xf32, #tpu.memory_space<hbm>>
        tpu.enqueue_indirect_dma source(%dma_start3A_391 : memref<10240x128xf32, #tpu.memory_space<hbm>>) target(%arg21 : memref<32x128xf32, #tpu.memory_space<vmem>>) offsets(%dma_start3A_388 : memref<32xi32, #tpu.memory_space<vmem>>) semaphore(%arg23 : memref<!tpu.dma_semaphore, #tpu.memory_space<semaphore_mem>>)
        %mul3A_392 = arith.constant 32 : i32
        %mul3A_393 = arith.muli %mul3A_353, %mul3A_392 : i32
        %scan3A_394 = arith.constant 0 : i32
        %scan3A_395 = arith.constant 0 : i32
        %scan3A_396 = arith.constant 32 : i32
        %scan3A_397 = arith.addi %scan3A_395, %scan3A_396 : i32
        %scan3A_398 = arith.constant 1 : i32
        %scan3A_399 = scf.for %scan3A_461 = %scan3A_395 to %scan3A_397 step %scan3A_398 iter_args(%scan3A_462 = %scan3A_394) -> (i32)  : i32 {
          %get3A = arith.index_cast %scan3A_461 : i32 to index
          %get3A_463 = arith.constant 0 : index
          %get3A_464 = tpu.vector_load %arg15[%get3A, %get3A_463] {strides = array<i32>} : memref<32x128xf32, #tpu.memory_space<vmem>>, vector<16xf32>,
          %get3A_465 = arith.index_cast %scan3A_461 : i32 to index
          %get3A_466 = arith.constant 0 : index
          %get3A_467 = tpu.vector_load %arg16[%get3A_465, %get3A_466] {strides = array<i32>} : memref<32x128xf32, #tpu.memory_space<vmem>>, vector<16xf32>,
          %mul3A_468 = arith.mulf %get3A_464, %get3A_467 : vector<16xf32>
          %get3A_469 = arith.index_cast %scan3A_461 : i32 to index
          %get3A_470 = arith.constant 16 : index
          %get3A_471 = tpu.vector_load %arg15[%get3A_469, %get3A_470] {strides = array<i32>} : memref<32x128xf32, #tpu.memory_space<vmem>>, vector<16xf32>,
          %get3A_472 = arith.index_cast %scan3A_461 : i32 to index
          %get3A_473 = arith.constant 16 : index
          %get3A_474 = tpu.vector_load %arg16[%get3A_472, %get3A_473] {strides = array<i32>} : memref<32x128xf32, #tpu.memory_space<vmem>>, vector<16xf32>,
          %mul3A_475 = arith.mulf %get3A_471, %get3A_474 : vector<16xf32>
          %add3A_476 = arith.addf %mul3A_468, %mul3A_475 : vector<16xf32>
          %reduce_sum3A = arith.constant true
          %reduce_sum3A_477 = vector.broadcast %reduce_sum3A : i1 to vector<16xi1>
          %reduce_sum3A_478 = tpu.scan <sum>, %add3A_476 masked %reduce_sum3A_477 : vector<16xf32>, vector<16xi1> -> vector<16xf32>
          %reduce_sum3A_479 = vector.extract %reduce_sum3A_478[15] : f32 from vector<16xf32>
          %broadcast_in_dim3A_480 = vector.broadcast %reduce_sum3A_479 : f32 to vector<16xf32>
          %exp3A = math.exp %broadcast_in_dim3A_480 : vector<16xf32>
          %get3A_481 = arith.index_cast %scan3A_461 : i32 to index
          %get3A_482 = arith.constant 32 : index
          %get3A_483 = tpu.vector_load %arg15[%get3A_481, %get3A_482] {strides = array<i32>} : memref<32x128xf32, #tpu.memory_space<vmem>>, vector<16xf32>,
          %get3A_484 = arith.index_cast %scan3A_461 : i32 to index
          %get3A_485 = arith.constant 32 : index
          %get3A_486 = tpu.vector_load %arg16[%get3A_484, %get3A_485] {strides = array<i32>} : memref<32x128xf32, #tpu.memory_space<vmem>>, vector<16xf32>,
          %mul3A_487 = arith.mulf %get3A_483, %get3A_486 : vector<16xf32>
          %get3A_488 = arith.index_cast %scan3A_461 : i32 to index
          %get3A_489 = arith.constant 48 : index
          %get3A_490 = tpu.vector_load %arg15[%get3A_488, %get3A_489] {strides = array<i32>} : memref<32x128xf32, #tpu.memory_space<vmem>>, vector<16xf32>,
          %get3A_491 = arith.index_cast %scan3A_461 : i32 to index
          %get3A_492 = arith.constant 48 : index
          %get3A_493 = tpu.vector_load %arg16[%get3A_491, %get3A_492] {strides = array<i32>} : memref<32x128xf32, #tpu.memory_space<vmem>>, vector<16xf32>,
          %mul3A_494 = arith.mulf %get3A_490, %get3A_493 : vector<16xf32>
          %add3A_495 = arith.addf %mul3A_487, %mul3A_494 : vector<16xf32>
          %reduce_sum3A_496 = arith.constant true
          %reduce_sum3A_497 = vector.broadcast %reduce_sum3A_496 : i1 to vector<16xi1>
          %reduce_sum3A_498 = tpu.scan <sum>, %add3A_495 masked %reduce_sum3A_497 : vector<16xf32>, vector<16xi1> -> vector<16xf32>
          %reduce_sum3A_499 = vector.extract %reduce_sum3A_498[15] : f32 from vector<16xf32>
          %broadcast_in_dim3A_500 = vector.broadcast %reduce_sum3A_499 : f32 to vector<16xf32>
          %exp3A_501 = math.exp %broadcast_in_dim3A_500 : vector<16xf32>
          %get3A_502 = arith.index_cast %scan3A_461 : i32 to index
          %get3A_503 = arith.constant 64 : index
          %get3A_504 = tpu.vector_load %arg15[%get3A_502, %get3A_503] {strides = array<i32>} : memref<32x128xf32, #tpu.memory_space<vmem>>, vector<16xf32>,
          %get3A_505 = arith.index_cast %scan3A_461 : i32 to index
          %get3A_506 = arith.constant 64 : index
          %get3A_507 = tpu.vector_load %arg16[%get3A_505, %get3A_506] {strides = array<i32>} : memref<32x128xf32, #tpu.memory_space<vmem>>, vector<16xf32>,
          %mul3A_508 = arith.mulf %get3A_504, %get3A_507 : vector<16xf32>
          %get3A_509 = arith.index_cast %scan3A_461 : i32 to index
          %get3A_510 = arith.constant 80 : index
          %get3A_511 = tpu.vector_load %arg15[%get3A_509, %get3A_510] {strides = array<i32>} : memref<32x128xf32, #tpu.memory_space<vmem>>, vector<16xf32>,
          %get3A_512 = arith.index_cast %scan3A_461 : i32 to index
          %get3A_513 = arith.constant 80 : index
          %get3A_514 = tpu.vector_load %arg16[%get3A_512, %get3A_513] {strides = array<i32>} : memref<32x128xf32, #tpu.memory_space<vmem>>, vector<16xf32>,
          %mul3A_515 = arith.mulf %get3A_511, %get3A_514 : vector<16xf32>
          %add3A_516 = arith.addf %mul3A_508, %mul3A_515 : vector<16xf32>
          %reduce_sum3A_517 = arith.constant true
          %reduce_sum3A_518 = vector.broadcast %reduce_sum3A_517 : i1 to vector<16xi1>
          %reduce_sum3A_519 = tpu.scan <sum>, %add3A_516 masked %reduce_sum3A_518 : vector<16xf32>, vector<16xi1> -> vector<16xf32>
          %reduce_sum3A_520 = vector.extract %reduce_sum3A_519[15] : f32 from vector<16xf32>
          %broadcast_in_dim3A_521 = vector.broadcast %reduce_sum3A_520 : f32 to vector<16xf32>
          %exp3A_522 = math.exp %broadcast_in_dim3A_521 : vector<16xf32>
          %get3A_523 = arith.index_cast %scan3A_461 : i32 to index
          %get3A_524 = arith.constant 96 : index
          %get3A_525 = tpu.vector_load %arg15[%get3A_523, %get3A_524] {strides = array<i32>} : memref<32x128xf32, #tpu.memory_space<vmem>>, vector<16xf32>,
          %get3A_526 = arith.index_cast %scan3A_461 : i32 to index
          %get3A_527 = arith.constant 96 : index
          %get3A_528 = tpu.vector_load %arg16[%get3A_526, %get3A_527] {strides = array<i32>} : memref<32x128xf32, #tpu.memory_space<vmem>>, vector<16xf32>,
          %mul3A_529 = arith.mulf %get3A_525, %get3A_528 : vector<16xf32>
          %get3A_530 = arith.index_cast %scan3A_461 : i32 to index
          %get3A_531 = arith.constant 112 : index
          %get3A_532 = tpu.vector_load %arg15[%get3A_530, %get3A_531] {strides = array<i32>} : memref<32x128xf32, #tpu.memory_space<vmem>>, vector<16xf32>,
          %get3A_533 = arith.index_cast %scan3A_461 : i32 to index
          %get3A_534 = arith.constant 112 : index
          %get3A_535 = tpu.vector_load %arg16[%get3A_533, %get3A_534] {strides = array<i32>} : memref<32x128xf32, #tpu.memory_space<vmem>>, vector<16xf32>,
          %mul3A_536 = arith.mulf %get3A_532, %get3A_535 : vector<16xf32>
          %add3A_537 = arith.addf %mul3A_529, %mul3A_536 : vector<16xf32>
          %reduce_sum3A_538 = arith.constant true
          %reduce_sum3A_539 = vector.broadcast %reduce_sum3A_538 : i1 to vector<16xi1>
          %reduce_sum3A_540 = tpu.scan <sum>, %add3A_537 masked %reduce_sum3A_539 : vector<16xf32>, vector<16xi1> -> vector<16xf32>
          %reduce_sum3A_541 = vector.extract %reduce_sum3A_540[15] : f32 from vector<16xf32>
          %broadcast_in_dim3A_542 = vector.broadcast %reduce_sum3A_541 : f32 to vector<16xf32>
          %exp3A_543 = math.exp %broadcast_in_dim3A_542 : vector<16xf32>
          %broadcast_in_dim3A_544 = arith.constant 0.000000e+00 : f32
          %broadcast_in_dim3A_545 = vector.broadcast %broadcast_in_dim3A_544 : f32 to vector<16xf32>
          %eq3A = arith.constant 0 : i32
          %eq3A_546 = vector.broadcast %eq3A : i32 to vector<16xi32>
          %eq3A_547 = arith.cmpi eq, %iota3A, %eq3A_546 : vector<16xi32>
          %select_n3A_548 = arith.select %eq3A_547, %exp3A, %broadcast_in_dim3A_545 : vector<16xi1>, vector<16xf32>
          %eq3A_549 = arith.constant 1 : i32
          %eq3A_550 = vector.broadcast %eq3A_549 : i32 to vector<16xi32>
          %eq3A_551 = arith.cmpi eq, %iota3A, %eq3A_550 : vector<16xi32>
          %select_n3A_552 = arith.select %eq3A_551, %exp3A_501, %select_n3A_548 : vector<16xi1>, vector<16xf32>
          %eq3A_553 = arith.constant 2 : i32
          %eq3A_554 = vector.broadcast %eq3A_553 : i32 to vector<16xi32>
          %eq3A_555 = arith.cmpi eq, %iota3A, %eq3A_554 : vector<16xi32>
          %select_n3A_556 = arith.select %eq3A_555, %exp3A_522, %select_n3A_552 : vector<16xi1>, vector<16xf32>
          %eq3A_557 = arith.constant 3 : i32
          %eq3A_558 = vector.broadcast %eq3A_557 : i32 to vector<16xi32>
          %eq3A_559 = arith.cmpi eq, %iota3A, %eq3A_558 : vector<16xi32>
          %select_n3A_560 = arith.select %eq3A_559, %exp3A_543, %select_n3A_556 : vector<16xi1>, vector<16xf32>
          %add3A_561 = arith.addi %mul3A_393, %scan3A_461 : i32
          %swap3A = arith.index_cast %add3A_561 : i32 to index
          %swap3A_562 = arith.constant 0 : index
          %swap3A_563 = tpu.vector_load %arg18[%swap3A, %swap3A_562] {strides = array<i32>} : memref<512x16xf32, #tpu.memory_space<vmem>>, vector<16xf32>,
          tpu.vector_store %arg18[%swap3A, %swap3A_562], %select_n3A_560 {strides = array<i32>} : memref<512x16xf32, #tpu.memory_space<vmem>>, vector<16xf32>,
          %get3A_564 = arith.index_cast %scan3A_461 : i32 to index
          %get3A_565 = arith.constant 0 : index
          %get3A_566 = tpu.vector_load %arg17[%get3A_564, %get3A_565] {strides = array<i32>} : memref<32x128xf32, #tpu.memory_space<vmem>>, vector<16xf32>,
          %mul3A_567 = arith.mulf %get3A_566, %exp3A : vector<16xf32>
          %swap3A_568 = arith.index_cast %scan3A_461 : i32 to index
          %swap3A_569 = arith.constant 0 : index
          %swap3A_570 = tpu.vector_load %arg17[%swap3A_568, %swap3A_569] {strides = array<i32>} : memref<32x128xf32, #tpu.memory_space<vmem>>, vector<16xf32>,
          tpu.vector_store %arg17[%swap3A_568, %swap3A_569], %mul3A_567 {strides = array<i32>} : memref<32x128xf32, #tpu.memory_space<vmem>>, vector<16xf32>,
          %get3A_571 = arith.index_cast %scan3A_461 : i32 to index
          %get3A_572 = arith.constant 16 : index
          %get3A_573 = tpu.vector_load %arg17[%get3A_571, %get3A_572] {strides = array<i32>} : memref<32x128xf32, #tpu.memory_space<vmem>>, vector<16xf32>,
          %mul3A_574 = arith.mulf %get3A_573, %exp3A : vector<16xf32>
          %swap3A_575 = arith.index_cast %scan3A_461 : i32 to index
          %swap3A_576 = arith.constant 16 : index
          %swap3A_577 = tpu.vector_load %arg17[%swap3A_575, %swap3A_576] {strides = array<i32>} : memref<32x128xf32, #tpu.memory_space<vmem>>, vector<16xf32>,
          tpu.vector_store %arg17[%swap3A_575, %swap3A_576], %mul3A_574 {strides = array<i32>} : memref<32x128xf32, #tpu.memory_space<vmem>>, vector<16xf32>,
          %get3A_578 = arith.index_cast %scan3A_461 : i32 to index
          %get3A_579 = arith.constant 32 : index
          %get3A_580 = tpu.vector_load %arg17[%get3A_578, %get3A_579] {strides = array<i32>} : memref<32x128xf32, #tpu.memory_space<vmem>>, vector<16xf32>,
          %mul3A_581 = arith.mulf %get3A_580, %exp3A_501 : vector<16xf32>
          %swap3A_582 = arith.index_cast %scan3A_461 : i32 to index
          %swap3A_583 = arith.constant 32 : index
          %swap3A_584 = tpu.vector_load %arg17[%swap3A_582, %swap3A_583] {strides = array<i32>} : memref<32x128xf32, #tpu.memory_space<vmem>>, vector<16xf32>,
          tpu.vector_store %arg17[%swap3A_582, %swap3A_583], %mul3A_581 {strides = array<i32>} : memref<32x128xf32, #tpu.memory_space<vmem>>, vector<16xf32>,
          %get3A_585 = arith.index_cast %scan3A_461 : i32 to index
          %get3A_586 = arith.constant 48 : index
          %get3A_587 = tpu.vector_load %arg17[%get3A_585, %get3A_586] {strides = array<i32>} : memref<32x128xf32, #tpu.memory_space<vmem>>, vector<16xf32>,
          %mul3A_588 = arith.mulf %get3A_587, %exp3A_501 : vector<16xf32>
          %swap3A_589 = arith.index_cast %scan3A_461 : i32 to index
          %swap3A_590 = arith.constant 48 : index
          %swap3A_591 = tpu.vector_load %arg17[%swap3A_589, %swap3A_590] {strides = array<i32>} : memref<32x128xf32, #tpu.memory_space<vmem>>, vector<16xf32>,
          tpu.vector_store %arg17[%swap3A_589, %swap3A_590], %mul3A_588 {strides = array<i32>} : memref<32x128xf32, #tpu.memory_space<vmem>>, vector<16xf32>,
          %get3A_592 = arith.index_cast %scan3A_461 : i32 to index
          %get3A_593 = arith.constant 64 : index
          %get3A_594 = tpu.vector_load %arg17[%get3A_592, %get3A_593] {strides = array<i32>} : memref<32x128xf32, #tpu.memory_space<vmem>>, vector<16xf32>,
          %mul3A_595 = arith.mulf %get3A_594, %exp3A_522 : vector<16xf32>
          %swap3A_596 = arith.index_cast %scan3A_461 : i32 to index
          %swap3A_597 = arith.constant 64 : index
          %swap3A_598 = tpu.vector_load %arg17[%swap3A_596, %swap3A_597] {strides = array<i32>} : memref<32x128xf32, #tpu.memory_space<vmem>>, vector<16xf32>,
          tpu.vector_store %arg17[%swap3A_596, %swap3A_597], %mul3A_595 {strides = array<i32>} : memref<32x128xf32, #tpu.memory_space<vmem>>, vector<16xf32>,
          %get3A_599 = arith.index_cast %scan3A_461 : i32 to index
          %get3A_600 = arith.constant 80 : index
          %get3A_601 = tpu.vector_load %arg17[%get3A_599, %get3A_600] {strides = array<i32>} : memref<32x128xf32, #tpu.memory_space<vmem>>, vector<16xf32>,
          %mul3A_602 = arith.mulf %get3A_601, %exp3A_522 : vector<16xf32>
          %swap3A_603 = arith.index_cast %scan3A_461 : i32 to index
          %swap3A_604 = arith.constant 80 : index
          %swap3A_605 = tpu.vector_load %arg17[%swap3A_603, %swap3A_604] {strides = array<i32>} : memref<32x128xf32, #tpu.memory_space<vmem>>, vector<16xf32>,
          tpu.vector_store %arg17[%swap3A_603, %swap3A_604], %mul3A_602 {strides = array<i32>} : memref<32x128xf32, #tpu.memory_space<vmem>>, vector<16xf32>,
          %get3A_606 = arith.index_cast %scan3A_461 : i32 to index
          %get3A_607 = arith.constant 96 : index
          %get3A_608 = tpu.vector_load %arg17[%get3A_606, %get3A_607] {strides = array<i32>} : memref<32x128xf32, #tpu.memory_space<vmem>>, vector<16xf32>,
          %mul3A_609 = arith.mulf %get3A_608, %exp3A_543 : vector<16xf32>
          %swap3A_610 = arith.index_cast %scan3A_461 : i32 to index
          %swap3A_611 = arith.constant 96 : index
          %swap3A_612 = tpu.vector_load %arg17[%swap3A_610, %swap3A_611] {strides = array<i32>} : memref<32x128xf32, #tpu.memory_space<vmem>>, vector<16xf32>,
          tpu.vector_store %arg17[%swap3A_610, %swap3A_611], %mul3A_609 {strides = array<i32>} : memref<32x128xf32, #tpu.memory_space<vmem>>, vector<16xf32>,
          %get3A_613 = arith.index_cast %scan3A_461 : i32 to index
          %get3A_614 = arith.constant 112 : index
          %get3A_615 = tpu.vector_load %arg17[%get3A_613, %get3A_614] {strides = array<i32>} : memref<32x128xf32, #tpu.memory_space<vmem>>, vector<16xf32>,
          %mul3A_616 = arith.mulf %get3A_615, %exp3A_543 : vector<16xf32>
          %swap3A_617 = arith.index_cast %scan3A_461 : i32 to index
          %swap3A_618 = arith.constant 112 : index
          %swap3A_619 = tpu.vector_load %arg17[%swap3A_617, %swap3A_618] {strides = array<i32>} : memref<32x128xf32, #tpu.memory_space<vmem>>, vector<16xf32>,
          tpu.vector_store %arg17[%swap3A_617, %swap3A_618], %mul3A_616 {strides = array<i32>} : memref<32x128xf32, #tpu.memory_space<vmem>>, vector<16xf32>,
          %scan3A_620 = arith.constant 0 : i32
          scf.yield %scan3A_620 : i32
        }
        %scan3A_400 = arith.constant 32 : i32
        "tpu.region"() ({
          %run_scoped3A_461 = tpu.sem_alloc : memref<!tpu.dma_semaphore, #tpu.memory_space<semaphore_mem>>
          %dma_start3A_462 = arith.constant 0 : i32
          %dma_start3A_463 = tpu.memref_slice %arg13[%mul3A_353, %dma_start3A_462] : memref<16x32xi32, #tpu.memory_space<vmem>> -> memref<1x32xi32, #tpu.memory_space<vmem>>
          %dma_start3A_464 = tpu.memref_squeeze %dma_start3A_463 : memref<1x32xi32, #tpu.memory_space<vmem>> -> memref<32xi32, #tpu.memory_space<vmem>>
          %dma_start3A_465 = arith.constant 0 : i32
          %dma_start3A_466 = arith.constant 0 : i32
          %dma_start3A_467 = tpu.memref_slice %arg10[%dma_start3A_465, %dma_start3A_466] : memref<10240x128xf32, #tpu.memory_space<vmem_shared>> -> memref<10240x128xf32, #tpu.memory_space<vmem_shared>>
          tpu.enqueue_indirect_dma source(%arg17 : memref<32x128xf32, #tpu.memory_space<vmem>>) target(%dma_start3A_467 : memref<10240x128xf32, #tpu.memory_space<vmem_shared>>) offsets(%dma_start3A_464 : memref<32xi32, #tpu.memory_space<vmem>>) semaphore(%run_scoped3A_461 : memref<!tpu.dma_semaphore, #tpu.memory_space<semaphore_mem>>) {add = true}
          %dma_wait3A_468 = arith.constant 0 : i32
          %dma_wait3A_469 = tpu.memref_slice %arg13[%mul3A_353, %dma_wait3A_468] : memref<16x32xi32, #tpu.memory_space<vmem>> -> memref<1x32xi32, #tpu.memory_space<vmem>>
          %dma_wait3A_470 = tpu.memref_squeeze %dma_wait3A_469 : memref<1x32xi32, #tpu.memory_space<vmem>> -> memref<32xi32, #tpu.memory_space<vmem>>
          %dma_wait3A_471 = arith.constant 0 : i32
          %dma_wait3A_472 = arith.constant 0 : i32
          %dma_wait3A_473 = tpu.memref_slice %arg10[%dma_wait3A_471, %dma_wait3A_472] : memref<10240x128xf32, #tpu.memory_space<vmem_shared>> -> memref<10240x128xf32, #tpu.memory_space<vmem_shared>>
          tpu.wait_indirect_dma semaphore(%run_scoped3A_461 : memref<!tpu.dma_semaphore, #tpu.memory_space<semaphore_mem>>) src(%arg17 : memref<32x128xf32, #tpu.memory_space<vmem>>) dst(%dma_wait3A_473 : memref<10240x128xf32, #tpu.memory_space<vmem_shared>>)
          tpu.yield
        }) : () -> ()
        %add3A_401 = arith.constant 1 : i32
        %add3A_402 = arith.addi %mul3A_353, %add3A_401 : i32
        %dma_wait3A_403 = arith.constant 0 : i32
        %dma_wait3A_404 = tpu.memref_slice %arg13[%add3A_402, %dma_wait3A_403] : memref<16x32xi32, #tpu.memory_space<vmem>> -> memref<1x32xi32, #tpu.memory_space<vmem>>
        %dma_wait3A_405 = tpu.memref_squeeze %dma_wait3A_404 : memref<1x32xi32, #tpu.memory_space<vmem>> -> memref<32xi32, #tpu.memory_space<vmem>>
        %dma_wait3A_406 = arith.constant 0 : i32
        %dma_wait3A_407 = arith.constant 0 : i32
        %dma_wait3A_408 = tpu.memref_slice %arg5[%dma_wait3A_406, %dma_wait3A_407] : memref<10240x128xf32, #tpu.memory_space<hbm>> -> memref<10240x128xf32, #tpu.memory_space<hbm>>
        tpu.wait_indirect_dma semaphore(%arg23 : memref<!tpu.dma_semaphore, #tpu.memory_space<semaphore_mem>>) src(%dma_wait3A_408 : memref<10240x128xf32, #tpu.memory_space<hbm>>) dst(%arg19 : memref<32x128xf32, #tpu.memory_space<vmem>>)
        %dma_wait3A_409 = arith.constant 0 : i32
        %dma_wait3A_410 = tpu.memref_slice %arg12[%add3A_402, %dma_wait3A_409] : memref<16x32xi32, #tpu.memory_space<vmem>> -> memref<1x32xi32, #tpu.memory_space<vmem>>
        %dma_wait3A_411 = tpu.memref_squeeze %dma_wait3A_410 : memref<1x32xi32, #tpu.memory_space<vmem>> -> memref<32xi32, #tpu.memory_space<vmem>>
        %dma_wait3A_412 = arith.constant 0 : i32
        %dma_wait3A_413 = arith.constant 0 : i32
        %dma_wait3A_414 = tpu.memref_slice %arg6[%dma_wait3A_412, %dma_wait3A_413] : memref<10240x128xf32, #tpu.memory_space<hbm>> -> memref<10240x128xf32, #tpu.memory_space<hbm>>
        tpu.wait_indirect_dma semaphore(%arg23 : memref<!tpu.dma_semaphore, #tpu.memory_space<semaphore_mem>>) src(%dma_wait3A_414 : memref<10240x128xf32, #tpu.memory_space<hbm>>) dst(%arg20 : memref<32x128xf32, #tpu.memory_space<vmem>>)
        %dma_wait3A_415 = arith.constant 0 : i32
        %dma_wait3A_416 = tpu.memref_slice %arg12[%add3A_402, %dma_wait3A_415] : memref<16x32xi32, #tpu.memory_space<vmem>> -> memref<1x32xi32, #tpu.memory_space<vmem>>
        %dma_wait3A_417 = tpu.memref_squeeze %dma_wait3A_416 : memref<1x32xi32, #tpu.memory_space<vmem>> -> memref<32xi32, #tpu.memory_space<vmem>>
        %dma_wait3A_418 = arith.constant 0 : i32
        %dma_wait3A_419 = arith.constant 0 : i32
        %dma_wait3A_420 = tpu.memref_slice %arg7[%dma_wait3A_418, %dma_wait3A_419] : memref<10240x128xf32, #tpu.memory_space<hbm>> -> memref<10240x128xf32, #tpu.memory_space<hbm>>
        tpu.wait_indirect_dma semaphore(%arg23 : memref<!tpu.dma_semaphore, #tpu.memory_space<semaphore_mem>>) src(%dma_wait3A_420 : memref<10240x128xf32, #tpu.memory_space<hbm>>) dst(%arg21 : memref<32x128xf32, #tpu.memory_space<vmem>>)
        %mul3A_421 = arith.constant 2 : i32
        %mul3A_422 = arith.muli %scan3A_350, %mul3A_421 : i32
        %add3A_423 = arith.constant 2 : i32
        %add3A_424 = arith.addi %mul3A_422, %add3A_423 : i32
        %dma_start3A_425 = arith.constant 0 : i32
        %dma_start3A_426 = tpu.memref_slice %arg13[%add3A_424, %dma_start3A_425] : memref<16x32xi32, #tpu.memory_space<vmem>> -> memref<1x32xi32, #tpu.memory_space<vmem>>
        %dma_start3A_427 = tpu.memref_squeeze %dma_start3A_426 : memref<1x32xi32, #tpu.memory_space<vmem>> -> memref<32xi32, #tpu.memory_space<vmem>>
        %dma_start3A_428 = arith.constant 0 : i32
        %dma_start3A_429 = arith.constant 0 : i32
        %dma_start3A_430 = tpu.memref_slice %arg5[%dma_start3A_428, %dma_start3A_429] : memref<10240x128xf32, #tpu.memory_space<hbm>> -> memref<10240x128xf32, #tpu.memory_space<hbm>>
        tpu.enqueue_indirect_dma source(%dma_start3A_430 : memref<10240x128xf32, #tpu.memory_space<hbm>>) target(%arg15 : memref<32x128xf32, #tpu.memory_space<vmem>>) offsets(%dma_start3A_427 : memref<32xi32, #tpu.memory_space<vmem>>) semaphore(%arg22 : memref<!tpu.dma_semaphore, #tpu.memory_space<semaphore_mem>>)
        %dma_start3A_431 = arith.constant 0 : i32
        %dma_start3A_432 = tpu.memref_slice %arg12[%add3A_424, %dma_start3A_431] : memref<16x32xi32, #tpu.memory_space<vmem>> -> memref<1x32xi32, #tpu.memory_space<vmem>>
        %dma_start3A_433 = tpu.memref_squeeze %dma_start3A_432 : memref<1x32xi32, #tpu.memory_space<vmem>> -> memref<32xi32, #tpu.memory_space<vmem>>
        %dma_start3A_434 = arith.constant 0 : i32
        %dma_start3A_435 = arith.constant 0 : i32
        %dma_start3A_436 = tpu.memref_slice %arg6[%dma_start3A_434, %dma_start3A_435] : memref<10240x128xf32, #tpu.memory_space<hbm>> -> memref<10240x128xf32, #tpu.memory_space<hbm>>
        tpu.enqueue_indirect_dma source(%dma_start3A_436 : memref<10240x128xf32, #tpu.memory_space<hbm>>) target(%arg16 : memref<32x128xf32, #tpu.memory_space<vmem>>) offsets(%dma_start3A_433 : memref<32xi32, #tpu.memory_space<vmem>>) semaphore(%arg22 : memref<!tpu.dma_semaphore, #tpu.memory_space<semaphore_mem>>)
        %dma_start3A_437 = arith.constant 0 : i32
        %dma_start3A_438 = tpu.memref_slice %arg12[%add3A_424, %dma_start3A_437] : memref<16x32xi32, #tpu.memory_space<vmem>> -> memref<1x32xi32, #tpu.memory_space<vmem>>
        %dma_start3A_439 = tpu.memref_squeeze %dma_start3A_438 : memref<1x32xi32, #tpu.memory_space<vmem>> -> memref<32xi32, #tpu.memory_space<vmem>>
        %dma_start3A_440 = arith.constant 0 : i32
        %dma_start3A_441 = arith.constant 0 : i32
        %dma_start3A_442 = tpu.memref_slice %arg7[%dma_start3A_440, %dma_start3A_441] : memref<10240x128xf32, #tpu.memory_space<hbm>> -> memref<10240x128xf32, #tpu.memory_space<hbm>>
        tpu.enqueue_indirect_dma source(%dma_start3A_442 : memref<10240x128xf32, #tpu.memory_space<hbm>>) target(%arg17 : memref<32x128xf32, #tpu.memory_space<vmem>>) offsets(%dma_start3A_439 : memref<32xi32, #tpu.memory_space<vmem>>) semaphore(%arg22 : memref<!tpu.dma_semaphore, #tpu.memory_space<semaphore_mem>>)
        %mul3A_443 = arith.constant 2 : i32
        %mul3A_444 = arith.muli %scan3A_350, %mul3A_443 : i32
        %add3A_445 = arith.constant 1 : i32
        %add3A_446 = arith.addi %mul3A_444, %add3A_445 : i32
        %mul3A_447 = arith.constant 32 : i32
        %mul3A_448 = arith.muli %add3A_446, %mul3A_447 : i32
        %scan3A_449 = arith.constant 0 : i32
        %scan3A_450 = arith.constant 0 : i32
        %scan3A_451 = arith.constant 32 : i32
        %scan3A_452 = arith.addi %scan3A_450, %scan3A_451 : i32
        %scan3A_453 = arith.constant 1 : i32
        %scan3A_454 = scf.for %scan3A_461 = %scan3A_450 to %scan3A_452 step %scan3A_453 iter_args(%scan3A_462 = %scan3A_449) -> (i32)  : i32 {
          %get3A = arith.index_cast %scan3A_461 : i32 to index
          %get3A_463 = arith.constant 0 : index
          %get3A_464 = tpu.vector_load %arg19[%get3A, %get3A_463] {strides = array<i32>} : memref<32x128xf32, #tpu.memory_space<vmem>>, vector<16xf32>,
          %get3A_465 = arith.index_cast %scan3A_461 : i32 to index
          %get3A_466 = arith.constant 0 : index
          %get3A_467 = tpu.vector_load %arg20[%get3A_465, %get3A_466] {strides = array<i32>} : memref<32x128xf32, #tpu.memory_space<vmem>>, vector<16xf32>,
          %mul3A_468 = arith.mulf %get3A_464, %get3A_467 : vector<16xf32>
          %get3A_469 = arith.index_cast %scan3A_461 : i32 to index
          %get3A_470 = arith.constant 16 : index
          %get3A_471 = tpu.vector_load %arg19[%get3A_469, %get3A_470] {strides = array<i32>} : memref<32x128xf32, #tpu.memory_space<vmem>>, vector<16xf32>,
          %get3A_472 = arith.index_cast %scan3A_461 : i32 to index
          %get3A_473 = arith.constant 16 : index
          %get3A_474 = tpu.vector_load %arg20[%get3A_472, %get3A_473] {strides = array<i32>} : memref<32x128xf32, #tpu.memory_space<vmem>>, vector<16xf32>,
          %mul3A_475 = arith.mulf %get3A_471, %get3A_474 : vector<16xf32>
          %add3A_476 = arith.addf %mul3A_468, %mul3A_475 : vector<16xf32>
          %reduce_sum3A = arith.constant true
          %reduce_sum3A_477 = vector.broadcast %reduce_sum3A : i1 to vector<16xi1>
          %reduce_sum3A_478 = tpu.scan <sum>, %add3A_476 masked %reduce_sum3A_477 : vector<16xf32>, vector<16xi1> -> vector<16xf32>
          %reduce_sum3A_479 = vector.extract %reduce_sum3A_478[15] : f32 from vector<16xf32>
          %broadcast_in_dim3A_480 = vector.broadcast %reduce_sum3A_479 : f32 to vector<16xf32>
          %exp3A = math.exp %broadcast_in_dim3A_480 : vector<16xf32>
          %get3A_481 = arith.index_cast %scan3A_461 : i32 to index
          %get3A_482 = arith.constant 32 : index
          %get3A_483 = tpu.vector_load %arg19[%get3A_481, %get3A_482] {strides = array<i32>} : memref<32x128xf32, #tpu.memory_space<vmem>>, vector<16xf32>,
          %get3A_484 = arith.index_cast %scan3A_461 : i32 to index
          %get3A_485 = arith.constant 32 : index
          %get3A_486 = tpu.vector_load %arg20[%get3A_484, %get3A_485] {strides = array<i32>} : memref<32x128xf32, #tpu.memory_space<vmem>>, vector<16xf32>,
          %mul3A_487 = arith.mulf %get3A_483, %get3A_486 : vector<16xf32>
          %get3A_488 = arith.index_cast %scan3A_461 : i32 to index
          %get3A_489 = arith.constant 48 : index
          %get3A_490 = tpu.vector_load %arg19[%get3A_488, %get3A_489] {strides = array<i32>} : memref<32x128xf32, #tpu.memory_space<vmem>>, vector<16xf32>,
          %get3A_491 = arith.index_cast %scan3A_461 : i32 to index
          %get3A_492 = arith.constant 48 : index
          %get3A_493 = tpu.vector_load %arg20[%get3A_491, %get3A_492] {strides = array<i32>} : memref<32x128xf32, #tpu.memory_space<vmem>>, vector<16xf32>,
          %mul3A_494 = arith.mulf %get3A_490, %get3A_493 : vector<16xf32>
          %add3A_495 = arith.addf %mul3A_487, %mul3A_494 : vector<16xf32>
          %reduce_sum3A_496 = arith.constant true
          %reduce_sum3A_497 = vector.broadcast %reduce_sum3A_496 : i1 to vector<16xi1>
          %reduce_sum3A_498 = tpu.scan <sum>, %add3A_495 masked %reduce_sum3A_497 : vector<16xf32>, vector<16xi1> -> vector<16xf32>
          %reduce_sum3A_499 = vector.extract %reduce_sum3A_498[15] : f32 from vector<16xf32>
          %broadcast_in_dim3A_500 = vector.broadcast %reduce_sum3A_499 : f32 to vector<16xf32>
          %exp3A_501 = math.exp %broadcast_in_dim3A_500 : vector<16xf32>
          %get3A_502 = arith.index_cast %scan3A_461 : i32 to index
          %get3A_503 = arith.constant 64 : index
          %get3A_504 = tpu.vector_load %arg19[%get3A_502, %get3A_503] {strides = array<i32>} : memref<32x128xf32, #tpu.memory_space<vmem>>, vector<16xf32>,
          %get3A_505 = arith.index_cast %scan3A_461 : i32 to index
          %get3A_506 = arith.constant 64 : index
          %get3A_507 = tpu.vector_load %arg20[%get3A_505, %get3A_506] {strides = array<i32>} : memref<32x128xf32, #tpu.memory_space<vmem>>, vector<16xf32>,
          %mul3A_508 = arith.mulf %get3A_504, %get3A_507 : vector<16xf32>
          %get3A_509 = arith.index_cast %scan3A_461 : i32 to index
          %get3A_510 = arith.constant 80 : index
          %get3A_511 = tpu.vector_load %arg19[%get3A_509, %get3A_510] {strides = array<i32>} : memref<32x128xf32, #tpu.memory_space<vmem>>, vector<16xf32>,
          %get3A_512 = arith.index_cast %scan3A_461 : i32 to index
          %get3A_513 = arith.constant 80 : index
          %get3A_514 = tpu.vector_load %arg20[%get3A_512, %get3A_513] {strides = array<i32>} : memref<32x128xf32, #tpu.memory_space<vmem>>, vector<16xf32>,
          %mul3A_515 = arith.mulf %get3A_511, %get3A_514 : vector<16xf32>
          %add3A_516 = arith.addf %mul3A_508, %mul3A_515 : vector<16xf32>
          %reduce_sum3A_517 = arith.constant true
          %reduce_sum3A_518 = vector.broadcast %reduce_sum3A_517 : i1 to vector<16xi1>
          %reduce_sum3A_519 = tpu.scan <sum>, %add3A_516 masked %reduce_sum3A_518 : vector<16xf32>, vector<16xi1> -> vector<16xf32>
          %reduce_sum3A_520 = vector.extract %reduce_sum3A_519[15] : f32 from vector<16xf32>
          %broadcast_in_dim3A_521 = vector.broadcast %reduce_sum3A_520 : f32 to vector<16xf32>
          %exp3A_522 = math.exp %broadcast_in_dim3A_521 : vector<16xf32>
          %get3A_523 = arith.index_cast %scan3A_461 : i32 to index
          %get3A_524 = arith.constant 96 : index
          %get3A_525 = tpu.vector_load %arg19[%get3A_523, %get3A_524] {strides = array<i32>} : memref<32x128xf32, #tpu.memory_space<vmem>>, vector<16xf32>,
          %get3A_526 = arith.index_cast %scan3A_461 : i32 to index
          %get3A_527 = arith.constant 96 : index
          %get3A_528 = tpu.vector_load %arg20[%get3A_526, %get3A_527] {strides = array<i32>} : memref<32x128xf32, #tpu.memory_space<vmem>>, vector<16xf32>,
          %mul3A_529 = arith.mulf %get3A_525, %get3A_528 : vector<16xf32>
          %get3A_530 = arith.index_cast %scan3A_461 : i32 to index
          %get3A_531 = arith.constant 112 : index
          %get3A_532 = tpu.vector_load %arg19[%get3A_530, %get3A_531] {strides = array<i32>} : memref<32x128xf32, #tpu.memory_space<vmem>>, vector<16xf32>,
          %get3A_533 = arith.index_cast %scan3A_461 : i32 to index
          %get3A_534 = arith.constant 112 : index
          %get3A_535 = tpu.vector_load %arg20[%get3A_533, %get3A_534] {strides = array<i32>} : memref<32x128xf32, #tpu.memory_space<vmem>>, vector<16xf32>,
          %mul3A_536 = arith.mulf %get3A_532, %get3A_535 : vector<16xf32>
          %add3A_537 = arith.addf %mul3A_529, %mul3A_536 : vector<16xf32>
          %reduce_sum3A_538 = arith.constant true
          %reduce_sum3A_539 = vector.broadcast %reduce_sum3A_538 : i1 to vector<16xi1>
          %reduce_sum3A_540 = tpu.scan <sum>, %add3A_537 masked %reduce_sum3A_539 : vector<16xf32>, vector<16xi1> -> vector<16xf32>
          %reduce_sum3A_541 = vector.extract %reduce_sum3A_540[15] : f32 from vector<16xf32>
          %broadcast_in_dim3A_542 = vector.broadcast %reduce_sum3A_541 : f32 to vector<16xf32>
          %exp3A_543 = math.exp %broadcast_in_dim3A_542 : vector<16xf32>
          %broadcast_in_dim3A_544 = arith.constant 0.000000e+00 : f32
          %broadcast_in_dim3A_545 = vector.broadcast %broadcast_in_dim3A_544 : f32 to vector<16xf32>
          %eq3A = arith.constant 0 : i32
          %eq3A_546 = vector.broadcast %eq3A : i32 to vector<16xi32>
          %eq3A_547 = arith.cmpi eq, %iota3A, %eq3A_546 : vector<16xi32>
          %select_n3A_548 = arith.select %eq3A_547, %exp3A, %broadcast_in_dim3A_545 : vector<16xi1>, vector<16xf32>
          %eq3A_549 = arith.constant 1 : i32
          %eq3A_550 = vector.broadcast %eq3A_549 : i32 to vector<16xi32>
          %eq3A_551 = arith.cmpi eq, %iota3A, %eq3A_550 : vector<16xi32>
          %select_n3A_552 = arith.select %eq3A_551, %exp3A_501, %select_n3A_548 : vector<16xi1>, vector<16xf32>
          %eq3A_553 = arith.constant 2 : i32
          %eq3A_554 = vector.broadcast %eq3A_553 : i32 to vector<16xi32>
          %eq3A_555 = arith.cmpi eq, %iota3A, %eq3A_554 : vector<16xi32>
          %select_n3A_556 = arith.select %eq3A_555, %exp3A_522, %select_n3A_552 : vector<16xi1>, vector<16xf32>
          %eq3A_557 = arith.constant 3 : i32
          %eq3A_558 = vector.broadcast %eq3A_557 : i32 to vector<16xi32>
          %eq3A_559 = arith.cmpi eq, %iota3A, %eq3A_558 : vector<16xi32>
          %select_n3A_560 = arith.select %eq3A_559, %exp3A_543, %select_n3A_556 : vector<16xi1>, vector<16xf32>
          %add3A_561 = arith.addi %mul3A_448, %scan3A_461 : i32
          %swap3A = arith.index_cast %add3A_561 : i32 to index
          %swap3A_562 = arith.constant 0 : index
          %swap3A_563 = tpu.vector_load %arg18[%swap3A, %swap3A_562] {strides = array<i32>} : memref<512x16xf32, #tpu.memory_space<vmem>>, vector<16xf32>,
          tpu.vector_store %arg18[%swap3A, %swap3A_562], %select_n3A_560 {strides = array<i32>} : memref<512x16xf32, #tpu.memory_space<vmem>>, vector<16xf32>,
          %get3A_564 = arith.index_cast %scan3A_461 : i32 to index
          %get3A_565 = arith.constant 0 : index
          %get3A_566 = tpu.vector_load %arg21[%get3A_564, %get3A_565] {strides = array<i32>} : memref<32x128xf32, #tpu.memory_space<vmem>>, vector<16xf32>,
          %mul3A_567 = arith.mulf %get3A_566, %exp3A : vector<16xf32>
          %swap3A_568 = arith.index_cast %scan3A_461 : i32 to index
          %swap3A_569 = arith.constant 0 : index
          %swap3A_570 = tpu.vector_load %arg21[%swap3A_568, %swap3A_569] {strides = array<i32>} : memref<32x128xf32, #tpu.memory_space<vmem>>, vector<16xf32>,
          tpu.vector_store %arg21[%swap3A_568, %swap3A_569], %mul3A_567 {strides = array<i32>} : memref<32x128xf32, #tpu.memory_space<vmem>>, vector<16xf32>,
          %get3A_571 = arith.index_cast %scan3A_461 : i32 to index
          %get3A_572 = arith.constant 16 : index
          %get3A_573 = tpu.vector_load %arg21[%get3A_571, %get3A_572] {strides = array<i32>} : memref<32x128xf32, #tpu.memory_space<vmem>>, vector<16xf32>,
          %mul3A_574 = arith.mulf %get3A_573, %exp3A : vector<16xf32>
          %swap3A_575 = arith.index_cast %scan3A_461 : i32 to index
          %swap3A_576 = arith.constant 16 : index
          %swap3A_577 = tpu.vector_load %arg21[%swap3A_575, %swap3A_576] {strides = array<i32>} : memref<32x128xf32, #tpu.memory_space<vmem>>, vector<16xf32>,
          tpu.vector_store %arg21[%swap3A_575, %swap3A_576], %mul3A_574 {strides = array<i32>} : memref<32x128xf32, #tpu.memory_space<vmem>>, vector<16xf32>,
          %get3A_578 = arith.index_cast %scan3A_461 : i32 to index
          %get3A_579 = arith.constant 32 : index
          %get3A_580 = tpu.vector_load %arg21[%get3A_578, %get3A_579] {strides = array<i32>} : memref<32x128xf32, #tpu.memory_space<vmem>>, vector<16xf32>,
          %mul3A_581 = arith.mulf %get3A_580, %exp3A_501 : vector<16xf32>
          %swap3A_582 = arith.index_cast %scan3A_461 : i32 to index
          %swap3A_583 = arith.constant 32 : index
          %swap3A_584 = tpu.vector_load %arg21[%swap3A_582, %swap3A_583] {strides = array<i32>} : memref<32x128xf32, #tpu.memory_space<vmem>>, vector<16xf32>,
          tpu.vector_store %arg21[%swap3A_582, %swap3A_583], %mul3A_581 {strides = array<i32>} : memref<32x128xf32, #tpu.memory_space<vmem>>, vector<16xf32>,
          %get3A_585 = arith.index_cast %scan3A_461 : i32 to index
          %get3A_586 = arith.constant 48 : index
          %get3A_587 = tpu.vector_load %arg21[%get3A_585, %get3A_586] {strides = array<i32>} : memref<32x128xf32, #tpu.memory_space<vmem>>, vector<16xf32>,
          %mul3A_588 = arith.mulf %get3A_587, %exp3A_501 : vector<16xf32>
          %swap3A_589 = arith.index_cast %scan3A_461 : i32 to index
          %swap3A_590 = arith.constant 48 : index
          %swap3A_591 = tpu.vector_load %arg21[%swap3A_589, %swap3A_590] {strides = array<i32>} : memref<32x128xf32, #tpu.memory_space<vmem>>, vector<16xf32>,
          tpu.vector_store %arg21[%swap3A_589, %swap3A_590], %mul3A_588 {strides = array<i32>} : memref<32x128xf32, #tpu.memory_space<vmem>>, vector<16xf32>,
          %get3A_592 = arith.index_cast %scan3A_461 : i32 to index
          %get3A_593 = arith.constant 64 : index
          %get3A_594 = tpu.vector_load %arg21[%get3A_592, %get3A_593] {strides = array<i32>} : memref<32x128xf32, #tpu.memory_space<vmem>>, vector<16xf32>,
          %mul3A_595 = arith.mulf %get3A_594, %exp3A_522 : vector<16xf32>
          %swap3A_596 = arith.index_cast %scan3A_461 : i32 to index
          %swap3A_597 = arith.constant 64 : index
          %swap3A_598 = tpu.vector_load %arg21[%swap3A_596, %swap3A_597] {strides = array<i32>} : memref<32x128xf32, #tpu.memory_space<vmem>>, vector<16xf32>,
          tpu.vector_store %arg21[%swap3A_596, %swap3A_597], %mul3A_595 {strides = array<i32>} : memref<32x128xf32, #tpu.memory_space<vmem>>, vector<16xf32>,
          %get3A_599 = arith.index_cast %scan3A_461 : i32 to index
          %get3A_600 = arith.constant 80 : index
          %get3A_601 = tpu.vector_load %arg21[%get3A_599, %get3A_600] {strides = array<i32>} : memref<32x128xf32, #tpu.memory_space<vmem>>, vector<16xf32>,
          %mul3A_602 = arith.mulf %get3A_601, %exp3A_522 : vector<16xf32>
          %swap3A_603 = arith.index_cast %scan3A_461 : i32 to index
          %swap3A_604 = arith.constant 80 : index
          %swap3A_605 = tpu.vector_load %arg21[%swap3A_603, %swap3A_604] {strides = array<i32>} : memref<32x128xf32, #tpu.memory_space<vmem>>, vector<16xf32>,
          tpu.vector_store %arg21[%swap3A_603, %swap3A_604], %mul3A_602 {strides = array<i32>} : memref<32x128xf32, #tpu.memory_space<vmem>>, vector<16xf32>,
          %get3A_606 = arith.index_cast %scan3A_461 : i32 to index
          %get3A_607 = arith.constant 96 : index
          %get3A_608 = tpu.vector_load %arg21[%get3A_606, %get3A_607] {strides = array<i32>} : memref<32x128xf32, #tpu.memory_space<vmem>>, vector<16xf32>,
          %mul3A_609 = arith.mulf %get3A_608, %exp3A_543 : vector<16xf32>
          %swap3A_610 = arith.index_cast %scan3A_461 : i32 to index
          %swap3A_611 = arith.constant 96 : index
          %swap3A_612 = tpu.vector_load %arg21[%swap3A_610, %swap3A_611] {strides = array<i32>} : memref<32x128xf32, #tpu.memory_space<vmem>>, vector<16xf32>,
          tpu.vector_store %arg21[%swap3A_610, %swap3A_611], %mul3A_609 {strides = array<i32>} : memref<32x128xf32, #tpu.memory_space<vmem>>, vector<16xf32>,
          %get3A_613 = arith.index_cast %scan3A_461 : i32 to index
          %get3A_614 = arith.constant 112 : index
          %get3A_615 = tpu.vector_load %arg21[%get3A_613, %get3A_614] {strides = array<i32>} : memref<32x128xf32, #tpu.memory_space<vmem>>, vector<16xf32>,
          %mul3A_616 = arith.mulf %get3A_615, %exp3A_543 : vector<16xf32>
          %swap3A_617 = arith.index_cast %scan3A_461 : i32 to index
          %swap3A_618 = arith.constant 112 : index
          %swap3A_619 = tpu.vector_load %arg21[%swap3A_617, %swap3A_618] {strides = array<i32>} : memref<32x128xf32, #tpu.memory_space<vmem>>, vector<16xf32>,
          tpu.vector_store %arg21[%swap3A_617, %swap3A_618], %mul3A_616 {strides = array<i32>} : memref<32x128xf32, #tpu.memory_space<vmem>>, vector<16xf32>,
          %scan3A_620 = arith.constant 0 : i32
          scf.yield %scan3A_620 : i32
        }
        %scan3A_455 = arith.constant 32 : i32
        %mul3A_456 = arith.constant 2 : i32
        %mul3A_457 = arith.muli %scan3A_350, %mul3A_456 : i32
        %add3A_458 = arith.constant 1 : i32
        %add3A_459 = arith.addi %mul3A_457, %add3A_458 : i32
        "tpu.region"() ({
          %run_scoped3A_461 = tpu.sem_alloc : memref<!tpu.dma_semaphore, #tpu.memory_space<semaphore_mem>>
          %dma_start3A_462 = arith.constant 0 : i32
          %dma_start3A_463 = tpu.memref_slice %arg13[%add3A_459, %dma_start3A_462] : memref<16x32xi32, #tpu.memory_space<vmem>> -> memref<1x32xi32, #tpu.memory_space<vmem>>
          %dma_start3A_464 = tpu.memref_squeeze %dma_start3A_463 : memref<1x32xi32, #tpu.memory_space<vmem>> -> memref<32xi32, #tpu.memory_space<vmem>>
          %dma_start3A_465 = arith.constant 0 : i32
          %dma_start3A_466 = arith.constant 0 : i32
          %dma_start3A_467 = tpu.memref_slice %arg10[%dma_start3A_465, %dma_start3A_466] : memref<10240x128xf32, #tpu.memory_space<vmem_shared>> -> memref<10240x128xf32, #tpu.memory_space<vmem_shared>>
          tpu.enqueue_indirect_dma source(%arg21 : memref<32x128xf32, #tpu.memory_space<vmem>>) target(%dma_start3A_467 : memref<10240x128xf32, #tpu.memory_space<vmem_shared>>) offsets(%dma_start3A_464 : memref<32xi32, #tpu.memory_space<vmem>>) semaphore(%run_scoped3A_461 : memref<!tpu.dma_semaphore, #tpu.memory_space<semaphore_mem>>) {add = true}
          %dma_wait3A_468 = arith.constant 0 : i32
          %dma_wait3A_469 = tpu.memref_slice %arg13[%add3A_459, %dma_wait3A_468] : memref<16x32xi32, #tpu.memory_space<vmem>> -> memref<1x32xi32, #tpu.memory_space<vmem>>
          %dma_wait3A_470 = tpu.memref_squeeze %dma_wait3A_469 : memref<1x32xi32, #tpu.memory_space<vmem>> -> memref<32xi32, #tpu.memory_space<vmem>>
          %dma_wait3A_471 = arith.constant 0 : i32
          %dma_wait3A_472 = arith.constant 0 : i32
          %dma_wait3A_473 = tpu.memref_slice %arg10[%dma_wait3A_471, %dma_wait3A_472] : memref<10240x128xf32, #tpu.memory_space<vmem_shared>> -> memref<10240x128xf32, #tpu.memory_space<vmem_shared>>
          tpu.wait_indirect_dma semaphore(%run_scoped3A_461 : memref<!tpu.dma_semaphore, #tpu.memory_space<semaphore_mem>>) src(%arg21 : memref<32x128xf32, #tpu.memory_space<vmem>>) dst(%dma_wait3A_473 : memref<10240x128xf32, #tpu.memory_space<vmem_shared>>)
          tpu.yield
        }) : () -> ()
        %scan3A_460 = arith.constant 0 : i32
        scf.yield %scan3A_460 : i32
      }
      %scan3A_207 = arith.constant 7 : i32
      %dma_wait3A_208 = arith.constant 14 : i32
      %dma_wait3A_209 = arith.constant 0 : i32
      %dma_wait3A_210 = tpu.memref_slice %arg13[%dma_wait3A_208, %dma_wait3A_209] : memref<16x32xi32, #tpu.memory_space<vmem>> -> memref<1x32xi32, #tpu.memory_space<vmem>>
      %dma_wait3A_211 = tpu.memref_squeeze %dma_wait3A_210 : memref<1x32xi32, #tpu.memory_space<vmem>> -> memref<32xi32, #tpu.memory_space<vmem>>
      %dma_wait3A_212 = arith.constant 0 : i32
      %dma_wait3A_213 = arith.constant 0 : i32
      %dma_wait3A_214 = tpu.memref_slice %arg5[%dma_wait3A_212, %dma_wait3A_213] : memref<10240x128xf32, #tpu.memory_space<hbm>> -> memref<10240x128xf32, #tpu.memory_space<hbm>>
      tpu.wait_indirect_dma semaphore(%arg22 : memref<!tpu.dma_semaphore, #tpu.memory_space<semaphore_mem>>) src(%dma_wait3A_214 : memref<10240x128xf32, #tpu.memory_space<hbm>>) dst(%arg15 : memref<32x128xf32, #tpu.memory_space<vmem>>)
      %dma_wait3A_215 = arith.constant 14 : i32
      %dma_wait3A_216 = arith.constant 0 : i32
      %dma_wait3A_217 = tpu.memref_slice %arg12[%dma_wait3A_215, %dma_wait3A_216] : memref<16x32xi32, #tpu.memory_space<vmem>> -> memref<1x32xi32, #tpu.memory_space<vmem>>
      %dma_wait3A_218 = tpu.memref_squeeze %dma_wait3A_217 : memref<1x32xi32, #tpu.memory_space<vmem>> -> memref<32xi32, #tpu.memory_space<vmem>>
      %dma_wait3A_219 = arith.constant 0 : i32
      %dma_wait3A_220 = arith.constant 0 : i32
      %dma_wait3A_221 = tpu.memref_slice %arg6[%dma_wait3A_219, %dma_wait3A_220] : memref<10240x128xf32, #tpu.memory_space<hbm>> -> memref<10240x128xf32, #tpu.memory_space<hbm>>
      tpu.wait_indirect_dma semaphore(%arg22 : memref<!tpu.dma_semaphore, #tpu.memory_space<semaphore_mem>>) src(%dma_wait3A_221 : memref<10240x128xf32, #tpu.memory_space<hbm>>) dst(%arg16 : memref<32x128xf32, #tpu.memory_space<vmem>>)
      %dma_wait3A_222 = arith.constant 14 : i32
      %dma_wait3A_223 = arith.constant 0 : i32
      %dma_wait3A_224 = tpu.memref_slice %arg12[%dma_wait3A_222, %dma_wait3A_223] : memref<16x32xi32, #tpu.memory_space<vmem>> -> memref<1x32xi32, #tpu.memory_space<vmem>>
      %dma_wait3A_225 = tpu.memref_squeeze %dma_wait3A_224 : memref<1x32xi32, #tpu.memory_space<vmem>> -> memref<32xi32, #tpu.memory_space<vmem>>
      %dma_wait3A_226 = arith.constant 0 : i32
      %dma_wait3A_227 = arith.constant 0 : i32
      %dma_wait3A_228 = tpu.memref_slice %arg7[%dma_wait3A_226, %dma_wait3A_227] : memref<10240x128xf32, #tpu.memory_space<hbm>> -> memref<10240x128xf32, #tpu.memory_space<hbm>>
      tpu.wait_indirect_dma semaphore(%arg22 : memref<!tpu.dma_semaphore, #tpu.memory_space<semaphore_mem>>) src(%dma_wait3A_228 : memref<10240x128xf32, #tpu.memory_space<hbm>>) dst(%arg17 : memref<32x128xf32, #tpu.memory_space<vmem>>)
      %dma_start3A_229 = arith.constant 15 : i32
      %dma_start3A_230 = arith.constant 0 : i32
      %dma_start3A_231 = tpu.memref_slice %arg13[%dma_start3A_229, %dma_start3A_230] : memref<16x32xi32, #tpu.memory_space<vmem>> -> memref<1x32xi32, #tpu.memory_space<vmem>>
      %dma_start3A_232 = tpu.memref_squeeze %dma_start3A_231 : memref<1x32xi32, #tpu.memory_space<vmem>> -> memref<32xi32, #tpu.memory_space<vmem>>
      %dma_start3A_233 = arith.constant 0 : i32
      %dma_start3A_234 = arith.constant 0 : i32
      %dma_start3A_235 = tpu.memref_slice %arg5[%dma_start3A_233, %dma_start3A_234] : memref<10240x128xf32, #tpu.memory_space<hbm>> -> memref<10240x128xf32, #tpu.memory_space<hbm>>
      tpu.enqueue_indirect_dma source(%dma_start3A_235 : memref<10240x128xf32, #tpu.memory_space<hbm>>) target(%arg19 : memref<32x128xf32, #tpu.memory_space<vmem>>) offsets(%dma_start3A_232 : memref<32xi32, #tpu.memory_space<vmem>>) semaphore(%arg23 : memref<!tpu.dma_semaphore, #tpu.memory_space<semaphore_mem>>)
      %dma_start3A_236 = arith.constant 15 : i32
      %dma_start3A_237 = arith.constant 0 : i32
      %dma_start3A_238 = tpu.memref_slice %arg12[%dma_start3A_236, %dma_start3A_237] : memref<16x32xi32, #tpu.memory_space<vmem>> -> memref<1x32xi32, #tpu.memory_space<vmem>>
      %dma_start3A_239 = tpu.memref_squeeze %dma_start3A_238 : memref<1x32xi32, #tpu.memory_space<vmem>> -> memref<32xi32, #tpu.memory_space<vmem>>
      %dma_start3A_240 = arith.constant 0 : i32
      %dma_start3A_241 = arith.constant 0 : i32
      %dma_start3A_242 = tpu.memref_slice %arg6[%dma_start3A_240, %dma_start3A_241] : memref<10240x128xf32, #tpu.memory_space<hbm>> -> memref<10240x128xf32, #tpu.memory_space<hbm>>
      tpu.enqueue_indirect_dma source(%dma_start3A_242 : memref<10240x128xf32, #tpu.memory_space<hbm>>) target(%arg20 : memref<32x128xf32, #tpu.memory_space<vmem>>) offsets(%dma_start3A_239 : memref<32xi32, #tpu.memory_space<vmem>>) semaphore(%arg23 : memref<!tpu.dma_semaphore, #tpu.memory_space<semaphore_mem>>)
      %dma_start3A_243 = arith.constant 15 : i32
      %dma_start3A_244 = arith.constant 0 : i32
      %dma_start3A_245 = tpu.memref_slice %arg12[%dma_start3A_243, %dma_start3A_244] : memref<16x32xi32, #tpu.memory_space<vmem>> -> memref<1x32xi32, #tpu.memory_space<vmem>>
      %dma_start3A_246 = tpu.memref_squeeze %dma_start3A_245 : memref<1x32xi32, #tpu.memory_space<vmem>> -> memref<32xi32, #tpu.memory_space<vmem>>
      %dma_start3A_247 = arith.constant 0 : i32
      %dma_start3A_248 = arith.constant 0 : i32
      %dma_start3A_249 = tpu.memref_slice %arg7[%dma_start3A_247, %dma_start3A_248] : memref<10240x128xf32, #tpu.memory_space<hbm>> -> memref<10240x128xf32, #tpu.memory_space<hbm>>
      tpu.enqueue_indirect_dma source(%dma_start3A_249 : memref<10240x128xf32, #tpu.memory_space<hbm>>) target(%arg21 : memref<32x128xf32, #tpu.memory_space<vmem>>) offsets(%dma_start3A_246 : memref<32xi32, #tpu.memory_space<vmem>>) semaphore(%arg23 : memref<!tpu.dma_semaphore, #tpu.memory_space<semaphore_mem>>)
      %scan3A_250 = arith.constant 0 : i32
      %scan3A_251 = arith.constant 0 : i32
      %scan3A_252 = arith.constant 32 : i32
      %scan3A_253 = arith.addi %scan3A_251, %scan3A_252 : i32
      %scan3A_254 = arith.constant 1 : i32
      %scan3A_255 = scf.for %scan3A_350 = %scan3A_251 to %scan3A_253 step %scan3A_254 iter_args(%scan3A_351 = %scan3A_250) -> (i32)  : i32 {
        %get3A = arith.index_cast %scan3A_350 : i32 to index
        %get3A_352 = arith.constant 0 : index
        %get3A_353 = tpu.vector_load %arg15[%get3A, %get3A_352] {strides = array<i32>} : memref<32x128xf32, #tpu.memory_space<vmem>>, vector<16xf32>,
        %get3A_354 = arith.index_cast %scan3A_350 : i32 to index
        %get3A_355 = arith.constant 0 : index
        %get3A_356 = tpu.vector_load %arg16[%get3A_354, %get3A_355] {strides = array<i32>} : memref<32x128xf32, #tpu.memory_space<vmem>>, vector<16xf32>,
        %mul3A_357 = arith.mulf %get3A_353, %get3A_356 : vector<16xf32>
        %get3A_358 = arith.index_cast %scan3A_350 : i32 to index
        %get3A_359 = arith.constant 16 : index
        %get3A_360 = tpu.vector_load %arg15[%get3A_358, %get3A_359] {strides = array<i32>} : memref<32x128xf32, #tpu.memory_space<vmem>>, vector<16xf32>,
        %get3A_361 = arith.index_cast %scan3A_350 : i32 to index
        %get3A_362 = arith.constant 16 : index
        %get3A_363 = tpu.vector_load %arg16[%get3A_361, %get3A_362] {strides = array<i32>} : memref<32x128xf32, #tpu.memory_space<vmem>>, vector<16xf32>,
        %mul3A_364 = arith.mulf %get3A_360, %get3A_363 : vector<16xf32>
        %add3A_365 = arith.addf %mul3A_357, %mul3A_364 : vector<16xf32>
        %reduce_sum3A = arith.constant true
        %reduce_sum3A_366 = vector.broadcast %reduce_sum3A : i1 to vector<16xi1>
        %reduce_sum3A_367 = tpu.scan <sum>, %add3A_365 masked %reduce_sum3A_366 : vector<16xf32>, vector<16xi1> -> vector<16xf32>
        %reduce_sum3A_368 = vector.extract %reduce_sum3A_367[15] : f32 from vector<16xf32>
        %broadcast_in_dim3A_369 = vector.broadcast %reduce_sum3A_368 : f32 to vector<16xf32>
        %exp3A = math.exp %broadcast_in_dim3A_369 : vector<16xf32>
        %get3A_370 = arith.index_cast %scan3A_350 : i32 to index
        %get3A_371 = arith.constant 32 : index
        %get3A_372 = tpu.vector_load %arg15[%get3A_370, %get3A_371] {strides = array<i32>} : memref<32x128xf32, #tpu.memory_space<vmem>>, vector<16xf32>,
        %get3A_373 = arith.index_cast %scan3A_350 : i32 to index
        %get3A_374 = arith.constant 32 : index
        %get3A_375 = tpu.vector_load %arg16[%get3A_373, %get3A_374] {strides = array<i32>} : memref<32x128xf32, #tpu.memory_space<vmem>>, vector<16xf32>,
        %mul3A_376 = arith.mulf %get3A_372, %get3A_375 : vector<16xf32>
        %get3A_377 = arith.index_cast %scan3A_350 : i32 to index
        %get3A_378 = arith.constant 48 : index
        %get3A_379 = tpu.vector_load %arg15[%get3A_377, %get3A_378] {strides = array<i32>} : memref<32x128xf32, #tpu.memory_space<vmem>>, vector<16xf32>,
        %get3A_380 = arith.index_cast %scan3A_350 : i32 to index
        %get3A_381 = arith.constant 48 : index
        %get3A_382 = tpu.vector_load %arg16[%get3A_380, %get3A_381] {strides = array<i32>} : memref<32x128xf32, #tpu.memory_space<vmem>>, vector<16xf32>,
        %mul3A_383 = arith.mulf %get3A_379, %get3A_382 : vector<16xf32>
        %add3A_384 = arith.addf %mul3A_376, %mul3A_383 : vector<16xf32>
        %reduce_sum3A_385 = arith.constant true
        %reduce_sum3A_386 = vector.broadcast %reduce_sum3A_385 : i1 to vector<16xi1>
        %reduce_sum3A_387 = tpu.scan <sum>, %add3A_384 masked %reduce_sum3A_386 : vector<16xf32>, vector<16xi1> -> vector<16xf32>
        %reduce_sum3A_388 = vector.extract %reduce_sum3A_387[15] : f32 from vector<16xf32>
        %broadcast_in_dim3A_389 = vector.broadcast %reduce_sum3A_388 : f32 to vector<16xf32>
        %exp3A_390 = math.exp %broadcast_in_dim3A_389 : vector<16xf32>
        %get3A_391 = arith.index_cast %scan3A_350 : i32 to index
        %get3A_392 = arith.constant 64 : index
        %get3A_393 = tpu.vector_load %arg15[%get3A_391, %get3A_392] {strides = array<i32>} : memref<32x128xf32, #tpu.memory_space<vmem>>, vector<16xf32>,
        %get3A_394 = arith.index_cast %scan3A_350 : i32 to index
        %get3A_395 = arith.constant 64 : index
        %get3A_396 = tpu.vector_load %arg16[%get3A_394, %get3A_395] {strides = array<i32>} : memref<32x128xf32, #tpu.memory_space<vmem>>, vector<16xf32>,
        %mul3A_397 = arith.mulf %get3A_393, %get3A_396 : vector<16xf32>
        %get3A_398 = arith.index_cast %scan3A_350 : i32 to index
        %get3A_399 = arith.constant 80 : index
        %get3A_400 = tpu.vector_load %arg15[%get3A_398, %get3A_399] {strides = array<i32>} : memref<32x128xf32, #tpu.memory_space<vmem>>, vector<16xf32>,
        %get3A_401 = arith.index_cast %scan3A_350 : i32 to index
        %get3A_402 = arith.constant 80 : index
        %get3A_403 = tpu.vector_load %arg16[%get3A_401, %get3A_402] {strides = array<i32>} : memref<32x128xf32, #tpu.memory_space<vmem>>, vector<16xf32>,
        %mul3A_404 = arith.mulf %get3A_400, %get3A_403 : vector<16xf32>
        %add3A_405 = arith.addf %mul3A_397, %mul3A_404 : vector<16xf32>
        %reduce_sum3A_406 = arith.constant true
        %reduce_sum3A_407 = vector.broadcast %reduce_sum3A_406 : i1 to vector<16xi1>
        %reduce_sum3A_408 = tpu.scan <sum>, %add3A_405 masked %reduce_sum3A_407 : vector<16xf32>, vector<16xi1> -> vector<16xf32>
        %reduce_sum3A_409 = vector.extract %reduce_sum3A_408[15] : f32 from vector<16xf32>
        %broadcast_in_dim3A_410 = vector.broadcast %reduce_sum3A_409 : f32 to vector<16xf32>
        %exp3A_411 = math.exp %broadcast_in_dim3A_410 : vector<16xf32>
        %get3A_412 = arith.index_cast %scan3A_350 : i32 to index
        %get3A_413 = arith.constant 96 : index
        %get3A_414 = tpu.vector_load %arg15[%get3A_412, %get3A_413] {strides = array<i32>} : memref<32x128xf32, #tpu.memory_space<vmem>>, vector<16xf32>,
        %get3A_415 = arith.index_cast %scan3A_350 : i32 to index
        %get3A_416 = arith.constant 96 : index
        %get3A_417 = tpu.vector_load %arg16[%get3A_415, %get3A_416] {strides = array<i32>} : memref<32x128xf32, #tpu.memory_space<vmem>>, vector<16xf32>,
        %mul3A_418 = arith.mulf %get3A_414, %get3A_417 : vector<16xf32>
        %get3A_419 = arith.index_cast %scan3A_350 : i32 to index
        %get3A_420 = arith.constant 112 : index
        %get3A_421 = tpu.vector_load %arg15[%get3A_419, %get3A_420] {strides = array<i32>} : memref<32x128xf32, #tpu.memory_space<vmem>>, vector<16xf32>,
        %get3A_422 = arith.index_cast %scan3A_350 : i32 to index
        %get3A_423 = arith.constant 112 : index
        %get3A_424 = tpu.vector_load %arg16[%get3A_422, %get3A_423] {strides = array<i32>} : memref<32x128xf32, #tpu.memory_space<vmem>>, vector<16xf32>,
        %mul3A_425 = arith.mulf %get3A_421, %get3A_424 : vector<16xf32>
        %add3A_426 = arith.addf %mul3A_418, %mul3A_425 : vector<16xf32>
        %reduce_sum3A_427 = arith.constant true
        %reduce_sum3A_428 = vector.broadcast %reduce_sum3A_427 : i1 to vector<16xi1>
        %reduce_sum3A_429 = tpu.scan <sum>, %add3A_426 masked %reduce_sum3A_428 : vector<16xf32>, vector<16xi1> -> vector<16xf32>
        %reduce_sum3A_430 = vector.extract %reduce_sum3A_429[15] : f32 from vector<16xf32>
        %broadcast_in_dim3A_431 = vector.broadcast %reduce_sum3A_430 : f32 to vector<16xf32>
        %exp3A_432 = math.exp %broadcast_in_dim3A_431 : vector<16xf32>
        %broadcast_in_dim3A_433 = arith.constant 0.000000e+00 : f32
        %broadcast_in_dim3A_434 = vector.broadcast %broadcast_in_dim3A_433 : f32 to vector<16xf32>
        %eq3A = arith.constant 0 : i32
        %eq3A_435 = vector.broadcast %eq3A : i32 to vector<16xi32>
        %eq3A_436 = arith.cmpi eq, %iota3A, %eq3A_435 : vector<16xi32>
        %select_n3A_437 = arith.select %eq3A_436, %exp3A, %broadcast_in_dim3A_434 : vector<16xi1>, vector<16xf32>
        %eq3A_438 = arith.constant 1 : i32
        %eq3A_439 = vector.broadcast %eq3A_438 : i32 to vector<16xi32>
        %eq3A_440 = arith.cmpi eq, %iota3A, %eq3A_439 : vector<16xi32>
        %select_n3A_441 = arith.select %eq3A_440, %exp3A_390, %select_n3A_437 : vector<16xi1>, vector<16xf32>
        %eq3A_442 = arith.constant 2 : i32
        %eq3A_443 = vector.broadcast %eq3A_442 : i32 to vector<16xi32>
        %eq3A_444 = arith.cmpi eq, %iota3A, %eq3A_443 : vector<16xi32>
        %select_n3A_445 = arith.select %eq3A_444, %exp3A_411, %select_n3A_441 : vector<16xi1>, vector<16xf32>
        %eq3A_446 = arith.constant 3 : i32
        %eq3A_447 = vector.broadcast %eq3A_446 : i32 to vector<16xi32>
        %eq3A_448 = arith.cmpi eq, %iota3A, %eq3A_447 : vector<16xi32>
        %select_n3A_449 = arith.select %eq3A_448, %exp3A_432, %select_n3A_445 : vector<16xi1>, vector<16xf32>
        %add3A_450 = arith.constant 448 : i32
        %add3A_451 = arith.addi %add3A_450, %scan3A_350 : i32
        %swap3A = arith.index_cast %add3A_451 : i32 to index
        %swap3A_452 = arith.constant 0 : index
        %swap3A_453 = tpu.vector_load %arg18[%swap3A, %swap3A_452] {strides = array<i32>} : memref<512x16xf32, #tpu.memory_space<vmem>>, vector<16xf32>,
        tpu.vector_store %arg18[%swap3A, %swap3A_452], %select_n3A_449 {strides = array<i32>} : memref<512x16xf32, #tpu.memory_space<vmem>>, vector<16xf32>,
        %get3A_454 = arith.index_cast %scan3A_350 : i32 to index
        %get3A_455 = arith.constant 0 : index
        %get3A_456 = tpu.vector_load %arg17[%get3A_454, %get3A_455] {strides = array<i32>} : memref<32x128xf32, #tpu.memory_space<vmem>>, vector<16xf32>,
        %mul3A_457 = arith.mulf %get3A_456, %exp3A : vector<16xf32>
        %swap3A_458 = arith.index_cast %scan3A_350 : i32 to index
        %swap3A_459 = arith.constant 0 : index
        %swap3A_460 = tpu.vector_load %arg17[%swap3A_458, %swap3A_459] {strides = array<i32>} : memref<32x128xf32, #tpu.memory_space<vmem>>, vector<16xf32>,
        tpu.vector_store %arg17[%swap3A_458, %swap3A_459], %mul3A_457 {strides = array<i32>} : memref<32x128xf32, #tpu.memory_space<vmem>>, vector<16xf32>,
        %get3A_461 = arith.index_cast %scan3A_350 : i32 to index
        %get3A_462 = arith.constant 16 : index
        %get3A_463 = tpu.vector_load %arg17[%get3A_461, %get3A_462] {strides = array<i32>} : memref<32x128xf32, #tpu.memory_space<vmem>>, vector<16xf32>,
        %mul3A_464 = arith.mulf %get3A_463, %exp3A : vector<16xf32>
        %swap3A_465 = arith.index_cast %scan3A_350 : i32 to index
        %swap3A_466 = arith.constant 16 : index
        %swap3A_467 = tpu.vector_load %arg17[%swap3A_465, %swap3A_466] {strides = array<i32>} : memref<32x128xf32, #tpu.memory_space<vmem>>, vector<16xf32>,
        tpu.vector_store %arg17[%swap3A_465, %swap3A_466], %mul3A_464 {strides = array<i32>} : memref<32x128xf32, #tpu.memory_space<vmem>>, vector<16xf32>,
        %get3A_468 = arith.index_cast %scan3A_350 : i32 to index
        %get3A_469 = arith.constant 32 : index
        %get3A_470 = tpu.vector_load %arg17[%get3A_468, %get3A_469] {strides = array<i32>} : memref<32x128xf32, #tpu.memory_space<vmem>>, vector<16xf32>,
        %mul3A_471 = arith.mulf %get3A_470, %exp3A_390 : vector<16xf32>
        %swap3A_472 = arith.index_cast %scan3A_350 : i32 to index
        %swap3A_473 = arith.constant 32 : index
        %swap3A_474 = tpu.vector_load %arg17[%swap3A_472, %swap3A_473] {strides = array<i32>} : memref<32x128xf32, #tpu.memory_space<vmem>>, vector<16xf32>,
        tpu.vector_store %arg17[%swap3A_472, %swap3A_473], %mul3A_471 {strides = array<i32>} : memref<32x128xf32, #tpu.memory_space<vmem>>, vector<16xf32>,
        %get3A_475 = arith.index_cast %scan3A_350 : i32 to index
        %get3A_476 = arith.constant 48 : index
        %get3A_477 = tpu.vector_load %arg17[%get3A_475, %get3A_476] {strides = array<i32>} : memref<32x128xf32, #tpu.memory_space<vmem>>, vector<16xf32>,
        %mul3A_478 = arith.mulf %get3A_477, %exp3A_390 : vector<16xf32>
        %swap3A_479 = arith.index_cast %scan3A_350 : i32 to index
        %swap3A_480 = arith.constant 48 : index
        %swap3A_481 = tpu.vector_load %arg17[%swap3A_479, %swap3A_480] {strides = array<i32>} : memref<32x128xf32, #tpu.memory_space<vmem>>, vector<16xf32>,
        tpu.vector_store %arg17[%swap3A_479, %swap3A_480], %mul3A_478 {strides = array<i32>} : memref<32x128xf32, #tpu.memory_space<vmem>>, vector<16xf32>,
        %get3A_482 = arith.index_cast %scan3A_350 : i32 to index
        %get3A_483 = arith.constant 64 : index
        %get3A_484 = tpu.vector_load %arg17[%get3A_482, %get3A_483] {strides = array<i32>} : memref<32x128xf32, #tpu.memory_space<vmem>>, vector<16xf32>,
        %mul3A_485 = arith.mulf %get3A_484, %exp3A_411 : vector<16xf32>
        %swap3A_486 = arith.index_cast %scan3A_350 : i32 to index
        %swap3A_487 = arith.constant 64 : index
        %swap3A_488 = tpu.vector_load %arg17[%swap3A_486, %swap3A_487] {strides = array<i32>} : memref<32x128xf32, #tpu.memory_space<vmem>>, vector<16xf32>,
        tpu.vector_store %arg17[%swap3A_486, %swap3A_487], %mul3A_485 {strides = array<i32>} : memref<32x128xf32, #tpu.memory_space<vmem>>, vector<16xf32>,
        %get3A_489 = arith.index_cast %scan3A_350 : i32 to index
        %get3A_490 = arith.constant 80 : index
        %get3A_491 = tpu.vector_load %arg17[%get3A_489, %get3A_490] {strides = array<i32>} : memref<32x128xf32, #tpu.memory_space<vmem>>, vector<16xf32>,
        %mul3A_492 = arith.mulf %get3A_491, %exp3A_411 : vector<16xf32>
        %swap3A_493 = arith.index_cast %scan3A_350 : i32 to index
        %swap3A_494 = arith.constant 80 : index
        %swap3A_495 = tpu.vector_load %arg17[%swap3A_493, %swap3A_494] {strides = array<i32>} : memref<32x128xf32, #tpu.memory_space<vmem>>, vector<16xf32>,
        tpu.vector_store %arg17[%swap3A_493, %swap3A_494], %mul3A_492 {strides = array<i32>} : memref<32x128xf32, #tpu.memory_space<vmem>>, vector<16xf32>,
        %get3A_496 = arith.index_cast %scan3A_350 : i32 to index
        %get3A_497 = arith.constant 96 : index
        %get3A_498 = tpu.vector_load %arg17[%get3A_496, %get3A_497] {strides = array<i32>} : memref<32x128xf32, #tpu.memory_space<vmem>>, vector<16xf32>,
        %mul3A_499 = arith.mulf %get3A_498, %exp3A_432 : vector<16xf32>
        %swap3A_500 = arith.index_cast %scan3A_350 : i32 to index
        %swap3A_501 = arith.constant 96 : index
        %swap3A_502 = tpu.vector_load %arg17[%swap3A_500, %swap3A_501] {strides = array<i32>} : memref<32x128xf32, #tpu.memory_space<vmem>>, vector<16xf32>,
        tpu.vector_store %arg17[%swap3A_500, %swap3A_501], %mul3A_499 {strides = array<i32>} : memref<32x128xf32, #tpu.memory_space<vmem>>, vector<16xf32>,
        %get3A_503 = arith.index_cast %scan3A_350 : i32 to index
        %get3A_504 = arith.constant 112 : index
        %get3A_505 = tpu.vector_load %arg17[%get3A_503, %get3A_504] {strides = array<i32>} : memref<32x128xf32, #tpu.memory_space<vmem>>, vector<16xf32>,
        %mul3A_506 = arith.mulf %get3A_505, %exp3A_432 : vector<16xf32>
        %swap3A_507 = arith.index_cast %scan3A_350 : i32 to index
        %swap3A_508 = arith.constant 112 : index
        %swap3A_509 = tpu.vector_load %arg17[%swap3A_507, %swap3A_508] {strides = array<i32>} : memref<32x128xf32, #tpu.memory_space<vmem>>, vector<16xf32>,
        tpu.vector_store %arg17[%swap3A_507, %swap3A_508], %mul3A_506 {strides = array<i32>} : memref<32x128xf32, #tpu.memory_space<vmem>>, vector<16xf32>,
        %scan3A_510 = arith.constant 0 : i32
        scf.yield %scan3A_510 : i32
      }
      %scan3A_256 = arith.constant 32 : i32
      %run_scoped3A = arith.constant 14 : i32
      "tpu.region"() ({
        %run_scoped3A_350 = tpu.sem_alloc : memref<!tpu.dma_semaphore, #tpu.memory_space<semaphore_mem>>
        %dma_start3A_351 = arith.constant 0 : i32
        %dma_start3A_352 = tpu.memref_slice %arg13[%run_scoped3A, %dma_start3A_351] : memref<16x32xi32, #tpu.memory_space<vmem>> -> memref<1x32xi32, #tpu.memory_space<vmem>>
        %dma_start3A_353 = tpu.memref_squeeze %dma_start3A_352 : memref<1x32xi32, #tpu.memory_space<vmem>> -> memref<32xi32, #tpu.memory_space<vmem>>
        %dma_start3A_354 = arith.constant 0 : i32
        %dma_start3A_355 = arith.constant 0 : i32
        %dma_start3A_356 = tpu.memref_slice %arg10[%dma_start3A_354, %dma_start3A_355] : memref<10240x128xf32, #tpu.memory_space<vmem_shared>> -> memref<10240x128xf32, #tpu.memory_space<vmem_shared>>
        tpu.enqueue_indirect_dma source(%arg17 : memref<32x128xf32, #tpu.memory_space<vmem>>) target(%dma_start3A_356 : memref<10240x128xf32, #tpu.memory_space<vmem_shared>>) offsets(%dma_start3A_353 : memref<32xi32, #tpu.memory_space<vmem>>) semaphore(%run_scoped3A_350 : memref<!tpu.dma_semaphore, #tpu.memory_space<semaphore_mem>>) {add = true}
        %dma_wait3A_357 = arith.constant 0 : i32
        %dma_wait3A_358 = tpu.memref_slice %arg13[%run_scoped3A, %dma_wait3A_357] : memref<16x32xi32, #tpu.memory_space<vmem>> -> memref<1x32xi32, #tpu.memory_space<vmem>>
        %dma_wait3A_359 = tpu.memref_squeeze %dma_wait3A_358 : memref<1x32xi32, #tpu.memory_space<vmem>> -> memref<32xi32, #tpu.memory_space<vmem>>
        %dma_wait3A_360 = arith.constant 0 : i32
        %dma_wait3A_361 = arith.constant 0 : i32
        %dma_wait3A_362 = tpu.memref_slice %arg10[%dma_wait3A_360, %dma_wait3A_361] : memref<10240x128xf32, #tpu.memory_space<vmem_shared>> -> memref<10240x128xf32, #tpu.memory_space<vmem_shared>>
        tpu.wait_indirect_dma semaphore(%run_scoped3A_350 : memref<!tpu.dma_semaphore, #tpu.memory_space<semaphore_mem>>) src(%arg17 : memref<32x128xf32, #tpu.memory_space<vmem>>) dst(%dma_wait3A_362 : memref<10240x128xf32, #tpu.memory_space<vmem_shared>>)
        tpu.yield
      }) : () -> ()
      %dma_wait3A_257 = arith.constant 15 : i32
      %dma_wait3A_258 = arith.constant 0 : i32
      %dma_wait3A_259 = tpu.memref_slice %arg13[%dma_wait3A_257, %dma_wait3A_258] : memref<16x32xi32, #tpu.memory_space<vmem>> -> memref<1x32xi32, #tpu.memory_space<vmem>>
      %dma_wait3A_260 = tpu.memref_squeeze %dma_wait3A_259 : memref<1x32xi32, #tpu.memory_space<vmem>> -> memref<32xi32, #tpu.memory_space<vmem>>
      %dma_wait3A_261 = arith.constant 0 : i32
      %dma_wait3A_262 = arith.constant 0 : i32
      %dma_wait3A_263 = tpu.memref_slice %arg5[%dma_wait3A_261, %dma_wait3A_262] : memref<10240x128xf32, #tpu.memory_space<hbm>> -> memref<10240x128xf32, #tpu.memory_space<hbm>>
      tpu.wait_indirect_dma semaphore(%arg23 : memref<!tpu.dma_semaphore, #tpu.memory_space<semaphore_mem>>) src(%dma_wait3A_263 : memref<10240x128xf32, #tpu.memory_space<hbm>>) dst(%arg19 : memref<32x128xf32, #tpu.memory_space<vmem>>)
      %dma_wait3A_264 = arith.constant 15 : i32
      %dma_wait3A_265 = arith.constant 0 : i32
      %dma_wait3A_266 = tpu.memref_slice %arg12[%dma_wait3A_264, %dma_wait3A_265] : memref<16x32xi32, #tpu.memory_space<vmem>> -> memref<1x32xi32, #tpu.memory_space<vmem>>
      %dma_wait3A_267 = tpu.memref_squeeze %dma_wait3A_266 : memref<1x32xi32, #tpu.memory_space<vmem>> -> memref<32xi32, #tpu.memory_space<vmem>>
      %dma_wait3A_268 = arith.constant 0 : i32
      %dma_wait3A_269 = arith.constant 0 : i32
      %dma_wait3A_270 = tpu.memref_slice %arg6[%dma_wait3A_268, %dma_wait3A_269] : memref<10240x128xf32, #tpu.memory_space<hbm>> -> memref<10240x128xf32, #tpu.memory_space<hbm>>
      tpu.wait_indirect_dma semaphore(%arg23 : memref<!tpu.dma_semaphore, #tpu.memory_space<semaphore_mem>>) src(%dma_wait3A_270 : memref<10240x128xf32, #tpu.memory_space<hbm>>) dst(%arg20 : memref<32x128xf32, #tpu.memory_space<vmem>>)
      %dma_wait3A_271 = arith.constant 15 : i32
      %dma_wait3A_272 = arith.constant 0 : i32
      %dma_wait3A_273 = tpu.memref_slice %arg12[%dma_wait3A_271, %dma_wait3A_272] : memref<16x32xi32, #tpu.memory_space<vmem>> -> memref<1x32xi32, #tpu.memory_space<vmem>>
      %dma_wait3A_274 = tpu.memref_squeeze %dma_wait3A_273 : memref<1x32xi32, #tpu.memory_space<vmem>> -> memref<32xi32, #tpu.memory_space<vmem>>
      %dma_wait3A_275 = arith.constant 0 : i32
      %dma_wait3A_276 = arith.constant 0 : i32
      %dma_wait3A_277 = tpu.memref_slice %arg7[%dma_wait3A_275, %dma_wait3A_276] : memref<10240x128xf32, #tpu.memory_space<hbm>> -> memref<10240x128xf32, #tpu.memory_space<hbm>>
      tpu.wait_indirect_dma semaphore(%arg23 : memref<!tpu.dma_semaphore, #tpu.memory_space<semaphore_mem>>) src(%dma_wait3A_277 : memref<10240x128xf32, #tpu.memory_space<hbm>>) dst(%arg21 : memref<32x128xf32, #tpu.memory_space<vmem>>)
      %scan3A_278 = arith.constant 0 : i32
      %scan3A_279 = arith.constant 0 : i32
      %scan3A_280 = arith.constant 32 : i32
      %scan3A_281 = arith.addi %scan3A_279, %scan3A_280 : i32
      %scan3A_282 = arith.constant 1 : i32
      %scan3A_283 = scf.for %scan3A_350 = %scan3A_279 to %scan3A_281 step %scan3A_282 iter_args(%scan3A_351 = %scan3A_278) -> (i32)  : i32 {
        %get3A = arith.index_cast %scan3A_350 : i32 to index
        %get3A_352 = arith.constant 0 : index
        %get3A_353 = tpu.vector_load %arg19[%get3A, %get3A_352] {strides = array<i32>} : memref<32x128xf32, #tpu.memory_space<vmem>>, vector<16xf32>,
        %get3A_354 = arith.index_cast %scan3A_350 : i32 to index
        %get3A_355 = arith.constant 0 : index
        %get3A_356 = tpu.vector_load %arg20[%get3A_354, %get3A_355] {strides = array<i32>} : memref<32x128xf32, #tpu.memory_space<vmem>>, vector<16xf32>,
        %mul3A_357 = arith.mulf %get3A_353, %get3A_356 : vector<16xf32>
        %get3A_358 = arith.index_cast %scan3A_350 : i32 to index
        %get3A_359 = arith.constant 16 : index
        %get3A_360 = tpu.vector_load %arg19[%get3A_358, %get3A_359] {strides = array<i32>} : memref<32x128xf32, #tpu.memory_space<vmem>>, vector<16xf32>,
        %get3A_361 = arith.index_cast %scan3A_350 : i32 to index
        %get3A_362 = arith.constant 16 : index
        %get3A_363 = tpu.vector_load %arg20[%get3A_361, %get3A_362] {strides = array<i32>} : memref<32x128xf32, #tpu.memory_space<vmem>>, vector<16xf32>,
        %mul3A_364 = arith.mulf %get3A_360, %get3A_363 : vector<16xf32>
        %add3A_365 = arith.addf %mul3A_357, %mul3A_364 : vector<16xf32>
        %reduce_sum3A = arith.constant true
        %reduce_sum3A_366 = vector.broadcast %reduce_sum3A : i1 to vector<16xi1>
        %reduce_sum3A_367 = tpu.scan <sum>, %add3A_365 masked %reduce_sum3A_366 : vector<16xf32>, vector<16xi1> -> vector<16xf32>
        %reduce_sum3A_368 = vector.extract %reduce_sum3A_367[15] : f32 from vector<16xf32>
        %broadcast_in_dim3A_369 = vector.broadcast %reduce_sum3A_368 : f32 to vector<16xf32>
        %exp3A = math.exp %broadcast_in_dim3A_369 : vector<16xf32>
        %get3A_370 = arith.index_cast %scan3A_350 : i32 to index
        %get3A_371 = arith.constant 32 : index
        %get3A_372 = tpu.vector_load %arg19[%get3A_370, %get3A_371] {strides = array<i32>} : memref<32x128xf32, #tpu.memory_space<vmem>>, vector<16xf32>,
        %get3A_373 = arith.index_cast %scan3A_350 : i32 to index
        %get3A_374 = arith.constant 32 : index
        %get3A_375 = tpu.vector_load %arg20[%get3A_373, %get3A_374] {strides = array<i32>} : memref<32x128xf32, #tpu.memory_space<vmem>>, vector<16xf32>,
        %mul3A_376 = arith.mulf %get3A_372, %get3A_375 : vector<16xf32>
        %get3A_377 = arith.index_cast %scan3A_350 : i32 to index
        %get3A_378 = arith.constant 48 : index
        %get3A_379 = tpu.vector_load %arg19[%get3A_377, %get3A_378] {strides = array<i32>} : memref<32x128xf32, #tpu.memory_space<vmem>>, vector<16xf32>,
        %get3A_380 = arith.index_cast %scan3A_350 : i32 to index
        %get3A_381 = arith.constant 48 : index
        %get3A_382 = tpu.vector_load %arg20[%get3A_380, %get3A_381] {strides = array<i32>} : memref<32x128xf32, #tpu.memory_space<vmem>>, vector<16xf32>,
        %mul3A_383 = arith.mulf %get3A_379, %get3A_382 : vector<16xf32>
        %add3A_384 = arith.addf %mul3A_376, %mul3A_383 : vector<16xf32>
        %reduce_sum3A_385 = arith.constant true
        %reduce_sum3A_386 = vector.broadcast %reduce_sum3A_385 : i1 to vector<16xi1>
        %reduce_sum3A_387 = tpu.scan <sum>, %add3A_384 masked %reduce_sum3A_386 : vector<16xf32>, vector<16xi1> -> vector<16xf32>
        %reduce_sum3A_388 = vector.extract %reduce_sum3A_387[15] : f32 from vector<16xf32>
        %broadcast_in_dim3A_389 = vector.broadcast %reduce_sum3A_388 : f32 to vector<16xf32>
        %exp3A_390 = math.exp %broadcast_in_dim3A_389 : vector<16xf32>
        %get3A_391 = arith.index_cast %scan3A_350 : i32 to index
        %get3A_392 = arith.constant 64 : index
        %get3A_393 = tpu.vector_load %arg19[%get3A_391, %get3A_392] {strides = array<i32>} : memref<32x128xf32, #tpu.memory_space<vmem>>, vector<16xf32>,
        %get3A_394 = arith.index_cast %scan3A_350 : i32 to index
        %get3A_395 = arith.constant 64 : index
        %get3A_396 = tpu.vector_load %arg20[%get3A_394, %get3A_395] {strides = array<i32>} : memref<32x128xf32, #tpu.memory_space<vmem>>, vector<16xf32>,
        %mul3A_397 = arith.mulf %get3A_393, %get3A_396 : vector<16xf32>
        %get3A_398 = arith.index_cast %scan3A_350 : i32 to index
        %get3A_399 = arith.constant 80 : index
        %get3A_400 = tpu.vector_load %arg19[%get3A_398, %get3A_399] {strides = array<i32>} : memref<32x128xf32, #tpu.memory_space<vmem>>, vector<16xf32>,
        %get3A_401 = arith.index_cast %scan3A_350 : i32 to index
        %get3A_402 = arith.constant 80 : index
        %get3A_403 = tpu.vector_load %arg20[%get3A_401, %get3A_402] {strides = array<i32>} : memref<32x128xf32, #tpu.memory_space<vmem>>, vector<16xf32>,
        %mul3A_404 = arith.mulf %get3A_400, %get3A_403 : vector<16xf32>
        %add3A_405 = arith.addf %mul3A_397, %mul3A_404 : vector<16xf32>
        %reduce_sum3A_406 = arith.constant true
        %reduce_sum3A_407 = vector.broadcast %reduce_sum3A_406 : i1 to vector<16xi1>
        %reduce_sum3A_408 = tpu.scan <sum>, %add3A_405 masked %reduce_sum3A_407 : vector<16xf32>, vector<16xi1> -> vector<16xf32>
        %reduce_sum3A_409 = vector.extract %reduce_sum3A_408[15] : f32 from vector<16xf32>
        %broadcast_in_dim3A_410 = vector.broadcast %reduce_sum3A_409 : f32 to vector<16xf32>
        %exp3A_411 = math.exp %broadcast_in_dim3A_410 : vector<16xf32>
        %get3A_412 = arith.index_cast %scan3A_350 : i32 to index
        %get3A_413 = arith.constant 96 : index
        %get3A_414 = tpu.vector_load %arg19[%get3A_412, %get3A_413] {strides = array<i32>} : memref<32x128xf32, #tpu.memory_space<vmem>>, vector<16xf32>,
        %get3A_415 = arith.index_cast %scan3A_350 : i32 to index
        %get3A_416 = arith.constant 96 : index
        %get3A_417 = tpu.vector_load %arg20[%get3A_415, %get3A_416] {strides = array<i32>} : memref<32x128xf32, #tpu.memory_space<vmem>>, vector<16xf32>,
        %mul3A_418 = arith.mulf %get3A_414, %get3A_417 : vector<16xf32>
        %get3A_419 = arith.index_cast %scan3A_350 : i32 to index
        %get3A_420 = arith.constant 112 : index
        %get3A_421 = tpu.vector_load %arg19[%get3A_419, %get3A_420] {strides = array<i32>} : memref<32x128xf32, #tpu.memory_space<vmem>>, vector<16xf32>,
        %get3A_422 = arith.index_cast %scan3A_350 : i32 to index
        %get3A_423 = arith.constant 112 : index
        %get3A_424 = tpu.vector_load %arg20[%get3A_422, %get3A_423] {strides = array<i32>} : memref<32x128xf32, #tpu.memory_space<vmem>>, vector<16xf32>,
        %mul3A_425 = arith.mulf %get3A_421, %get3A_424 : vector<16xf32>
        %add3A_426 = arith.addf %mul3A_418, %mul3A_425 : vector<16xf32>
        %reduce_sum3A_427 = arith.constant true
        %reduce_sum3A_428 = vector.broadcast %reduce_sum3A_427 : i1 to vector<16xi1>
        %reduce_sum3A_429 = tpu.scan <sum>, %add3A_426 masked %reduce_sum3A_428 : vector<16xf32>, vector<16xi1> -> vector<16xf32>
        %reduce_sum3A_430 = vector.extract %reduce_sum3A_429[15] : f32 from vector<16xf32>
        %broadcast_in_dim3A_431 = vector.broadcast %reduce_sum3A_430 : f32 to vector<16xf32>
        %exp3A_432 = math.exp %broadcast_in_dim3A_431 : vector<16xf32>
        %broadcast_in_dim3A_433 = arith.constant 0.000000e+00 : f32
        %broadcast_in_dim3A_434 = vector.broadcast %broadcast_in_dim3A_433 : f32 to vector<16xf32>
        %eq3A = arith.constant 0 : i32
        %eq3A_435 = vector.broadcast %eq3A : i32 to vector<16xi32>
        %eq3A_436 = arith.cmpi eq, %iota3A, %eq3A_435 : vector<16xi32>
        %select_n3A_437 = arith.select %eq3A_436, %exp3A, %broadcast_in_dim3A_434 : vector<16xi1>, vector<16xf32>
        %eq3A_438 = arith.constant 1 : i32
        %eq3A_439 = vector.broadcast %eq3A_438 : i32 to vector<16xi32>
        %eq3A_440 = arith.cmpi eq, %iota3A, %eq3A_439 : vector<16xi32>
        %select_n3A_441 = arith.select %eq3A_440, %exp3A_390, %select_n3A_437 : vector<16xi1>, vector<16xf32>
        %eq3A_442 = arith.constant 2 : i32
        %eq3A_443 = vector.broadcast %eq3A_442 : i32 to vector<16xi32>
        %eq3A_444 = arith.cmpi eq, %iota3A, %eq3A_443 : vector<16xi32>
        %select_n3A_445 = arith.select %eq3A_444, %exp3A_411, %select_n3A_441 : vector<16xi1>, vector<16xf32>
        %eq3A_446 = arith.constant 3 : i32
        %eq3A_447 = vector.broadcast %eq3A_446 : i32 to vector<16xi32>
        %eq3A_448 = arith.cmpi eq, %iota3A, %eq3A_447 : vector<16xi32>
        %select_n3A_449 = arith.select %eq3A_448, %exp3A_432, %select_n3A_445 : vector<16xi1>, vector<16xf32>
        %add3A_450 = arith.constant 480 : i32
        %add3A_451 = arith.addi %add3A_450, %scan3A_350 : i32
        %swap3A = arith.index_cast %add3A_451 : i32 to index
        %swap3A_452 = arith.constant 0 : index
        %swap3A_453 = tpu.vector_load %arg18[%swap3A, %swap3A_452] {strides = array<i32>} : memref<512x16xf32, #tpu.memory_space<vmem>>, vector<16xf32>,
        tpu.vector_store %arg18[%swap3A, %swap3A_452], %select_n3A_449 {strides = array<i32>} : memref<512x16xf32, #tpu.memory_space<vmem>>, vector<16xf32>,
        %get3A_454 = arith.index_cast %scan3A_350 : i32 to index
        %get3A_455 = arith.constant 0 : index
        %get3A_456 = tpu.vector_load %arg21[%get3A_454, %get3A_455] {strides = array<i32>} : memref<32x128xf32, #tpu.memory_space<vmem>>, vector<16xf32>,
        %mul3A_457 = arith.mulf %get3A_456, %exp3A : vector<16xf32>
        %swap3A_458 = arith.index_cast %scan3A_350 : i32 to index
        %swap3A_459 = arith.constant 0 : index
        %swap3A_460 = tpu.vector_load %arg21[%swap3A_458, %swap3A_459] {strides = array<i32>} : memref<32x128xf32, #tpu.memory_space<vmem>>, vector<16xf32>,
        tpu.vector_store %arg21[%swap3A_458, %swap3A_459], %mul3A_457 {strides = array<i32>} : memref<32x128xf32, #tpu.memory_space<vmem>>, vector<16xf32>,
        %get3A_461 = arith.index_cast %scan3A_350 : i32 to index
        %get3A_462 = arith.constant 16 : index
        %get3A_463 = tpu.vector_load %arg21[%get3A_461, %get3A_462] {strides = array<i32>} : memref<32x128xf32, #tpu.memory_space<vmem>>, vector<16xf32>,
        %mul3A_464 = arith.mulf %get3A_463, %exp3A : vector<16xf32>
        %swap3A_465 = arith.index_cast %scan3A_350 : i32 to index
        %swap3A_466 = arith.constant 16 : index
        %swap3A_467 = tpu.vector_load %arg21[%swap3A_465, %swap3A_466] {strides = array<i32>} : memref<32x128xf32, #tpu.memory_space<vmem>>, vector<16xf32>,
        tpu.vector_store %arg21[%swap3A_465, %swap3A_466], %mul3A_464 {strides = array<i32>} : memref<32x128xf32, #tpu.memory_space<vmem>>, vector<16xf32>,
        %get3A_468 = arith.index_cast %scan3A_350 : i32 to index
        %get3A_469 = arith.constant 32 : index
        %get3A_470 = tpu.vector_load %arg21[%get3A_468, %get3A_469] {strides = array<i32>} : memref<32x128xf32, #tpu.memory_space<vmem>>, vector<16xf32>,
        %mul3A_471 = arith.mulf %get3A_470, %exp3A_390 : vector<16xf32>
        %swap3A_472 = arith.index_cast %scan3A_350 : i32 to index
        %swap3A_473 = arith.constant 32 : index
        %swap3A_474 = tpu.vector_load %arg21[%swap3A_472, %swap3A_473] {strides = array<i32>} : memref<32x128xf32, #tpu.memory_space<vmem>>, vector<16xf32>,
        tpu.vector_store %arg21[%swap3A_472, %swap3A_473], %mul3A_471 {strides = array<i32>} : memref<32x128xf32, #tpu.memory_space<vmem>>, vector<16xf32>,
        %get3A_475 = arith.index_cast %scan3A_350 : i32 to index
        %get3A_476 = arith.constant 48 : index
        %get3A_477 = tpu.vector_load %arg21[%get3A_475, %get3A_476] {strides = array<i32>} : memref<32x128xf32, #tpu.memory_space<vmem>>, vector<16xf32>,
        %mul3A_478 = arith.mulf %get3A_477, %exp3A_390 : vector<16xf32>
        %swap3A_479 = arith.index_cast %scan3A_350 : i32 to index
        %swap3A_480 = arith.constant 48 : index
        %swap3A_481 = tpu.vector_load %arg21[%swap3A_479, %swap3A_480] {strides = array<i32>} : memref<32x128xf32, #tpu.memory_space<vmem>>, vector<16xf32>,
        tpu.vector_store %arg21[%swap3A_479, %swap3A_480], %mul3A_478 {strides = array<i32>} : memref<32x128xf32, #tpu.memory_space<vmem>>, vector<16xf32>,
        %get3A_482 = arith.index_cast %scan3A_350 : i32 to index
        %get3A_483 = arith.constant 64 : index
        %get3A_484 = tpu.vector_load %arg21[%get3A_482, %get3A_483] {strides = array<i32>} : memref<32x128xf32, #tpu.memory_space<vmem>>, vector<16xf32>,
        %mul3A_485 = arith.mulf %get3A_484, %exp3A_411 : vector<16xf32>
        %swap3A_486 = arith.index_cast %scan3A_350 : i32 to index
        %swap3A_487 = arith.constant 64 : index
        %swap3A_488 = tpu.vector_load %arg21[%swap3A_486, %swap3A_487] {strides = array<i32>} : memref<32x128xf32, #tpu.memory_space<vmem>>, vector<16xf32>,
        tpu.vector_store %arg21[%swap3A_486, %swap3A_487], %mul3A_485 {strides = array<i32>} : memref<32x128xf32, #tpu.memory_space<vmem>>, vector<16xf32>,
        %get3A_489 = arith.index_cast %scan3A_350 : i32 to index
        %get3A_490 = arith.constant 80 : index
        %get3A_491 = tpu.vector_load %arg21[%get3A_489, %get3A_490] {strides = array<i32>} : memref<32x128xf32, #tpu.memory_space<vmem>>, vector<16xf32>,
        %mul3A_492 = arith.mulf %get3A_491, %exp3A_411 : vector<16xf32>
        %swap3A_493 = arith.index_cast %scan3A_350 : i32 to index
        %swap3A_494 = arith.constant 80 : index
        %swap3A_495 = tpu.vector_load %arg21[%swap3A_493, %swap3A_494] {strides = array<i32>} : memref<32x128xf32, #tpu.memory_space<vmem>>, vector<16xf32>,
        tpu.vector_store %arg21[%swap3A_493, %swap3A_494], %mul3A_492 {strides = array<i32>} : memref<32x128xf32, #tpu.memory_space<vmem>>, vector<16xf32>,
        %get3A_496 = arith.index_cast %scan3A_350 : i32 to index
        %get3A_497 = arith.constant 96 : index
        %get3A_498 = tpu.vector_load %arg21[%get3A_496, %get3A_497] {strides = array<i32>} : memref<32x128xf32, #tpu.memory_space<vmem>>, vector<16xf32>,
        %mul3A_499 = arith.mulf %get3A_498, %exp3A_432 : vector<16xf32>
        %swap3A_500 = arith.index_cast %scan3A_350 : i32 to index
        %swap3A_501 = arith.constant 96 : index
        %swap3A_502 = tpu.vector_load %arg21[%swap3A_500, %swap3A_501] {strides = array<i32>} : memref<32x128xf32, #tpu.memory_space<vmem>>, vector<16xf32>,
        tpu.vector_store %arg21[%swap3A_500, %swap3A_501], %mul3A_499 {strides = array<i32>} : memref<32x128xf32, #tpu.memory_space<vmem>>, vector<16xf32>,
        %get3A_503 = arith.index_cast %scan3A_350 : i32 to index
        %get3A_504 = arith.constant 112 : index
        %get3A_505 = tpu.vector_load %arg21[%get3A_503, %get3A_504] {strides = array<i32>} : memref<32x128xf32, #tpu.memory_space<vmem>>, vector<16xf32>,
        %mul3A_506 = arith.mulf %get3A_505, %exp3A_432 : vector<16xf32>
        %swap3A_507 = arith.index_cast %scan3A_350 : i32 to index
        %swap3A_508 = arith.constant 112 : index
        %swap3A_509 = tpu.vector_load %arg21[%swap3A_507, %swap3A_508] {strides = array<i32>} : memref<32x128xf32, #tpu.memory_space<vmem>>, vector<16xf32>,
        tpu.vector_store %arg21[%swap3A_507, %swap3A_508], %mul3A_506 {strides = array<i32>} : memref<32x128xf32, #tpu.memory_space<vmem>>, vector<16xf32>,
        %scan3A_510 = arith.constant 0 : i32
        scf.yield %scan3A_510 : i32
      }
      %scan3A_284 = arith.constant 32 : i32
      %run_scoped3A_285 = arith.constant 15 : i32
      "tpu.region"() ({
        %run_scoped3A_350 = tpu.sem_alloc : memref<!tpu.dma_semaphore, #tpu.memory_space<semaphore_mem>>
        %dma_start3A_351 = arith.constant 0 : i32
        %dma_start3A_352 = tpu.memref_slice %arg13[%run_scoped3A_285, %dma_start3A_351] : memref<16x32xi32, #tpu.memory_space<vmem>> -> memref<1x32xi32, #tpu.memory_space<vmem>>
        %dma_start3A_353 = tpu.memref_squeeze %dma_start3A_352 : memref<1x32xi32, #tpu.memory_space<vmem>> -> memref<32xi32, #tpu.memory_space<vmem>>
        %dma_start3A_354 = arith.constant 0 : i32
        %dma_start3A_355 = arith.constant 0 : i32
        %dma_start3A_356 = tpu.memref_slice %arg10[%dma_start3A_354, %dma_start3A_355] : memref<10240x128xf32, #tpu.memory_space<vmem_shared>> -> memref<10240x128xf32, #tpu.memory_space<vmem_shared>>
        tpu.enqueue_indirect_dma source(%arg21 : memref<32x128xf32, #tpu.memory_space<vmem>>) target(%dma_start3A_356 : memref<10240x128xf32, #tpu.memory_space<vmem_shared>>) offsets(%dma_start3A_353 : memref<32xi32, #tpu.memory_space<vmem>>) semaphore(%run_scoped3A_350 : memref<!tpu.dma_semaphore, #tpu.memory_space<semaphore_mem>>) {add = true}
        %dma_wait3A_357 = arith.constant 0 : i32
        %dma_wait3A_358 = tpu.memref_slice %arg13[%run_scoped3A_285, %dma_wait3A_357] : memref<16x32xi32, #tpu.memory_space<vmem>> -> memref<1x32xi32, #tpu.memory_space<vmem>>
        %dma_wait3A_359 = tpu.memref_squeeze %dma_wait3A_358 : memref<1x32xi32, #tpu.memory_space<vmem>> -> memref<32xi32, #tpu.memory_space<vmem>>
        %dma_wait3A_360 = arith.constant 0 : i32
        %dma_wait3A_361 = arith.constant 0 : i32
        %dma_wait3A_362 = tpu.memref_slice %arg10[%dma_wait3A_360, %dma_wait3A_361] : memref<10240x128xf32, #tpu.memory_space<vmem_shared>> -> memref<10240x128xf32, #tpu.memory_space<vmem_shared>>
        tpu.wait_indirect_dma semaphore(%run_scoped3A_350 : memref<!tpu.dma_semaphore, #tpu.memory_space<semaphore_mem>>) src(%arg21 : memref<32x128xf32, #tpu.memory_space<vmem>>) dst(%dma_wait3A_362 : memref<10240x128xf32, #tpu.memory_space<vmem_shared>>)
        tpu.yield
      }) : () -> ()
      %run_scoped3A_286 = arith.constant 0 : i32
      "tpu.region"() ({
        %run_scoped3A_350 = tpu.sem_alloc : memref<!tpu.dma_semaphore, #tpu.memory_space<semaphore_mem>>
        %dma_start3A_351 = arith.constant 0 : i32
        %dma_start3A_352 = arith.constant 0 : i32
        %dma_start3A_353 = tpu.memref_slice %arg18[%dma_start3A_351, %dma_start3A_352] : memref<512x16xf32, #tpu.memory_space<vmem>> -> memref<128x16xf32, #tpu.memory_space<vmem>>
        %dma_start3A_354 = arith.constant 0 : i32
        %dma_start3A_355 = tpu.memref_slice %arg14[%run_scoped3A_286, %dma_start3A_354] : memref<4x128xi32, #tpu.memory_space<vmem>> -> memref<1x128xi32, #tpu.memory_space<vmem>>
        %dma_start3A_356 = tpu.memref_squeeze %dma_start3A_355 : memref<1x128xi32, #tpu.memory_space<vmem>> -> memref<128xi32, #tpu.memory_space<vmem>>
        %dma_start3A_357 = arith.constant 0 : i32
        %dma_start3A_358 = arith.constant 0 : i32
        %dma_start3A_359 = tpu.memref_slice %arg11[%dma_start3A_357, %dma_start3A_358] : memref<10240x16xf32, #tpu.memory_space<vmem_shared>> -> memref<10240x16xf32, #tpu.memory_space<vmem_shared>>
        tpu.enqueue_indirect_dma source(%dma_start3A_353 : memref<128x16xf32, #tpu.memory_space<vmem>>) target(%dma_start3A_359 : memref<10240x16xf32, #tpu.memory_space<vmem_shared>>) offsets(%dma_start3A_356 : memref<128xi32, #tpu.memory_space<vmem>>) semaphore(%run_scoped3A_350 : memref<!tpu.dma_semaphore, #tpu.memory_space<semaphore_mem>>) {add = true}
        %dma_wait3A_360 = arith.constant 0 : i32
        %dma_wait3A_361 = arith.constant 0 : i32
        %dma_wait3A_362 = tpu.memref_slice %arg18[%dma_wait3A_360, %dma_wait3A_361] : memref<512x16xf32, #tpu.memory_space<vmem>> -> memref<128x16xf32, #tpu.memory_space<vmem>>
        %dma_wait3A_363 = arith.constant 0 : i32
        %dma_wait3A_364 = tpu.memref_slice %arg14[%run_scoped3A_286, %dma_wait3A_363] : memref<4x128xi32, #tpu.memory_space<vmem>> -> memref<1x128xi32, #tpu.memory_space<vmem>>
        %dma_wait3A_365 = tpu.memref_squeeze %dma_wait3A_364 : memref<1x128xi32, #tpu.memory_space<vmem>> -> memref<128xi32, #tpu.memory_space<vmem>>
        %dma_wait3A_366 = arith.constant 0 : i32
        %dma_wait3A_367 = arith.constant 0 : i32
        %dma_wait3A_368 = tpu.memref_slice %arg11[%dma_wait3A_366, %dma_wait3A_367] : memref<10240x16xf32, #tpu.memory_space<vmem_shared>> -> memref<10240x16xf32, #tpu.memory_space<vmem_shared>>
        tpu.wait_indirect_dma semaphore(%run_scoped3A_350 : memref<!tpu.dma_semaphore, #tpu.memory_space<semaphore_mem>>) src(%dma_wait3A_362 : memref<128x16xf32, #tpu.memory_space<vmem>>) dst(%dma_wait3A_368 : memref<10240x16xf32, #tpu.memory_space<vmem_shared>>)
        tpu.yield
      }) : () -> ()
      %run_scoped3A_287 = arith.constant 1 : i32
      "tpu.region"() ({
        %run_scoped3A_350 = tpu.sem_alloc : memref<!tpu.dma_semaphore, #tpu.memory_space<semaphore_mem>>
        %dma_start3A_351 = arith.constant 128 : i32
        %dma_start3A_352 = arith.constant 0 : i32
        %dma_start3A_353 = tpu.memref_slice %arg18[%dma_start3A_351, %dma_start3A_352] : memref<512x16xf32, #tpu.memory_space<vmem>> -> memref<128x16xf32, #tpu.memory_space<vmem>>
        %dma_start3A_354 = arith.constant 0 : i32
        %dma_start3A_355 = tpu.memref_slice %arg14[%run_scoped3A_287, %dma_start3A_354] : memref<4x128xi32, #tpu.memory_space<vmem>> -> memref<1x128xi32, #tpu.memory_space<vmem>>
        %dma_start3A_356 = tpu.memref_squeeze %dma_start3A_355 : memref<1x128xi32, #tpu.memory_space<vmem>> -> memref<128xi32, #tpu.memory_space<vmem>>
        %dma_start3A_357 = arith.constant 0 : i32
        %dma_start3A_358 = arith.constant 0 : i32
        %dma_start3A_359 = tpu.memref_slice %arg11[%dma_start3A_357, %dma_start3A_358] : memref<10240x16xf32, #tpu.memory_space<vmem_shared>> -> memref<10240x16xf32, #tpu.memory_space<vmem_shared>>
        tpu.enqueue_indirect_dma source(%dma_start3A_353 : memref<128x16xf32, #tpu.memory_space<vmem>>) target(%dma_start3A_359 : memref<10240x16xf32, #tpu.memory_space<vmem_shared>>) offsets(%dma_start3A_356 : memref<128xi32, #tpu.memory_space<vmem>>) semaphore(%run_scoped3A_350 : memref<!tpu.dma_semaphore, #tpu.memory_space<semaphore_mem>>) {add = true}
        %dma_wait3A_360 = arith.constant 128 : i32
        %dma_wait3A_361 = arith.constant 0 : i32
        %dma_wait3A_362 = tpu.memref_slice %arg18[%dma_wait3A_360, %dma_wait3A_361] : memref<512x16xf32, #tpu.memory_space<vmem>> -> memref<128x16xf32, #tpu.memory_space<vmem>>
        %dma_wait3A_363 = arith.constant 0 : i32
        %dma_wait3A_364 = tpu.memref_slice %arg14[%run_scoped3A_287, %dma_wait3A_363] : memref<4x128xi32, #tpu.memory_space<vmem>> -> memref<1x128xi32, #tpu.memory_space<vmem>>
        %dma_wait3A_365 = tpu.memref_squeeze %dma_wait3A_364 : memref<1x128xi32, #tpu.memory_space<vmem>> -> memref<128xi32, #tpu.memory_space<vmem>>
        %dma_wait3A_366 = arith.constant 0 : i32
        %dma_wait3A_367 = arith.constant 0 : i32
        %dma_wait3A_368 = tpu.memref_slice %arg11[%dma_wait3A_366, %dma_wait3A_367] : memref<10240x16xf32, #tpu.memory_space<vmem_shared>> -> memref<10240x16xf32, #tpu.memory_space<vmem_shared>>
        tpu.wait_indirect_dma semaphore(%run_scoped3A_350 : memref<!tpu.dma_semaphore, #tpu.memory_space<semaphore_mem>>) src(%dma_wait3A_362 : memref<128x16xf32, #tpu.memory_space<vmem>>) dst(%dma_wait3A_368 : memref<10240x16xf32, #tpu.memory_space<vmem_shared>>)
        tpu.yield
      }) : () -> ()
      %run_scoped3A_288 = arith.constant 2 : i32
      "tpu.region"() ({
        %run_scoped3A_350 = tpu.sem_alloc : memref<!tpu.dma_semaphore, #tpu.memory_space<semaphore_mem>>
        %dma_start3A_351 = arith.constant 256 : i32
        %dma_start3A_352 = arith.constant 0 : i32
        %dma_start3A_353 = tpu.memref_slice %arg18[%dma_start3A_351, %dma_start3A_352] : memref<512x16xf32, #tpu.memory_space<vmem>> -> memref<128x16xf32, #tpu.memory_space<vmem>>
        %dma_start3A_354 = arith.constant 0 : i32
        %dma_start3A_355 = tpu.memref_slice %arg14[%run_scoped3A_288, %dma_start3A_354] : memref<4x128xi32, #tpu.memory_space<vmem>> -> memref<1x128xi32, #tpu.memory_space<vmem>>
        %dma_start3A_356 = tpu.memref_squeeze %dma_start3A_355 : memref<1x128xi32, #tpu.memory_space<vmem>> -> memref<128xi32, #tpu.memory_space<vmem>>
        %dma_start3A_357 = arith.constant 0 : i32
        %dma_start3A_358 = arith.constant 0 : i32
        %dma_start3A_359 = tpu.memref_slice %arg11[%dma_start3A_357, %dma_start3A_358] : memref<10240x16xf32, #tpu.memory_space<vmem_shared>> -> memref<10240x16xf32, #tpu.memory_space<vmem_shared>>
        tpu.enqueue_indirect_dma source(%dma_start3A_353 : memref<128x16xf32, #tpu.memory_space<vmem>>) target(%dma_start3A_359 : memref<10240x16xf32, #tpu.memory_space<vmem_shared>>) offsets(%dma_start3A_356 : memref<128xi32, #tpu.memory_space<vmem>>) semaphore(%run_scoped3A_350 : memref<!tpu.dma_semaphore, #tpu.memory_space<semaphore_mem>>) {add = true}
        %dma_wait3A_360 = arith.constant 256 : i32
        %dma_wait3A_361 = arith.constant 0 : i32
        %dma_wait3A_362 = tpu.memref_slice %arg18[%dma_wait3A_360, %dma_wait3A_361] : memref<512x16xf32, #tpu.memory_space<vmem>> -> memref<128x16xf32, #tpu.memory_space<vmem>>
        %dma_wait3A_363 = arith.constant 0 : i32
        %dma_wait3A_364 = tpu.memref_slice %arg14[%run_scoped3A_288, %dma_wait3A_363] : memref<4x128xi32, #tpu.memory_space<vmem>> -> memref<1x128xi32, #tpu.memory_space<vmem>>
        %dma_wait3A_365 = tpu.memref_squeeze %dma_wait3A_364 : memref<1x128xi32, #tpu.memory_space<vmem>> -> memref<128xi32, #tpu.memory_space<vmem>>
        %dma_wait3A_366 = arith.constant 0 : i32
        %dma_wait3A_367 = arith.constant 0 : i32
        %dma_wait3A_368 = tpu.memref_slice %arg11[%dma_wait3A_366, %dma_wait3A_367] : memref<10240x16xf32, #tpu.memory_space<vmem_shared>> -> memref<10240x16xf32, #tpu.memory_space<vmem_shared>>
        tpu.wait_indirect_dma semaphore(%run_scoped3A_350 : memref<!tpu.dma_semaphore, #tpu.memory_space<semaphore_mem>>) src(%dma_wait3A_362 : memref<128x16xf32, #tpu.memory_space<vmem>>) dst(%dma_wait3A_368 : memref<10240x16xf32, #tpu.memory_space<vmem_shared>>)
        tpu.yield
      }) : () -> ()
      %run_scoped3A_289 = arith.constant 3 : i32
      "tpu.region"() ({
        %run_scoped3A_350 = tpu.sem_alloc : memref<!tpu.dma_semaphore, #tpu.memory_space<semaphore_mem>>
        %dma_start3A_351 = arith.constant 384 : i32
        %dma_start3A_352 = arith.constant 0 : i32
        %dma_start3A_353 = tpu.memref_slice %arg18[%dma_start3A_351, %dma_start3A_352] : memref<512x16xf32, #tpu.memory_space<vmem>> -> memref<128x16xf32, #tpu.memory_space<vmem>>
        %dma_start3A_354 = arith.constant 0 : i32
        %dma_start3A_355 = tpu.memref_slice %arg14[%run_scoped3A_289, %dma_start3A_354] : memref<4x128xi32, #tpu.memory_space<vmem>> -> memref<1x128xi32, #tpu.memory_space<vmem>>
        %dma_start3A_356 = tpu.memref_squeeze %dma_start3A_355 : memref<1x128xi32, #tpu.memory_space<vmem>> -> memref<128xi32, #tpu.memory_space<vmem>>
        %dma_start3A_357 = arith.constant 0 : i32
        %dma_start3A_358 = arith.constant 0 : i32
        %dma_start3A_359 = tpu.memref_slice %arg11[%dma_start3A_357, %dma_start3A_358] : memref<10240x16xf32, #tpu.memory_space<vmem_shared>> -> memref<10240x16xf32, #tpu.memory_space<vmem_shared>>
        tpu.enqueue_indirect_dma source(%dma_start3A_353 : memref<128x16xf32, #tpu.memory_space<vmem>>) target(%dma_start3A_359 : memref<10240x16xf32, #tpu.memory_space<vmem_shared>>) offsets(%dma_start3A_356 : memref<128xi32, #tpu.memory_space<vmem>>) semaphore(%run_scoped3A_350 : memref<!tpu.dma_semaphore, #tpu.memory_space<semaphore_mem>>) {add = true}
        %dma_wait3A_360 = arith.constant 384 : i32
        %dma_wait3A_361 = arith.constant 0 : i32
        %dma_wait3A_362 = tpu.memref_slice %arg18[%dma_wait3A_360, %dma_wait3A_361] : memref<512x16xf32, #tpu.memory_space<vmem>> -> memref<128x16xf32, #tpu.memory_space<vmem>>
        %dma_wait3A_363 = arith.constant 0 : i32
        %dma_wait3A_364 = tpu.memref_slice %arg14[%run_scoped3A_289, %dma_wait3A_363] : memref<4x128xi32, #tpu.memory_space<vmem>> -> memref<1x128xi32, #tpu.memory_space<vmem>>
        %dma_wait3A_365 = tpu.memref_squeeze %dma_wait3A_364 : memref<1x128xi32, #tpu.memory_space<vmem>> -> memref<128xi32, #tpu.memory_space<vmem>>
        %dma_wait3A_366 = arith.constant 0 : i32
        %dma_wait3A_367 = arith.constant 0 : i32
        %dma_wait3A_368 = tpu.memref_slice %arg11[%dma_wait3A_366, %dma_wait3A_367] : memref<10240x16xf32, #tpu.memory_space<vmem_shared>> -> memref<10240x16xf32, #tpu.memory_space<vmem_shared>>
        tpu.wait_indirect_dma semaphore(%run_scoped3A_350 : memref<!tpu.dma_semaphore, #tpu.memory_space<semaphore_mem>>) src(%dma_wait3A_362 : memref<128x16xf32, #tpu.memory_space<vmem>>) dst(%dma_wait3A_368 : memref<10240x16xf32, #tpu.memory_space<vmem_shared>>)
        tpu.yield
      }) : () -> ()
      %add3A_290 = arith.constant 1 : i32
      %add3A_291 = arith.addi %scan3A_199, %add3A_290 : i32
      %min3A = arith.constant 19 : i32
      %min3A_292 = arith.minsi %add3A_291, %min3A : i32
      %mul3A_293 = arith.constant 16 : i32
      %mul3A_294 = arith.muli %min3A_292, %mul3A_293 : i32
      %add3A_295 = arith.addi %mul3A_102, %mul3A_294 : i32
      "tpu.region"() ({
        %run_scoped3A_350 = tpu.sem_alloc : memref<!tpu.dma_semaphore, #tpu.memory_space<semaphore_mem>>
        %dma_start3A_351 = arith.constant 0 : i32
        %dma_start3A_352 = tpu.memref_slice %arg2[%add3A_295, %dma_start3A_351] : memref<10240x32xi32, #tpu.memory_space<hbm>> -> memref<16x32xi32, #tpu.memory_space<hbm>>
        %dma_start3A_353 = arith.constant 0 : i32
        %dma_start3A_354 = tpu.memref_slice %arg2[%add3A_295, %dma_start3A_353] : memref<10240x32xi32, #tpu.memory_space<hbm>> -> memref<16x32xi32, #tpu.memory_space<hbm>>
        tpu.enqueue_dma source(%dma_start3A_354 : memref<16x32xi32, #tpu.memory_space<hbm>>) target(%arg12 : memref<16x32xi32, #tpu.memory_space<vmem>>) target_semaphore(%run_scoped3A_350 : memref<!tpu.dma_semaphore, #tpu.memory_space<semaphore_mem>>)
        %dma_wait3A_355 = arith.constant 0 : i32
        %dma_wait3A_356 = tpu.memref_slice %arg2[%add3A_295, %dma_wait3A_355] : memref<10240x32xi32, #tpu.memory_space<hbm>> -> memref<16x32xi32, #tpu.memory_space<hbm>>
        %dma_wait3A_357 = arith.constant 0 : i32
        %dma_wait3A_358 = tpu.memref_slice %arg2[%add3A_295, %dma_wait3A_357] : memref<10240x32xi32, #tpu.memory_space<hbm>> -> memref<16x32xi32, #tpu.memory_space<hbm>>
        tpu.wait_dma2 semaphore(%run_scoped3A_350 : memref<!tpu.dma_semaphore, #tpu.memory_space<semaphore_mem>>) src(%dma_wait3A_358 : memref<16x32xi32, #tpu.memory_space<hbm>>) dst(%arg12 : memref<16x32xi32, #tpu.memory_space<vmem>>)
        tpu.yield
      }) : () -> ()
      %mul3A_296 = arith.constant 16 : i32
      %mul3A_297 = arith.muli %min3A_292, %mul3A_296 : i32
      %add3A_298 = arith.addi %mul3A_102, %mul3A_297 : i32
      "tpu.region"() ({
        %run_scoped3A_350 = tpu.sem_alloc : memref<!tpu.dma_semaphore, #tpu.memory_space<semaphore_mem>>
        %dma_start3A_351 = arith.constant 0 : i32
        %dma_start3A_352 = tpu.memref_slice %arg3[%add3A_298, %dma_start3A_351] : memref<10240x32xi32, #tpu.memory_space<hbm>> -> memref<16x32xi32, #tpu.memory_space<hbm>>
        %dma_start3A_353 = arith.constant 0 : i32
        %dma_start3A_354 = tpu.memref_slice %arg3[%add3A_298, %dma_start3A_353] : memref<10240x32xi32, #tpu.memory_space<hbm>> -> memref<16x32xi32, #tpu.memory_space<hbm>>
        tpu.enqueue_dma source(%dma_start3A_354 : memref<16x32xi32, #tpu.memory_space<hbm>>) target(%arg13 : memref<16x32xi32, #tpu.memory_space<vmem>>) target_semaphore(%run_scoped3A_350 : memref<!tpu.dma_semaphore, #tpu.memory_space<semaphore_mem>>)
        %dma_wait3A_355 = arith.constant 0 : i32
        %dma_wait3A_356 = tpu.memref_slice %arg3[%add3A_298, %dma_wait3A_355] : memref<10240x32xi32, #tpu.memory_space<hbm>> -> memref<16x32xi32, #tpu.memory_space<hbm>>
        %dma_wait3A_357 = arith.constant 0 : i32
        %dma_wait3A_358 = tpu.memref_slice %arg3[%add3A_298, %dma_wait3A_357] : memref<10240x32xi32, #tpu.memory_space<hbm>> -> memref<16x32xi32, #tpu.memory_space<hbm>>
        tpu.wait_dma2 semaphore(%run_scoped3A_350 : memref<!tpu.dma_semaphore, #tpu.memory_space<semaphore_mem>>) src(%dma_wait3A_358 : memref<16x32xi32, #tpu.memory_space<hbm>>) dst(%arg13 : memref<16x32xi32, #tpu.memory_space<vmem>>)
        tpu.yield
      }) : () -> ()
      %mul3A_299 = arith.constant 16 : i32
      %mul3A_300 = arith.muli %min3A_292, %mul3A_299 : i32
      %add3A_301 = arith.addi %mul3A_102, %mul3A_300 : i32
      %mul3A_302 = arith.constant 32 : i32
      %mul3A_303 = arith.muli %add3A_301, %mul3A_302 : i32
      %jit3A_304 = arith.constant 128 : i32
      %div3A_305 = arith.divsi %mul3A_303, %jit3A_304 : i32
      %sign3A_306 = arith.constant 0 : i32
      %sign3A_307 = arith.cmpi sgt, %mul3A_303, %sign3A_306 : i32
      %sign3A_308 = arith.extui %sign3A_307 : i1 to i32
      %sign3A_309 = arith.constant 0 : i32
      %sign3A_310 = arith.cmpi slt, %mul3A_303, %sign3A_309 : i32
      %sign3A_311 = arith.extui %sign3A_310 : i1 to i32
      %sign3A_312 = arith.subi %sign3A_308, %sign3A_311 : i32
      %sign3A_313 = arith.constant 0 : i32
      %sign3A_314 = arith.cmpi sgt, %jit3A_304, %sign3A_313 : i32
      %sign3A_315 = arith.extui %sign3A_314 : i1 to i32
      %sign3A_316 = arith.constant 0 : i32
      %sign3A_317 = arith.cmpi slt, %jit3A_304, %sign3A_316 : i32
      %sign3A_318 = arith.extui %sign3A_317 : i1 to i32
      %sign3A_319 = arith.subi %sign3A_315, %sign3A_318 : i32
      %ne3A_320 = arith.cmpi ne, %sign3A_312, %sign3A_319 : i32
      %rem3A_321 = arith.remsi %mul3A_303, %jit3A_304 : i32
      %ne3A_322 = arith.constant 0 : i32
      %ne3A_323 = arith.cmpi ne, %rem3A_321, %ne3A_322 : i32
      %and3A_324 = arith.andi %ne3A_320, %ne3A_323 : i1
      %sub3A_325 = arith.constant 1 : i32
      %sub3A_326 = arith.subi %div3A_305, %sub3A_325 : i32
      %select_n3A_327 = arith.select %and3A_324, %sub3A_326, %div3A_305 : i32
      "tpu.region"() ({
        %run_scoped3A_350 = tpu.sem_alloc : memref<!tpu.dma_semaphore, #tpu.memory_space<semaphore_mem>>
        %dma_start3A_351 = arith.constant 0 : i32
        %dma_start3A_352 = tpu.memref_slice %arg4[%select_n3A_327, %dma_start3A_351] : memref<2560x128xi32, #tpu.memory_space<hbm>> -> memref<4x128xi32, #tpu.memory_space<hbm>>
        %dma_start3A_353 = arith.constant 0 : i32
        %dma_start3A_354 = tpu.memref_slice %arg4[%select_n3A_327, %dma_start3A_353] : memref<2560x128xi32, #tpu.memory_space<hbm>> -> memref<4x128xi32, #tpu.memory_space<hbm>>
        tpu.enqueue_dma source(%dma_start3A_354 : memref<4x128xi32, #tpu.memory_space<hbm>>) target(%arg14 : memref<4x128xi32, #tpu.memory_space<vmem>>) target_semaphore(%run_scoped3A_350 : memref<!tpu.dma_semaphore, #tpu.memory_space<semaphore_mem>>)
        %dma_wait3A_355 = arith.constant 0 : i32
        %dma_wait3A_356 = tpu.memref_slice %arg4[%select_n3A_327, %dma_wait3A_355] : memref<2560x128xi32, #tpu.memory_space<hbm>> -> memref<4x128xi32, #tpu.memory_space<hbm>>
        %dma_wait3A_357 = arith.constant 0 : i32
        %dma_wait3A_358 = tpu.memref_slice %arg4[%select_n3A_327, %dma_wait3A_357] : memref<2560x128xi32, #tpu.memory_space<hbm>> -> memref<4x128xi32, #tpu.memory_space<hbm>>
        tpu.wait_dma2 semaphore(%run_scoped3A_350 : memref<!tpu.dma_semaphore, #tpu.memory_space<semaphore_mem>>) src(%dma_wait3A_358 : memref<4x128xi32, #tpu.memory_space<hbm>>) dst(%arg14 : memref<4x128xi32, #tpu.memory_space<vmem>>)
        tpu.yield
      }) : () -> ()
      %dma_start3A_328 = arith.constant 0 : i32
      %dma_start3A_329 = arith.constant 0 : i32
      %dma_start3A_330 = tpu.memref_slice %arg13[%dma_start3A_328, %dma_start3A_329] : memref<16x32xi32, #tpu.memory_space<vmem>> -> memref<1x32xi32, #tpu.memory_space<vmem>>
      %dma_start3A_331 = tpu.memref_squeeze %dma_start3A_330 : memref<1x32xi32, #tpu.memory_space<vmem>> -> memref<32xi32, #tpu.memory_space<vmem>>
      %dma_start3A_332 = arith.constant 0 : i32
      %dma_start3A_333 = arith.constant 0 : i32
      %dma_start3A_334 = tpu.memref_slice %arg5[%dma_start3A_332, %dma_start3A_333] : memref<10240x128xf32, #tpu.memory_space<hbm>> -> memref<10240x128xf32, #tpu.memory_space<hbm>>
      tpu.enqueue_indirect_dma source(%dma_start3A_334 : memref<10240x128xf32, #tpu.memory_space<hbm>>) target(%arg15 : memref<32x128xf32, #tpu.memory_space<vmem>>) offsets(%dma_start3A_331 : memref<32xi32, #tpu.memory_space<vmem>>) semaphore(%arg22 : memref<!tpu.dma_semaphore, #tpu.memory_space<semaphore_mem>>)
      %dma_start3A_335 = arith.constant 0 : i32
      %dma_start3A_336 = arith.constant 0 : i32
      %dma_start3A_337 = tpu.memref_slice %arg12[%dma_start3A_335, %dma_start3A_336] : memref<16x32xi32, #tpu.memory_space<vmem>> -> memref<1x32xi32, #tpu.memory_space<vmem>>
      %dma_start3A_338 = tpu.memref_squeeze %dma_start3A_337 : memref<1x32xi32, #tpu.memory_space<vmem>> -> memref<32xi32, #tpu.memory_space<vmem>>
      %dma_start3A_339 = arith.constant 0 : i32
      %dma_start3A_340 = arith.constant 0 : i32
      %dma_start3A_341 = tpu.memref_slice %arg6[%dma_start3A_339, %dma_start3A_340] : memref<10240x128xf32, #tpu.memory_space<hbm>> -> memref<10240x128xf32, #tpu.memory_space<hbm>>
      tpu.enqueue_indirect_dma source(%dma_start3A_341 : memref<10240x128xf32, #tpu.memory_space<hbm>>) target(%arg16 : memref<32x128xf32, #tpu.memory_space<vmem>>) offsets(%dma_start3A_338 : memref<32xi32, #tpu.memory_space<vmem>>) semaphore(%arg22 : memref<!tpu.dma_semaphore, #tpu.memory_space<semaphore_mem>>)
      %dma_start3A_342 = arith.constant 0 : i32
      %dma_start3A_343 = arith.constant 0 : i32
      %dma_start3A_344 = tpu.memref_slice %arg12[%dma_start3A_342, %dma_start3A_343] : memref<16x32xi32, #tpu.memory_space<vmem>> -> memref<1x32xi32, #tpu.memory_space<vmem>>
      %dma_start3A_345 = tpu.memref_squeeze %dma_start3A_344 : memref<1x32xi32, #tpu.memory_space<vmem>> -> memref<32xi32, #tpu.memory_space<vmem>>
      %dma_start3A_346 = arith.constant 0 : i32
      %dma_start3A_347 = arith.constant 0 : i32
      %dma_start3A_348 = tpu.memref_slice %arg7[%dma_start3A_346, %dma_start3A_347] : memref<10240x128xf32, #tpu.memory_space<hbm>> -> memref<10240x128xf32, #tpu.memory_space<hbm>>
      tpu.enqueue_indirect_dma source(%dma_start3A_348 : memref<10240x128xf32, #tpu.memory_space<hbm>>) target(%arg17 : memref<32x128xf32, #tpu.memory_space<vmem>>) offsets(%dma_start3A_345 : memref<32xi32, #tpu.memory_space<vmem>>) semaphore(%arg22 : memref<!tpu.dma_semaphore, #tpu.memory_space<semaphore_mem>>)
      %scan3A_349 = arith.constant 0 : i32
      scf.yield %scan3A_349 : i32
    }
    %scan3A_153 = arith.constant 20 : i32
    %dma_wait3A = arith.constant 0 : i32
    %dma_wait3A_154 = arith.constant 0 : i32
    %dma_wait3A_155 = tpu.memref_slice %arg13[%dma_wait3A, %dma_wait3A_154] : memref<16x32xi32, #tpu.memory_space<vmem>> -> memref<1x32xi32, #tpu.memory_space<vmem>>
    %dma_wait3A_156 = tpu.memref_squeeze %dma_wait3A_155 : memref<1x32xi32, #tpu.memory_space<vmem>> -> memref<32xi32, #tpu.memory_space<vmem>>
    %dma_wait3A_157 = arith.constant 0 : i32
    %dma_wait3A_158 = arith.constant 0 : i32
    %dma_wait3A_159 = tpu.memref_slice %arg5[%dma_wait3A_157, %dma_wait3A_158] : memref<10240x128xf32, #tpu.memory_space<hbm>> -> memref<10240x128xf32, #tpu.memory_space<hbm>>
    tpu.wait_indirect_dma semaphore(%arg22 : memref<!tpu.dma_semaphore, #tpu.memory_space<semaphore_mem>>) src(%dma_wait3A_159 : memref<10240x128xf32, #tpu.memory_space<hbm>>) dst(%arg15 : memref<32x128xf32, #tpu.memory_space<vmem>>)
    %dma_wait3A_160 = arith.constant 0 : i32
    %dma_wait3A_161 = arith.constant 0 : i32
    %dma_wait3A_162 = tpu.memref_slice %arg12[%dma_wait3A_160, %dma_wait3A_161] : memref<16x32xi32, #tpu.memory_space<vmem>> -> memref<1x32xi32, #tpu.memory_space<vmem>>
    %dma_wait3A_163 = tpu.memref_squeeze %dma_wait3A_162 : memref<1x32xi32, #tpu.memory_space<vmem>> -> memref<32xi32, #tpu.memory_space<vmem>>
    %dma_wait3A_164 = arith.constant 0 : i32
    %dma_wait3A_165 = arith.constant 0 : i32
    %dma_wait3A_166 = tpu.memref_slice %arg6[%dma_wait3A_164, %dma_wait3A_165] : memref<10240x128xf32, #tpu.memory_space<hbm>> -> memref<10240x128xf32, #tpu.memory_space<hbm>>
    tpu.wait_indirect_dma semaphore(%arg22 : memref<!tpu.dma_semaphore, #tpu.memory_space<semaphore_mem>>) src(%dma_wait3A_166 : memref<10240x128xf32, #tpu.memory_space<hbm>>) dst(%arg16 : memref<32x128xf32, #tpu.memory_space<vmem>>)
    %dma_wait3A_167 = arith.constant 0 : i32
    %dma_wait3A_168 = arith.constant 0 : i32
    %dma_wait3A_169 = tpu.memref_slice %arg12[%dma_wait3A_167, %dma_wait3A_168] : memref<16x32xi32, #tpu.memory_space<vmem>> -> memref<1x32xi32, #tpu.memory_space<vmem>>
    %dma_wait3A_170 = tpu.memref_squeeze %dma_wait3A_169 : memref<1x32xi32, #tpu.memory_space<vmem>> -> memref<32xi32, #tpu.memory_space<vmem>>
    %dma_wait3A_171 = arith.constant 0 : i32
    %dma_wait3A_172 = arith.constant 0 : i32
    %dma_wait3A_173 = tpu.memref_slice %arg7[%dma_wait3A_171, %dma_wait3A_172] : memref<10240x128xf32, #tpu.memory_space<hbm>> -> memref<10240x128xf32, #tpu.memory_space<hbm>>
    tpu.wait_indirect_dma semaphore(%arg22 : memref<!tpu.dma_semaphore, #tpu.memory_space<semaphore_mem>>) src(%dma_wait3A_173 : memref<10240x128xf32, #tpu.memory_space<hbm>>) dst(%arg17 : memref<32x128xf32, #tpu.memory_space<vmem>>)
    %barrier3A_174 = arith.constant 0 : index
    tpu.barrier barrier_id(%barrier3A_174)
    %mul3A_175 = arith.constant 640 : i32
    %mul3A_176 = arith.muli %arg1, %mul3A_175 : i32
    %add3A_177 = arith.constant 0 : i32
    %add3A_178 = arith.addi %mul3A_176, %add3A_177 : i32
    "tpu.region"() ({
      %run_scoped3A = tpu.sem_alloc : memref<!tpu.dma_semaphore, #tpu.memory_space<semaphore_mem>>
      %dma_start3A_199 = arith.constant 0 : i32
      %dma_start3A_200 = tpu.memref_slice %arg8[%arg0, %add3A_178, %dma_start3A_199] : memref<2x10240x128xf32, #tpu.memory_space<hbm>> -> memref<1x128x128xf32, #tpu.memory_space<hbm>>
      %dma_start3A_201 = tpu.memref_squeeze %dma_start3A_200 : memref<1x128x128xf32, #tpu.memory_space<hbm>> -> memref<128x128xf32, #tpu.memory_space<hbm>>
      %dma_start3A_202 = arith.constant 0 : i32
      %dma_start3A_203 = tpu.memref_slice %arg10[%add3A_178, %dma_start3A_202] : memref<10240x128xf32, #tpu.memory_space<vmem_shared>> -> memref<128x128xf32, #tpu.memory_space<vmem_shared>>
      tpu.enqueue_dma source(%dma_start3A_203 : memref<128x128xf32, #tpu.memory_space<vmem_shared>>) target(%dma_start3A_201 : memref<128x128xf32, #tpu.memory_space<hbm>>) target_semaphore(%run_scoped3A : memref<!tpu.dma_semaphore, #tpu.memory_space<semaphore_mem>>)
      %dma_wait3A_204 = arith.constant 0 : i32
      %dma_wait3A_205 = tpu.memref_slice %arg8[%arg0, %add3A_178, %dma_wait3A_204] : memref<2x10240x128xf32, #tpu.memory_space<hbm>> -> memref<1x128x128xf32, #tpu.memory_space<hbm>>
      %dma_wait3A_206 = tpu.memref_squeeze %dma_wait3A_205 : memref<1x128x128xf32, #tpu.memory_space<hbm>> -> memref<128x128xf32, #tpu.memory_space<hbm>>
      %dma_wait3A_207 = arith.constant 0 : i32
      %dma_wait3A_208 = tpu.memref_slice %arg10[%add3A_178, %dma_wait3A_207] : memref<10240x128xf32, #tpu.memory_space<vmem_shared>> -> memref<128x128xf32, #tpu.memory_space<vmem_shared>>
      tpu.wait_dma2 semaphore(%run_scoped3A : memref<!tpu.dma_semaphore, #tpu.memory_space<semaphore_mem>>) src(%dma_wait3A_208 : memref<128x128xf32, #tpu.memory_space<vmem_shared>>) dst(%dma_wait3A_206 : memref<128x128xf32, #tpu.memory_space<hbm>>)
      tpu.yield
    }) : () -> ()
    %mul3A_179 = arith.constant 640 : i32
    %mul3A_180 = arith.muli %arg1, %mul3A_179 : i32
    %add3A_181 = arith.constant 128 : i32
    %add3A_182 = arith.addi %mul3A_180, %add3A_181 : i32
    "tpu.region"() ({
      %run_scoped3A = tpu.sem_alloc : memref<!tpu.dma_semaphore, #tpu.memory_space<semaphore_mem>>
      %dma_start3A_199 = arith.constant 0 : i32
      %dma_start3A_200 = tpu.memref_slice %arg8[%arg0, %add3A_182, %dma_start3A_199] : memref<2x10240x128xf32, #tpu.memory_space<hbm>> -> memref<1x128x128xf32, #tpu.memory_space<hbm>>
      %dma_start3A_201 = tpu.memref_squeeze %dma_start3A_200 : memref<1x128x128xf32, #tpu.memory_space<hbm>> -> memref<128x128xf32, #tpu.memory_space<hbm>>
      %dma_start3A_202 = arith.constant 0 : i32
      %dma_start3A_203 = tpu.memref_slice %arg10[%add3A_182, %dma_start3A_202] : memref<10240x128xf32, #tpu.memory_space<vmem_shared>> -> memref<128x128xf32, #tpu.memory_space<vmem_shared>>
      tpu.enqueue_dma source(%dma_start3A_203 : memref<128x128xf32, #tpu.memory_space<vmem_shared>>) target(%dma_start3A_201 : memref<128x128xf32, #tpu.memory_space<hbm>>) target_semaphore(%run_scoped3A : memref<!tpu.dma_semaphore, #tpu.memory_space<semaphore_mem>>)
      %dma_wait3A_204 = arith.constant 0 : i32
      %dma_wait3A_205 = tpu.memref_slice %arg8[%arg0, %add3A_182, %dma_wait3A_204] : memref<2x10240x128xf32, #tpu.memory_space<hbm>> -> memref<1x128x128xf32, #tpu.memory_space<hbm>>
      %dma_wait3A_206 = tpu.memref_squeeze %dma_wait3A_205 : memref<1x128x128xf32, #tpu.memory_space<hbm>> -> memref<128x128xf32, #tpu.memory_space<hbm>>
      %dma_wait3A_207 = arith.constant 0 : i32
      %dma_wait3A_208 = tpu.memref_slice %arg10[%add3A_182, %dma_wait3A_207] : memref<10240x128xf32, #tpu.memory_space<vmem_shared>> -> memref<128x128xf32, #tpu.memory_space<vmem_shared>>
      tpu.wait_dma2 semaphore(%run_scoped3A : memref<!tpu.dma_semaphore, #tpu.memory_space<semaphore_mem>>) src(%dma_wait3A_208 : memref<128x128xf32, #tpu.memory_space<vmem_shared>>) dst(%dma_wait3A_206 : memref<128x128xf32, #tpu.memory_space<hbm>>)
      tpu.yield
    }) : () -> ()
    %mul3A_183 = arith.constant 640 : i32
    %mul3A_184 = arith.muli %arg1, %mul3A_183 : i32
    %add3A_185 = arith.constant 256 : i32
    %add3A_186 = arith.addi %mul3A_184, %add3A_185 : i32
    "tpu.region"() ({
      %run_scoped3A = tpu.sem_alloc : memref<!tpu.dma_semaphore, #tpu.memory_space<semaphore_mem>>
      %dma_start3A_199 = arith.constant 0 : i32
      %dma_start3A_200 = tpu.memref_slice %arg8[%arg0, %add3A_186, %dma_start3A_199] : memref<2x10240x128xf32, #tpu.memory_space<hbm>> -> memref<1x128x128xf32, #tpu.memory_space<hbm>>
      %dma_start3A_201 = tpu.memref_squeeze %dma_start3A_200 : memref<1x128x128xf32, #tpu.memory_space<hbm>> -> memref<128x128xf32, #tpu.memory_space<hbm>>
      %dma_start3A_202 = arith.constant 0 : i32
      %dma_start3A_203 = tpu.memref_slice %arg10[%add3A_186, %dma_start3A_202] : memref<10240x128xf32, #tpu.memory_space<vmem_shared>> -> memref<128x128xf32, #tpu.memory_space<vmem_shared>>
      tpu.enqueue_dma source(%dma_start3A_203 : memref<128x128xf32, #tpu.memory_space<vmem_shared>>) target(%dma_start3A_201 : memref<128x128xf32, #tpu.memory_space<hbm>>) target_semaphore(%run_scoped3A : memref<!tpu.dma_semaphore, #tpu.memory_space<semaphore_mem>>)
      %dma_wait3A_204 = arith.constant 0 : i32
      %dma_wait3A_205 = tpu.memref_slice %arg8[%arg0, %add3A_186, %dma_wait3A_204] : memref<2x10240x128xf32, #tpu.memory_space<hbm>> -> memref<1x128x128xf32, #tpu.memory_space<hbm>>
      %dma_wait3A_206 = tpu.memref_squeeze %dma_wait3A_205 : memref<1x128x128xf32, #tpu.memory_space<hbm>> -> memref<128x128xf32, #tpu.memory_space<hbm>>
      %dma_wait3A_207 = arith.constant 0 : i32
      %dma_wait3A_208 = tpu.memref_slice %arg10[%add3A_186, %dma_wait3A_207] : memref<10240x128xf32, #tpu.memory_space<vmem_shared>> -> memref<128x128xf32, #tpu.memory_space<vmem_shared>>
      tpu.wait_dma2 semaphore(%run_scoped3A : memref<!tpu.dma_semaphore, #tpu.memory_space<semaphore_mem>>) src(%dma_wait3A_208 : memref<128x128xf32, #tpu.memory_space<vmem_shared>>) dst(%dma_wait3A_206 : memref<128x128xf32, #tpu.memory_space<hbm>>)
      tpu.yield
    }) : () -> ()
    %mul3A_187 = arith.constant 640 : i32
    %mul3A_188 = arith.muli %arg1, %mul3A_187 : i32
    %add3A_189 = arith.constant 384 : i32
    %add3A_190 = arith.addi %mul3A_188, %add3A_189 : i32
    "tpu.region"() ({
      %run_scoped3A = tpu.sem_alloc : memref<!tpu.dma_semaphore, #tpu.memory_space<semaphore_mem>>
      %dma_start3A_199 = arith.constant 0 : i32
      %dma_start3A_200 = tpu.memref_slice %arg8[%arg0, %add3A_190, %dma_start3A_199] : memref<2x10240x128xf32, #tpu.memory_space<hbm>> -> memref<1x128x128xf32, #tpu.memory_space<hbm>>
      %dma_start3A_201 = tpu.memref_squeeze %dma_start3A_200 : memref<1x128x128xf32, #tpu.memory_space<hbm>> -> memref<128x128xf32, #tpu.memory_space<hbm>>
      %dma_start3A_202 = arith.constant 0 : i32
      %dma_start3A_203 = tpu.memref_slice %arg10[%add3A_190, %dma_start3A_202] : memref<10240x128xf32, #tpu.memory_space<vmem_shared>> -> memref<128x128xf32, #tpu.memory_space<vmem_shared>>
      tpu.enqueue_dma source(%dma_start3A_203 : memref<128x128xf32, #tpu.memory_space<vmem_shared>>) target(%dma_start3A_201 : memref<128x128xf32, #tpu.memory_space<hbm>>) target_semaphore(%run_scoped3A : memref<!tpu.dma_semaphore, #tpu.memory_space<semaphore_mem>>)
      %dma_wait3A_204 = arith.constant 0 : i32
      %dma_wait3A_205 = tpu.memref_slice %arg8[%arg0, %add3A_190, %dma_wait3A_204] : memref<2x10240x128xf32, #tpu.memory_space<hbm>> -> memref<1x128x128xf32, #tpu.memory_space<hbm>>
      %dma_wait3A_206 = tpu.memref_squeeze %dma_wait3A_205 : memref<1x128x128xf32, #tpu.memory_space<hbm>> -> memref<128x128xf32, #tpu.memory_space<hbm>>
      %dma_wait3A_207 = arith.constant 0 : i32
      %dma_wait3A_208 = tpu.memref_slice %arg10[%add3A_190, %dma_wait3A_207] : memref<10240x128xf32, #tpu.memory_space<vmem_shared>> -> memref<128x128xf32, #tpu.memory_space<vmem_shared>>
      tpu.wait_dma2 semaphore(%run_scoped3A : memref<!tpu.dma_semaphore, #tpu.memory_space<semaphore_mem>>) src(%dma_wait3A_208 : memref<128x128xf32, #tpu.memory_space<vmem_shared>>) dst(%dma_wait3A_206 : memref<128x128xf32, #tpu.memory_space<hbm>>)
      tpu.yield
    }) : () -> ()
    %mul3A_191 = arith.constant 640 : i32
    %mul3A_192 = arith.muli %arg1, %mul3A_191 : i32
    %add3A_193 = arith.constant 512 : i32
    %add3A_194 = arith.addi %mul3A_192, %add3A_193 : i32
    "tpu.region"() ({
      %run_scoped3A = tpu.sem_alloc : memref<!tpu.dma_semaphore, #tpu.memory_space<semaphore_mem>>
      %dma_start3A_199 = arith.constant 0 : i32
      %dma_start3A_200 = tpu.memref_slice %arg8[%arg0, %add3A_194, %dma_start3A_199] : memref<2x10240x128xf32, #tpu.memory_space<hbm>> -> memref<1x128x128xf32, #tpu.memory_space<hbm>>
      %dma_start3A_201 = tpu.memref_squeeze %dma_start3A_200 : memref<1x128x128xf32, #tpu.memory_space<hbm>> -> memref<128x128xf32, #tpu.memory_space<hbm>>
      %dma_start3A_202 = arith.constant 0 : i32
      %dma_start3A_203 = tpu.memref_slice %arg10[%add3A_194, %dma_start3A_202] : memref<10240x128xf32, #tpu.memory_space<vmem_shared>> -> memref<128x128xf32, #tpu.memory_space<vmem_shared>>
      tpu.enqueue_dma source(%dma_start3A_203 : memref<128x128xf32, #tpu.memory_space<vmem_shared>>) target(%dma_start3A_201 : memref<128x128xf32, #tpu.memory_space<hbm>>) target_semaphore(%run_scoped3A : memref<!tpu.dma_semaphore, #tpu.memory_space<semaphore_mem>>)
      %dma_wait3A_204 = arith.constant 0 : i32
      %dma_wait3A_205 = tpu.memref_slice %arg8[%arg0, %add3A_194, %dma_wait3A_204] : memref<2x10240x128xf32, #tpu.memory_space<hbm>> -> memref<1x128x128xf32, #tpu.memory_space<hbm>>
      %dma_wait3A_206 = tpu.memref_squeeze %dma_wait3A_205 : memref<1x128x128xf32, #tpu.memory_space<hbm>> -> memref<128x128xf32, #tpu.memory_space<hbm>>
      %dma_wait3A_207 = arith.constant 0 : i32
      %dma_wait3A_208 = tpu.memref_slice %arg10[%add3A_194, %dma_wait3A_207] : memref<10240x128xf32, #tpu.memory_space<vmem_shared>> -> memref<128x128xf32, #tpu.memory_space<vmem_shared>>
      tpu.wait_dma2 semaphore(%run_scoped3A : memref<!tpu.dma_semaphore, #tpu.memory_space<semaphore_mem>>) src(%dma_wait3A_208 : memref<128x128xf32, #tpu.memory_space<vmem_shared>>) dst(%dma_wait3A_206 : memref<128x128xf32, #tpu.memory_space<hbm>>)
      tpu.yield
    }) : () -> ()
    %mul3A_195 = arith.constant 640 : i32
    %mul3A_196 = arith.muli %arg1, %mul3A_195 : i32
    %mul3A_197 = arith.constant 640 : i32
    %mul3A_198 = arith.muli %arg1, %mul3A_197 : i32
    "tpu.region"() ({
      %run_scoped3A = tpu.sem_alloc : memref<!tpu.dma_semaphore, #tpu.memory_space<semaphore_mem>>
      %dma_start3A_199 = arith.constant 0 : i32
      %dma_start3A_200 = tpu.memref_slice %arg9[%arg0, %mul3A_198, %dma_start3A_199] : memref<2x10240x16xf32, #tpu.memory_space<hbm>> -> memref<1x640x16xf32, #tpu.memory_space<hbm>>
      %dma_start3A_201 = tpu.memref_squeeze %dma_start3A_200 : memref<1x640x16xf32, #tpu.memory_space<hbm>> -> memref<640x16xf32, #tpu.memory_space<hbm>>
      %dma_start3A_202 = arith.constant 0 : i32
      %dma_start3A_203 = tpu.memref_slice %arg11[%mul3A_196, %dma_start3A_202] : memref<10240x16xf32, #tpu.memory_space<vmem_shared>> -> memref<640x16xf32, #tpu.memory_space<vmem_shared>>
      tpu.enqueue_dma source(%dma_start3A_203 : memref<640x16xf32, #tpu.memory_space<vmem_shared>>) target(%dma_start3A_201 : memref<640x16xf32, #tpu.memory_space<hbm>>) target_semaphore(%run_scoped3A : memref<!tpu.dma_semaphore, #tpu.memory_space<semaphore_mem>>)
      %dma_wait3A_204 = arith.constant 0 : i32
      %dma_wait3A_205 = tpu.memref_slice %arg9[%arg0, %mul3A_198, %dma_wait3A_204] : memref<2x10240x16xf32, #tpu.memory_space<hbm>> -> memref<1x640x16xf32, #tpu.memory_space<hbm>>
      %dma_wait3A_206 = tpu.memref_squeeze %dma_wait3A_205 : memref<1x640x16xf32, #tpu.memory_space<hbm>> -> memref<640x16xf32, #tpu.memory_space<hbm>>
      %dma_wait3A_207 = arith.constant 0 : i32
      %dma_wait3A_208 = tpu.memref_slice %arg11[%mul3A_196, %dma_wait3A_207] : memref<10240x16xf32, #tpu.memory_space<vmem_shared>> -> memref<640x16xf32, #tpu.memory_space<vmem_shared>>
      tpu.wait_dma2 semaphore(%run_scoped3A : memref<!tpu.dma_semaphore, #tpu.memory_space<semaphore_mem>>) src(%dma_wait3A_208 : memref<640x16xf32, #tpu.memory_space<vmem_shared>>) dst(%dma_wait3A_206 : memref<640x16xf32, #tpu.memory_space<hbm>>)
      tpu.yield
    }) : () -> ()
    return
  }
}

#map = affine_map<(d0, d1) -> (0, 0)>
module attributes {stable_mosaic.version = 14 : i64} {
  func.func @_sc_degree(%arg0: i32, %arg1: i32, %arg2: memref<2560x128xi32, #tpu.memory_space<hbm>>, %arg3: memref<32x10240xf32, #tpu.memory_space<hbm>>, %arg4: memref<10240xf32, #tpu.memory_space<vmem>>, %arg5: memref<80x128xi32, #tpu.memory_space<vmem>>) attributes {dimension_semantics = [#tpu.dimension_semantics<core_parallel>, #tpu.dimension_semantics<subcore_parallel>], iteration_bounds = array<i64: 2, 16>, scalar_prefetch = 0 : i64, scratch_operands = 2 : i64, tpu.core_type = #tpu.core_type<sc_vector_subcore>, window_params = [{transform_indices = #map}, {transform_indices = #map}]} {
    %mul3A = arith.constant 16 : i32
    %mul3A_0 = arith.muli %arg0, %mul3A : i32
    %add3A = arith.addi %mul3A_0, %arg1 : i32
    %broadcast_in_dim3A = arith.constant 0.000000e+00 : f32
    %broadcast_in_dim3A_1 = vector.broadcast %broadcast_in_dim3A : f32 to vector<16xf32>
    %scan3A = arith.constant 0 : i32
    %scan3A_2 = arith.constant 0 : i32
    %scan3A_3 = arith.constant 640 : i32
    %scan3A_4 = arith.addi %scan3A_2, %scan3A_3 : i32
    %scan3A_5 = arith.constant 1 : i32
    %scan3A_6 = scf.for %scan3A_19 = %scan3A_2 to %scan3A_4 step %scan3A_5 iter_args(%scan3A_20 = %scan3A) -> (i32)  : i32 {
      %mul3A_21 = arith.constant 16 : i32
      %mul3A_22 = arith.muli %scan3A_19, %mul3A_21 : i32
      %swap3A = arith.index_cast %mul3A_22 : i32 to index
      %swap3A_23 = tpu.vector_load %arg4[%swap3A] {strides = array<i32>} : memref<10240xf32, #tpu.memory_space<vmem>>, vector<16xf32>,
      tpu.vector_store %arg4[%swap3A], %broadcast_in_dim3A_1 {strides = array<i32>} : memref<10240xf32, #tpu.memory_space<vmem>>, vector<16xf32>,
      %scan3A_24 = arith.constant 0 : i32
      scf.yield %scan3A_24 : i32
    }
    %scan3A_7 = arith.constant 640 : i32
    %mul3A_8 = arith.constant 80 : i32
    %mul3A_9 = arith.muli %add3A, %mul3A_8 : i32
    "tpu.region"() ({
      %run_scoped3A = tpu.sem_alloc : memref<!tpu.dma_semaphore, #tpu.memory_space<semaphore_mem>>
      %dma_start3A = arith.constant 0 : i32
      %dma_start3A_19 = tpu.memref_slice %arg2[%mul3A_9, %dma_start3A] : memref<2560x128xi32, #tpu.memory_space<hbm>> -> memref<80x128xi32, #tpu.memory_space<hbm>>
      %dma_start3A_20 = arith.constant 0 : i32
      %dma_start3A_21 = tpu.memref_slice %arg2[%mul3A_9, %dma_start3A_20] : memref<2560x128xi32, #tpu.memory_space<hbm>> -> memref<80x128xi32, #tpu.memory_space<hbm>>
      tpu.enqueue_dma source(%dma_start3A_21 : memref<80x128xi32, #tpu.memory_space<hbm>>) target(%arg5 : memref<80x128xi32, #tpu.memory_space<vmem>>) target_semaphore(%run_scoped3A : memref<!tpu.dma_semaphore, #tpu.memory_space<semaphore_mem>>)
      %dma_wait3A = arith.constant 0 : i32
      %dma_wait3A_22 = tpu.memref_slice %arg2[%mul3A_9, %dma_wait3A] : memref<2560x128xi32, #tpu.memory_space<hbm>> -> memref<80x128xi32, #tpu.memory_space<hbm>>
      %dma_wait3A_23 = arith.constant 0 : i32
      %dma_wait3A_24 = tpu.memref_slice %arg2[%mul3A_9, %dma_wait3A_23] : memref<2560x128xi32, #tpu.memory_space<hbm>> -> memref<80x128xi32, #tpu.memory_space<hbm>>
      tpu.wait_dma2 semaphore(%run_scoped3A : memref<!tpu.dma_semaphore, #tpu.memory_space<semaphore_mem>>) src(%dma_wait3A_24 : memref<80x128xi32, #tpu.memory_space<hbm>>) dst(%arg5 : memref<80x128xi32, #tpu.memory_space<vmem>>)
      tpu.yield
    }) : () -> ()
    %broadcast_in_dim3A_10 = arith.constant 1.000000e+00 : f32
    %broadcast_in_dim3A_11 = vector.broadcast %broadcast_in_dim3A_10 : f32 to vector<16xf32>
    %scan3A_12 = arith.constant 0 : i32
    %scan3A_13 = arith.constant 0 : i32
    %scan3A_14 = arith.constant 640 : i32
    %scan3A_15 = arith.addi %scan3A_13, %scan3A_14 : i32
    %scan3A_16 = arith.constant 1 : i32
    %scan3A_17 = scf.for %scan3A_19 = %scan3A_13 to %scan3A_15 step %scan3A_16 iter_args(%scan3A_20 = %scan3A_12) -> (i32)  : i32 {
      %jit3A = arith.constant 8 : i32
      %div3A = arith.divsi %scan3A_19, %jit3A : i32
      %sign3A = arith.constant 0 : i32
      %sign3A_21 = arith.cmpi sgt, %scan3A_19, %sign3A : i32
      %sign3A_22 = arith.extui %sign3A_21 : i1 to i32
      %sign3A_23 = arith.constant 0 : i32
      %sign3A_24 = arith.cmpi slt, %scan3A_19, %sign3A_23 : i32
      %sign3A_25 = arith.extui %sign3A_24 : i1 to i32
      %sign3A_26 = arith.subi %sign3A_22, %sign3A_25 : i32
      %sign3A_27 = arith.constant 0 : i32
      %sign3A_28 = arith.cmpi sgt, %jit3A, %sign3A_27 : i32
      %sign3A_29 = arith.extui %sign3A_28 : i1 to i32
      %sign3A_30 = arith.constant 0 : i32
      %sign3A_31 = arith.cmpi slt, %jit3A, %sign3A_30 : i32
      %sign3A_32 = arith.extui %sign3A_31 : i1 to i32
      %sign3A_33 = arith.subi %sign3A_29, %sign3A_32 : i32
      %ne3A = arith.cmpi ne, %sign3A_26, %sign3A_33 : i32
      %rem3A = arith.remsi %scan3A_19, %jit3A : i32
      %ne3A_34 = arith.constant 0 : i32
      %ne3A_35 = arith.cmpi ne, %rem3A, %ne3A_34 : i32
      %and3A = arith.andi %ne3A, %ne3A_35 : i1
      %sub3A = arith.constant 1 : i32
      %sub3A_36 = arith.subi %div3A, %sub3A : i32
      %select_n3A = arith.select %and3A, %sub3A_36, %div3A : i32
      %jit3A_37 = arith.constant 8 : i32
      %eq3A = arith.constant 0 : i32
      %eq3A_38 = arith.cmpi eq, %jit3A_37, %eq3A : i32
      %jit3A_39 = arith.constant 1 : i32
      %select_n3A_40 = arith.select %eq3A_38, %jit3A_39, %jit3A_37 : i32
      %rem3A_41 = arith.remsi %scan3A_19, %select_n3A_40 : i32
      %ne3A_42 = arith.constant 0 : i32
      %ne3A_43 = arith.cmpi ne, %rem3A_41, %ne3A_42 : i32
      %lt3A = arith.constant 0 : i32
      %lt3A_44 = arith.cmpi slt, %rem3A_41, %lt3A : i32
      %lt3A_45 = arith.constant 0 : i32
      %lt3A_46 = arith.cmpi slt, %select_n3A_40, %lt3A_45 : i32
      %ne3A_47 = arith.xori %lt3A_44, %lt3A_46 : i1
      %and3A_48 = arith.andi %ne3A_47, %ne3A_43 : i1
      %add3A_49 = arith.addi %rem3A_41, %select_n3A_40 : i32
      %select_n3A_50 = arith.select %and3A_48, %add3A_49, %rem3A_41 : i32
      %mul3A_51 = arith.constant 16 : i32
      %mul3A_52 = arith.muli %select_n3A_50, %mul3A_51 : i32
      %get3A = arith.index_cast %select_n3A : i32 to index
      %get3A_53 = arith.index_cast %mul3A_52 : i32 to index
      %get3A_54 = tpu.vector_load %arg5[%get3A, %get3A_53] {strides = array<i32>} : memref<80x128xi32, #tpu.memory_space<vmem>>, vector<16xi32>,
      tpu.vector_store_idx %arg4[%get3A_54], %broadcast_in_dim3A_11 {add = true} : memref<10240xf32, #tpu.memory_space<vmem>>[vector<16xi32>], vector<16xf32>,
      %scan3A_55 = arith.constant 0 : i32
      scf.yield %scan3A_55 : i32
    }
    %scan3A_18 = arith.constant 640 : i32
    "tpu.region"() ({
      %run_scoped3A = tpu.sem_alloc : memref<!tpu.dma_semaphore, #tpu.memory_space<semaphore_mem>>
      %dma_start3A = arith.constant 0 : i32
      %dma_start3A_19 = tpu.memref_slice %arg3[%add3A, %dma_start3A] : memref<32x10240xf32, #tpu.memory_space<hbm>> -> memref<1x10240xf32, #tpu.memory_space<hbm>>
      %dma_start3A_20 = tpu.memref_squeeze %dma_start3A_19 : memref<1x10240xf32, #tpu.memory_space<hbm>> -> memref<10240xf32, #tpu.memory_space<hbm>>
      %dma_start3A_21 = arith.constant 0 : i32
      %dma_start3A_22 = tpu.memref_slice %arg3[%add3A, %dma_start3A_21] : memref<32x10240xf32, #tpu.memory_space<hbm>> -> memref<1x10240xf32, #tpu.memory_space<hbm>>
      %dma_start3A_23 = tpu.memref_squeeze %dma_start3A_22 : memref<1x10240xf32, #tpu.memory_space<hbm>> -> memref<10240xf32, #tpu.memory_space<hbm>>
      tpu.enqueue_dma source(%arg4 : memref<10240xf32, #tpu.memory_space<vmem>>) target(%dma_start3A_23 : memref<10240xf32, #tpu.memory_space<hbm>>) target_semaphore(%run_scoped3A : memref<!tpu.dma_semaphore, #tpu.memory_space<semaphore_mem>>)
      %dma_wait3A = arith.constant 0 : i32
      %dma_wait3A_24 = tpu.memref_slice %arg3[%add3A, %dma_wait3A] : memref<32x10240xf32, #tpu.memory_space<hbm>> -> memref<1x10240xf32, #tpu.memory_space<hbm>>
      %dma_wait3A_25 = tpu.memref_squeeze %dma_wait3A_24 : memref<1x10240xf32, #tpu.memory_space<hbm>> -> memref<10240xf32, #tpu.memory_space<hbm>>
      %dma_wait3A_26 = arith.constant 0 : i32
      %dma_wait3A_27 = tpu.memref_slice %arg3[%add3A, %dma_wait3A_26] : memref<32x10240xf32, #tpu.memory_space<hbm>> -> memref<1x10240xf32, #tpu.memory_space<hbm>>
      %dma_wait3A_28 = tpu.memref_squeeze %dma_wait3A_27 : memref<1x10240xf32, #tpu.memory_space<hbm>> -> memref<10240xf32, #tpu.memory_space<hbm>>
      tpu.wait_dma2 semaphore(%run_scoped3A : memref<!tpu.dma_semaphore, #tpu.memory_space<semaphore_mem>>) src(%arg4 : memref<10240xf32, #tpu.memory_space<vmem>>) dst(%dma_wait3A_28 : memref<10240xf32, #tpu.memory_space<hbm>>)
      tpu.yield
    }) : () -> ()
    return
  }
}

module attributes {stable_mosaic.version = 14 : i64} {
  func.func @_tc_prep_body(%arg0: i32, %arg1: memref<512x128xf32, #tpu.memory_space<vmem>>, %arg2: memref<128x128xf32, #tpu.memory_space<vmem>>, %arg3: memref<32x512xf32, #tpu.memory_space<vmem>>, %arg4: memref<512x128xf32, #tpu.memory_space<vmem>>, %arg5: memref<512x128xf32, #tpu.memory_space<vmem>>, %arg6: memref<512xf32, #tpu.memory_space<vmem>>) attributes {dimension_semantics = [#tpu.dimension_semantics<arbitrary>], iteration_bounds = array<i64: 20>, scalar_prefetch = 0 : i64, scratch_operands = 0 : i64, tpu.core_type = #tpu.core_type<tc>, window_params = [{transform_indices = @transform_0, window_bounds = array<i64: 512, 128>}, {pipeline_mode = #tpu.pipeline_mode<synchronous>, transform_indices = @transform_1, window_bounds = array<i64: 128, 128>}, {transform_indices = @transform_2, window_bounds = array<i64: 32, 512>}, {transform_indices = @transform_3, window_bounds = array<i64: 512, 128>}, {transform_indices = @transform_4, window_bounds = array<i64: 512, 128>}, {transform_indices = @transform_5, window_bounds = array<i64: 512>}]} {
    %get3A = arith.constant 0 : index
    %get3A_0 = arith.constant 0 : index
    %get3A_1 = vector.load %arg3[%get3A, %get3A_0] : memref<32x512xf32, #tpu.memory_space<vmem>>, vector<32x512xf32>
    %reduce_sum3A = arith.constant dense<0.000000e+00> : vector<512xf32>
    %reduce_sum3A_2 = vector.multi_reduction <add>, %get3A_1, %reduce_sum3A [0] : vector<32x512xf32> to vector<512xf32>
    %add3A = arith.constant 1.000000e+00 : f32
    %add3A_3 = vector.broadcast %add3A : f32 to vector<512xf32>
    %add3A_4 = arith.addf %reduce_sum3A_2, %add3A_3 : vector<512xf32>
    %rsqrt3A = math.rsqrt %add3A_4 : vector<512xf32>
    %get3A_5 = arith.constant 0 : index
    %get3A_6 = arith.constant 0 : index
    %get3A_7 = vector.load %arg1[%get3A_5, %get3A_6] : memref<512x128xf32, #tpu.memory_space<vmem>>, vector<512x128xf32>
    %get3A_8 = arith.constant 0 : index
    %get3A_9 = arith.constant 0 : index
    %get3A_10 = vector.load %arg2[%get3A_8, %get3A_9] : memref<128x128xf32, #tpu.memory_space<vmem>>, vector<128x128xf32>
    %dot_general3A = arith.constant dense<0.000000e+00> : vector<512x128xf32>
    %dot_general3A_11 = tpu.matmul %get3A_7, %get3A_10, %dot_general3A {dimension_numbers = #tpu.dot_dimension_numbers<[1], [0], [0], [1], [0, 0, 1, 1], [], []>, transpose_lhs_hint = false} : vector<512x128xf32>, vector<128x128xf32>, vector<512x128xf32> -> vector<512x128xf32>
    %broadcast_in_dim3A = vector.shape_cast %rsqrt3A : vector<512xf32> to vector<512x1xf32>
    %mul3A = vector.broadcast %broadcast_in_dim3A : vector<512x1xf32> to vector<512x128xf32>
    %mul3A_12 = arith.mulf %dot_general3A_11, %mul3A : vector<512x128xf32>
    %swap3A = arith.constant 0 : index
    %swap3A_13 = arith.constant 0 : index
    %swap3A_14 = vector.load %arg4[%swap3A, %swap3A_13] : memref<512x128xf32, #tpu.memory_space<vmem>>, vector<512x128xf32>
    tpu.vector_store %arg4[%swap3A, %swap3A_13], %mul3A_12 {strides = array<i32>} : memref<512x128xf32, #tpu.memory_space<vmem>>, vector<512x128xf32>,
    %broadcast_in_dim3A_15 = vector.shape_cast %rsqrt3A : vector<512xf32> to vector<512x1xf32>
    %mul3A_16 = vector.broadcast %broadcast_in_dim3A_15 : vector<512x1xf32> to vector<512x128xf32>
    %mul3A_17 = arith.mulf %mul3A_12, %mul3A_16 : vector<512x128xf32>
    %swap3A_18 = arith.constant 0 : index
    %swap3A_19 = arith.constant 0 : index
    %swap3A_20 = vector.load %arg5[%swap3A_18, %swap3A_19] : memref<512x128xf32, #tpu.memory_space<vmem>>, vector<512x128xf32>
    tpu.vector_store %arg5[%swap3A_18, %swap3A_19], %mul3A_17 {strides = array<i32>} : memref<512x128xf32, #tpu.memory_space<vmem>>, vector<512x128xf32>,
    %swap3A_21 = arith.constant 0 : index
    %swap3A_22 = vector.load %arg6[%swap3A_21] : memref<512xf32, #tpu.memory_space<vmem>>, vector<512xf32>
    tpu.vector_store %arg6[%swap3A_21], %rsqrt3A {strides = array<i32>} : memref<512xf32, #tpu.memory_space<vmem>>, vector<512xf32>,
    return
  }
  func.func @transform_0(%arg0: i32) -> (i32, i32) {
    %c0_i32 = arith.constant 0 : i32
    %c0_i32_0 = arith.constant 0 : i32
    return %arg0, %c0_i32 : i32, i32
  }
  func.func @transform_1(%arg0: i32) -> (i32, i32) {
    %c0_i32 = arith.constant 0 : i32
    %c0_i32_0 = arith.constant 0 : i32
    %c0_i32_1 = arith.constant 0 : i32
    return %c0_i32, %c0_i32_0 : i32, i32
  }
  func.func @transform_2(%arg0: i32) -> (i32, i32) {
    %c0_i32 = arith.constant 0 : i32
    %c0_i32_0 = arith.constant 0 : i32
    return %c0_i32, %arg0 : i32, i32
  }
  func.func @transform_3(%arg0: i32) -> (i32, i32) {
    %c0_i32 = arith.constant 0 : i32
    %c0_i32_0 = arith.constant 0 : i32
    return %arg0, %c0_i32 : i32, i32
  }
  func.func @transform_4(%arg0: i32) -> (i32, i32) {
    %c0_i32 = arith.constant 0 : i32
    %c0_i32_0 = arith.constant 0 : i32
    return %arg0, %c0_i32 : i32, i32
  }
  func.func @transform_5(%arg0: i32) -> i32 {
    %c0_i32 = arith.constant 0 : i32
    return %arg0 : i32
  }
}

module attributes {stable_mosaic.version = 14 : i64} {
  func.func @_tc_mix_body(%arg0: i32, %arg1: memref<512x128xf32, #tpu.memory_space<vmem>>, %arg2: memref<512x128xf32, #tpu.memory_space<vmem>>, %arg3: memref<512xf32, #tpu.memory_space<vmem>>, %arg4: memref<512x128xf32, #tpu.memory_space<vmem>>, %arg5: memref<128xf32, #tpu.memory_space<vmem>>, %arg6: memref<128x128xf32, #tpu.memory_space<vmem>>, %arg7: memref<128xf32, #tpu.memory_space<vmem>>, %arg8: memref<128x128xf32, #tpu.memory_space<vmem>>, %arg9: memref<128xf32, #tpu.memory_space<vmem>>, %arg10: memref<128x128xf32, #tpu.memory_space<vmem>>, %arg11: memref<128xf32, #tpu.memory_space<vmem>>, %arg12: memref<128x128xf32, #tpu.memory_space<vmem>>, %arg13: memref<128xf32, #tpu.memory_space<vmem>>, %arg14: memref<512x128xf32, #tpu.memory_space<vmem>>, %arg15: memref<512x128xf32, #tpu.memory_space<vmem>>, %arg16: memref<512x128xf32, #tpu.memory_space<vmem>>, %arg17: memref<512x128xf32, #tpu.memory_space<vmem>>) attributes {dimension_semantics = [#tpu.dimension_semantics<arbitrary>], iteration_bounds = array<i64: 20>, scalar_prefetch = 0 : i64, scratch_operands = 0 : i64, tpu.core_type = #tpu.core_type<tc>, window_params = [{transform_indices = @transform_0, window_bounds = array<i64: 512, 128>}, {transform_indices = @transform_1, window_bounds = array<i64: 512, 128>}, {transform_indices = @transform_2, window_bounds = array<i64: 512>}, {transform_indices = @transform_3, window_bounds = array<i64: 512, 128>}, {pipeline_mode = #tpu.pipeline_mode<synchronous>, transform_indices = @transform_4, window_bounds = array<i64: 128>}, {pipeline_mode = #tpu.pipeline_mode<synchronous>, transform_indices = @transform_5, window_bounds = array<i64: 128, 128>}, {pipeline_mode = #tpu.pipeline_mode<synchronous>, transform_indices = @transform_6, window_bounds = array<i64: 128>}, {pipeline_mode = #tpu.pipeline_mode<synchronous>, transform_indices = @transform_7, window_bounds = array<i64: 128, 128>}, {pipeline_mode = #tpu.pipeline_mode<synchronous>, transform_indices = @transform_8, window_bounds = array<i64: 128>}, {pipeline_mode = #tpu.pipeline_mode<synchronous>, transform_indices = @transform_9, window_bounds = array<i64: 128, 128>}, {pipeline_mode = #tpu.pipeline_mode<synchronous>, transform_indices = @transform_10, window_bounds = array<i64: 128>}, {pipeline_mode = #tpu.pipeline_mode<synchronous>, transform_indices = @transform_11, window_bounds = array<i64: 128, 128>}, {pipeline_mode = #tpu.pipeline_mode<synchronous>, transform_indices = @transform_12, window_bounds = array<i64: 128>}, {transform_indices = @transform_13, window_bounds = array<i64: 512, 128>}, {transform_indices = @transform_14, window_bounds = array<i64: 512, 128>}, {transform_indices = @transform_15, window_bounds = array<i64: 512, 128>}, {transform_indices = @transform_16, window_bounds = array<i64: 512, 128>}]} {
    %get3A = arith.constant 0 : index
    %get3A_0 = vector.load %arg3[%get3A] : memref<512xf32, #tpu.memory_space<vmem>>, vector<512xf32>
    %get3A_1 = arith.constant 0 : index
    %get3A_2 = arith.constant 0 : index
    %get3A_3 = vector.load %arg1[%get3A_1, %get3A_2] : memref<512x128xf32, #tpu.memory_space<vmem>>, vector<512x128xf32>
    %get3A_4 = arith.constant 0 : index
    %get3A_5 = arith.constant 0 : index
    %get3A_6 = vector.load %arg2[%get3A_4, %get3A_5] : memref<512x128xf32, #tpu.memory_space<vmem>>, vector<512x128xf32>
    %add3A = arith.addf %get3A_3, %get3A_6 : vector<512x128xf32>
    %broadcast_in_dim3A = vector.shape_cast %get3A_0 : vector<512xf32> to vector<512x1xf32>
    %mul3A = vector.broadcast %broadcast_in_dim3A : vector<512x1xf32> to vector<512x128xf32>
    %mul3A_7 = arith.mulf %add3A, %mul3A : vector<512x128xf32>
    %get3A_8 = arith.constant 0 : index
    %get3A_9 = arith.constant 0 : index
    %get3A_10 = vector.load %arg4[%get3A_8, %get3A_9] : memref<512x128xf32, #tpu.memory_space<vmem>>, vector<512x128xf32>
    %add3A_11 = arith.addf %mul3A_7, %get3A_10 : vector<512x128xf32>
    %get3A_12 = arith.constant 0 : index
    %get3A_13 = vector.load %arg5[%get3A_12] : memref<128xf32, #tpu.memory_space<vmem>>, vector<128xf32>
    %broadcast_in_dim3A_14 = vector.shape_cast %get3A_13 : vector<128xf32> to vector<1x128xf32>
    %add3A_15 = vector.broadcast %broadcast_in_dim3A_14 : vector<1x128xf32> to vector<512x128xf32>
    %add3A_16 = arith.addf %add3A_11, %add3A_15 : vector<512x128xf32>
    %max3A = arith.constant 0.000000e+00 : f32
    %max3A_17 = vector.broadcast %max3A : f32 to vector<512x128xf32>
    %max3A_18 = arith.maximumf %add3A_16, %max3A_17 : vector<512x128xf32>
    %get3A_19 = arith.constant 0 : index
    %get3A_20 = arith.constant 0 : index
    %get3A_21 = vector.load %arg6[%get3A_19, %get3A_20] : memref<128x128xf32, #tpu.memory_space<vmem>>, vector<128x128xf32>
    %dot_general3A = arith.constant dense<0.000000e+00> : vector<512x128xf32>
    %dot_general3A_22 = tpu.matmul %max3A_18, %get3A_21, %dot_general3A {dimension_numbers = #tpu.dot_dimension_numbers<[1], [0], [0], [1], [0, 0, 1, 1], [], []>, transpose_lhs_hint = false} : vector<512x128xf32>, vector<128x128xf32>, vector<512x128xf32> -> vector<512x128xf32>
    %get3A_23 = arith.constant 0 : index
    %get3A_24 = vector.load %arg7[%get3A_23] : memref<128xf32, #tpu.memory_space<vmem>>, vector<128xf32>
    %broadcast_in_dim3A_25 = vector.shape_cast %get3A_24 : vector<128xf32> to vector<1x128xf32>
    %add3A_26 = vector.broadcast %broadcast_in_dim3A_25 : vector<1x128xf32> to vector<512x128xf32>
    %add3A_27 = arith.addf %dot_general3A_22, %add3A_26 : vector<512x128xf32>
    %mul3A_28 = arith.constant 0.176776692 : f32
    %mul3A_29 = vector.broadcast %mul3A_28 : f32 to vector<512x128xf32>
    %mul3A_30 = arith.mulf %add3A_27, %mul3A_29 : vector<512x128xf32>
    %swap3A = arith.constant 0 : index
    %swap3A_31 = arith.constant 0 : index
    %swap3A_32 = vector.load %arg14[%swap3A, %swap3A_31] : memref<512x128xf32, #tpu.memory_space<vmem>>, vector<512x128xf32>
    tpu.vector_store %arg14[%swap3A, %swap3A_31], %mul3A_30 {strides = array<i32>} : memref<512x128xf32, #tpu.memory_space<vmem>>, vector<512x128xf32>,
    %get3A_33 = arith.constant 0 : index
    %get3A_34 = arith.constant 0 : index
    %get3A_35 = vector.load %arg8[%get3A_33, %get3A_34] : memref<128x128xf32, #tpu.memory_space<vmem>>, vector<128x128xf32>
    %dot_general3A_36 = arith.constant dense<0.000000e+00> : vector<512x128xf32>
    %dot_general3A_37 = tpu.matmul %max3A_18, %get3A_35, %dot_general3A_36 {dimension_numbers = #tpu.dot_dimension_numbers<[1], [0], [0], [1], [0, 0, 1, 1], [], []>, transpose_lhs_hint = false} : vector<512x128xf32>, vector<128x128xf32>, vector<512x128xf32> -> vector<512x128xf32>
    %get3A_38 = arith.constant 0 : index
    %get3A_39 = vector.load %arg9[%get3A_38] : memref<128xf32, #tpu.memory_space<vmem>>, vector<128xf32>
    %broadcast_in_dim3A_40 = vector.shape_cast %get3A_39 : vector<128xf32> to vector<1x128xf32>
    %add3A_41 = vector.broadcast %broadcast_in_dim3A_40 : vector<1x128xf32> to vector<512x128xf32>
    %add3A_42 = arith.addf %dot_general3A_37, %add3A_41 : vector<512x128xf32>
    %swap3A_43 = arith.constant 0 : index
    %swap3A_44 = arith.constant 0 : index
    %swap3A_45 = vector.load %arg15[%swap3A_43, %swap3A_44] : memref<512x128xf32, #tpu.memory_space<vmem>>, vector<512x128xf32>
    tpu.vector_store %arg15[%swap3A_43, %swap3A_44], %add3A_42 {strides = array<i32>} : memref<512x128xf32, #tpu.memory_space<vmem>>, vector<512x128xf32>,
    %get3A_46 = arith.constant 0 : index
    %get3A_47 = arith.constant 0 : index
    %get3A_48 = vector.load %arg10[%get3A_46, %get3A_47] : memref<128x128xf32, #tpu.memory_space<vmem>>, vector<128x128xf32>
    %dot_general3A_49 = arith.constant dense<0.000000e+00> : vector<512x128xf32>
    %dot_general3A_50 = tpu.matmul %max3A_18, %get3A_48, %dot_general3A_49 {dimension_numbers = #tpu.dot_dimension_numbers<[1], [0], [0], [1], [0, 0, 1, 1], [], []>, transpose_lhs_hint = false} : vector<512x128xf32>, vector<128x128xf32>, vector<512x128xf32> -> vector<512x128xf32>
    %get3A_51 = arith.constant 0 : index
    %get3A_52 = vector.load %arg11[%get3A_51] : memref<128xf32, #tpu.memory_space<vmem>>, vector<128xf32>
    %broadcast_in_dim3A_53 = vector.shape_cast %get3A_52 : vector<128xf32> to vector<1x128xf32>
    %add3A_54 = vector.broadcast %broadcast_in_dim3A_53 : vector<1x128xf32> to vector<512x128xf32>
    %add3A_55 = arith.addf %dot_general3A_50, %add3A_54 : vector<512x128xf32>
    %swap3A_56 = arith.constant 0 : index
    %swap3A_57 = arith.constant 0 : index
    %swap3A_58 = vector.load %arg16[%swap3A_56, %swap3A_57] : memref<512x128xf32, #tpu.memory_space<vmem>>, vector<512x128xf32>
    tpu.vector_store %arg16[%swap3A_56, %swap3A_57], %add3A_55 {strides = array<i32>} : memref<512x128xf32, #tpu.memory_space<vmem>>, vector<512x128xf32>,
    %get3A_59 = arith.constant 0 : index
    %get3A_60 = arith.constant 0 : index
    %get3A_61 = vector.load %arg12[%get3A_59, %get3A_60] : memref<128x128xf32, #tpu.memory_space<vmem>>, vector<128x128xf32>
    %dot_general3A_62 = arith.constant dense<0.000000e+00> : vector<512x128xf32>
    %dot_general3A_63 = tpu.matmul %max3A_18, %get3A_61, %dot_general3A_62 {dimension_numbers = #tpu.dot_dimension_numbers<[1], [0], [0], [1], [0, 0, 1, 1], [], []>, transpose_lhs_hint = false} : vector<512x128xf32>, vector<128x128xf32>, vector<512x128xf32> -> vector<512x128xf32>
    %get3A_64 = arith.constant 0 : index
    %get3A_65 = vector.load %arg13[%get3A_64] : memref<128xf32, #tpu.memory_space<vmem>>, vector<128xf32>
    %broadcast_in_dim3A_66 = vector.shape_cast %get3A_65 : vector<128xf32> to vector<1x128xf32>
    %add3A_67 = vector.broadcast %broadcast_in_dim3A_66 : vector<1x128xf32> to vector<512x128xf32>
    %add3A_68 = arith.addf %dot_general3A_63, %add3A_67 : vector<512x128xf32>
    %swap3A_69 = arith.constant 0 : index
    %swap3A_70 = arith.constant 0 : index
    %swap3A_71 = vector.load %arg17[%swap3A_69, %swap3A_70] : memref<512x128xf32, #tpu.memory_space<vmem>>, vector<512x128xf32>
    tpu.vector_store %arg17[%swap3A_69, %swap3A_70], %add3A_68 {strides = array<i32>} : memref<512x128xf32, #tpu.memory_space<vmem>>, vector<512x128xf32>,
    return
  }
  func.func @transform_0(%arg0: i32) -> (i32, i32) {
    %c0_i32 = arith.constant 0 : i32
    %c0_i32_0 = arith.constant 0 : i32
    return %arg0, %c0_i32 : i32, i32
  }
  func.func @transform_1(%arg0: i32) -> (i32, i32) {
    %c0_i32 = arith.constant 0 : i32
    %c0_i32_0 = arith.constant 0 : i32
    return %arg0, %c0_i32 : i32, i32
  }
  func.func @transform_2(%arg0: i32) -> i32 {
    %c0_i32 = arith.constant 0 : i32
    return %arg0 : i32
  }
  func.func @transform_3(%arg0: i32) -> (i32, i32) {
    %c0_i32 = arith.constant 0 : i32
    %c0_i32_0 = arith.constant 0 : i32
    return %arg0, %c0_i32 : i32, i32
  }
  func.func @transform_4(%arg0: i32) -> i32 {
    %c0_i32 = arith.constant 0 : i32
    %c0_i32_0 = arith.constant 0 : i32
    return %c0_i32 : i32
  }
  func.func @transform_5(%arg0: i32) -> (i32, i32) {
    %c0_i32 = arith.constant 0 : i32
    %c0_i32_0 = arith.constant 0 : i32
    %c0_i32_1 = arith.constant 0 : i32
    return %c0_i32, %c0_i32_0 : i32, i32
  }
  func.func @transform_6(%arg0: i32) -> i32 {
    %c0_i32 = arith.constant 0 : i32
    %c0_i32_0 = arith.constant 0 : i32
    return %c0_i32 : i32
  }
  func.func @transform_7(%arg0: i32) -> (i32, i32) {
    %c0_i32 = arith.constant 0 : i32
    %c0_i32_0 = arith.constant 0 : i32
    %c0_i32_1 = arith.constant 0 : i32
    return %c0_i32, %c0_i32_0 : i32, i32
  }
  func.func @transform_8(%arg0: i32) -> i32 {
    %c0_i32 = arith.constant 0 : i32
    %c0_i32_0 = arith.constant 0 : i32
    return %c0_i32 : i32
  }
  func.func @transform_9(%arg0: i32) -> (i32, i32) {
    %c0_i32 = arith.constant 0 : i32
    %c0_i32_0 = arith.constant 0 : i32
    %c0_i32_1 = arith.constant 0 : i32
    return %c0_i32, %c0_i32_0 : i32, i32
  }
  func.func @transform_10(%arg0: i32) -> i32 {
    %c0_i32 = arith.constant 0 : i32
    %c0_i32_0 = arith.constant 0 : i32
    return %c0_i32 : i32
  }
  func.func @transform_11(%arg0: i32) -> (i32, i32) {
    %c0_i32 = arith.constant 0 : i32
    %c0_i32_0 = arith.constant 0 : i32
    %c0_i32_1 = arith.constant 0 : i32
    return %c0_i32, %c0_i32_0 : i32, i32
  }
  func.func @transform_12(%arg0: i32) -> i32 {
    %c0_i32 = arith.constant 0 : i32
    %c0_i32_0 = arith.constant 0 : i32
    return %c0_i32 : i32
  }
  func.func @transform_13(%arg0: i32) -> (i32, i32) {
    %c0_i32 = arith.constant 0 : i32
    %c0_i32_0 = arith.constant 0 : i32
    return %arg0, %c0_i32 : i32, i32
  }
  func.func @transform_14(%arg0: i32) -> (i32, i32) {
    %c0_i32 = arith.constant 0 : i32
    %c0_i32_0 = arith.constant 0 : i32
    return %arg0, %c0_i32 : i32, i32
  }
  func.func @transform_15(%arg0: i32) -> (i32, i32) {
    %c0_i32 = arith.constant 0 : i32
    %c0_i32_0 = arith.constant 0 : i32
    return %arg0, %c0_i32 : i32, i32
  }
  func.func @transform_16(%arg0: i32) -> (i32, i32) {
    %c0_i32 = arith.constant 0 : i32
    %c0_i32_0 = arith.constant 0 : i32
    return %arg0, %c0_i32 : i32, i32
  }
}

module attributes {stable_mosaic.version = 14 : i64} {
  func.func @_tc_final_body(%arg0: i32, %arg1: memref<512x128xf32, #tpu.memory_space<vmem>>, %arg2: memref<512x128xf32, #tpu.memory_space<vmem>>, %arg3: memref<512x16xf32, #tpu.memory_space<vmem>>, %arg4: memref<512x16xf32, #tpu.memory_space<vmem>>, %arg5: memref<512x128xf32, #tpu.memory_space<vmem>>, %arg6: memref<512x128xf32, #tpu.memory_space<vmem>>) attributes {dimension_semantics = [#tpu.dimension_semantics<arbitrary>], iteration_bounds = array<i64: 20>, scalar_prefetch = 0 : i64, scratch_operands = 0 : i64, tpu.core_type = #tpu.core_type<tc>, window_params = [{transform_indices = @transform_0, window_bounds = array<i64: 512, 128>}, {transform_indices = @transform_1, window_bounds = array<i64: 512, 128>}, {transform_indices = @transform_2, window_bounds = array<i64: 512, 16>}, {transform_indices = @transform_3, window_bounds = array<i64: 512, 16>}, {transform_indices = @transform_4, window_bounds = array<i64: 512, 128>}, {transform_indices = @transform_5, window_bounds = array<i64: 512, 128>}]} {
    %get3A = arith.constant 0 : index
    %get3A_0 = arith.constant 0 : index
    %get3A_1 = vector.load %arg3[%get3A, %get3A_0] : memref<512x16xf32, #tpu.memory_space<vmem>>, vector<512x16xf32>
    %get3A_2 = arith.constant 0 : index
    %get3A_3 = arith.constant 0 : index
    %get3A_4 = vector.load %arg4[%get3A_2, %get3A_3] : memref<512x16xf32, #tpu.memory_space<vmem>>, vector<512x16xf32>
    %add3A = arith.addf %get3A_1, %get3A_4 : vector<512x16xf32>
    %add3A_5 = arith.constant 1.000000e-16 : f32
    %add3A_6 = vector.broadcast %add3A_5 : f32 to vector<512x16xf32>
    %add3A_7 = arith.addf %add3A, %add3A_6 : vector<512x16xf32>
    %slice3A = vector.extract_strided_slice %add3A_7 {offsets = [0, 0], sizes = [512, 4], strides = [1, 1]} : vector<512x16xf32> to vector<512x4xf32>
    %broadcast_in_dim3A = vector.shape_cast %slice3A : vector<512x4xf32> to vector<512x4x1xf32>
    %broadcast_in_dim3A_8 = vector.shape_cast %broadcast_in_dim3A : vector<512x4x1xf32> to vector<512x4x1xf32>
    %broadcast_in_dim3A_9 = vector.broadcast %broadcast_in_dim3A_8 : vector<512x4x1xf32> to vector<512x4x32xf32>
    %reshape3A = vector.shape_cast %broadcast_in_dim3A_9 : vector<512x4x32xf32> to vector<512x128xf32>
    %get3A_10 = arith.constant 0 : index
    %get3A_11 = arith.constant 0 : index
    %get3A_12 = vector.load %arg1[%get3A_10, %get3A_11] : memref<512x128xf32, #tpu.memory_space<vmem>>, vector<512x128xf32>
    %get3A_13 = arith.constant 0 : index
    %get3A_14 = arith.constant 0 : index
    %get3A_15 = vector.load %arg2[%get3A_13, %get3A_14] : memref<512x128xf32, #tpu.memory_space<vmem>>, vector<512x128xf32>
    %add3A_16 = arith.addf %get3A_12, %get3A_15 : vector<512x128xf32>
    %div3A = arith.divf %add3A_16, %reshape3A : vector<512x128xf32>
    %get3A_17 = arith.constant 0 : index
    %get3A_18 = arith.constant 0 : index
    %get3A_19 = vector.load %arg5[%get3A_17, %get3A_18] : memref<512x128xf32, #tpu.memory_space<vmem>>, vector<512x128xf32>
    %add3A_20 = arith.addf %div3A, %get3A_19 : vector<512x128xf32>
    %swap3A = arith.constant 0 : index
    %swap3A_21 = arith.constant 0 : index
    %swap3A_22 = vector.load %arg6[%swap3A, %swap3A_21] : memref<512x128xf32, #tpu.memory_space<vmem>>, vector<512x128xf32>
    tpu.vector_store %arg6[%swap3A, %swap3A_21], %add3A_20 {strides = array<i32>} : memref<512x128xf32, #tpu.memory_space<vmem>>, vector<512x128xf32>,
    return
  }
  func.func @transform_0(%arg0: i32) -> (i32, i32) {
    %c0_i32 = arith.constant 0 : i32
    %c0_i32_0 = arith.constant 0 : i32
    return %arg0, %c0_i32 : i32, i32
  }
  func.func @transform_1(%arg0: i32) -> (i32, i32) {
    %c0_i32 = arith.constant 0 : i32
    %c0_i32_0 = arith.constant 0 : i32
    return %arg0, %c0_i32 : i32, i32
  }
  func.func @transform_2(%arg0: i32) -> (i32, i32) {
    %c0_i32 = arith.constant 0 : i32
    %c0_i32_0 = arith.constant 0 : i32
    return %arg0, %c0_i32 : i32, i32
  }
  func.func @transform_3(%arg0: i32) -> (i32, i32) {
    %c0_i32 = arith.constant 0 : i32
    %c0_i32_0 = arith.constant 0 : i32
    return %arg0, %c0_i32 : i32, i32
  }
  func.func @transform_4(%arg0: i32) -> (i32, i32) {
    %c0_i32 = arith.constant 0 : i32
    %c0_i32_0 = arith.constant 0 : i32
    return %arg0, %c0_i32 : i32, i32
  }
  func.func @transform_5(%arg0: i32) -> (i32, i32) {
    %c0_i32 = arith.constant 0 : i32
    %c0_i32_0 = arith.constant 0 : i32
    return %arg0, %c0_i32 : i32, i32
  }
}

</mosaic_0001>

<sc_bundles>
// kernel: kernel.11.cloned.1.call-start
scs
__scs_entry_jumppad:
0x0: {  	(pc) =	sbr.rel $0x88, $3  }
0x1: {  	(tag) =	ssettag $0x0;
	lr =	simm.s32 $0x1  }
0x2: {  	[smem:$0x3F95] =	sst lr;
	_ =	strace $0xD0000000  }
0x3: {  	_ = 	snop  }
0x4: {  	_ = 	snop  }
0x5: {  	_ = 	snop  }
0x6: {  	_ = 	snop  }
0x7: {  	_ = 	snop  }
__scs_overlays_trampoline_lowered:
0x8: {  	[smem:$0x3FA4] =	sst s0  }
0x9: {  	[smem:$0x3FA5] =	sst s1  }
0xa: {  	[smem:$0x3FA6] =	sst s2  }
0xb: {  	[smem:$0x3FA7] =	sst s3  }
0xc: {  	[smem:$0x3FA8] =	sst s4  }
0xd: {  	[smem:$0x3FA9] =	sst s5  }
0xe: {  	[smem:$0x3FAA] =	sst s6  }
0xf: {  	[smem:$0x3FAB] =	sst s7  }
0x10: {  	[smem:$0x3FAC] =	sst s8  }
0x11: {  	[smem:$0x3FAD] =	sst s9;
	s0 =	simm.s32 @!p0 $0x0  }
0x12: {  	s1 =	sld [smem:$0x3F93];
	s0 =	simm.s32 @p0 $0x1  }
0x13: {  	[smem:$0x3FAE] =	sst s0;
	s0 =	simm.s32 @!p1 $0x0  }
0x14: {  	s2 =	sld [smem:$0x3F92];
	s0 =	simm.s32 @p1 $0x1  }
0x15: {  	[smem:$0x3FAF] =	sst s0;
	s0 =	simm.s32 @!p2 $0x0  }
0x16: {  	s3 =	sld [smem:$0x3FDB];
	s0 =	simm.s32 @p2 $0x1  }
0x17: {  	s4 =	simm.s32 $0x1BF5;
	[smem:$0x3FB1] =	sst s0  }
0x18: {  	s0 =	sld [smem:$0x3F94];
	_ =	swait.ge [sflag:s4], $0x0  }
0x19: {  	s7 =	sld [smem:$0x3F95]  }
0x1a: {  	s8 =	sadd.s32 $0xFFFFE003, lr  }
0x1b: {  	s9 =	sadd.s32 $0xFFFFFEF7, lr;
	s5 =	simm.s32 $0xFFFFFFFF;
	p2 =	slt.u32 s8, $0xFFFFF086  }
0x1c: {  	p1 =	slt.u32 s9, $0xF7A;
	s5 =	simm.s32 @!p2 $0x0  }
0x1d: {  	s5 =	simm.s32 @p1 $0x1;
	p0 =	seq.s32 s7, s2  }
0x1e: {  	s7 =	smul.u32 @!p0 $0xF7A, s2;
	p2 =	seq.s32 @!p0 s5, $0x0  }
0x1f: {  	s9 =	smul.u32 $0xF7A, s1;
	s8 =	simm.s32 @!p0 $0x1BF5;
	p2 =	por !p2, p0  }
0x20: {  	[sflag:s8] =	ssyncset.s32 @!p0 $0xFFFFF086;
	s6 =	sadd.s32 @!p0 s3, s7;
	s7 =	simm.s32 @!p0 $0x108  }
0x21: {  	s3 =	sadd.s32 s3, s9;
	s6 =	sadd.s32 @!p0 $0x88, s6;
	s7 =	simm.s32 @p2 $0x1082  }
0x22: {  	[simem:s7], [sflag:s8] =	dma.local @!p0 [hbm:s6], $0xF7A  }
0x23: {  	s9 =	sor.u32 $0xD0000000, s2;
	s6 =	simm.s32 $0x108;
	_ =	swait.ge @!p0 [sflag:s8], $0x0  }
0x24: {  	s3 =	sadd.s32 $0x88, s3;
	s6 =	simm.s32 @!p1 $0x1082;
	[sflag:s4] =	ssyncset.s32 $0xFFFFF086  }
0x25: {  	[simem:s6], [sflag:s4] =	dma.local [hbm:s3], $0xF7A  }
0x26: {  	[smem:$0x3F95] =	sst s1;
	(tag) =	ssettag s2;
	_ =	strace s9  }
0x27: {  	s1 =	sld [smem:$0x3FA5]  }
0x28: {  	s2 =	sld [smem:$0x3FA6]  }
0x29: {  	s4 =	sld [smem:$0x3FA8]  }
0x2a: {  	p0 =	seq.s32 s5, $0x0;
	s5 =	sld [smem:$0x3FA9]  }
0x2b: {  	s6 =	sld [smem:$0x3FAA]  }
0x2c: {  	s7 =	sld [smem:$0x3FAB]  }
0x2d: {  	s3 =	simm.s32 $0x108;
	s8 =	sld [smem:$0x3FAC]  }
0x2e: {  	s3 =	simm.s32 @!p0 $0x1082;
	s9 =	sld [smem:$0x3FAD]  }
0x2f: {  	lr =	sadd.s32 s0, s3;
	s0 =	sld [smem:$0x3FA4]  }
0x30: {  	s3 =	sld [smem:$0x3FA7]  }
0x31: {  	[smem:$0x3FB0] =	sst s10  }
0x32: {  	s10 =	sld [smem:$0x3FAE];
	_ =	sdelay $0x3  }
0x33: {  	p0 =	seq.s32 s10, $0x1;
	s10 =	sld [smem:$0x3FB0];
	_ =	sdelay $0x3  }
0x34: {  	[smem:$0x3FB0] =	sst s10  }
0x35: {  	s10 =	sld [smem:$0x3FAF];
	_ =	sdelay $0x3  }
0x36: {  	p1 =	seq.s32 s10, $0x1;
	s10 =	sld [smem:$0x3FB0];
	_ =	sdelay $0x3  }
0x37: {  	[smem:$0x3FB0] =	sst s10  }
0x38: {  	s10 =	sld [smem:$0x3FB1]  }
0x39: {  	_ = 	snop;
	(pc) =	sbr.ind lr, $3  }
0x3a: {  	_ = 	snop  }
0x3b: {  	_ = 	snop  }
0x3c: {  	p2 =	seq.s32 s10, $0x1;
	s10 =	sld [smem:$0x3FB0]  }
0x3d: {  	_ =	shalt  }
0x3e: {  	_ =	shalt  }
0x3f: {  	_ =	shalt  }
0x40: {  	_ =	shalt  }
0x41: {  	_ =	shalt  }
0x42: {  	_ =	shalt  }
0x43: {  	_ =	shalt  }
0x44: {  	_ =	shalt  }
0x45: {  	_ =	shalt  }
0x46: {  	_ =	shalt  }
0x47: {  	_ =	shalt  }
0x48: {  	_ =	shalt  }
0x49: {  	_ =	shalt  }
0x4a: {  	_ =	shalt  }
0x4b: {  	_ =	shalt  }
0x4c: {  	_ =	shalt  }
0x4d: {  	_ =	shalt  }
0x4e: {  	_ =	shalt  }
0x4f: {  	_ =	shalt  }
0x50: {  	_ =	shalt  }
0x51: {  	_ =	shalt  }
0x52: {  	_ =	shalt  }
0x53: {  	_ =	shalt  }
0x54: {  	_ =	shalt  }
0x55: {  	_ =	shalt  }
0x56: {  	_ =	shalt  }
0x57: {  	_ =	shalt  }
0x58: {  	_ =	shalt  }
0x59: {  	_ =	shalt  }
0x5a: {  	_ =	shalt  }
0x5b: {  	_ =	shalt  }
0x5c: {  	_ =	shalt  }
0x5d: {  	_ =	shalt  }
0x5e: {  	_ =	shalt  }
0x5f: {  	_ =	shalt  }
0x60: {  	_ =	shalt  }
0x61: {  	_ =	shalt  }
0x62: {  	_ =	shalt  }
0x63: {  	_ =	shalt  }
0x64: {  	_ =	shalt  }
0x65: {  	_ =	shalt  }
0x66: {  	_ =	shalt  }
0x67: {  	_ =	shalt  }
0x68: {  	_ =	shalt  }
0x69: {  	_ =	shalt  }
0x6a: {  	_ =	shalt  }
0x6b: {  	_ =	shalt  }
0x6c: {  	_ =	shalt  }
0x6d: {  	_ =	shalt  }
0x6e: {  	_ =	shalt  }
0x6f: {  	_ =	shalt  }
0x70: {  	_ =	shalt  }
0x71: {  	_ =	shalt  }
0x72: {  	_ =	shalt  }
0x73: {  	_ =	shalt  }
0x74: {  	_ =	shalt  }
0x75: {  	_ =	shalt  }
0x76: {  	_ =	shalt  }
0x77: {  	_ =	shalt  }
0x78: {  	_ =	shalt  }
0x79: {  	_ =	shalt  }
0x7a: {  	_ =	shalt  }
0x7b: {  	_ =	shalt  }
0x7c: {  	_ =	shalt  }
0x7d: {  	_ =	shalt  }
0x7e: {  	_ =	shalt  }
0x7f: {  	_ =	shalt  }
0x80: {  	_ =	shalt  }
0x81: {  	_ =	shalt  }
0x82: {  	_ =	shalt  }
0x83: {  	_ =	shalt  }
0x84: {  	_ =	shalt  }
0x85: {  	_ =	shalt  }
0x86: {  	_ =	shalt  }
0x87: {  	_ =	shalt  }
.Lfunc_end0:
.L_simem_size_0:
called_computation.1_lowered:
.L_overlay_start_0:
0x88: {  	s2 =	sld [smem:$0x3FD9]  }
0x89: {  	s3 =	sld [smem:$0x3FFE];
	_ =	sdelay $0x1  }
0x8a: {  	s1 =	srdreg.scid  }
0x8b: {  	s0 =	sand.u32 $0x1, s1  }
0x8c: {  	s17 =	sshll.u32 s0, $0xA;
	s2 =	sadd.s32 s3, s2  }
0x8d: {  	s2 =	sadd.s32 s2, s17  }
0x8e: {  	[smem:$0x3FBC] =	sst s2  }
0x8f: {  	_ = 	snop  }
0x90: {  	s2 =	sld [smem:$0x3FD0];
	(tm) =	ssettm $0x1  }
0x91: {  	s18 =	sld [smem:$0x3FFB];
	_ =	sdelay $0x3  }
0x92: {  	_ =	strace s18  }
0x93: {  	s3 =	sld [smem:$0x3FFC];
	_ =	sdelay $0x3  }
0x94: {  	_ =	strace s3  }
0x95: {  	s3 =	sld [smem:$0x3FFD];
	_ =	sdelay $0x3  }
0x96: {  	_ =	strace s3  }
0x97: {  	_ =	strace $0x8FFFFFFF  }
0x98: {  	s19 =	sld [smem:$0x3FDB];
	_ =	sdelay $0x1  }
0x99: {  	s4 =	simm.s32 $_scs_section_size  }
0x9a: {  	s5 =	simm.s32 $_size__tile_overlayer_lowered;
	s6 =	simm.s32 $_tile_overlayer_lowered  }
0x9b: {  	s22 =	simm.s32 $0x1BFF;
	s21 =	sshll.u32 s6, $0x1;
	s3 =	sadd.s32 s4, s19  }
0x9c: {  	s7 =	simm.s32 $0x0;
	s20 =	sshll.u32 s5, $0x1;
	s5 =	sadd.s32 s21, s3  }
0x9d: {  	[timem:s7], [sflag:s22] =	dma.local [hbm:s5], s20  }
0x9e: {  	_ =	swait.ge [sflag:s22], s20  }
0x9f: {  	s4 =	ssub.s32 $0x0, s20;
	[sflag:s22] =	ssyncset.done $0x0  }
0xa0: {  	[sflag:s22] =	ssyncadd.s32 s4;
	_ =	sdelay $0x1  }
0xa1: {  	s23 =	simm.s32 $0x1B8B  }
0xa2: {  	_ =	swait.ge [sflag:s23], $0x1  }
0xa3: {  	[sflag:s23] =	ssyncset.done $0x0  }
0xa4: {  	s25 =	simm.s32 $0x1B8E;
	s24 =	sld [smem:$0x3FFE];
	[sflag:s23] =	ssyncadd.s32 $0xFFFFFFFF  }
0xa5: {  	s26 =	simm.s32 $execute0_lowered;
	[smem:$0x3FD2] =	sst s25  }
0xa6: {  	s5 =	sshll.u32 s26, $0x1;
	_ =	strace $0x80000049;
	[dreg:$0x1] =	wrdreg $0xFFFFFFFF  }
0xa7: {  	s28 =	simm.s32 $_size_execute0_lowered;
	s3 =	sadd.s32 s3, s5;
	[dreg:$0x0] =	wrdreg $0x0  }
0xa8: {  	s5 =	sshll.u32 s28, $0x1;
	[dreg:$0x2] =	wrdreg s3  }
0xa9: {  	[dreg:$0x3] =	wrdreg s5  }
0xaa: {  	[dreg:$0x4] =	wrdreg $0xC0  }
0xab: {  	_ =	task [dreg:s7], $0x5FFFF  }
0xac: {  	[dreg:$0x1] =	wrdreg $0xFFFFFFFF  }
0xad: {  	[dreg:$0x0] =	wrdreg $0x60  }
0xae: {  	[dreg:$0x2] =	wrdreg s24  }
0xaf: {  	[dreg:$0x3] =	wrdreg s2  }
0xb0: {  	[dreg:$0x4] =	wrdreg $0x0  }
0xb1: {  	[dreg:$0x5] =	wrdreg $0x9  }
0xb2: {  	_ =	task.clear_ibuf [dreg:s7], $0x6FFFF;
	_ =	strace $0x90000049  }
0xb3: {  	s29 =	simm.s32 $0x9;
	_ =	strace $0x8000004B  }
0xb4: {  	_ =	swait.ge [sflag:s29], $0x1  }
0xb5: {  	[sflag:s29] =	ssyncadd.s32 $0xFFFFFFFF  }
0xb6: {  	_ =	strace $0x9000004B  }
0xb7: {  	_ =	sfence  }
0xb8: {  	s30 =	sld [smem:$0x0];
	_ =	sdelay $0x2  }
0xb9: {  	s31 =	sshll.u32 s1, $0xD;
	s1 =	sshrl.u32 s1, $0x2  }
0xba: {  	s3 =	sand.u32 $0x4000, s31;
	s1 =	sadd.s32 s1, s30  }
0xbb: {  	s0 =	sor.u32 s3, s0;
	s1 =	sshll.u32 s1, $0x11  }
0xbc: {  	s0 =	sor.u32 s1, s0  }
0xbd: {  	s0 =	sadd.s32 $0x8F2B, s0  }
0xbe: {  	[sflag:s0] =	ssyncadd.remote.s32 $0x1  }
0xbf: {  	_ =	sfence.sel $0xFFFF  }
0xc0: {  	[dreg:$0x0] =	wrdreg $0xFFFFFFFF;
	(pc) =	sbr.abs _section_cstart, $3  }
0xc1: {  	[dreg:$0x1] =	wrdreg $0xFFFFFFFF  }
0xc2: {  	_ =	task.clear_ibuf [dreg:s7], $0x2FFFF;
	_ =	strace $0x9FFFFFFF  }
0xc3: {  	(tm) =	ssettm $0x7FFFFFFF  }
tec
execute0_lowered:
.L_overlay_start_1:
0x0: {  	(tag) =	ssettag $0x1  }
0x1: {  	s0 =	rddreg [dreg:$0x0]  }
0x2: {  	s1 =	rddreg [dreg:$0x1]  }
0x3: {  	s2 =	rddreg [dreg:$0x2];
	s3 =	simm.s32 $0x0;
	s4 =	srdreg.scid  }
0x4: {  	s10 =	stileid.u32;
	s28 =	simm.s32 $0x2;
	s29 =	simm.s32 $0x14180  }
0x5: {  	s30 =	simm.s32 $0x14500;
	s31 =	simm.s32 $0x14200;
	[smem:$0x7FF] =	sst s3  }
0x6: {  	s5 =	sadd.s32 $0x4000, s0;
	s4 =	sand.u32 $0x1, s4;
	s6 =	sadd.s32 $0xE000, s0  }
0x7: {  	s12 =	smul.u32 $0x14000, s10;
	s0 =	sadd.s32 $0x5E000, s0;
	_ =	strace $0x8000004A  }
0x8: {  	s7 =	ssub.s32 $0x2, s4;
	s9 =	sshll.u32 s4, $0x4;
	s4 =	smul.u32 $0x140000, s4  }
0x9: {  	s8 =	sshrl.u32 s7, $0x1;
	s22 =	sor.u32 s10, s9;
	s23 =	sadd.s32 s12, s2  }
0xa: {  	s13 =	sadd.s32 $0x4000, s12;
	s14 =	sadd.s32 $0x8000, s12;
	s16 =	sadd.s32 $0xC000, s12  }
0xb: {  	s17 =	sadd.s32 $0x10000, s12;
	s7 =	ssub.s32 s7, s8;
	[dreg:$0x8] =	wrdreg s23  }
0xc: {  	s24 =	sadd.s32 s13, s2;
	s25 =	sadd.s32 s14, s2;
	s15 =	smul.u32 $0x500, s22  }
0xd: {  	s10 =	sadd.s32 s16, s2;
	s11 =	sadd.s32 s17, s2;
	s8 =	smul.u32 $0x2800, s22  }
0xe: {  	s12 =	sadd.s32 s12, s4;
	s13 =	sadd.s32 s4, s13;
	s20 =	sadd.s32 s4, s14  }
0xf: {  	s21 =	sadd.s32 s4, s16;
	s4 =	sadd.s32 s4, s17;
	s14 =	simm.s32 $0x14680  }
0x10: {  	s16 =	simm.s32 $0x14700;
	s17 =	simm.s32 $0x14780;
	[dreg:$0x9] =	wrdreg s24  }
0x11: {  	[dreg:$0xa] =	wrdreg s25;
	s12 =	sshrl.u32 s12, $0x3;
	s13 =	sshrl.u32 s13, $0x3  }
0x12: {  	s4 =	sshrl.u32 s4, $0x3;
	s23 =	smax.u32 s7, $0x1;
	[dreg:$0x4] =	wrdreg s8  }
0x13: {  	s24 =	simm.s32 $0x14080;
	s25 =	simm.s32 $0x14100;
	[dreg:$0x12] =	wrdreg s23  }
0x14: {  	s26 =	sadd.s32 s5, s15;
	s15 =	sadd.s32 s1, s15;
	[dreg:$0x5] =	wrdreg s24  }
0x15: {  	s18 =	sadd.s32 s0, s12;
	s19 =	sadd.s32 s0, s13;
	[dreg:$0x6] =	wrdreg s25  }
0x16: {  	s8 =	sshrl.u32 s20, $0x3;
	s12 =	sshrl.u32 s21, $0x3;
	[dreg:$0xb] =	wrdreg s26  }
0x17: {  	s20 =	simm.s32 $0x14800;
	s21 =	simm.s32 $0x3;
	[dreg:$0xc] =	wrdreg s15  }
0x18: {  	s23 =	simm.s32 $0x14400;
	s24 =	simm.s32 $0x80;
	[dreg:$0xd] =	wrdreg s18  }
0x19: {  	s25 =	simm.s32 $0x1;
	s13 =	simm.s32 $0x14300;
	[dreg:$0xe] =	wrdreg s19  }
0x1a: {  	s8 =	sadd.s32 s0, s8;
	s22 =	sadd.s32 s0, s12;
	s0 =	sadd.s32 s0, s4  }
0x1b: {  	s26 =	simm.s32 $0x14480;
	s4 =	simm.s32 $0x14280;
	[dreg:$0xf] =	wrdreg s8  }
0x1c: {  	s12 =	simm.s32 $0x14600;
	s15 =	simm.s32 $0x14380;
	[dreg:$0x10] =	wrdreg s22  }
0x1d: {  	s18 =	simm.s32 $0x0;
	[dreg:$0x11] =	wrdreg s0;
	s22 =	simm.s32 $0x14000  }
0x1e: {  	v0 =	vimm.f32 $0.0e+00;
	[dreg:$0x7] =	wrdreg s26;
	s26 =	simm.s32 $0x18800;
	s0 =	simm.s32 $0x14580  }
.LBB2_1:
0x1f: {  	s7 =	sand.u32 $0xFE00, s3  }
0x20: {  	s8 =	sand.u32 $0x70, s3;
	s19 =	sshrl.u32 s7, $0x2  }
0x21: {  	s7 =	simm.s32 $0x40;
	s8 =	sor.u32 s8, s19;
	s19 =	simm.s32 $0x0  }
.LBB2_2:
0x22: {  	p0 =	sne.s32 s7, $0xFFC0  }
0x23: {  	[tilespmem:s8+$0x14800] =	vst v0;
	s19 =	sadd.s32 $0x10, s19;
	s8 =	smov.u32 s7;
	s7 =	sadd.s32 $0x40, s7  }
.Ltmp0:
0x24: {  	(pc) =	sbr.rel @p0 .LBB2_2-.Ltmp0, $4  }
0x25: {  	_ = 	snop  }
0x26: {  	s8 =	sand.u32 $0xFE00, s8  }
0x27: {  	s9 =	sand.u32 $0x70, s19;
	s8 =	sshrl.u32 s8, $0x2  }
0x28: {  	s8 =	sor.u32 s9, s8  }
0x29: {  	[tilespmem:s8+$0x14800] =	vst v0;
	s7 =	rddreg [dreg:$0x8]  }
0x2a: {  	[spmem:s7] =	stream.linear.scatter [tilespmem:s20], [sflag:$0x3], $0x4000, $0x38;
	[tilespmem:$0x1C800] =	vst v63  }
0x2b: {  	_ =	swait.ge [sflag:s21], $0x4000  }
0x2c: {  	[sflag:s21] =	ssyncset.done $0x0  }
0x2d: {  	s19 =	rddreg [dreg:$0x9];
	[sflag:s21] =	ssyncadd.s32 $0xFFFFC000  }
0x2e: {  	[spmem:s19] =	stream.linear.scatter [tilespmem:s20], [sflag:$0x3], $0x4000, $0x38;
	[tilespmem:$0x1C800] =	vst v63  }
0x2f: {  	_ =	swait.ge [sflag:s21], $0x4000  }
0x30: {  	[sflag:s21] =	ssyncset.done $0x0  }
0x31: {  	s8 =	rddreg [dreg:$0xa];
	[sflag:s21] =	ssyncadd.s32 $0xFFFFC000  }
0x32: {  	[spmem:s8] =	stream.linear.scatter [tilespmem:s20], [sflag:$0x3], $0x4000, $0x38;
	[tilespmem:$0x1C800] =	vst v63  }
0x33: {  	_ =	swait.ge [sflag:s21], $0x4000  }
0x34: {  	[sflag:s21] =	ssyncset.done $0x0  }
0x35: {  	[sflag:s21] =	ssyncadd.s32 $0xFFFFC000  }
0x36: {  	[spmem:s10] =	stream.linear.scatter [tilespmem:s20], [sflag:$0x3], $0x4000, $0x38;
	[tilespmem:$0x1C800] =	vst v63  }
0x37: {  	_ =	swait.ge [sflag:s21], $0x4000  }
0x38: {  	[sflag:s21] =	ssyncset.done $0x0  }
0x39: {  	[sflag:s21] =	ssyncadd.s32 $0xFFFFC000  }
0x3a: {  	[spmem:s11] =	stream.linear.scatter [tilespmem:s20], [sflag:$0x3], $0x4000, $0x38;
	[tilespmem:$0x1C800] =	vst v63  }
0x3b: {  	_ =	swait.ge [sflag:s21], $0x4000  }
0x3c: {  	[sflag:s21] =	ssyncset.done $0x0  }
0x3d: {  	[sflag:s21] =	ssyncadd.s32 $0xFFFFC000  }
0x3e: {  	[bflag:$0x0] =	sbarrier.arrive $0xFFFF  }
0x3f: {  	s9 =	rddreg [dreg:$0xb]  }
0x40: {  	[tilespmem:s22], [sflag:$0x3] =	stream.linear.gather [hbm4b:s9+s3], $0x400, $0x38;
	[tilespmem:$0x1C800] =	vst v63  }
0x41: {  	_ =	swait.ge [sflag:s21], $0x400  }
0x42: {  	[sflag:s21] =	ssyncset.done $0x0  }
0x43: {  	s19 =	rddreg [dreg:$0xc];
	[sflag:s21] =	ssyncadd.s32 $0xFFFFFC00  }
0x44: {  	[tilespmem:s23], [sflag:$0x3] =	stream.linear.gather [hbm4b:s19+s3], $0x400, $0x38;
	[tilespmem:$0x1C800] =	vst v63  }
0x45: {  	_ =	swait.ge [sflag:s21], $0x400  }
0x46: {  	[sflag:s21] =	ssyncset.done $0x0  }
0x47: {  	[sflag:s21] =	ssyncadd.s32 $0xFFFFFC00  }
0x48: {  	[tilespmem:s20], [sflag:$0x1] =	stream.indirect.gather [hbm4b:s6+s24], $0x80, s22, s24, $0xb8;
	[tilespmem:$0x1C800] =	vst v63  }
0x49: {  	_ =	swait.ge [sflag:s25], $0x4000  }
0x4a: {  	[sflag:s25] =	ssyncset.done $0x0  }
0x4b: {  	s8 =	rddreg [dreg:$0x5];
	[sflag:s25] =	ssyncadd.s32 $0xFFFFC000  }
0x4c: {  	[tilespmem:s26], [sflag:$0x2] =	stream.indirect.gather [hbm4b:s6+s24], $0x80, s8, s24, $0xb8;
	[tilespmem:$0x1C800] =	vst v63  }
0x4d: {  	_ = 	snop  }
0x4e: {  	[spmem:s2] =	stream.indirect.scatter.add.f32 [tilespmem:s20], [sflag:$0x3], $0x80, s23, s24, $0xb8;
	[tilespmem:$0x1C800] =	vst v63  }
0x4f: {  	_ =	swait.ge [sflag:s21], $0x4000  }
0x50: {  	[sflag:s21] =	ssyncset.done $0x0  }
0x51: {  	[sflag:s21] =	ssyncadd.s32 $0xFFFFC000  }
0x52: {  	_ =	swait.ge [sflag:s28], $0x4000  }
0x53: {  	[sflag:s28] =	ssyncset.done $0x0  }
0x54: {  	s9 =	rddreg [dreg:$0x6];
	[sflag:s28] =	ssyncadd.s32 $0xFFFFC000  }
0x55: {  	[tilespmem:s20], [sflag:$0x1] =	stream.indirect.gather [hbm4b:s6+s24], $0x80, s9, s24, $0xb8;
	[tilespmem:$0x1C800] =	vst v63  }
0x56: {  	s19 =	rddreg [dreg:$0x7]  }
0x57: {  	[spmem:s2] =	stream.indirect.scatter.add.f32 [tilespmem:s26], [sflag:$0x3], $0x80, s19, s24, $0xb8;
	[tilespmem:$0x1C800] =	vst v63  }
0x58: {  	_ =	swait.ge [sflag:s21], $0x4000  }
0x59: {  	[sflag:s21] =	ssyncset.done $0x0  }
0x5a: {  	[sflag:s21] =	ssyncadd.s32 $0xFFFFC000  }
0x5b: {  	_ =	swait.ge [sflag:s25], $0x4000  }
0x5c: {  	[sflag:s25] =	ssyncset.done $0x0  }
0x5d: {  	[sflag:s25] =	ssyncadd.s32 $0xFFFFC000  }
0x5e: {  	[tilespmem:s26], [sflag:$0x2] =	stream.indirect.gather [hbm4b:s6+s24], $0x80, s29, s24, $0xb8;
	[tilespmem:$0x1C800] =	vst v63  }
0x5f: {  	_ = 	snop  }
0x60: {  	[spmem:s2] =	stream.indirect.scatter.add.f32 [tilespmem:s20], [sflag:$0x3], $0x80, s30, s24, $0xb8;
	[tilespmem:$0x1C800] =	vst v63  }
0x61: {  	_ =	swait.ge [sflag:s21], $0x4000  }
0x62: {  	[sflag:s21] =	ssyncset.done $0x0  }
0x63: {  	[sflag:s21] =	ssyncadd.s32 $0xFFFFC000  }
0x64: {  	_ =	swait.ge [sflag:s28], $0x4000  }
0x65: {  	[sflag:s28] =	ssyncset.done $0x0  }
0x66: {  	[sflag:s28] =	ssyncadd.s32 $0xFFFFC000  }
0x67: {  	[tilespmem:s20], [sflag:$0x1] =	stream.indirect.gather [hbm4b:s6+s24], $0x80, s31, s24, $0xb8;
	[tilespmem:$0x1C800] =	vst v63  }
0x68: {  	_ = 	snop  }
0x69: {  	[spmem:s2] =	stream.indirect.scatter.add.f32 [tilespmem:s26], [sflag:$0x3], $0x80, s0, s24, $0xb8;
	[tilespmem:$0x1C800] =	vst v63  }
0x6a: {  	_ =	swait.ge [sflag:s21], $0x4000  }
0x6b: {  	[sflag:s21] =	ssyncset.done $0x0  }
0x6c: {  	[sflag:s21] =	ssyncadd.s32 $0xFFFFC000  }
0x6d: {  	_ =	swait.ge [sflag:s25], $0x4000  }
0x6e: {  	[sflag:s25] =	ssyncset.done $0x0  }
0x6f: {  	[sflag:s25] =	ssyncadd.s32 $0xFFFFC000  }
0x70: {  	[tilespmem:s26], [sflag:$0x2] =	stream.indirect.gather [hbm4b:s6+s24], $0x80, s4, s24, $0xb8;
	[tilespmem:$0x1C800] =	vst v63  }
0x71: {  	_ = 	snop  }
0x72: {  	[spmem:s2] =	stream.indirect.scatter.add.f32 [tilespmem:s20], [sflag:$0x3], $0x80, s12, s24, $0xb8;
	[tilespmem:$0x1C800] =	vst v63  }
0x73: {  	_ =	swait.ge [sflag:s21], $0x4000  }
0x74: {  	[sflag:s21] =	ssyncset.done $0x0  }
0x75: {  	[sflag:s21] =	ssyncadd.s32 $0xFFFFC000  }
0x76: {  	_ =	swait.ge [sflag:s28], $0x4000  }
0x77: {  	[sflag:s28] =	ssyncset.done $0x0  }
0x78: {  	[sflag:s28] =	ssyncadd.s32 $0xFFFFC000  }
0x79: {  	[tilespmem:s20], [sflag:$0x1] =	stream.indirect.gather [hbm4b:s6+s24], $0x80, s13, s24, $0xb8;
	[tilespmem:$0x1C800] =	vst v63  }
0x7a: {  	_ = 	snop  }
0x7b: {  	[spmem:s2] =	stream.indirect.scatter.add.f32 [tilespmem:s26], [sflag:$0x3], $0x80, s14, s24, $0xb8;
	[tilespmem:$0x1C800] =	vst v63  }
0x7c: {  	_ =	swait.ge [sflag:s21], $0x4000  }
0x7d: {  	[sflag:s21] =	ssyncset.done $0x0  }
0x7e: {  	[sflag:s21] =	ssyncadd.s32 $0xFFFFC000  }
0x7f: {  	_ =	swait.ge [sflag:s25], $0x4000  }
0x80: {  	[sflag:s25] =	ssyncset.done $0x0  }
0x81: {  	[sflag:s25] =	ssyncadd.s32 $0xFFFFC000  }
0x82: {  	[tilespmem:s26], [sflag:$0x2] =	stream.indirect.gather [hbm4b:s6+s24], $0x80, s15, s24, $0xb8;
	[tilespmem:$0x1C800] =	vst v63  }
0x83: {  	_ = 	snop  }
0x84: {  	[spmem:s2] =	stream.indirect.scatter.add.f32 [tilespmem:s20], [sflag:$0x3], $0x80, s16, s24, $0xb8;
	[tilespmem:$0x1C800] =	vst v63  }
0x85: {  	_ =	swait.ge [sflag:s21], $0x4000  }
0x86: {  	[sflag:s21] =	ssyncset.done $0x0  }
0x87: {  	[sflag:s21] =	ssyncadd.s32 $0xFFFFC000  }
0x88: {  	_ =	swait.ge [sflag:s28], $0x4000  }
0x89: {  	[sflag:s28] =	ssyncset.done $0x0  }
0x8a: {  	p0 =	por $0x1, $0x1;
	s7 =	simm.s32 $0x1;
	[sflag:s28] =	ssyncadd.s32 $0xFFFFC000  }
0x8b: {  	[spmem:s2] =	stream.indirect.scatter.add.f32 [tilespmem:s26], [sflag:$0x3], $0x80, s17, s24, $0xb8;
	[tilespmem:$0x1C800] =	vst v63  }
0x8c: {  	s7 =	simm.s32 @!p0 $0x9;
	_ =	swait.ge [sflag:s21], $0x4000  }
0x8d: {  	s7 =	sshll.u32 s7, $0xA;
	s9 =	rddreg [dreg:$0x4]  }
0x8e: {  	s7 =	sadd.s32 s9, s7  }
0x8f: {  	[sflag:s21] =	ssyncset.done $0x0;
	s7 =	sshrl.u32 s7, $0x3  }
0x90: {  	[sflag:s21] =	ssyncadd.s32 $0xFFFFC000;
	s19 =	sadd.s32 s5, s7  }
0x91: {  	[tilespmem:s22], [sflag:$0x3] =	stream.linear.gather [hbm4b:s19+s3], $0x400, $0x38;
	[tilespmem:$0x1C800] =	vst v63  }
0x92: {  	_ =	swait.ge [sflag:s21], $0x400  }
0x93: {  	[sflag:s21] =	ssyncset.done $0x0  }
0x94: {  	s7 =	sadd.s32 s1, s7;
	[sflag:s21] =	ssyncadd.s32 $0xFFFFFC00  }
0x95: {  	[tilespmem:s23], [sflag:$0x3] =	stream.linear.gather [hbm4b:s7+s3], $0x400, $0x38;
	[tilespmem:$0x1C800] =	vst v63  }
0x96: {  	_ =	swait.ge [sflag:s21], $0x400  }
0x97: {  	[sflag:s21] =	ssyncset.done $0x0  }
0x98: {  	s19 =	simm.s32 $0x2;
	[sflag:s21] =	ssyncadd.s32 $0xFFFFFC00  }
.LBB2_4:
0x99: {  	[tilespmem:s20], [sflag:$0x1] =	stream.indirect.gather [hbm4b:s6+s24], $0x80, s22, s24, $0xb8;
	[tilespmem:$0x1C800] =	vst v63  }
0x9a: {  	_ =	swait.ge [sflag:s25], $0x4000  }
0x9b: {  	[sflag:s25] =	ssyncset.done $0x0  }
0x9c: {  	s8 =	rddreg [dreg:$0x5];
	[sflag:s25] =	ssyncadd.s32 $0xFFFFC000  }
0x9d: {  	[tilespmem:s26], [sflag:$0x2] =	stream.indirect.gather [hbm4b:s6+s24], $0x80, s8, s24, $0xb8;
	[tilespmem:$0x1C800] =	vst v63  }
0x9e: {  	_ = 	snop  }
0x9f: {  	[spmem:s2] =	stream.indirect.scatter.add.f32 [tilespmem:s20], [sflag:$0x3], $0x80, s23, s24, $0xb8;
	[tilespmem:$0x1C800] =	vst v63  }
0xa0: {  	_ =	swait.ge [sflag:s21], $0x4000  }
0xa1: {  	[sflag:s21] =	ssyncset.done $0x0  }
0xa2: {  	[sflag:s21] =	ssyncadd.s32 $0xFFFFC000  }
0xa3: {  	_ =	swait.ge [sflag:s28], $0x4000  }
0xa4: {  	[sflag:s28] =	ssyncset.done $0x0  }
0xa5: {  	s8 =	rddreg [dreg:$0x6];
	[sflag:s28] =	ssyncadd.s32 $0xFFFFC000  }
0xa6: {  	[tilespmem:s20], [sflag:$0x1] =	stream.indirect.gather [hbm4b:s6+s24], $0x80, s8, s24, $0xb8;
	[tilespmem:$0x1C800] =	vst v63  }
0xa7: {  	s9 =	rddreg [dreg:$0x7]  }
0xa8: {  	[spmem:s2] =	stream.indirect.scatter.add.f32 [tilespmem:s26], [sflag:$0x3], $0x80, s9, s24, $0xb8;
	[tilespmem:$0x1C800] =	vst v63  }
0xa9: {  	_ =	swait.ge [sflag:s21], $0x4000  }
0xaa: {  	[sflag:s21] =	ssyncset.done $0x0  }
0xab: {  	[sflag:s21] =	ssyncadd.s32 $0xFFFFC000  }
0xac: {  	_ =	swait.ge [sflag:s25], $0x4000  }
0xad: {  	[sflag:s25] =	ssyncset.done $0x0  }
0xae: {  	[sflag:s25] =	ssyncadd.s32 $0xFFFFC000  }
0xaf: {  	[tilespmem:s26], [sflag:$0x2] =	stream.indirect.gather [hbm4b:s6+s24], $0x80, s29, s24, $0xb8;
	[tilespmem:$0x1C800] =	vst v63  }
0xb0: {  	_ = 	snop  }
0xb1: {  	[spmem:s2] =	stream.indirect.scatter.add.f32 [tilespmem:s20], [sflag:$0x3], $0x80, s30, s24, $0xb8;
	[tilespmem:$0x1C800] =	vst v63  }
0xb2: {  	_ =	swait.ge [sflag:s21], $0x4000  }
0xb3: {  	[sflag:s21] =	ssyncset.done $0x0  }
0xb4: {  	[sflag:s21] =	ssyncadd.s32 $0xFFFFC000  }
0xb5: {  	_ =	swait.ge [sflag:s28], $0x4000  }
0xb6: {  	[sflag:s28] =	ssyncset.done $0x0  }
0xb7: {  	[sflag:s28] =	ssyncadd.s32 $0xFFFFC000  }
0xb8: {  	[tilespmem:s20], [sflag:$0x1] =	stream.indirect.gather [hbm4b:s6+s24], $0x80, s31, s24, $0xb8;
	[tilespmem:$0x1C800] =	vst v63  }
0xb9: {  	_ = 	snop  }
0xba: {  	[spmem:s2] =	stream.indirect.scatter.add.f32 [tilespmem:s26], [sflag:$0x3], $0x80, s0, s24, $0xb8;
	[tilespmem:$0x1C800] =	vst v63  }
0xbb: {  	_ =	swait.ge [sflag:s21], $0x4000  }
0xbc: {  	[sflag:s21] =	ssyncset.done $0x0  }
0xbd: {  	[sflag:s21] =	ssyncadd.s32 $0xFFFFC000  }
0xbe: {  	_ =	swait.ge [sflag:s25], $0x4000  }
0xbf: {  	[sflag:s25] =	ssyncset.done $0x0  }
0xc0: {  	[sflag:s25] =	ssyncadd.s32 $0xFFFFC000  }
0xc1: {  	[tilespmem:s26], [sflag:$0x2] =	stream.indirect.gather [hbm4b:s6+s24], $0x80, s4, s24, $0xb8;
	[tilespmem:$0x1C800] =	vst v63  }
0xc2: {  	_ = 	snop  }
0xc3: {  	[spmem:s2] =	stream.indirect.scatter.add.f32 [tilespmem:s20], [sflag:$0x3], $0x80, s12, s24, $0xb8;
	[tilespmem:$0x1C800] =	vst v63  }
0xc4: {  	_ =	swait.ge [sflag:s21], $0x4000  }
0xc5: {  	[sflag:s21] =	ssyncset.done $0x0  }
0xc6: {  	[sflag:s21] =	ssyncadd.s32 $0xFFFFC000  }
0xc7: {  	_ =	swait.ge [sflag:s28], $0x4000  }
0xc8: {  	[sflag:s28] =	ssyncset.done $0x0  }
0xc9: {  	[sflag:s28] =	ssyncadd.s32 $0xFFFFC000  }
0xca: {  	[tilespmem:s20], [sflag:$0x1] =	stream.indirect.gather [hbm4b:s6+s24], $0x80, s13, s24, $0xb8;
	[tilespmem:$0x1C800] =	vst v63  }
0xcb: {  	_ = 	snop  }
0xcc: {  	[spmem:s2] =	stream.indirect.scatter.add.f32 [tilespmem:s26], [sflag:$0x3], $0x80, s14, s24, $0xb8;
	[tilespmem:$0x1C800] =	vst v63  }
0xcd: {  	_ =	swait.ge [sflag:s21], $0x4000  }
0xce: {  	[sflag:s21] =	ssyncset.done $0x0  }
0xcf: {  	[sflag:s21] =	ssyncadd.s32 $0xFFFFC000  }
0xd0: {  	_ =	swait.ge [sflag:s25], $0x4000  }
0xd1: {  	[sflag:s25] =	ssyncset.done $0x0  }
0xd2: {  	[sflag:s25] =	ssyncadd.s32 $0xFFFFC000  }
0xd3: {  	[tilespmem:s26], [sflag:$0x2] =	stream.indirect.gather [hbm4b:s6+s24], $0x80, s15, s24, $0xb8;
	[tilespmem:$0x1C800] =	vst v63  }
0xd4: {  	_ = 	snop  }
0xd5: {  	[spmem:s2] =	stream.indirect.scatter.add.f32 [tilespmem:s20], [sflag:$0x3], $0x80, s16, s24, $0xb8;
	[tilespmem:$0x1C800] =	vst v63  }
0xd6: {  	_ =	swait.ge [sflag:s21], $0x4000  }
0xd7: {  	[sflag:s21] =	ssyncset.done $0x0  }
0xd8: {  	[sflag:s21] =	ssyncadd.s32 $0xFFFFC000  }
0xd9: {  	_ =	swait.ge [sflag:s28], $0x4000  }
0xda: {  	s7 =	smov.u32 s19;
	[sflag:s28] =	ssyncset.done $0x0  }
0xdb: {  	p1 =	slt.s32 s7, $0x9;
	[sflag:s28] =	ssyncadd.s32 $0xFFFFC000  }
0xdc: {  	[spmem:s2] =	stream.indirect.scatter.add.f32 [tilespmem:s26], [sflag:$0x3], $0x80, s17, s24, $0xb8;
	[tilespmem:$0x1C800] =	vst v63  }
0xdd: {  	s7 =	simm.s32 @!p1 $0x9;
	_ =	swait.ge [sflag:s21], $0x4000  }
0xde: {  	s7 =	sshll.u32 s7, $0xA;
	s9 =	rddreg [dreg:$0x4]  }
0xdf: {  	s7 =	sadd.s32 s9, s7  }
0xe0: {  	[sflag:s21] =	ssyncset.done $0x0;
	s7 =	sshrl.u32 s7, $0x3  }
0xe1: {  	[sflag:s21] =	ssyncadd.s32 $0xFFFFC000;
	s9 =	sadd.s32 s5, s7  }
0xe2: {  	[tilespmem:s22], [sflag:$0x3] =	stream.linear.gather [hbm4b:s9+s3], $0x400, $0x38;
	[tilespmem:$0x1C800] =	vst v63  }
0xe3: {  	_ =	swait.ge [sflag:s21], $0x400  }
0xe4: {  	p0 =	sne.s32 s19, $0xA;
	[sflag:s21] =	ssyncset.done $0x0  }
.Ltmp1:
0xe5: {  	s7 =	sadd.s32 s1, s7;
	[sflag:s21] =	ssyncadd.s32 $0xFFFFFC00;
	(pc) =	sbr.rel @p0 .LBB2_4-.Ltmp1, $4  }
0xe6: {  	[tilespmem:s23], [sflag:$0x3] =	stream.linear.gather [hbm4b:s7+s3], $0x400, $0x38;
	[tilespmem:$0x1C800] =	vst v63  }
0xe7: {  	_ =	swait.ge [sflag:s21], $0x400  }
0xe8: {  	[sflag:s21] =	ssyncset.done $0x0  }
0xe9: {  	s19 =	sadd.s32 $0x1, s19;
	[sflag:s21] =	ssyncadd.s32 $0xFFFFFC00  }
0xea: {  	[tilespmem:s20], [sflag:$0x1] =	stream.indirect.gather [hbm4b:s6+s24], $0x80, s22, s24, $0xb8;
	[tilespmem:$0x1C800] =	vst v63  }
0xeb: {  	_ =	swait.ge [sflag:s25], $0x4000  }
0xec: {  	[sflag:s25] =	ssyncset.done $0x0  }
0xed: {  	[sflag:s25] =	ssyncadd.s32 $0xFFFFC000  }
0xee: {  	s7 =	stileid.u32;
	[bflag:$0x0] =	sbarrier.arrive $0xFFFF  }
0xef: {  	s7 =	sshll.u32 s7, $0x6;
	s8 =	rddreg [dreg:$0x8]  }
0xf0: {  	s7 =	sor.u32 $0x1C03, s7;
	s9 =	rddreg [dreg:$0xd];
	s8 =	sshrl.u32 s8, $0x3  }
0xf1: {  	[hbm:s9], [sflag:s7] =	dma.local [spmem:s8], $0x800  }
0xf2: {  	_ =	swait.ge [sflag:s21], $0x800  }
0xf3: {  	[sflag:s21] =	ssyncset.done $0x0;
	s9 =	rddreg [dreg:$0x9]  }
0xf4: {  	s19 =	rddreg [dreg:$0xe];
	[sflag:s21] =	ssyncadd.s32 $0xFFFFF800;
	s8 =	sshrl.u32 s9, $0x3  }
0xf5: {  	[hbm:s19], [sflag:s7] =	dma.local [spmem:s8], $0x800  }
0xf6: {  	_ =	swait.ge [sflag:s21], $0x800  }
0xf7: {  	[sflag:s21] =	ssyncset.done $0x0;
	s9 =	rddreg [dreg:$0xa]  }
0xf8: {  	s19 =	rddreg [dreg:$0xf];
	[sflag:s21] =	ssyncadd.s32 $0xFFFFF800;
	s8 =	sshrl.u32 s9, $0x3  }
0xf9: {  	[hbm:s19], [sflag:s7] =	dma.local [spmem:s8], $0x800  }
0xfa: {  	_ =	swait.ge [sflag:s21], $0x800  }
0xfb: {  	[sflag:s21] =	ssyncset.done $0x0  }
0xfc: {  	s9 =	sshrl.u32 s10, $0x3;
	s19 =	rddreg [dreg:$0x10];
	[sflag:s21] =	ssyncadd.s32 $0xFFFFF800  }
0xfd: {  	[hbm:s19], [sflag:s7] =	dma.local [spmem:s9], $0x800  }
0xfe: {  	_ =	swait.ge [sflag:s21], $0x800  }
0xff: {  	[sflag:s21] =	ssyncset.done $0x0  }
0x100: {  	s9 =	sshrl.u32 s11, $0x3;
	s19 =	rddreg [dreg:$0x11];
	[sflag:s21] =	ssyncadd.s32 $0xFFFFF800  }
0x101: {  	[hbm:s19], [sflag:s7] =	dma.local [spmem:s9], $0x800  }
0x102: {  	_ =	swait.ge [sflag:s21], $0x800  }
0x103: {  	s18 =	sadd.s32 $0x1, s18;
	s19 =	rddreg [dreg:$0x12]  }
0x104: {  	p0 =	sne.s32 s18, s19  }
.Ltmp2:
0x105: {  	_ = 	snop;
	(pc) =	sbr.rel @p0 .LBB2_1-.Ltmp2, $3  }
0x106: {  	_ =	sdelay $0x1  }
0x107: {  	[sflag:s21] =	ssyncset.done $0x0  }
0x108: {  	[sflag:s21] =	ssyncadd.s32 $0xFFFFF800  }
0x109: {  	_ =	sfence.sel $0x180000  }
0x10a: {  	[bflag:$0x0] =	sbarrier.arrive $0xFFFF  }
0x10b: {  	_ =	strace $0x9000004A  }
0x10c: {  	s0 =	stileid.u32;
	[bflag:$0x2] =	sbarrier.arrive $0xFFFF  }
0x10d: {  	p0 =	sne.s32 s0, $0x0;
	s0 =	rddreg [dreg:$0x3]  }
0x10e: {  	s0 =	sadd.s32 @!p0 $0x100000, s0  }
0x10f: {  	[sflag:s0] =	ssyncadd.tile.s32 @!p0 $0x1;
	_ =	shalt  }
.Lfunc_end2:
_tile_overlayer_lowered:
.L_overlay_start_2:
0x110: {  	(tag) =	ssettag $0x2  }
0x111: {  	s0 =	rddreg [dreg:$0x0];
	s2 =	stileid.u32  }
0x112: {  	s1 =	rddreg [dreg:$0x1];
	p0 =	sne.s32 s2, $0x0  }
0x113: {  	s3 =	rddreg [dreg:$0x2];
	[bflag:$0x3] =	sbarrier.arrive $0xFFFF;
	s2 =	simm.s32 @!p0 $0x1C03  }
0x114: {  	[timem:s3], [sflag:s2] =	dma.local @!p0 [hbm:s0], s1  }
0x115: {  	s0 =	simm.s32 @!p0 $0x3  }
0x116: {  	_ =	swait.ge @!p0 [sflag:s0], s1  }
0x117: {  	s1 =	ssub.s32 @!p0 $0x0, s1;
	[sflag:s0] =	ssyncset.done @!p0 $0x0  }
0x118: {  	[sflag:s0] =	ssyncadd.s32 @!p0 s1  }
0x119: {  	[bflag:$0x3] =	sbarrier.arrive $0xFFFF  }
0x11a: {  	_ =	shalt  }

// kernel: kernel.14.cloned.1.call-start
scs
__scs_entry_jumppad:
0x0: {  	(pc) =	sbr.rel $0x88, $3  }
0x1: {  	(tag) =	ssettag $0x0;
	lr =	simm.s32 $0x1  }
0x2: {  	[smem:$0x3F95] =	sst lr;
	_ =	strace $0xD0000000  }
0x3: {  	_ = 	snop  }
0x4: {  	_ = 	snop  }
0x5: {  	_ = 	snop  }
0x6: {  	_ = 	snop  }
0x7: {  	_ = 	snop  }
__scs_overlays_trampoline_lowered:
0x8: {  	[smem:$0x3FA4] =	sst s0  }
0x9: {  	[smem:$0x3FA5] =	sst s1  }
0xa: {  	[smem:$0x3FA6] =	sst s2  }
0xb: {  	[smem:$0x3FA7] =	sst s3  }
0xc: {  	[smem:$0x3FA8] =	sst s4  }
0xd: {  	[smem:$0x3FA9] =	sst s5  }
0xe: {  	[smem:$0x3FAA] =	sst s6  }
0xf: {  	[smem:$0x3FAB] =	sst s7  }
0x10: {  	[smem:$0x3FAC] =	sst s8  }
0x11: {  	[smem:$0x3FAD] =	sst s9;
	s0 =	simm.s32 @!p0 $0x0  }
0x12: {  	s1 =	sld [smem:$0x3F93];
	s0 =	simm.s32 @p0 $0x1  }
0x13: {  	[smem:$0x3FAE] =	sst s0;
	s0 =	simm.s32 @!p1 $0x0  }
0x14: {  	s2 =	sld [smem:$0x3F92];
	s0 =	simm.s32 @p1 $0x1  }
0x15: {  	[smem:$0x3FAF] =	sst s0;
	s0 =	simm.s32 @!p2 $0x0  }
0x16: {  	s3 =	sld [smem:$0x3FDB];
	s0 =	simm.s32 @p2 $0x1  }
0x17: {  	s4 =	simm.s32 $0x1BF5;
	[smem:$0x3FB1] =	sst s0  }
0x18: {  	s0 =	sld [smem:$0x3F94];
	_ =	swait.ge [sflag:s4], $0x0  }
0x19: {  	s7 =	sld [smem:$0x3F95]  }
0x1a: {  	s8 =	sadd.s32 $0xFFFFE003, lr  }
0x1b: {  	s9 =	sadd.s32 $0xFFFFFEF7, lr;
	s5 =	simm.s32 $0xFFFFFFFF;
	p2 =	slt.u32 s8, $0xFFFFF086  }
0x1c: {  	p1 =	slt.u32 s9, $0xF7A;
	s5 =	simm.s32 @!p2 $0x0  }
0x1d: {  	s5 =	simm.s32 @p1 $0x1;
	p0 =	seq.s32 s7, s2  }
0x1e: {  	s7 =	smul.u32 @!p0 $0xF7A, s2;
	p2 =	seq.s32 @!p0 s5, $0x0  }
0x1f: {  	s9 =	smul.u32 $0xF7A, s1;
	s8 =	simm.s32 @!p0 $0x1BF5;
	p2 =	por !p2, p0  }
0x20: {  	[sflag:s8] =	ssyncset.s32 @!p0 $0xFFFFF086;
	s6 =	sadd.s32 @!p0 s3, s7;
	s7 =	simm.s32 @!p0 $0x108  }
0x21: {  	s3 =	sadd.s32 s3, s9;
	s6 =	sadd.s32 @!p0 $0x88, s6;
	s7 =	simm.s32 @p2 $0x1082  }
0x22: {  	[simem:s7], [sflag:s8] =	dma.local @!p0 [hbm:s6], $0xF7A  }
0x23: {  	s9 =	sor.u32 $0xD0000000, s2;
	s6 =	simm.s32 $0x108;
	_ =	swait.ge @!p0 [sflag:s8], $0x0  }
0x24: {  	s3 =	sadd.s32 $0x88, s3;
	s6 =	simm.s32 @!p1 $0x1082;
	[sflag:s4] =	ssyncset.s32 $0xFFFFF086  }
0x25: {  	[simem:s6], [sflag:s4] =	dma.local [hbm:s3], $0xF7A  }
0x26: {  	[smem:$0x3F95] =	sst s1;
	(tag) =	ssettag s2;
	_ =	strace s9  }
0x27: {  	s1 =	sld [smem:$0x3FA5]  }
0x28: {  	s2 =	sld [smem:$0x3FA6]  }
0x29: {  	s4 =	sld [smem:$0x3FA8]  }
0x2a: {  	p0 =	seq.s32 s5, $0x0;
	s5 =	sld [smem:$0x3FA9]  }
0x2b: {  	s6 =	sld [smem:$0x3FAA]  }
0x2c: {  	s7 =	sld [smem:$0x3FAB]  }
0x2d: {  	s3 =	simm.s32 $0x108;
	s8 =	sld [smem:$0x3FAC]  }
0x2e: {  	s3 =	simm.s32 @!p0 $0x1082;
	s9 =	sld [smem:$0x3FAD]  }
0x2f: {  	lr =	sadd.s32 s0, s3;
	s0 =	sld [smem:$0x3FA4]  }
0x30: {  	s3 =	sld [smem:$0x3FA7]  }
0x31: {  	[smem:$0x3FB0] =	sst s10  }
0x32: {  	s10 =	sld [smem:$0x3FAE];
	_ =	sdelay $0x3  }
0x33: {  	p0 =	seq.s32 s10, $0x1;
	s10 =	sld [smem:$0x3FB0];
	_ =	sdelay $0x3  }
0x34: {  	[smem:$0x3FB0] =	sst s10  }
0x35: {  	s10 =	sld [smem:$0x3FAF];
	_ =	sdelay $0x3  }
0x36: {  	p1 =	seq.s32 s10, $0x1;
	s10 =	sld [smem:$0x3FB0];
	_ =	sdelay $0x3  }
0x37: {  	[smem:$0x3FB0] =	sst s10  }
0x38: {  	s10 =	sld [smem:$0x3FB1]  }
0x39: {  	_ = 	snop;
	(pc) =	sbr.ind lr, $3  }
0x3a: {  	_ = 	snop  }
0x3b: {  	_ = 	snop  }
0x3c: {  	p2 =	seq.s32 s10, $0x1;
	s10 =	sld [smem:$0x3FB0]  }
0x3d: {  	_ =	shalt  }
0x3e: {  	_ =	shalt  }
0x3f: {  	_ =	shalt  }
0x40: {  	_ =	shalt  }
0x41: {  	_ =	shalt  }
0x42: {  	_ =	shalt  }
0x43: {  	_ =	shalt  }
0x44: {  	_ =	shalt  }
0x45: {  	_ =	shalt  }
0x46: {  	_ =	shalt  }
0x47: {  	_ =	shalt  }
0x48: {  	_ =	shalt  }
0x49: {  	_ =	shalt  }
0x4a: {  	_ =	shalt  }
0x4b: {  	_ =	shalt  }
0x4c: {  	_ =	shalt  }
0x4d: {  	_ =	shalt  }
0x4e: {  	_ =	shalt  }
0x4f: {  	_ =	shalt  }
0x50: {  	_ =	shalt  }
0x51: {  	_ =	shalt  }
0x52: {  	_ =	shalt  }
0x53: {  	_ =	shalt  }
0x54: {  	_ =	shalt  }
0x55: {  	_ =	shalt  }
0x56: {  	_ =	shalt  }
0x57: {  	_ =	shalt  }
0x58: {  	_ =	shalt  }
0x59: {  	_ =	shalt  }
0x5a: {  	_ =	shalt  }
0x5b: {  	_ =	shalt  }
0x5c: {  	_ =	shalt  }
0x5d: {  	_ =	shalt  }
0x5e: {  	_ =	shalt  }
0x5f: {  	_ =	shalt  }
0x60: {  	_ =	shalt  }
0x61: {  	_ =	shalt  }
0x62: {  	_ =	shalt  }
0x63: {  	_ =	shalt  }
0x64: {  	_ =	shalt  }
0x65: {  	_ =	shalt  }
0x66: {  	_ =	shalt  }
0x67: {  	_ =	shalt  }
0x68: {  	_ =	shalt  }
0x69: {  	_ =	shalt  }
0x6a: {  	_ =	shalt  }
0x6b: {  	_ =	shalt  }
0x6c: {  	_ =	shalt  }
0x6d: {  	_ =	shalt  }
0x6e: {  	_ =	shalt  }
0x6f: {  	_ =	shalt  }
0x70: {  	_ =	shalt  }
0x71: {  	_ =	shalt  }
0x72: {  	_ =	shalt  }
0x73: {  	_ =	shalt  }
0x74: {  	_ =	shalt  }
0x75: {  	_ =	shalt  }
0x76: {  	_ =	shalt  }
0x77: {  	_ =	shalt  }
0x78: {  	_ =	shalt  }
0x79: {  	_ =	shalt  }
0x7a: {  	_ =	shalt  }
0x7b: {  	_ =	shalt  }
0x7c: {  	_ =	shalt  }
0x7d: {  	_ =	shalt  }
0x7e: {  	_ =	shalt  }
0x7f: {  	_ =	shalt  }
0x80: {  	_ =	shalt  }
0x81: {  	_ =	shalt  }
0x82: {  	_ =	shalt  }
0x83: {  	_ =	shalt  }
0x84: {  	_ =	shalt  }
0x85: {  	_ =	shalt  }
0x86: {  	_ =	shalt  }
0x87: {  	_ =	shalt  }
.Lfunc_end0:
.L_simem_size_0:
called_computation.2_lowered:
.L_overlay_start_0:
0x88: {  	s2 =	sld [smem:$0x3FD9]  }
0x89: {  	s3 =	sld [smem:$0x3FFE];
	_ =	sdelay $0x1  }
0x8a: {  	s1 =	srdreg.scid  }
0x8b: {  	s0 =	sand.u32 $0x1, s1  }
0x8c: {  	s17 =	sshll.u32 s0, $0xA;
	s2 =	sadd.s32 s3, s2  }
0x8d: {  	s2 =	sadd.s32 s2, s17  }
0x8e: {  	[smem:$0x3FBC] =	sst s2  }
0x8f: {  	_ = 	snop  }
0x90: {  	s2 =	sld [smem:$0x3FD0];
	(tm) =	ssettm $0x1  }
0x91: {  	s18 =	sld [smem:$0x3FFB];
	_ =	sdelay $0x3  }
0x92: {  	_ =	strace s18  }
0x93: {  	s3 =	sld [smem:$0x3FFC];
	_ =	sdelay $0x3  }
0x94: {  	_ =	strace s3  }
0x95: {  	s3 =	sld [smem:$0x3FFD];
	_ =	sdelay $0x3  }
0x96: {  	_ =	strace s3  }
0x97: {  	_ =	strace $0x8FFFFFFF  }
0x98: {  	s19 =	sld [smem:$0x3FDB];
	_ =	sdelay $0x1  }
0x99: {  	s4 =	simm.s32 $_scs_section_size  }
0x9a: {  	s5 =	simm.s32 $_size__tile_overlayer_lowered;
	s6 =	simm.s32 $_tile_overlayer_lowered  }
0x9b: {  	s22 =	simm.s32 $0x1BFF;
	s21 =	sshll.u32 s6, $0x1;
	s3 =	sadd.s32 s4, s19  }
0x9c: {  	s7 =	simm.s32 $0x0;
	s20 =	sshll.u32 s5, $0x1;
	s5 =	sadd.s32 s21, s3  }
0x9d: {  	[timem:s7], [sflag:s22] =	dma.local [hbm:s5], s20  }
0x9e: {  	_ =	swait.ge [sflag:s22], s20  }
0x9f: {  	s4 =	ssub.s32 $0x0, s20;
	[sflag:s22] =	ssyncset.done $0x0  }
0xa0: {  	[sflag:s22] =	ssyncadd.s32 s4;
	_ =	sdelay $0x1  }
0xa1: {  	s23 =	simm.s32 $0x1B8B  }
0xa2: {  	_ =	swait.ge [sflag:s23], $0x1  }
0xa3: {  	[sflag:s23] =	ssyncset.done $0x0  }
0xa4: {  	s25 =	simm.s32 $0x1B8E;
	s24 =	sld [smem:$0x3FFE];
	[sflag:s23] =	ssyncadd.s32 $0xFFFFFFFF  }
0xa5: {  	s26 =	simm.s32 $execute0_lowered;
	[smem:$0x3FD2] =	sst s25  }
0xa6: {  	s5 =	sshll.u32 s26, $0x1;
	_ =	strace $0x8000004C;
	[dreg:$0x1] =	wrdreg $0xFFFFFFFF  }
0xa7: {  	s28 =	simm.s32 $_size_execute0_lowered;
	s3 =	sadd.s32 s3, s5;
	[dreg:$0x0] =	wrdreg $0x0  }
0xa8: {  	s5 =	sshll.u32 s28, $0x1;
	[dreg:$0x2] =	wrdreg s3  }
0xa9: {  	[dreg:$0x3] =	wrdreg s5  }
0xaa: {  	[dreg:$0x4] =	wrdreg $0xC0  }
0xab: {  	_ =	task [dreg:s7], $0x5FFFF  }
0xac: {  	[dreg:$0x1] =	wrdreg $0xFFFFFFFF  }
0xad: {  	[dreg:$0x0] =	wrdreg $0x60  }
0xae: {  	[dreg:$0x2] =	wrdreg s24  }
0xaf: {  	[dreg:$0x3] =	wrdreg s2  }
0xb0: {  	[dreg:$0x4] =	wrdreg $0x0  }
0xb1: {  	[dreg:$0x5] =	wrdreg $0x140000  }
0xb2: {  	[dreg:$0x6] =	wrdreg $0x9  }
0xb3: {  	_ =	task.clear_ibuf [dreg:s7], $0x7FFFF;
	_ =	strace $0x9000004C  }
0xb4: {  	s29 =	simm.s32 $0x9;
	_ =	strace $0x8000004E  }
0xb5: {  	_ =	swait.ge [sflag:s29], $0x1  }
0xb6: {  	[sflag:s29] =	ssyncadd.s32 $0xFFFFFFFF  }
0xb7: {  	_ =	strace $0x9000004E  }
0xb8: {  	_ =	sfence  }
0xb9: {  	s30 =	sld [smem:$0x0];
	_ =	sdelay $0x2  }
0xba: {  	s31 =	sshll.u32 s1, $0xD;
	s1 =	sshrl.u32 s1, $0x2  }
0xbb: {  	s3 =	sand.u32 $0x4000, s31;
	s1 =	sadd.s32 s1, s30  }
0xbc: {  	s0 =	sor.u32 s3, s0;
	s1 =	sshll.u32 s1, $0x11  }
0xbd: {  	s0 =	sor.u32 s1, s0  }
0xbe: {  	s0 =	sadd.s32 $0x8F2B, s0  }
0xbf: {  	[sflag:s0] =	ssyncadd.remote.s32 $0x1  }
0xc0: {  	_ =	sfence.sel $0xFFFF  }
0xc1: {  	[dreg:$0x0] =	wrdreg $0xFFFFFFFF;
	(pc) =	sbr.abs _section_cstart, $3  }
0xc2: {  	[dreg:$0x1] =	wrdreg $0xFFFFFFFF  }
0xc3: {  	_ =	task.clear_ibuf [dreg:s7], $0x2FFFF;
	_ =	strace $0x9FFFFFFF  }
0xc4: {  	(tm) =	ssettm $0x7FFFFFFF  }
0xc5: {  	_ =	shalt  }
tec
execute0_lowered:
.L_overlay_start_1:
0x0: {  	(tag) =	ssettag $0x1  }
0x1: {  	s1 =	rddreg [dreg:$0x0]  }
0x2: {  	s20 =	rddreg [dreg:$0x1]  }
0x3: {  	s2 =	rddreg [dreg:$0x2]  }
0x4: {  	s3 =	rddreg [dreg:$0x3]  }
0x5: {  	s0 =	srdreg.scid;
	s21 =	stileid.u32  }
0x6: {  	s5 =	simm.s32 $0x0;
	s4 =	sand.u32 $0x1, s0;
	s0 =	smul.u32 $0x2800, s21  }
0x7: {  	[smem:$0x7FF] =	sst s5;
	s9 =	smul.u32 $0x280, s21  }
0x8: {  	s22 =	sadd.s32 $0x4000, s1;
	s23 =	sadd.s32 $0xAE000, s1;
	s11 =	smul.u32 $0x14000, s21  }
0x9: {  	s7 =	sadd.s32 $0xC2000, s1;
	s12 =	smul.u32 $0x50000, s21;
	_ =	strace $0x8000004D  }
0xa: {  	s6 =	smul.u32 $0x28000, s4;
	s8 =	ssub.s32 $0x2, s4;
	[dreg:$0x5] =	wrdreg s22  }
0xb: {  	s24 =	smul.u32 $0x140000, s4;
	[dreg:$0x6] =	wrdreg s23;
	s10 =	sshrl.u32 s8, $0x1  }
0xc: {  	s16 =	sadd.s32 $0x4000, s11;
	s17 =	sadd.s32 $0x8000, s11;
	s18 =	sadd.s32 $0xC000, s11  }
0xd: {  	s9 =	sadd.s32 $0x200, s9;
	s6 =	sadd.s32 s0, s6;
	s8 =	ssub.s32 s8, s10  }
0xe: {  	s13 =	sadd.s32 s11, s24;
	s14 =	sadd.s32 s24, s16;
	s19 =	sshll.u32 s9, $0x7  }
0xf: {  	s26 =	sadd.s32 s24, s17;
	s0 =	sadd.s32 s0, s3;
	s13 =	sshrl.u32 s13, $0x3  }
0x10: {  	s14 =	sshrl.u32 s14, $0x3;
	[smem:$0x7F6] =	sst s0;
	s13 =	sadd.s32 s7, s13  }
0x11: {  	s30 =	sadd.s32 s24, s18;
	s25 =	sadd.s32 s7, s14;
	[dreg:$0x7] =	wrdreg s13  }
0x12: {  	s14 =	sshrl.u32 s30, $0x3;
	s30 =	sadd.s32 s16, s2;
	[dreg:$0x8] =	wrdreg s25  }
0x13: {  	s6 =	sshrl.u32 s6, $0x3;
	s15 =	sadd.s32 s7, s14;
	[dreg:$0xd] =	wrdreg s30  }
0x14: {  	s13 =	sshrl.u32 s26, $0x3;
	s26 =	sadd.s32 s11, s2;
	[dreg:$0xa] =	wrdreg s15  }
0x15: {  	s10 =	sadd.s32 s24, s19;
	s11 =	sadd.s32 s18, s2;
	[dreg:$0xc] =	wrdreg s26  }
0x16: {  	s25 =	sshrl.u32 s12, $0x2;
	s12 =	sadd.s32 s19, s2;
	[dreg:$0xf] =	wrdreg s11  }
0x17: {  	s10 =	sshrl.u32 s10, $0x3;
	s13 =	sadd.s32 s7, s13;
	[dreg:$0x10] =	wrdreg s12  }
0x18: {  	s24 =	sshll.u32 s4, $0x4;
	s7 =	sadd.s32 s7, s10;
	[dreg:$0x9] =	wrdreg s13  }
0x19: {  	s4 =	sadd.s32 s25, s2;
	s10 =	sadd.s32 s17, s2;
	[dreg:$0xb] =	wrdreg s7  }
0x1a: {  	s6 =	sadd.s32 s6, s1;
	[dreg:$0xe] =	wrdreg s10;
	s16 =	sadd.s32 $0x1000, s4  }
0x1b: {  	s14 =	sadd.s32 $0x36000, s1;
	s17 =	sadd.s32 $0x2000, s4;
	[dreg:$0x11] =	wrdreg s16  }
0x1c: {  	s15 =	sadd.s32 $0x5E000, s1;
	s18 =	sadd.s32 $0x3000, s4;
	[dreg:$0x12] =	wrdreg s17  }
0x1d: {  	s13 =	sadd.s32 $0xE000, s1;
	s19 =	sadd.s32 $0x5000, s4;
	[dreg:$0x13] =	wrdreg s18  }
0x1e: {  	s1 =	sor.u32 s21, s24;
	s21 =	sadd.s32 $0x6000, s4;
	[dreg:$0x14] =	wrdreg s19  }
0x1f: {  	s24 =	sadd.s32 $0x7000, s4;
	[dreg:$0x15] =	wrdreg s21  }
0x20: {  	s25 =	sadd.s32 $0x9000, s4;
	[dreg:$0x16] =	wrdreg s24  }
0x21: {  	s26 =	sadd.s32 $0xA000, s4;
	[dreg:$0x17] =	wrdreg s25  }
0x22: {  	s30 =	sadd.s32 $0xB000, s4;
	[dreg:$0x18] =	wrdreg s26  }
0x23: {  	s28 =	simm.s32 $0x16E00;
	s10 =	sadd.s32 $0xD000, s4;
	[dreg:$0x19] =	wrdreg s30  }
0x24: {  	s29 =	simm.s32 $0x3;
	s11 =	sadd.s32 $0xE000, s4;
	[dreg:$0x1a] =	wrdreg s10  }
0x25: {  	s31 =	simm.s32 $0x16800;
	s12 =	sadd.s32 $0xF000, s4;
	[dreg:$0x1b] =	wrdreg s11  }
0x26: {  	s0 =	simm.s32 $0x16A00;
	[dreg:$0x1c] =	wrdreg s12;
	s16 =	sadd.s32 $0x11000, s4  }
0x27: {  	s17 =	smul.u32 $0x500, s1;
	s18 =	sadd.s32 $0x12000, s4;
	s4 =	sadd.s32 $0x13000, s4  }
0x28: {  	s19 =	sshll.u32 s9, $0x4;
	s25 =	smul.u32 $0x2800, s1;
	[dreg:$0x1d] =	wrdreg s16  }
0x29: {  	s26 =	sadd.s32 $0xB8000, s6;
	s30 =	smax.u32 s8, $0x1;
	[dreg:$0x1e] =	wrdreg s18  }
0x2a: {  	s8 =	simm.s32 $0x20;
	s9 =	simm.s32 $0x17E00;
	[dreg:$0x1f] =	wrdreg s4  }
0x2b: {  	s10 =	simm.s32 $0x18E00;
	s12 =	simm.s32 $0x1;
	[smem:$0x7FC] =	sst s26  }
0x2c: {  	s6 =	simm.s32 $0x0;
	s21 =	sadd.s32 s19, s3;
	[smem:$0x7FD] =	sst s30  }
0x2d: {  	s4 =	simm.s32 $0x16C00;
	s16 =	simm.s32 $0x169E0;
	[smem:$0x7F7] =	sst s21  }
0x2e: {  	s18 =	simm.s32 $0x80;
	s22 =	sadd.s32 s22, s17;
	[smem:$0x7FB] =	sst s25  }
0x2f: {  	s23 =	sadd.s32 s23, s17;
	s24 =	sadd.s32 s20, s17;
	[smem:$0x7F8] =	sst s22  }
0x30: {  	v0 =	vimm.f32 $0.0e+00;
	vm0 =	vmmov $0x1;
	s21 =	simm.s32 $0x1BE00;
	s25 =	simm.s32 $0x2;
	[smem:$0x7F9] =	sst s23  }
0x31: {  	vm1 =	vcmask $0x310;
	vm2 =	vcmask $0x710;
	vm3 =	vcmask $0xB10;
	[smem:$0x7FA] =	sst s24;
	s22 =	simm.s32 $0x1CE00;
	s23 =	simm.s32 $0x1DE00  }
.LBB2_1:
0x32: {  	[smem:$0x7F5] =	sst s6;
	s1 =	simm.s32 $0x0;
	s6 =	simm.s32 $0x0  }
.LBB2_2:
0x33: {  	p0 =	sne.s32 s6, $0x3FC0  }
.Ltmp0:
0x34: {  	_ = 	snop;
	(pc) =	sbr.rel @p0 .LBB2_2-.Ltmp0, $4  }
0x35: {  	s7 =	sand.u32 $0x3E00, s6  }
0x36: {  	s11 =	sand.u32 $0x70, s1;
	s7 =	sshrl.u32 s7, $0x2  }
0x37: {  	s7 =	sor.u32 s11, s7  }
0x38: {  	s1 =	sadd.s32 $0x10, s1;
	s6 =	sadd.s32 $0x40, s6;
	[tilespmem:s7+$0x16E00] =	vst v0  }
0x39: {  	s1 =	simm.s32 $0x40;
	s6 =	simm.s32 $0x0  }
.LBB2_4:
0x3a: {  	p0 =	sne.s32 s1, $0x7FC0;
	[tilespmem:s6+$0x19E00] =	vst v0;
	s6 =	smov.u32 s1;
	s1 =	sadd.s32 $0x40, s1  }
.Ltmp1:
0x3b: {  	(pc) =	sbr.rel @p0 .LBB2_4-.Ltmp1, $2  }
0x3c: {  	_ =	sdelay $0x2  }
0x3d: {  	s6 =	sshra.s32 s6, $0x2  }
0x3e: {  	[tilespmem:s6+$0x19E00] =	vst v0;
	s1 =	rddreg [dreg:$0xc]  }
0x3f: {  	[spmem:s1] =	stream.linear.scatter [tilespmem:s28], [sflag:$0x3], $0x1000, $0x38;
	[tilespmem:$0x1EE00] =	vst v63  }
0x40: {  	_ =	swait.ge [sflag:s29], $0x1000  }
0x41: {  	[sflag:s29] =	ssyncset.done $0x0  }
0x42: {  	s11 =	rddreg [dreg:$0x11];
	[sflag:s29] =	ssyncadd.s32 $0xFFFFF000  }
0x43: {  	[spmem:s11] =	stream.linear.scatter [tilespmem:s28], [sflag:$0x3], $0x1000, $0x38;
	[tilespmem:$0x1EE00] =	vst v63  }
0x44: {  	_ =	swait.ge [sflag:s29], $0x1000  }
0x45: {  	[sflag:s29] =	ssyncset.done $0x0  }
0x46: {  	s17 =	rddreg [dreg:$0x12];
	[sflag:s29] =	ssyncadd.s32 $0xFFFFF000  }
0x47: {  	[spmem:s17] =	stream.linear.scatter [tilespmem:s28], [sflag:$0x3], $0x1000, $0x38;
	[tilespmem:$0x1EE00] =	vst v63  }
0x48: {  	_ =	swait.ge [sflag:s29], $0x1000  }
0x49: {  	[sflag:s29] =	ssyncset.done $0x0  }
0x4a: {  	s19 =	rddreg [dreg:$0x13];
	[sflag:s29] =	ssyncadd.s32 $0xFFFFF000  }
0x4b: {  	[spmem:s19] =	stream.linear.scatter [tilespmem:s28], [sflag:$0x3], $0x1000, $0x38;
	[tilespmem:$0x1EE00] =	vst v63  }
0x4c: {  	_ =	swait.ge [sflag:s29], $0x1000  }
0x4d: {  	[sflag:s29] =	ssyncset.done $0x0  }
0x4e: {  	s20 =	rddreg [dreg:$0xd];
	[sflag:s29] =	ssyncadd.s32 $0xFFFFF000  }
0x4f: {  	[spmem:s20] =	stream.linear.scatter [tilespmem:s28], [sflag:$0x3], $0x1000, $0x38;
	[tilespmem:$0x1EE00] =	vst v63  }
0x50: {  	_ =	swait.ge [sflag:s29], $0x1000  }
0x51: {  	[sflag:s29] =	ssyncset.done $0x0  }
0x52: {  	s24 =	rddreg [dreg:$0x14];
	[sflag:s29] =	ssyncadd.s32 $0xFFFFF000  }
0x53: {  	[spmem:s24] =	stream.linear.scatter [tilespmem:s28], [sflag:$0x3], $0x1000, $0x38;
	[tilespmem:$0x1EE00] =	vst v63  }
0x54: {  	_ =	swait.ge [sflag:s29], $0x1000  }
0x55: {  	[sflag:s29] =	ssyncset.done $0x0  }
0x56: {  	s26 =	rddreg [dreg:$0x15];
	[sflag:s29] =	ssyncadd.s32 $0xFFFFF000  }
0x57: {  	[spmem:s26] =	stream.linear.scatter [tilespmem:s28], [sflag:$0x3], $0x1000, $0x38;
	[tilespmem:$0x1EE00] =	vst v63  }
0x58: {  	_ =	swait.ge [sflag:s29], $0x1000  }
0x59: {  	[sflag:s29] =	ssyncset.done $0x0  }
0x5a: {  	s30 =	rddreg [dreg:$0x16];
	[sflag:s29] =	ssyncadd.s32 $0xFFFFF000  }
0x5b: {  	[spmem:s30] =	stream.linear.scatter [tilespmem:s28], [sflag:$0x3], $0x1000, $0x38;
	[tilespmem:$0x1EE00] =	vst v63  }
0x5c: {  	_ =	swait.ge [sflag:s29], $0x1000  }
0x5d: {  	[sflag:s29] =	ssyncset.done $0x0  }
0x5e: {  	s6 =	rddreg [dreg:$0xe];
	[sflag:s29] =	ssyncadd.s32 $0xFFFFF000  }
0x5f: {  	[spmem:s6] =	stream.linear.scatter [tilespmem:s28], [sflag:$0x3], $0x1000, $0x38;
	[tilespmem:$0x1EE00] =	vst v63  }
0x60: {  	_ =	swait.ge [sflag:s29], $0x1000  }
0x61: {  	[sflag:s29] =	ssyncset.done $0x0  }
0x62: {  	s7 =	rddreg [dreg:$0x17];
	[sflag:s29] =	ssyncadd.s32 $0xFFFFF000  }
0x63: {  	[spmem:s7] =	stream.linear.scatter [tilespmem:s28], [sflag:$0x3], $0x1000, $0x38;
	[tilespmem:$0x1EE00] =	vst v63  }
0x64: {  	_ =	swait.ge [sflag:s29], $0x1000  }
0x65: {  	[sflag:s29] =	ssyncset.done $0x0  }
0x66: {  	s11 =	rddreg [dreg:$0x18];
	[sflag:s29] =	ssyncadd.s32 $0xFFFFF000  }
0x67: {  	[spmem:s11] =	stream.linear.scatter [tilespmem:s28], [sflag:$0x3], $0x1000, $0x38;
	[tilespmem:$0x1EE00] =	vst v63  }
0x68: {  	_ =	swait.ge [sflag:s29], $0x1000  }
0x69: {  	[sflag:s29] =	ssyncset.done $0x0  }
0x6a: {  	s17 =	rddreg [dreg:$0x19];
	[sflag:s29] =	ssyncadd.s32 $0xFFFFF000  }
0x6b: {  	[spmem:s17] =	stream.linear.scatter [tilespmem:s28], [sflag:$0x3], $0x1000, $0x38;
	[tilespmem:$0x1EE00] =	vst v63  }
0x6c: {  	_ =	swait.ge [sflag:s29], $0x1000  }
0x6d: {  	[sflag:s29] =	ssyncset.done $0x0  }
0x6e: {  	s19 =	rddreg [dreg:$0xf];
	[sflag:s29] =	ssyncadd.s32 $0xFFFFF000  }
0x6f: {  	[spmem:s19] =	stream.linear.scatter [tilespmem:s28], [sflag:$0x3], $0x1000, $0x38;
	[tilespmem:$0x1EE00] =	vst v63  }
0x70: {  	_ =	swait.ge [sflag:s29], $0x1000  }
0x71: {  	[sflag:s29] =	ssyncset.done $0x0  }
0x72: {  	s20 =	rddreg [dreg:$0x1a];
	[sflag:s29] =	ssyncadd.s32 $0xFFFFF000  }
0x73: {  	[spmem:s20] =	stream.linear.scatter [tilespmem:s28], [sflag:$0x3], $0x1000, $0x38;
	[tilespmem:$0x1EE00] =	vst v63  }
0x74: {  	_ =	swait.ge [sflag:s29], $0x1000  }
0x75: {  	[sflag:s29] =	ssyncset.done $0x0  }
0x76: {  	s24 =	rddreg [dreg:$0x1b];
	[sflag:s29] =	ssyncadd.s32 $0xFFFFF000  }
0x77: {  	[spmem:s24] =	stream.linear.scatter [tilespmem:s28], [sflag:$0x3], $0x1000, $0x38;
	[tilespmem:$0x1EE00] =	vst v63  }
0x78: {  	_ =	swait.ge [sflag:s29], $0x1000  }
0x79: {  	[sflag:s29] =	ssyncset.done $0x0  }
0x7a: {  	s26 =	rddreg [dreg:$0x1c];
	[sflag:s29] =	ssyncadd.s32 $0xFFFFF000  }
0x7b: {  	[spmem:s26] =	stream.linear.scatter [tilespmem:s28], [sflag:$0x3], $0x1000, $0x38;
	[tilespmem:$0x1EE00] =	vst v63  }
0x7c: {  	_ =	swait.ge [sflag:s29], $0x1000  }
0x7d: {  	[sflag:s29] =	ssyncset.done $0x0  }
0x7e: {  	s30 =	rddreg [dreg:$0x10];
	[sflag:s29] =	ssyncadd.s32 $0xFFFFF000  }
0x7f: {  	[spmem:s30] =	stream.linear.scatter [tilespmem:s28], [sflag:$0x3], $0x1000, $0x38;
	[tilespmem:$0x1EE00] =	vst v63  }
0x80: {  	_ =	swait.ge [sflag:s29], $0x1000  }
0x81: {  	[sflag:s29] =	ssyncset.done $0x0  }
0x82: {  	s6 =	rddreg [dreg:$0x1d];
	[sflag:s29] =	ssyncadd.s32 $0xFFFFF000  }
0x83: {  	[spmem:s6] =	stream.linear.scatter [tilespmem:s28], [sflag:$0x3], $0x1000, $0x38;
	[tilespmem:$0x1EE00] =	vst v63  }
0x84: {  	_ =	swait.ge [sflag:s29], $0x1000  }
0x85: {  	[sflag:s29] =	ssyncset.done $0x0  }
0x86: {  	s7 =	rddreg [dreg:$0x1e];
	[sflag:s29] =	ssyncadd.s32 $0xFFFFF000  }
0x87: {  	[spmem:s7] =	stream.linear.scatter [tilespmem:s28], [sflag:$0x3], $0x1000, $0x38;
	[tilespmem:$0x1EE00] =	vst v63  }
0x88: {  	_ =	swait.ge [sflag:s29], $0x1000  }
0x89: {  	[sflag:s29] =	ssyncset.done $0x0  }
0x8a: {  	s11 =	rddreg [dreg:$0x1f];
	[sflag:s29] =	ssyncadd.s32 $0xFFFFF000  }
0x8b: {  	[spmem:s11] =	stream.linear.scatter [tilespmem:s28], [sflag:$0x3], $0x1000, $0x38;
	[tilespmem:$0x1EE00] =	vst v63  }
0x8c: {  	_ =	swait.ge [sflag:s29], $0x1000  }
0x8d: {  	s17 =	sld [smem:$0x7F6]  }
0x8e: {  	[sflag:s29] =	ssyncset.done $0x0  }
0x8f: {  	s19 =	simm.s32 $0x19E00;
	[sflag:s29] =	ssyncadd.s32 $0xFFFFF000  }
0x90: {  	[spmem:s17] =	stream.linear.scatter [tilespmem:s19], [sflag:$0x3], $0x2000, $0x38;
	[tilespmem:$0x1EE00] =	vst v63  }
0x91: {  	_ =	swait.ge [sflag:s29], $0x2000  }
0x92: {  	s20 =	sld [smem:$0x7F7]  }
0x93: {  	[sflag:s29] =	ssyncset.done $0x0  }
0x94: {  	[sflag:s29] =	ssyncadd.s32 $0xFFFFE000  }
0x95: {  	[spmem:s20] =	stream.linear.scatter [tilespmem:s19], [sflag:$0x3], $0x800, $0x38;
	[tilespmem:$0x1EE00] =	vst v63  }
0x96: {  	_ =	swait.ge [sflag:s29], $0x800  }
0x97: {  	[sflag:s29] =	ssyncset.done $0x0  }
0x98: {  	[sflag:s29] =	ssyncadd.s32 $0xFFFFF800  }
0x99: {  	[bflag:$0x0] =	sbarrier.arrive $0xFFFF  }
0x9a: {  	s24 =	sld [smem:$0x7F8];
	_ =	sdelay $0x1  }
0x9b: {  	s20 =	simm.s32 $0x0  }
0x9c: {  	[tilespmem:s31], [sflag:$0x3] =	stream.linear.gather [hbm4b:s24+s20], $0x200, $0x38;
	[tilespmem:$0x1EE00] =	vst v63  }
0x9d: {  	_ =	swait.ge [sflag:s29], $0x200  }
0x9e: {  	s26 =	sld [smem:$0x7F9]  }
0x9f: {  	[sflag:s29] =	ssyncset.done $0x0  }
0xa0: {  	[sflag:s29] =	ssyncadd.s32 $0xFFFFFE00  }
0xa1: {  	[tilespmem:s0], [sflag:$0x3] =	stream.linear.gather [hbm4b:s26+s20], $0x200, $0x38;
	[tilespmem:$0x1EE00] =	vst v63  }
0xa2: {  	_ =	swait.ge [sflag:s29], $0x200  }
0xa3: {  	s30 =	sld [smem:$0x7FA]  }
0xa4: {  	[sflag:s29] =	ssyncset.done $0x0  }
0xa5: {  	[sflag:s29] =	ssyncadd.s32 $0xFFFFFE00  }
0xa6: {  	[tilespmem:s4], [sflag:$0x3] =	stream.linear.gather [hbm4b:s30+s20], $0x200, $0x38;
	[tilespmem:$0x1EE00] =	vst v63  }
0xa7: {  	_ =	swait.ge [sflag:s29], $0x200  }
0xa8: {  	[sflag:s29] =	ssyncset.done $0x0  }
0xa9: {  	[sflag:s29] =	ssyncadd.s32 $0xFFFFFE00  }
0xaa: {  	[tilespmem:s28], [sflag:$0x1] =	stream.indirect.gather [hbm4b:s13+s8], $0x80, s0, s8, $0xb8;
	[tilespmem:$0x1EE00] =	vst v63  }
0xab: {  	_ = 	snop  }
0xac: {  	[tilespmem:s9], [sflag:$0x1] =	stream.indirect.gather [hbm4b:s14+s8], $0x80, s31, s8, $0xb8;
	[tilespmem:$0x1EE00] =	vst v63  }
0xad: {  	_ = 	snop  }
0xae: {  	[tilespmem:s10], [sflag:$0x1] =	stream.indirect.gather [hbm4b:s15+s8], $0x80, s31, s8, $0xb8;
	[tilespmem:$0x1EE00] =	vst v63  }
.LBB2_6:
0xaf: {  	s7 =	simm.s32 $0x19E00;
	s1 =	simm.s32 $0x1A000;
	s17 =	simm.s32 $0x0  }
.LBB2_7:
0xb0: {  	_ =	swait.ge [sflag:s12], $0x1000  }
0xb1: {  	[sflag:s12] =	ssyncset.done $0x0  }
0xb2: {  	[sflag:s12] =	ssyncadd.s32 $0xFFFFF000  }
0xb3: {  	_ =	swait.ge [sflag:s12], $0x1000  }
0xb4: {  	[sflag:s12] =	ssyncset.done $0x0  }
0xb5: {  	[sflag:s12] =	ssyncadd.s32 $0xFFFFF000  }
0xb6: {  	_ =	swait.ge [sflag:s12], $0x1000  }
0xb7: {  	s30 =	sshll.u32 s17, $0x6;
	[sflag:s12] =	ssyncset.done $0x0  }
0xb8: {  	s19 =	sadd.s32 $0x16A20, s30;
	[sflag:s12] =	ssyncadd.s32 $0xFFFFF000  }
0xb9: {  	[tilespmem:s21], [sflag:$0x2] =	stream.indirect.gather [hbm4b:s13+s8], $0x80, s19, s8, $0xb8;
	[tilespmem:$0x1EE00] =	vst v63  }
0xba: {  	s6 =	sadd.s32 $0x16820, s30  }
0xbb: {  	[tilespmem:s22], [sflag:$0x2] =	stream.indirect.gather [hbm4b:s14+s8], $0x80, s6, s8, $0xb8;
	[tilespmem:$0x1EE00] =	vst v63  }
0xbc: {  	_ = 	snop  }
0xbd: {  	[tilespmem:s23], [sflag:$0x2] =	stream.indirect.gather [hbm4b:s15+s8], $0x80, s6, s8, $0xb8;
	[tilespmem:$0x1EE00] =	vst v63  }
0xbe: {  	s6 =	simm.s32 $0x0  }
0xbf: {  	v2 =	vld [tilespmem:s6+$0x16E40]  }
0xc0: {  	v3 =	vld [tilespmem:s6+$0x17E40]  }
0xc1: {  	v4 =	vld [tilespmem:s6+$0x16E50]  }
0xc2: {  	v5 =	vld [tilespmem:s6+$0x17E50]  }
0xc3: {  	v6 =	vld [tilespmem:s6+$0x16E20]  }
0xc4: {  	v7 =	vld [tilespmem:s6+$0x17E20]  }
0xc5: {  	v8 =	vld [tilespmem:s6+$0x16E30]  }
0xc6: {  	v9 =	vld [tilespmem:s6+$0x17E30]  }
0xc7: {  	v10 =	vld [tilespmem:s6+$0x17E00]  }
0xc8: {  	v11 =	vld [tilespmem:s6+$0x16E00]  }
0xc9: {  	v12 =	vld [tilespmem:s6+$0x16E10]  }
0xca: {  	v13 =	vld [tilespmem:s6+$0x17E10];
	_ =	sdelay $0x1  }
0xcb: {  	v1 =	vld [tilespmem:s6+$0x16E60]  }
0xcc: {  	v14 =	vld [tilespmem:s6+$0x17E60];
	v2 =	vmul.f32 v3, v2;
	v3 =	vmul.f32 v5, v4  }
0xcd: {  	v15 =	vld [tilespmem:s6+$0x16E70];
	v5 =	vmul.f32 v7, v6;
	v6 =	vmul.f32 v9, v8  }
0xce: {  	v4 =	vld [tilespmem:s6+$0x17E70];
	v7 =	vmul.f32 v13, v12;
	v2 =	vadd.f32 v3, v2;
	v3 =	vmul.f32 v10, v11  }
0xcf: {  	v5 =	vadd.f32 v6, v5  }
0xd0: {  	(xrf2) =	vadd.scan.msk.f32 $0xffff, v2;
	v2 =	vadd.f32 v7, v3  }
0xd1: {  	(xrf2) =	vadd.scan.msk.f32 $0xffff, v5  }
0xd2: {  	(xrf2) =	vadd.scan.msk.f32 $0xffff, v2  }
0xd3: {  	v1 =	vmul.f32 v14, v1;
	v3 =	vmul.f32 v4, v15;
	_ =	sdelay $0x1  }
0xd4: {  	v1 =	vadd.f32 v3, v1;
	_ =	sdelay $0x1  }
0xd5: {  	(xrf2) =	vadd.scan.msk.f32 $0xffff, v1;
	_ =	sdelay $0x2  }
0xd6: {  	v1, _, _ =	vpop (xrf2)  }
0xd7: {  	v2, _, _ =	vpop (xrf2)  }
0xd8: {  	v3, _, _ =	vpop (xrf2)  }
0xd9: {  	v3 =	vmul.f32 $1.442695020e+00, v3  }
0xda: {  	v2 =	vmul.f32 $1.442695020e+00, v2  }
0xdb: {  	v3 =	vbroadcast v3, $0xF  }
0xdc: {  	v2 =	vbroadcast v2, $0xF  }
0xdd: {  	v1 =	vmul.f32 $1.442695020e+00, v1;
	v4, _, _ =	vpop (xrf2);
	(erf) = vpow2.f32 v3  }
0xde: {  	v4 =	vmul.f32 $1.442695020e+00, v4;
	(erf) = vpow2.f32 v2  }
0xdf: {  	v1 =	vbroadcast v1, $0xF  }
0xe0: {  	v3 =	vbroadcast v4, $0xF  }
0xe1: {  	(erf) = vpow2.f32 v1  }
0xe2: {  	(erf) = vpow2.f32 v3;
	_ =	sdelay $0x3  }
0xe3: {  	v4 =	vpop (erf)  }
0xe4: {  	v1 =	vnsel vm0, $0x0, v4;
	v3 =	vpop (erf)  }
0xe5: {  	v1 =	vsel vm1, v1, v3;
	_ =	sdelay $0x1  }
0xe6: {  	v2 =	vpop (erf)  }
0xe7: {  	v5 =	vsel vm2, v1, v2;
	v1 =	vpop (erf)  }
0xe8: {  	v5 =	vsel vm3, v5, v1  }
0xe9: {  	s24 =	simm.s32 $0x80;
	[tilespmem:s7+$0x0] =	vst v5  }
0xea: {  	v5 =	vld [tilespmem:s24+$0x16E60]  }
0xeb: {  	v13 =	vld [tilespmem:s24+$0x16E40]  }
0xec: {  	v14 =	vld [tilespmem:s24+$0x17E40]  }
0xed: {  	v15 =	vld [tilespmem:s24+$0x16E50]  }
0xee: {  	v16 =	vld [tilespmem:s24+$0x17E50]  }
0xef: {  	v7 =	vld [tilespmem:s24+$0x16E20]  }
0xf0: {  	v9 =	vld [tilespmem:s24+$0x17E20]  }
0xf1: {  	v11 =	vld [tilespmem:s24+$0x16E30]  }
0xf2: {  	v12 =	vld [tilespmem:s24+$0x17E30]  }
0xf3: {  	v6 =	vld [tilespmem:s24+$0x17E00]  }
0xf4: {  	v8 =	vld [tilespmem:s24+$0x16E00]  }
0xf5: {  	s26 =	simm.s32 $0x400;
	s11 =	smov.u32 s7;
	v10 =	vld [tilespmem:s24+$0x16E10];
	v13 =	vmul.f32 v14, v13;
	v14 =	vmul.f32 v16, v15  }
.LBB2_8:
0xf6: {  	p0 =	sne.s32 s26, $0x3E00;
	v15 =	vld [tilespmem:s24+$0x17E10]  }
0xf7: {  	v13 =	vadd.f32 v14, v13;
	v14 =	vld [tilespmem:s24+$0x17E60]  }
0xf8: {  	v7 =	vmul.f32 v9, v7;
	v9 =	vmul.f32 v12, v11;
	v11 =	vld [tilespmem:s24+$0x16E70]  }
0xf9: {  	v12 =	vld [tilespmem:s24+$0x17E70];
	(xrf2) =	vadd.scan.msk.f32 $0xffff, v13  }
0xfa: {  	v7 =	vadd.f32 v9, v7;
	v9 =	vld [tilespmem:s6+$0x18E00]  }
0xfb: {  	v6 =	vmul.f32 v6, v8;
	v8 =	vmul.f32 v15, v10;
	v10 =	vld [tilespmem:s6+$0x18E10]  }
0xfc: {  	(xrf2) =	vadd.scan.msk.f32 $0xffff, v7;
	v7 =	vld [tilespmem:s6+$0x18E20]  }
0xfd: {  	v6 =	vadd.f32 v8, v6;
	v8 =	vld [tilespmem:s6+$0x18E30]  }
0xfe: {  	v5 =	vmul.f32 v14, v5;
	v11 =	vmul.f32 v12, v11;
	v12 =	vld [tilespmem:s6+$0x18E40]  }
0xff: {  	(xrf2) =	vadd.scan.msk.f32 $0xffff, v6;
	v6 =	vmul.f32 v9, v4;
	v9 =	vld [tilespmem:s6+$0x18E50]  }
0x100: {  	v5 =	vadd.f32 v11, v5;
	v11 =	vmul.f32 v10, v4;
	v10 =	vld [tilespmem:s6+$0x18E60]  }
0x101: {  	[tilespmem:s6+$0x18E00] =	vst v6;
	v6 =	vmul.f32 v7, v3;
	v7 =	vld [tilespmem:s6+$0x18E70]  }
0x102: {  	(xrf2) =	vadd.scan.msk.f32 $0xffff, v5;
	[tilespmem:s6+$0x18E10] =	vst v11;
	v3 =	vmul.f32 v8, v3  }
0x103: {  	v4, _, _ =	vpop (xrf2);
	[tilespmem:s6+$0x18E20] =	vst v6;
	v6 =	vmul.f32 v12, v2  }
0x104: {  	[tilespmem:s6+$0x18E30] =	vst v3;
	v2 =	vmul.f32 v9, v2  }
0x105: {  	[tilespmem:s6+$0x18E40] =	vst v6;
	v3 =	vmul.f32 v10, v1  }
0x106: {  	v5, _, _ =	vpop (xrf2);
	[tilespmem:s6+$0x18E50] =	vst v2;
	v2 =	vmul.f32 v7, v1  }
0x107: {  	[tilespmem:s6+$0x18E60] =	vst v3  }
0x108: {  	[tilespmem:s6+$0x18E70] =	vst v2;
	s6 =	smov.u32 s24  }
0x109: {  	v1, _, _ =	vpop (xrf2)  }
0x10a: {  	v1 =	vmul.f32 $1.442695020e+00, v1  }
0x10b: {  	v2 =	vmul.f32 $1.442695020e+00, v5  }
0x10c: {  	v3 =	vmul.f32 $1.442695020e+00, v4;
	v1 =	vbroadcast v1, $0xF;
	v4, _, _ =	vpop (xrf2)  }
0x10d: {  	v2 =	vbroadcast v2, $0xF;
	v4 =	vmul.f32 $1.442695020e+00, v4  }
0x10e: {  	v3 =	vbroadcast v3, $0xF;
	(erf) = vpow2.f32 v1  }
0x10f: {  	v1 =	vbroadcast v4, $0xF;
	(erf) = vpow2.f32 v2  }
0x110: {  	(erf) = vpow2.f32 v3  }
0x111: {  	(erf) = vpow2.f32 v1;
	_ =	sdelay $0x5  }
0x112: {  	v4 =	vpop (erf)  }
0x113: {  	v7 =	vnsel vm0, $0x0, v4;
	v3 =	vpop (erf)  }
0x114: {  	v6 =	vsel vm1, v7, v3;
	v2 =	vpop (erf)  }
0x115: {  	v5 =	vsel vm2, v6, v2;
	v1 =	vpop (erf)  }
0x116: {  	s11 =	sadd.s32 $0x10, s11;
	v5 =	vsel vm3, v5, v1  }
0x117: {  	s24 =	sshra.s32 s26, $0x2;
	[tilespmem:s11+$0x0] =	vst v5  }
0x118: {  	v5 =	vld [tilespmem:s24+$0x16E60]  }
0x119: {  	v13 =	vld [tilespmem:s24+$0x16E40]  }
0x11a: {  	v14 =	vld [tilespmem:s24+$0x17E40]  }
0x11b: {  	v15 =	vld [tilespmem:s24+$0x16E50]  }
0x11c: {  	v16 =	vld [tilespmem:s24+$0x17E50]  }
0x11d: {  	v7 =	vld [tilespmem:s24+$0x16E20]  }
0x11e: {  	v9 =	vld [tilespmem:s24+$0x17E20]  }
.Ltmp2:
0x11f: {  	v11 =	vld [tilespmem:s24+$0x16E30];
	(pc) =	sbr.rel @p0 .LBB2_8-.Ltmp2, $4  }
0x120: {  	v12 =	vld [tilespmem:s24+$0x17E30]  }
0x121: {  	v6 =	vld [tilespmem:s24+$0x17E00]  }
0x122: {  	v8 =	vld [tilespmem:s24+$0x16E00]  }
0x123: {  	s26 =	sadd.s32 $0x200, s26;
	v13 =	vmul.f32 v14, v13;
	v14 =	vmul.f32 v16, v15;
	v10 =	vld [tilespmem:s24+$0x16E10]  }
0x124: {  	v15 =	vld [tilespmem:s24+$0x17E10];
	_ =	sdelay $0x1  }
0x125: {  	v16 =	vld [tilespmem:s24+$0x17E60]  }
0x126: {  	v17 =	vld [tilespmem:s24+$0x16E70]  }
0x127: {  	v18 =	vld [tilespmem:s24+$0x17E70];
	v7 =	vmul.f32 v9, v7;
	v9 =	vmul.f32 v12, v11  }
0x128: {  	v11 =	vadd.f32 v14, v13;
	v6 =	vmul.f32 v6, v8;
	v8 =	vmul.f32 v15, v10  }
0x129: {  	v7 =	vadd.f32 v9, v7  }
0x12a: {  	(xrf2) =	vadd.scan.msk.f32 $0xffff, v11;
	v6 =	vadd.f32 v8, v6  }
0x12b: {  	(xrf2) =	vadd.scan.msk.f32 $0xffff, v7  }
0x12c: {  	v5 =	vmul.f32 v16, v5;
	v7 =	vmul.f32 v18, v17;
	(xrf2) =	vadd.scan.msk.f32 $0xffff, v6;
	_ =	sdelay $0x1  }
0x12d: {  	v5 =	vadd.f32 v7, v5;
	_ =	sdelay $0x1  }
0x12e: {  	(xrf2) =	vadd.scan.msk.f32 $0xffff, v5;
	_ =	sdelay $0x3  }
0x12f: {  	v5, _, _ =	vpop (xrf2)  }
0x130: {  	v6, _, _ =	vpop (xrf2)  }
0x131: {  	v7, _, _ =	vpop (xrf2)  }
0x132: {  	v7 =	vmul.f32 $1.442695020e+00, v7  }
0x133: {  	v11 =	vld [tilespmem:s6+$0x18E20];
	v6 =	vmul.f32 $1.442695020e+00, v6  }
0x134: {  	v8 =	vld [tilespmem:s6+$0x18E00];
	v7 =	vbroadcast v7, $0xF  }
0x135: {  	v10 =	vld [tilespmem:s6+$0x18E10];
	v5 =	vmul.f32 $1.442695020e+00, v5;
	v6 =	vbroadcast v6, $0xF;
	v9, _, _ =	vpop (xrf2)  }
0x136: {  	v9 =	vmul.f32 $1.442695020e+00, v9;
	(erf) = vpow2.f32 v7;
	v7 =	vld [tilespmem:s6+$0x18E30]  }
0x137: {  	v5 =	vbroadcast v5, $0xF  }
0x138: {  	v9 =	vbroadcast v9, $0xF;
	(erf) = vpow2.f32 v6  }
0x139: {  	v6 =	vld [tilespmem:s6+$0x18E40];
	(erf) = vpow2.f32 v5;
	v5 =	vmul.f32 v8, v4  }
0x13a: {  	v4 =	vmul.f32 v10, v4;
	(erf) = vpow2.f32 v9  }
0x13b: {  	v9 =	vld [tilespmem:s6+$0x18E60];
	[tilespmem:s6+$0x18E00] =	vst v5;
	v5 =	vmul.f32 v11, v3;
	v3 =	vmul.f32 v7, v3  }
0x13c: {  	v8 =	vld [tilespmem:s6+$0x18E50]  }
0x13d: {  	[tilespmem:s6+$0x18E10] =	vst v4  }
0x13e: {  	v10 =	vld [tilespmem:s6+$0x18E70];
	[tilespmem:s6+$0x18E20] =	vst v5;
	v4 =	vmul.f32 v6, v2  }
0x13f: {  	[tilespmem:s6+$0x18E30] =	vst v3;
	v3 =	vpop (erf)  }
0x140: {  	[tilespmem:s6+$0x18E40] =	vst v4;
	v4 =	vmul.f32 v9, v1;
	v5 =	vnsel vm0, $0x0, v3  }
0x141: {  	v2 =	vmul.f32 v8, v2  }
0x142: {  	v6 =	vpop (erf)  }
0x143: {  	v1 =	vmul.f32 v10, v1;
	[tilespmem:s6+$0x18E50] =	vst v2;
	v2 =	vsel vm1, v5, v6;
	v5 =	vpop (erf)  }
0x144: {  	[tilespmem:s6+$0x18E60] =	vst v4;
	v2 =	vsel vm2, v2, v5;
	v4 =	vpop (erf)  }
0x145: {  	s26 =	sadd.s32 $0x10, s11;
	[tilespmem:s6+$0x18E70] =	vst v1;
	v1 =	vsel vm3, v2, v4  }
0x146: {  	[tilespmem:s26+$0x0] =	vst v1  }
0x147: {  	v1 =	vld [tilespmem:s24+$0x18E00]  }
0x148: {  	v2 =	vld [tilespmem:s24+$0x18E10]  }
0x149: {  	v7 =	vld [tilespmem:s24+$0x18E20]  }
0x14a: {  	v8 =	vld [tilespmem:s24+$0x18E30]  }
0x14b: {  	v9 =	vld [tilespmem:s24+$0x18E40]  }
0x14c: {  	v10 =	vld [tilespmem:s24+$0x18E50];
	v1 =	vmul.f32 v1, v3  }
0x14d: {  	v11 =	vld [tilespmem:s24+$0x18E60];
	v2 =	vmul.f32 v2, v3  }
0x14e: {  	v3 =	vld [tilespmem:s24+$0x18E70];
	[tilespmem:s24+$0x18E00] =	vst v1;
	v1 =	vmul.f32 v7, v6  }
0x14f: {  	[tilespmem:s24+$0x18E10] =	vst v2;
	v2 =	vmul.f32 v8, v6  }
0x150: {  	[tilespmem:s24+$0x18E20] =	vst v1;
	v1 =	vmul.f32 v9, v5  }
0x151: {  	[tilespmem:s24+$0x18E30] =	vst v2;
	v2 =	vmul.f32 v10, v5  }
0x152: {  	[tilespmem:s24+$0x18E40] =	vst v1;
	v1 =	vmul.f32 v11, v4  }
0x153: {  	[tilespmem:s24+$0x18E50] =	vst v2;
	v2 =	vmul.f32 v3, v4  }
0x154: {  	s11 =	sand.u32 $0x3FFFFFC0, s30;
	[tilespmem:s24+$0x18E60] =	vst v1  }
0x155: {  	s6 =	sadd.s32 $0x16A00, s11;
	[tilespmem:s24+$0x18E70] =	vst v2  }
0x156: {  	[spmem:s2] =	stream.indirect.scatter.add.f32 [tilespmem:s10], [sflag:$0x3], $0x80, s6, s8, $0xb8;
	[tilespmem:$0x1EE00] =	vst v63  }
0x157: {  	_ =	swait.ge [sflag:s29], $0x1000  }
0x158: {  	[sflag:s29] =	ssyncset.done $0x0  }
0x159: {  	[sflag:s29] =	ssyncadd.s32 $0xFFFFF000  }
0x15a: {  	_ =	swait.ge [sflag:s25], $0x1000  }
0x15b: {  	[sflag:s25] =	ssyncset.done $0x0  }
0x15c: {  	[sflag:s25] =	ssyncadd.s32 $0xFFFFF000  }
0x15d: {  	_ =	swait.ge [sflag:s25], $0x1000  }
0x15e: {  	[sflag:s25] =	ssyncset.done $0x0  }
0x15f: {  	[sflag:s25] =	ssyncadd.s32 $0xFFFFF000  }
0x160: {  	_ =	swait.ge [sflag:s25], $0x1000  }
0x161: {  	[sflag:s25] =	ssyncset.done $0x0  }
0x162: {  	s26 =	sadd.s32 $0x16A40, s30;
	[sflag:s25] =	ssyncadd.s32 $0xFFFFF000  }
0x163: {  	[tilespmem:s28], [sflag:$0x1] =	stream.indirect.gather [hbm4b:s13+s8], $0x80, s26, s8, $0xb8;
	[tilespmem:$0x1EE00] =	vst v63  }
0x164: {  	s30 =	sadd.s32 $0x16840, s30  }
0x165: {  	[tilespmem:s9], [sflag:$0x1] =	stream.indirect.gather [hbm4b:s14+s8], $0x80, s30, s8, $0xb8;
	[tilespmem:$0x1EE00] =	vst v63  }
0x166: {  	s6 =	simm.s32 $0x0  }
0x167: {  	[tilespmem:s10], [sflag:$0x1] =	stream.indirect.gather [hbm4b:s15+s8], $0x80, s30, s8, $0xb8;
	[tilespmem:$0x1EE00] =	vst v63  }
0x168: {  	v2 =	vld [tilespmem:s6+$0x1BE40]  }
0x169: {  	v3 =	vld [tilespmem:s6+$0x1CE40]  }
0x16a: {  	v4 =	vld [tilespmem:s6+$0x1BE50]  }
0x16b: {  	v5 =	vld [tilespmem:s6+$0x1CE50]  }
0x16c: {  	v6 =	vld [tilespmem:s6+$0x1BE20]  }
0x16d: {  	v7 =	vld [tilespmem:s6+$0x1CE20]  }
0x16e: {  	v8 =	vld [tilespmem:s6+$0x1BE30]  }
0x16f: {  	v9 =	vld [tilespmem:s6+$0x1CE30]  }
0x170: {  	v10 =	vld [tilespmem:s6+$0x1CE00]  }
0x171: {  	v11 =	vld [tilespmem:s6+$0x1BE00]  }
0x172: {  	v12 =	vld [tilespmem:s6+$0x1BE10]  }
0x173: {  	v13 =	vld [tilespmem:s6+$0x1CE10];
	_ =	sdelay $0x1  }
0x174: {  	v1 =	vld [tilespmem:s6+$0x1BE60]  }
0x175: {  	v14 =	vld [tilespmem:s6+$0x1CE60];
	v2 =	vmul.f32 v3, v2;
	v3 =	vmul.f32 v5, v4  }
0x176: {  	v15 =	vld [tilespmem:s6+$0x1BE70];
	v5 =	vmul.f32 v7, v6;
	v6 =	vmul.f32 v9, v8  }
0x177: {  	v4 =	vld [tilespmem:s6+$0x1CE70];
	v7 =	vmul.f32 v13, v12;
	v2 =	vadd.f32 v3, v2;
	v3 =	vmul.f32 v10, v11  }
0x178: {  	v5 =	vadd.f32 v6, v5  }
0x179: {  	(xrf2) =	vadd.scan.msk.f32 $0xffff, v2;
	v2 =	vadd.f32 v7, v3  }
0x17a: {  	(xrf2) =	vadd.scan.msk.f32 $0xffff, v5  }
0x17b: {  	(xrf2) =	vadd.scan.msk.f32 $0xffff, v2  }
0x17c: {  	v1 =	vmul.f32 v14, v1;
	v3 =	vmul.f32 v4, v15;
	_ =	sdelay $0x1  }
0x17d: {  	v1 =	vadd.f32 v3, v1;
	_ =	sdelay $0x1  }
0x17e: {  	(xrf2) =	vadd.scan.msk.f32 $0xffff, v1;
	_ =	sdelay $0x2  }
0x17f: {  	v1, _, _ =	vpop (xrf2)  }
0x180: {  	v2, _, _ =	vpop (xrf2)  }
0x181: {  	v3, _, _ =	vpop (xrf2)  }
0x182: {  	v3 =	vmul.f32 $1.442695020e+00, v3  }
0x183: {  	v2 =	vmul.f32 $1.442695020e+00, v2  }
0x184: {  	v3 =	vbroadcast v3, $0xF  }
0x185: {  	v2 =	vbroadcast v2, $0xF  }
0x186: {  	v1 =	vmul.f32 $1.442695020e+00, v1;
	v4, _, _ =	vpop (xrf2);
	(erf) = vpow2.f32 v3  }
0x187: {  	v4 =	vmul.f32 $1.442695020e+00, v4;
	(erf) = vpow2.f32 v2  }
0x188: {  	v1 =	vbroadcast v1, $0xF  }
0x189: {  	v3 =	vbroadcast v4, $0xF  }
0x18a: {  	(erf) = vpow2.f32 v1  }
0x18b: {  	(erf) = vpow2.f32 v3;
	_ =	sdelay $0x3  }
0x18c: {  	v4 =	vpop (erf)  }
0x18d: {  	v1 =	vnsel vm0, $0x0, v4;
	v3 =	vpop (erf)  }
0x18e: {  	v1 =	vsel vm1, v1, v3;
	_ =	sdelay $0x1  }
0x18f: {  	v2 =	vpop (erf)  }
0x190: {  	v5 =	vsel vm2, v1, v2;
	v1 =	vpop (erf)  }
0x191: {  	v5 =	vsel vm3, v5, v1  }
0x192: {  	s24 =	simm.s32 $0x80;
	[tilespmem:s1+$0x0] =	vst v5  }
0x193: {  	v5 =	vld [tilespmem:s24+$0x1BE60]  }
0x194: {  	v13 =	vld [tilespmem:s24+$0x1BE40]  }
0x195: {  	v14 =	vld [tilespmem:s24+$0x1CE40]  }
0x196: {  	v15 =	vld [tilespmem:s24+$0x1BE50]  }
0x197: {  	v63 =	vld [tilespmem:s24+$0x1CE50]  }
0x198: {  	v7 =	vld [tilespmem:s24+$0x1BE20]  }
0x199: {  	v9 =	vld [tilespmem:s24+$0x1CE20]  }
0x19a: {  	v11 =	vld [tilespmem:s24+$0x1BE30]  }
0x19b: {  	v12 =	vld [tilespmem:s24+$0x1CE30]  }
0x19c: {  	v6 =	vld [tilespmem:s24+$0x1CE00]  }
0x19d: {  	v8 =	vld [tilespmem:s24+$0x1BE00]  }
0x19e: {  	s11 =	smov.u32 s1;
	s26 =	simm.s32 $0x400;
	v10 =	vld [tilespmem:s24+$0x1BE10];
	v13 =	vmul.f32 v14, v13;
	v14 =	vmul.f32 v63, v15  }
.LBB2_10:
0x19f: {  	p0 =	sne.s32 s26, $0x3E00;
	v15 =	vld [tilespmem:s24+$0x1CE10]  }
0x1a0: {  	v13 =	vadd.f32 v14, v13;
	v14 =	vld [tilespmem:s24+$0x1CE60]  }
0x1a1: {  	v7 =	vmul.f32 v9, v7;
	v9 =	vmul.f32 v12, v11;
	v11 =	vld [tilespmem:s24+$0x1BE70]  }
0x1a2: {  	v12 =	vld [tilespmem:s24+$0x1CE70];
	(xrf2) =	vadd.scan.msk.f32 $0xffff, v13  }
0x1a3: {  	v7 =	vadd.f32 v9, v7;
	v9 =	vld [tilespmem:s6+$0x1DE00]  }
0x1a4: {  	v6 =	vmul.f32 v6, v8;
	v8 =	vmul.f32 v15, v10;
	v10 =	vld [tilespmem:s6+$0x1DE10]  }
0x1a5: {  	(xrf2) =	vadd.scan.msk.f32 $0xffff, v7;
	v7 =	vld [tilespmem:s6+$0x1DE20]  }
0x1a6: {  	v6 =	vadd.f32 v8, v6;
	v8 =	vld [tilespmem:s6+$0x1DE30]  }
0x1a7: {  	v5 =	vmul.f32 v14, v5;
	v11 =	vmul.f32 v12, v11;
	v12 =	vld [tilespmem:s6+$0x1DE40]  }
0x1a8: {  	(xrf2) =	vadd.scan.msk.f32 $0xffff, v6;
	v6 =	vmul.f32 v9, v4;
	v9 =	vld [tilespmem:s6+$0x1DE50]  }
0x1a9: {  	v5 =	vadd.f32 v11, v5;
	v11 =	vmul.f32 v10, v4;
	v10 =	vld [tilespmem:s6+$0x1DE60]  }
0x1aa: {  	[tilespmem:s6+$0x1DE00] =	vst v6;
	v6 =	vmul.f32 v7, v3;
	v7 =	vld [tilespmem:s6+$0x1DE70]  }
0x1ab: {  	(xrf2) =	vadd.scan.msk.f32 $0xffff, v5;
	[tilespmem:s6+$0x1DE10] =	vst v11;
	v3 =	vmul.f32 v8, v3  }
0x1ac: {  	v4, _, _ =	vpop (xrf2);
	[tilespmem:s6+$0x1DE20] =	vst v6;
	v6 =	vmul.f32 v12, v2  }
0x1ad: {  	[tilespmem:s6+$0x1DE30] =	vst v3;
	v2 =	vmul.f32 v9, v2  }
0x1ae: {  	[tilespmem:s6+$0x1DE40] =	vst v6;
	v3 =	vmul.f32 v10, v1  }
0x1af: {  	v5, _, _ =	vpop (xrf2);
	[tilespmem:s6+$0x1DE50] =	vst v2;
	v2 =	vmul.f32 v7, v1  }
0x1b0: {  	[tilespmem:s6+$0x1DE60] =	vst v3  }
0x1b1: {  	[tilespmem:s6+$0x1DE70] =	vst v2;
	s6 =	smov.u32 s24  }
0x1b2: {  	v1, _, _ =	vpop (xrf2)  }
0x1b3: {  	v1 =	vmul.f32 $1.442695020e+00, v1  }
0x1b4: {  	v2 =	vmul.f32 $1.442695020e+00, v5  }
0x1b5: {  	v3 =	vmul.f32 $1.442695020e+00, v4;
	v1 =	vbroadcast v1, $0xF;
	v4, _, _ =	vpop (xrf2)  }
0x1b6: {  	v2 =	vbroadcast v2, $0xF;
	v4 =	vmul.f32 $1.442695020e+00, v4  }
0x1b7: {  	v3 =	vbroadcast v3, $0xF;
	(erf) = vpow2.f32 v1  }
0x1b8: {  	v1 =	vbroadcast v4, $0xF;
	(erf) = vpow2.f32 v2  }
0x1b9: {  	(erf) = vpow2.f32 v3  }
0x1ba: {  	(erf) = vpow2.f32 v1;
	_ =	sdelay $0x5  }
0x1bb: {  	v4 =	vpop (erf)  }
0x1bc: {  	v7 =	vnsel vm0, $0x0, v4;
	v3 =	vpop (erf)  }
0x1bd: {  	v6 =	vsel vm1, v7, v3;
	v2 =	vpop (erf)  }
0x1be: {  	v5 =	vsel vm2, v6, v2;
	v1 =	vpop (erf)  }
0x1bf: {  	s11 =	sadd.s32 $0x10, s11;
	v5 =	vsel vm3, v5, v1  }
0x1c0: {  	s24 =	sshra.s32 s26, $0x2;
	[tilespmem:s11+$0x0] =	vst v5  }
0x1c1: {  	v5 =	vld [tilespmem:s24+$0x1BE60]  }
0x1c2: {  	v13 =	vld [tilespmem:s24+$0x1BE40]  }
0x1c3: {  	v14 =	vld [tilespmem:s24+$0x1CE40]  }
0x1c4: {  	v15 =	vld [tilespmem:s24+$0x1BE50]  }
0x1c5: {  	v16 =	vld [tilespmem:s24+$0x1CE50]  }
0x1c6: {  	v7 =	vld [tilespmem:s24+$0x1BE20]  }
0x1c7: {  	v9 =	vld [tilespmem:s24+$0x1CE20]  }
.Ltmp3:
0x1c8: {  	v11 =	vld [tilespmem:s24+$0x1BE30];
	(pc) =	sbr.rel @p0 .LBB2_10-.Ltmp3, $4  }
0x1c9: {  	v12 =	vld [tilespmem:s24+$0x1CE30]  }
0x1ca: {  	v6 =	vld [tilespmem:s24+$0x1CE00]  }
0x1cb: {  	v8 =	vld [tilespmem:s24+$0x1BE00]  }
0x1cc: {  	s26 =	sadd.s32 $0x200, s26;
	v13 =	vmul.f32 v14, v13;
	v14 =	vmul.f32 v16, v15;
	v10 =	vld [tilespmem:s24+$0x1BE10]  }
0x1cd: {  	v15 =	vld [tilespmem:s24+$0x1CE10]  }
0x1ce: {  	v16 =	vld [tilespmem:s24+$0x1CE60]  }
0x1cf: {  	v17 =	vld [tilespmem:s24+$0x1BE70]  }
0x1d0: {  	v18 =	vld [tilespmem:s24+$0x1CE70]  }
0x1d1: {  	v7 =	vmul.f32 v9, v7;
	v34 =	vmul.f32 v12, v11  }
0x1d2: {  	v35 =	vadd.f32 v14, v13;
	v6 =	vmul.f32 v6, v8;
	v36 =	vmul.f32 v15, v10  }
0x1d3: {  	v7 =	vadd.f32 v34, v7  }
0x1d4: {  	(xrf2) =	vadd.scan.msk.f32 $0xffff, v35;
	v6 =	vadd.f32 v36, v6  }
0x1d5: {  	(xrf2) =	vadd.scan.msk.f32 $0xffff, v7;
	v5 =	vmul.f32 v16, v5;
	v37 =	vmul.f32 v18, v17  }
0x1d6: {  	(xrf2) =	vadd.scan.msk.f32 $0xffff, v6  }
0x1d7: {  	v5 =	vadd.f32 v37, v5;
	_ =	sdelay $0x1  }
0x1d8: {  	(xrf2) =	vadd.scan.msk.f32 $0xffff, v5;
	_ =	sdelay $0x4  }
0x1d9: {  	v38, _, _ =	vpop (xrf2)  }
0x1da: {  	v39, _, _ =	vpop (xrf2)  }
0x1db: {  	v40, _, _ =	vpop (xrf2)  }
0x1dc: {  	v7 =	vmul.f32 $1.442695020e+00, v40  }
0x1dd: {  	v41 =	vld [tilespmem:s6+$0x1DE00];
	v6 =	vmul.f32 $1.442695020e+00, v39  }
0x1de: {  	v43 =	vld [tilespmem:s6+$0x1DE10];
	v5 =	vmul.f32 $1.442695020e+00, v38;
	v42, _, _ =	vpop (xrf2);
	v7 =	vbroadcast v7, $0xF  }
0x1df: {  	v44 =	vld [tilespmem:s6+$0x1DE20];
	v6 =	vbroadcast v6, $0xF;
	v9 =	vmul.f32 $1.442695020e+00, v42  }
0x1e0: {  	v45 =	vld [tilespmem:s6+$0x1DE30];
	v5 =	vbroadcast v5, $0xF;
	(erf) = vpow2.f32 v7  }
0x1e1: {  	v9 =	vbroadcast v9, $0xF;
	(erf) = vpow2.f32 v6  }
0x1e2: {  	(erf) = vpow2.f32 v5  }
0x1e3: {  	v46 =	vld [tilespmem:s6+$0x1DE40];
	(erf) = vpow2.f32 v9  }
0x1e4: {  	v48 =	vld [tilespmem:s6+$0x1DE50];
	v47 =	vmul.f32 v41, v4;
	v50 =	vmul.f32 v43, v4  }
0x1e5: {  	v49 =	vld [tilespmem:s6+$0x1DE60];
	v51 =	vmul.f32 v44, v3;
	v3 =	vmul.f32 v45, v3  }
0x1e6: {  	v52 =	vld [tilespmem:s6+$0x1DE70];
	[tilespmem:s6+$0x1DE00] =	vst v47  }
0x1e7: {  	[tilespmem:s6+$0x1DE10] =	vst v50  }
0x1e8: {  	v53 =	vmul.f32 v46, v2;
	[tilespmem:s6+$0x1DE20] =	vst v51  }
0x1e9: {  	v2 =	vmul.f32 v48, v2;
	[tilespmem:s6+$0x1DE30] =	vst v3;
	v3 =	vpop (erf)  }
0x1ea: {  	v54 =	vmul.f32 v49, v1;
	[tilespmem:s6+$0x1DE40] =	vst v53;
	v55 =	vnsel vm0, $0x0, v3;
	v56 =	vpop (erf)  }
0x1eb: {  	v1 =	vmul.f32 v52, v1;
	[tilespmem:s6+$0x1DE50] =	vst v2;
	v2 =	vsel vm1, v55, v56;
	v57 =	vpop (erf)  }
0x1ec: {  	[tilespmem:s6+$0x1DE60] =	vst v54;
	v2 =	vsel vm2, v2, v57;
	v58 =	vpop (erf)  }
0x1ed: {  	s30 =	sadd.s32 $0x10, s11;
	[tilespmem:s6+$0x1DE70] =	vst v1;
	v1 =	vsel vm3, v2, v58  }
0x1ee: {  	[tilespmem:s30+$0x0] =	vst v1  }
0x1ef: {  	v1 =	vld [tilespmem:s24+$0x1DE00]  }
0x1f0: {  	v2 =	vld [tilespmem:s24+$0x1DE10]  }
0x1f1: {  	v59 =	vld [tilespmem:s24+$0x1DE20]  }
0x1f2: {  	v60 =	vld [tilespmem:s24+$0x1DE30]  }
0x1f3: {  	v61 =	vld [tilespmem:s24+$0x1DE40]  }
0x1f4: {  	v62 =	vld [tilespmem:s24+$0x1DE50];
	v1 =	vmul.f32 v1, v3  }
0x1f5: {  	v63 =	vld [tilespmem:s24+$0x1DE60];
	v2 =	vmul.f32 v2, v3  }
0x1f6: {  	v3 =	vld [tilespmem:s24+$0x1DE70];
	[tilespmem:s24+$0x1DE00] =	vst v1;
	v1 =	vmul.f32 v59, v56  }
0x1f7: {  	[tilespmem:s24+$0x1DE10] =	vst v2;
	v2 =	vmul.f32 v60, v56  }
0x1f8: {  	[tilespmem:s24+$0x1DE20] =	vst v1;
	v1 =	vmul.f32 v61, v57  }
0x1f9: {  	[tilespmem:s24+$0x1DE30] =	vst v2;
	v2 =	vmul.f32 v62, v57  }
0x1fa: {  	[tilespmem:s24+$0x1DE40] =	vst v1;
	v1 =	vmul.f32 v63, v58  }
0x1fb: {  	s17 =	sadd.s32 $0x1, s17;
	[tilespmem:s24+$0x1DE50] =	vst v2;
	v2 =	vmul.f32 v3, v58  }
0x1fc: {  	p0 =	sne.s32 s17, $0x7;
	[tilespmem:s24+$0x1DE60] =	vst v1  }
.Ltmp4:
0x1fd: {  	[tilespmem:s24+$0x1DE70] =	vst v2;
	(pc) =	sbr.rel @p0 .LBB2_7-.Ltmp4, $4  }
0x1fe: {  	[spmem:s2] =	stream.indirect.scatter.add.f32 [tilespmem:s23], [sflag:$0x3], $0x80, s19, s8, $0xb8;
	[tilespmem:$0x1EE00] =	vst v63  }
0x1ff: {  	_ =	swait.ge [sflag:s29], $0x1000  }
0x200: {  	[sflag:s29] =	ssyncset.done $0x0  }
0x201: {  	s7 =	sadd.s32 $0x400, s7;
	s1 =	sadd.s32 $0x400, s1;
	[sflag:s29] =	ssyncadd.s32 $0xFFFFF000  }
0x202: {  	_ =	swait.ge [sflag:s12], $0x1000  }
0x203: {  	[sflag:s12] =	ssyncset.done $0x0  }
0x204: {  	[sflag:s12] =	ssyncadd.s32 $0xFFFFF000  }
0x205: {  	_ =	swait.ge [sflag:s12], $0x1000  }
0x206: {  	[sflag:s12] =	ssyncset.done $0x0  }
0x207: {  	[sflag:s12] =	ssyncadd.s32 $0xFFFFF000  }
0x208: {  	_ =	swait.ge [sflag:s12], $0x1000  }
0x209: {  	[sflag:s12] =	ssyncset.done $0x0  }
0x20a: {  	s17 =	simm.s32 $0x16BE0;
	[sflag:s12] =	ssyncadd.s32 $0xFFFFF000  }
0x20b: {  	[tilespmem:s21], [sflag:$0x2] =	stream.indirect.gather [hbm4b:s13+s8], $0x80, s17, s8, $0xb8;
	[tilespmem:$0x1EE00] =	vst v63  }
0x20c: {  	_ = 	snop  }
0x20d: {  	[tilespmem:s22], [sflag:$0x2] =	stream.indirect.gather [hbm4b:s14+s8], $0x80, s16, s8, $0xb8;
	[tilespmem:$0x1EE00] =	vst v63  }
0x20e: {  	s1 =	simm.s32 $0x0  }
0x20f: {  	[tilespmem:s23], [sflag:$0x2] =	stream.indirect.gather [hbm4b:s15+s8], $0x80, s16, s8, $0xb8;
	[tilespmem:$0x1EE00] =	vst v63  }
0x210: {  	v2 =	vld [tilespmem:s1+$0x16E40]  }
0x211: {  	v3 =	vld [tilespmem:s1+$0x17E40]  }
0x212: {  	v4 =	vld [tilespmem:s1+$0x16E50]  }
0x213: {  	v5 =	vld [tilespmem:s1+$0x17E50]  }
0x214: {  	v6 =	vld [tilespmem:s1+$0x16E20]  }
0x215: {  	v7 =	vld [tilespmem:s1+$0x17E20]  }
0x216: {  	v8 =	vld [tilespmem:s1+$0x16E30]  }
0x217: {  	v9 =	vld [tilespmem:s1+$0x17E30]  }
0x218: {  	v10 =	vld [tilespmem:s1+$0x17E00]  }
0x219: {  	v11 =	vld [tilespmem:s1+$0x16E00]  }
0x21a: {  	v12 =	vld [tilespmem:s1+$0x16E10]  }
0x21b: {  	v13 =	vld [tilespmem:s1+$0x17E10];
	_ =	sdelay $0x1  }
0x21c: {  	v1 =	vld [tilespmem:s1+$0x16E60]  }
0x21d: {  	v14 =	vld [tilespmem:s1+$0x17E60];
	v2 =	vmul.f32 v3, v2;
	v3 =	vmul.f32 v5, v4  }
0x21e: {  	v15 =	vld [tilespmem:s1+$0x16E70];
	v5 =	vmul.f32 v7, v6;
	v6 =	vmul.f32 v9, v8  }
0x21f: {  	v4 =	vld [tilespmem:s1+$0x17E70];
	v7 =	vmul.f32 v13, v12;
	v2 =	vadd.f32 v3, v2;
	v3 =	vmul.f32 v10, v11  }
0x220: {  	v5 =	vadd.f32 v6, v5  }
0x221: {  	(xrf2) =	vadd.scan.msk.f32 $0xffff, v2;
	v2 =	vadd.f32 v7, v3  }
0x222: {  	(xrf2) =	vadd.scan.msk.f32 $0xffff, v5  }
0x223: {  	(xrf2) =	vadd.scan.msk.f32 $0xffff, v2  }
0x224: {  	v1 =	vmul.f32 v14, v1;
	v3 =	vmul.f32 v4, v15;
	_ =	sdelay $0x1  }
0x225: {  	v1 =	vadd.f32 v3, v1;
	_ =	sdelay $0x1  }
0x226: {  	(xrf2) =	vadd.scan.msk.f32 $0xffff, v1;
	_ =	sdelay $0x2  }
0x227: {  	v1, _, _ =	vpop (xrf2)  }
0x228: {  	v2, _, _ =	vpop (xrf2)  }
0x229: {  	v3, _, _ =	vpop (xrf2)  }
0x22a: {  	v3 =	vmul.f32 $1.442695020e+00, v3  }
0x22b: {  	v2 =	vmul.f32 $1.442695020e+00, v2  }
0x22c: {  	v3 =	vbroadcast v3, $0xF  }
0x22d: {  	v2 =	vbroadcast v2, $0xF  }
0x22e: {  	v1 =	vmul.f32 $1.442695020e+00, v1;
	v4, _, _ =	vpop (xrf2);
	(erf) = vpow2.f32 v3  }
0x22f: {  	v4 =	vmul.f32 $1.442695020e+00, v4;
	(erf) = vpow2.f32 v2  }
0x230: {  	v1 =	vbroadcast v1, $0xF  }
0x231: {  	v3 =	vbroadcast v4, $0xF  }
0x232: {  	(erf) = vpow2.f32 v1  }
0x233: {  	(erf) = vpow2.f32 v3;
	_ =	sdelay $0x3  }
0x234: {  	v4 =	vpop (erf)  }
0x235: {  	v1 =	vnsel vm0, $0x0, v4;
	v3 =	vpop (erf)  }
0x236: {  	v1 =	vsel vm1, v1, v3;
	_ =	sdelay $0x1  }
0x237: {  	v2 =	vpop (erf)  }
0x238: {  	v5 =	vsel vm2, v1, v2;
	v1 =	vpop (erf)  }
0x239: {  	s6 =	simm.s32 $0x1BA00;
	v5 =	vsel vm3, v5, v1  }
0x23a: {  	s7 =	simm.s32 $0x80;
	[tilespmem:s6+$0x0] =	vst v5  }
0x23b: {  	v5 =	vld [tilespmem:s7+$0x16E60]  }
0x23c: {  	v13 =	vld [tilespmem:s7+$0x16E40]  }
0x23d: {  	v14 =	vld [tilespmem:s7+$0x17E40]  }
0x23e: {  	v15 =	vld [tilespmem:s7+$0x16E50]  }
0x23f: {  	v16 =	vld [tilespmem:s7+$0x17E50]  }
0x240: {  	v7 =	vld [tilespmem:s7+$0x16E20]  }
0x241: {  	v9 =	vld [tilespmem:s7+$0x17E20]  }
0x242: {  	v11 =	vld [tilespmem:s7+$0x16E30]  }
0x243: {  	v12 =	vld [tilespmem:s7+$0x17E30]  }
0x244: {  	v6 =	vld [tilespmem:s7+$0x17E00]  }
0x245: {  	v8 =	vld [tilespmem:s7+$0x16E00]  }
0x246: {  	s11 =	simm.s32 $0x400;
	v10 =	vld [tilespmem:s7+$0x16E10];
	v13 =	vmul.f32 v14, v13;
	v14 =	vmul.f32 v16, v15  }
.LBB2_13:
0x247: {  	p0 =	sne.s32 s11, $0x3E00;
	v15 =	vld [tilespmem:s7+$0x17E10]  }
0x248: {  	v13 =	vadd.f32 v14, v13;
	v14 =	vld [tilespmem:s7+$0x17E60]  }
0x249: {  	v7 =	vmul.f32 v9, v7;
	v9 =	vmul.f32 v12, v11;
	v11 =	vld [tilespmem:s7+$0x16E70]  }
0x24a: {  	v12 =	vld [tilespmem:s7+$0x17E70];
	(xrf2) =	vadd.scan.msk.f32 $0xffff, v13  }
0x24b: {  	v7 =	vadd.f32 v9, v7;
	v9 =	vld [tilespmem:s1+$0x18E00]  }
0x24c: {  	v6 =	vmul.f32 v6, v8;
	v8 =	vmul.f32 v15, v10;
	v10 =	vld [tilespmem:s1+$0x18E10]  }
0x24d: {  	(xrf2) =	vadd.scan.msk.f32 $0xffff, v7;
	v7 =	vld [tilespmem:s1+$0x18E20]  }
0x24e: {  	v6 =	vadd.f32 v8, v6;
	v8 =	vld [tilespmem:s1+$0x18E30]  }
0x24f: {  	v5 =	vmul.f32 v14, v5;
	v11 =	vmul.f32 v12, v11;
	v12 =	vld [tilespmem:s1+$0x18E40]  }
0x250: {  	(xrf2) =	vadd.scan.msk.f32 $0xffff, v6;
	v6 =	vmul.f32 v9, v4;
	v9 =	vld [tilespmem:s1+$0x18E50]  }
0x251: {  	v5 =	vadd.f32 v11, v5;
	v11 =	vmul.f32 v10, v4;
	v10 =	vld [tilespmem:s1+$0x18E60]  }
0x252: {  	[tilespmem:s1+$0x18E00] =	vst v6;
	v6 =	vmul.f32 v7, v3;
	v7 =	vld [tilespmem:s1+$0x18E70]  }
0x253: {  	(xrf2) =	vadd.scan.msk.f32 $0xffff, v5;
	[tilespmem:s1+$0x18E10] =	vst v11;
	v3 =	vmul.f32 v8, v3  }
0x254: {  	v4, _, _ =	vpop (xrf2);
	[tilespmem:s1+$0x18E20] =	vst v6;
	v6 =	vmul.f32 v12, v2  }
0x255: {  	[tilespmem:s1+$0x18E30] =	vst v3;
	v2 =	vmul.f32 v9, v2  }
0x256: {  	[tilespmem:s1+$0x18E40] =	vst v6;
	v3 =	vmul.f32 v10, v1  }
0x257: {  	v5, _, _ =	vpop (xrf2);
	[tilespmem:s1+$0x18E50] =	vst v2;
	v2 =	vmul.f32 v7, v1  }
0x258: {  	[tilespmem:s1+$0x18E60] =	vst v3  }
0x259: {  	[tilespmem:s1+$0x18E70] =	vst v2;
	s1 =	smov.u32 s7  }
0x25a: {  	v1, _, _ =	vpop (xrf2)  }
0x25b: {  	v1 =	vmul.f32 $1.442695020e+00, v1  }
0x25c: {  	v2 =	vmul.f32 $1.442695020e+00, v5  }
0x25d: {  	v3 =	vmul.f32 $1.442695020e+00, v4;
	v1 =	vbroadcast v1, $0xF;
	v4, _, _ =	vpop (xrf2)  }
0x25e: {  	v2 =	vbroadcast v2, $0xF;
	v4 =	vmul.f32 $1.442695020e+00, v4  }
0x25f: {  	v3 =	vbroadcast v3, $0xF;
	(erf) = vpow2.f32 v1  }
0x260: {  	v1 =	vbroadcast v4, $0xF;
	(erf) = vpow2.f32 v2  }
0x261: {  	(erf) = vpow2.f32 v3  }
0x262: {  	(erf) = vpow2.f32 v1;
	_ =	sdelay $0x5  }
0x263: {  	v4 =	vpop (erf)  }
0x264: {  	v7 =	vnsel vm0, $0x0, v4;
	v3 =	vpop (erf)  }
0x265: {  	v6 =	vsel vm1, v7, v3;
	v2 =	vpop (erf)  }
0x266: {  	v5 =	vsel vm2, v6, v2;
	v1 =	vpop (erf)  }
0x267: {  	s6 =	sadd.s32 $0x10, s6;
	v5 =	vsel vm3, v5, v1  }
0x268: {  	s7 =	sshra.s32 s11, $0x2;
	[tilespmem:s6+$0x0] =	vst v5  }
0x269: {  	v5 =	vld [tilespmem:s7+$0x16E60]  }
0x26a: {  	v13 =	vld [tilespmem:s7+$0x16E40]  }
0x26b: {  	v14 =	vld [tilespmem:s7+$0x17E40]  }
0x26c: {  	v15 =	vld [tilespmem:s7+$0x16E50]  }
0x26d: {  	v16 =	vld [tilespmem:s7+$0x17E50]  }
0x26e: {  	v7 =	vld [tilespmem:s7+$0x16E20]  }
0x26f: {  	v9 =	vld [tilespmem:s7+$0x17E20]  }
.Ltmp5:
0x270: {  	v11 =	vld [tilespmem:s7+$0x16E30];
	(pc) =	sbr.rel @p0 .LBB2_13-.Ltmp5, $4  }
0x271: {  	v12 =	vld [tilespmem:s7+$0x17E30]  }
0x272: {  	v6 =	vld [tilespmem:s7+$0x17E00]  }
0x273: {  	v8 =	vld [tilespmem:s7+$0x16E00]  }
0x274: {  	s11 =	sadd.s32 $0x200, s11;
	v13 =	vmul.f32 v14, v13;
	v14 =	vmul.f32 v16, v15;
	v10 =	vld [tilespmem:s7+$0x16E10]  }
0x275: {  	v15 =	vld [tilespmem:s7+$0x17E10];
	_ =	sdelay $0x1  }
0x276: {  	v16 =	vld [tilespmem:s7+$0x17E60]  }
0x277: {  	v17 =	vld [tilespmem:s7+$0x16E70]  }
0x278: {  	v18 =	vld [tilespmem:s7+$0x17E70];
	v7 =	vmul.f32 v9, v7;
	v9 =	vmul.f32 v12, v11  }
0x279: {  	v11 =	vadd.f32 v14, v13;
	v6 =	vmul.f32 v6, v8;
	v8 =	vmul.f32 v15, v10  }
0x27a: {  	v7 =	vadd.f32 v9, v7  }
0x27b: {  	(xrf2) =	vadd.scan.msk.f32 $0xffff, v11;
	v6 =	vadd.f32 v8, v6  }
0x27c: {  	(xrf2) =	vadd.scan.msk.f32 $0xffff, v7  }
0x27d: {  	v5 =	vmul.f32 v16, v5;
	v7 =	vmul.f32 v18, v17;
	(xrf2) =	vadd.scan.msk.f32 $0xffff, v6;
	_ =	sdelay $0x1  }
0x27e: {  	v5 =	vadd.f32 v7, v5;
	_ =	sdelay $0x1  }
0x27f: {  	(xrf2) =	vadd.scan.msk.f32 $0xffff, v5;
	_ =	sdelay $0x3  }
0x280: {  	v5, _, _ =	vpop (xrf2)  }
0x281: {  	v6, _, _ =	vpop (xrf2)  }
0x282: {  	v7, _, _ =	vpop (xrf2)  }
0x283: {  	v7 =	vmul.f32 $1.442695020e+00, v7  }
0x284: {  	v11 =	vld [tilespmem:s1+$0x18E20];
	v6 =	vmul.f32 $1.442695020e+00, v6  }
0x285: {  	v8 =	vld [tilespmem:s1+$0x18E00];
	v7 =	vbroadcast v7, $0xF  }
0x286: {  	v10 =	vld [tilespmem:s1+$0x18E10];
	v5 =	vmul.f32 $1.442695020e+00, v5;
	v6 =	vbroadcast v6, $0xF;
	v9, _, _ =	vpop (xrf2)  }
0x287: {  	v9 =	vmul.f32 $1.442695020e+00, v9;
	(erf) = vpow2.f32 v7;
	v7 =	vld [tilespmem:s1+$0x18E30]  }
0x288: {  	v5 =	vbroadcast v5, $0xF  }
0x289: {  	v9 =	vbroadcast v9, $0xF;
	(erf) = vpow2.f32 v6  }
0x28a: {  	v6 =	vld [tilespmem:s1+$0x18E40];
	(erf) = vpow2.f32 v5;
	v5 =	vmul.f32 v8, v4  }
0x28b: {  	v4 =	vmul.f32 v10, v4;
	(erf) = vpow2.f32 v9  }
0x28c: {  	v9 =	vld [tilespmem:s1+$0x18E60];
	[tilespmem:s1+$0x18E00] =	vst v5;
	v5 =	vmul.f32 v11, v3;
	v3 =	vmul.f32 v7, v3  }
0x28d: {  	v8 =	vld [tilespmem:s1+$0x18E50]  }
0x28e: {  	[tilespmem:s1+$0x18E10] =	vst v4  }
0x28f: {  	v10 =	vld [tilespmem:s1+$0x18E70];
	[tilespmem:s1+$0x18E20] =	vst v5;
	v4 =	vmul.f32 v6, v2  }
0x290: {  	[tilespmem:s1+$0x18E30] =	vst v3;
	v3 =	vpop (erf)  }
0x291: {  	[tilespmem:s1+$0x18E40] =	vst v4;
	v4 =	vmul.f32 v9, v1;
	v5 =	vnsel vm0, $0x0, v3  }
0x292: {  	v2 =	vmul.f32 v8, v2  }
0x293: {  	v6 =	vpop (erf)  }
0x294: {  	v1 =	vmul.f32 v10, v1;
	[tilespmem:s1+$0x18E50] =	vst v2;
	v2 =	vsel vm1, v5, v6;
	v5 =	vpop (erf)  }
0x295: {  	[tilespmem:s1+$0x18E60] =	vst v4;
	v2 =	vsel vm2, v2, v5;
	v4 =	vpop (erf)  }
0x296: {  	s26 =	sadd.s32 $0x10, s6;
	[tilespmem:s1+$0x18E70] =	vst v1;
	v1 =	vsel vm3, v2, v4  }
0x297: {  	[tilespmem:s26+$0x0] =	vst v1  }
0x298: {  	v1 =	vld [tilespmem:s7+$0x18E00]  }
0x299: {  	v2 =	vld [tilespmem:s7+$0x18E10]  }
0x29a: {  	v7 =	vld [tilespmem:s7+$0x18E20]  }
0x29b: {  	v8 =	vld [tilespmem:s7+$0x18E30]  }
0x29c: {  	v9 =	vld [tilespmem:s7+$0x18E40]  }
0x29d: {  	v10 =	vld [tilespmem:s7+$0x18E50];
	v1 =	vmul.f32 v1, v3  }
0x29e: {  	v11 =	vld [tilespmem:s7+$0x18E60];
	v2 =	vmul.f32 v2, v3  }
0x29f: {  	v3 =	vld [tilespmem:s7+$0x18E70];
	[tilespmem:s7+$0x18E00] =	vst v1;
	v1 =	vmul.f32 v7, v6  }
0x2a0: {  	[tilespmem:s7+$0x18E10] =	vst v2;
	v2 =	vmul.f32 v8, v6  }
0x2a1: {  	[tilespmem:s7+$0x18E20] =	vst v1;
	v1 =	vmul.f32 v9, v5  }
0x2a2: {  	[tilespmem:s7+$0x18E30] =	vst v2;
	v2 =	vmul.f32 v10, v5  }
0x2a3: {  	[tilespmem:s7+$0x18E40] =	vst v1;
	v1 =	vmul.f32 v11, v4  }
0x2a4: {  	[tilespmem:s7+$0x18E50] =	vst v2;
	v2 =	vmul.f32 v3, v4  }
0x2a5: {  	[tilespmem:s7+$0x18E60] =	vst v1  }
0x2a6: {  	s30 =	simm.s32 $0x16BC0;
	[tilespmem:s7+$0x18E70] =	vst v2  }
0x2a7: {  	[spmem:s2] =	stream.indirect.scatter.add.f32 [tilespmem:s10], [sflag:$0x3], $0x80, s30, s8, $0xb8;
	[tilespmem:$0x1EE00] =	vst v63  }
0x2a8: {  	_ =	swait.ge [sflag:s29], $0x1000  }
0x2a9: {  	[sflag:s29] =	ssyncset.done $0x0  }
0x2aa: {  	[sflag:s29] =	ssyncadd.s32 $0xFFFFF000  }
0x2ab: {  	_ =	swait.ge [sflag:s25], $0x1000  }
0x2ac: {  	[sflag:s25] =	ssyncset.done $0x0  }
0x2ad: {  	[sflag:s25] =	ssyncadd.s32 $0xFFFFF000  }
0x2ae: {  	_ =	swait.ge [sflag:s25], $0x1000  }
0x2af: {  	[sflag:s25] =	ssyncset.done $0x0  }
0x2b0: {  	[sflag:s25] =	ssyncadd.s32 $0xFFFFF000  }
0x2b1: {  	_ =	swait.ge [sflag:s25], $0x1000  }
0x2b2: {  	[sflag:s25] =	ssyncset.done $0x0  }
0x2b3: {  	s1 =	simm.s32 $0x0;
	[sflag:s25] =	ssyncadd.s32 $0xFFFFF000  }
0x2b4: {  	v2 =	vld [tilespmem:s1+$0x1BE40]  }
0x2b5: {  	v3 =	vld [tilespmem:s1+$0x1CE40]  }
0x2b6: {  	v4 =	vld [tilespmem:s1+$0x1BE50]  }
0x2b7: {  	v5 =	vld [tilespmem:s1+$0x1CE50]  }
0x2b8: {  	v6 =	vld [tilespmem:s1+$0x1BE20]  }
0x2b9: {  	v7 =	vld [tilespmem:s1+$0x1CE20]  }
0x2ba: {  	v8 =	vld [tilespmem:s1+$0x1BE30]  }
0x2bb: {  	v9 =	vld [tilespmem:s1+$0x1CE30]  }
0x2bc: {  	v10 =	vld [tilespmem:s1+$0x1CE00]  }
0x2bd: {  	v11 =	vld [tilespmem:s1+$0x1BE00]  }
0x2be: {  	v12 =	vld [tilespmem:s1+$0x1BE10]  }
0x2bf: {  	v13 =	vld [tilespmem:s1+$0x1CE10];
	_ =	sdelay $0x1  }
0x2c0: {  	v1 =	vld [tilespmem:s1+$0x1BE60]  }
0x2c1: {  	v14 =	vld [tilespmem:s1+$0x1CE60];
	v2 =	vmul.f32 v3, v2;
	v3 =	vmul.f32 v5, v4  }
0x2c2: {  	v15 =	vld [tilespmem:s1+$0x1BE70];
	v5 =	vmul.f32 v7, v6;
	v6 =	vmul.f32 v9, v8  }
0x2c3: {  	v4 =	vld [tilespmem:s1+$0x1CE70];
	v7 =	vmul.f32 v13, v12;
	v2 =	vadd.f32 v3, v2;
	v3 =	vmul.f32 v10, v11  }
0x2c4: {  	v5 =	vadd.f32 v6, v5  }
0x2c5: {  	(xrf2) =	vadd.scan.msk.f32 $0xffff, v2;
	v2 =	vadd.f32 v7, v3  }
0x2c6: {  	(xrf2) =	vadd.scan.msk.f32 $0xffff, v5  }
0x2c7: {  	(xrf2) =	vadd.scan.msk.f32 $0xffff, v2  }
0x2c8: {  	v1 =	vmul.f32 v14, v1;
	v3 =	vmul.f32 v4, v15;
	_ =	sdelay $0x1  }
0x2c9: {  	v1 =	vadd.f32 v3, v1;
	_ =	sdelay $0x1  }
0x2ca: {  	(xrf2) =	vadd.scan.msk.f32 $0xffff, v1;
	_ =	sdelay $0x2  }
0x2cb: {  	v1, _, _ =	vpop (xrf2)  }
0x2cc: {  	v2, _, _ =	vpop (xrf2)  }
0x2cd: {  	v3, _, _ =	vpop (xrf2)  }
0x2ce: {  	v3 =	vmul.f32 $1.442695020e+00, v3  }
0x2cf: {  	v2 =	vmul.f32 $1.442695020e+00, v2  }
0x2d0: {  	v3 =	vbroadcast v3, $0xF  }
0x2d1: {  	v2 =	vbroadcast v2, $0xF  }
0x2d2: {  	v1 =	vmul.f32 $1.442695020e+00, v1;
	v4, _, _ =	vpop (xrf2);
	(erf) = vpow2.f32 v3  }
0x2d3: {  	v4 =	vmul.f32 $1.442695020e+00, v4;
	(erf) = vpow2.f32 v2  }
0x2d4: {  	v1 =	vbroadcast v1, $0xF  }
0x2d5: {  	v3 =	vbroadcast v4, $0xF  }
0x2d6: {  	(erf) = vpow2.f32 v1  }
0x2d7: {  	(erf) = vpow2.f32 v3;
	_ =	sdelay $0x3  }
0x2d8: {  	v4 =	vpop (erf)  }
0x2d9: {  	v1 =	vnsel vm0, $0x0, v4;
	v3 =	vpop (erf)  }
0x2da: {  	v1 =	vsel vm1, v1, v3;
	_ =	sdelay $0x1  }
0x2db: {  	v2 =	vpop (erf)  }
0x2dc: {  	v5 =	vsel vm2, v1, v2;
	v1 =	vpop (erf)  }
0x2dd: {  	s6 =	simm.s32 $0x1BC00;
	v5 =	vsel vm3, v5, v1  }
0x2de: {  	s7 =	simm.s32 $0x80;
	[tilespmem:s6+$0x0] =	vst v5  }
0x2df: {  	v5 =	vld [tilespmem:s7+$0x1BE60]  }
0x2e0: {  	v13 =	vld [tilespmem:s7+$0x1BE40]  }
0x2e1: {  	v14 =	vld [tilespmem:s7+$0x1CE40]  }
0x2e2: {  	v15 =	vld [tilespmem:s7+$0x1BE50]  }
0x2e3: {  	v63 =	vld [tilespmem:s7+$0x1CE50]  }
0x2e4: {  	v7 =	vld [tilespmem:s7+$0x1BE20]  }
0x2e5: {  	v9 =	vld [tilespmem:s7+$0x1CE20]  }
0x2e6: {  	v11 =	vld [tilespmem:s7+$0x1BE30]  }
0x2e7: {  	v12 =	vld [tilespmem:s7+$0x1CE30]  }
0x2e8: {  	v6 =	vld [tilespmem:s7+$0x1CE00]  }
0x2e9: {  	v8 =	vld [tilespmem:s7+$0x1BE00]  }
0x2ea: {  	s11 =	simm.s32 $0x400;
	v10 =	vld [tilespmem:s7+$0x1BE10];
	v13 =	vmul.f32 v14, v13;
	v14 =	vmul.f32 v63, v15  }
.LBB2_15:
0x2eb: {  	p0 =	sne.s32 s11, $0x3E00;
	v15 =	vld [tilespmem:s7+$0x1CE10]  }
0x2ec: {  	v13 =	vadd.f32 v14, v13;
	v14 =	vld [tilespmem:s7+$0x1CE60]  }
0x2ed: {  	v7 =	vmul.f32 v9, v7;
	v9 =	vmul.f32 v12, v11;
	v11 =	vld [tilespmem:s7+$0x1BE70]  }
0x2ee: {  	v12 =	vld [tilespmem:s7+$0x1CE70];
	(xrf2) =	vadd.scan.msk.f32 $0xffff, v13  }
0x2ef: {  	v7 =	vadd.f32 v9, v7;
	v9 =	vld [tilespmem:s1+$0x1DE00]  }
0x2f0: {  	v6 =	vmul.f32 v6, v8;
	v8 =	vmul.f32 v15, v10;
	v10 =	vld [tilespmem:s1+$0x1DE10]  }
0x2f1: {  	(xrf2) =	vadd.scan.msk.f32 $0xffff, v7;
	v7 =	vld [tilespmem:s1+$0x1DE20]  }
0x2f2: {  	v6 =	vadd.f32 v8, v6;
	v8 =	vld [tilespmem:s1+$0x1DE30]  }
0x2f3: {  	v5 =	vmul.f32 v14, v5;
	v11 =	vmul.f32 v12, v11;
	v12 =	vld [tilespmem:s1+$0x1DE40]  }
0x2f4: {  	(xrf2) =	vadd.scan.msk.f32 $0xffff, v6;
	v6 =	vmul.f32 v9, v4;
	v9 =	vld [tilespmem:s1+$0x1DE50]  }
0x2f5: {  	v5 =	vadd.f32 v11, v5;
	v11 =	vmul.f32 v10, v4;
	v10 =	vld [tilespmem:s1+$0x1DE60]  }
0x2f6: {  	[tilespmem:s1+$0x1DE00] =	vst v6;
	v6 =	vmul.f32 v7, v3;
	v7 =	vld [tilespmem:s1+$0x1DE70]  }
0x2f7: {  	(xrf2) =	vadd.scan.msk.f32 $0xffff, v5;
	[tilespmem:s1+$0x1DE10] =	vst v11;
	v3 =	vmul.f32 v8, v3  }
0x2f8: {  	v4, _, _ =	vpop (xrf2);
	[tilespmem:s1+$0x1DE20] =	vst v6;
	v6 =	vmul.f32 v12, v2  }
0x2f9: {  	[tilespmem:s1+$0x1DE30] =	vst v3;
	v2 =	vmul.f32 v9, v2  }
0x2fa: {  	[tilespmem:s1+$0x1DE40] =	vst v6;
	v3 =	vmul.f32 v10, v1  }
0x2fb: {  	v5, _, _ =	vpop (xrf2);
	[tilespmem:s1+$0x1DE50] =	vst v2;
	v2 =	vmul.f32 v7, v1  }
0x2fc: {  	[tilespmem:s1+$0x1DE60] =	vst v3  }
0x2fd: {  	[tilespmem:s1+$0x1DE70] =	vst v2;
	s1 =	smov.u32 s7  }
0x2fe: {  	v1, _, _ =	vpop (xrf2)  }
0x2ff: {  	v1 =	vmul.f32 $1.442695020e+00, v1  }
0x300: {  	v2 =	vmul.f32 $1.442695020e+00, v5  }
0x301: {  	v3 =	vmul.f32 $1.442695020e+00, v4;
	v1 =	vbroadcast v1, $0xF;
	v4, _, _ =	vpop (xrf2)  }
0x302: {  	v2 =	vbroadcast v2, $0xF;
	v4 =	vmul.f32 $1.442695020e+00, v4  }
0x303: {  	v3 =	vbroadcast v3, $0xF;
	(erf) = vpow2.f32 v1  }
0x304: {  	v1 =	vbroadcast v4, $0xF;
	(erf) = vpow2.f32 v2  }
0x305: {  	(erf) = vpow2.f32 v3  }
0x306: {  	(erf) = vpow2.f32 v1;
	_ =	sdelay $0x5  }
0x307: {  	v4 =	vpop (erf)  }
0x308: {  	v7 =	vnsel vm0, $0x0, v4;
	v3 =	vpop (erf)  }
0x309: {  	v6 =	vsel vm1, v7, v3;
	v2 =	vpop (erf)  }
0x30a: {  	v5 =	vsel vm2, v6, v2;
	v1 =	vpop (erf)  }
0x30b: {  	s6 =	sadd.s32 $0x10, s6;
	v5 =	vsel vm3, v5, v1  }
0x30c: {  	s7 =	sshra.s32 s11, $0x2;
	[tilespmem:s6+$0x0] =	vst v5  }
0x30d: {  	v5 =	vld [tilespmem:s7+$0x1BE60]  }
0x30e: {  	v13 =	vld [tilespmem:s7+$0x1BE40]  }
0x30f: {  	v14 =	vld [tilespmem:s7+$0x1CE40]  }
0x310: {  	v15 =	vld [tilespmem:s7+$0x1BE50]  }
0x311: {  	v16 =	vld [tilespmem:s7+$0x1CE50]  }
0x312: {  	v7 =	vld [tilespmem:s7+$0x1BE20]  }
0x313: {  	v9 =	vld [tilespmem:s7+$0x1CE20]  }
.Ltmp6:
0x314: {  	v11 =	vld [tilespmem:s7+$0x1BE30];
	(pc) =	sbr.rel @p0 .LBB2_15-.Ltmp6, $4  }
0x315: {  	v12 =	vld [tilespmem:s7+$0x1CE30]  }
0x316: {  	v6 =	vld [tilespmem:s7+$0x1CE00]  }
0x317: {  	v8 =	vld [tilespmem:s7+$0x1BE00]  }
0x318: {  	s11 =	sadd.s32 $0x200, s11;
	v13 =	vmul.f32 v14, v13;
	v14 =	vmul.f32 v16, v15;
	v10 =	vld [tilespmem:s7+$0x1BE10]  }
0x319: {  	v15 =	vld [tilespmem:s7+$0x1CE10]  }
0x31a: {  	v16 =	vld [tilespmem:s7+$0x1CE60]  }
0x31b: {  	v17 =	vld [tilespmem:s7+$0x1BE70]  }
0x31c: {  	v18 =	vld [tilespmem:s7+$0x1CE70]  }
0x31d: {  	v7 =	vmul.f32 v9, v7;
	v34 =	vmul.f32 v12, v11  }
0x31e: {  	v35 =	vadd.f32 v14, v13;
	v6 =	vmul.f32 v6, v8;
	v36 =	vmul.f32 v15, v10  }
0x31f: {  	v7 =	vadd.f32 v34, v7  }
0x320: {  	(xrf2) =	vadd.scan.msk.f32 $0xffff, v35;
	v6 =	vadd.f32 v36, v6  }
0x321: {  	(xrf2) =	vadd.scan.msk.f32 $0xffff, v7;
	v5 =	vmul.f32 v16, v5;
	v37 =	vmul.f32 v18, v17  }
0x322: {  	(xrf2) =	vadd.scan.msk.f32 $0xffff, v6  }
0x323: {  	v5 =	vadd.f32 v37, v5;
	_ =	sdelay $0x1  }
0x324: {  	(xrf2) =	vadd.scan.msk.f32 $0xffff, v5;
	_ =	sdelay $0x4  }
0x325: {  	v38, _, _ =	vpop (xrf2)  }
0x326: {  	v39, _, _ =	vpop (xrf2)  }
0x327: {  	v40, _, _ =	vpop (xrf2)  }
0x328: {  	v7 =	vmul.f32 $1.442695020e+00, v40  }
0x329: {  	v41 =	vld [tilespmem:s1+$0x1DE00];
	v6 =	vmul.f32 $1.442695020e+00, v39  }
0x32a: {  	v43 =	vld [tilespmem:s1+$0x1DE10];
	v5 =	vmul.f32 $1.442695020e+00, v38;
	v42, _, _ =	vpop (xrf2);
	v7 =	vbroadcast v7, $0xF  }
0x32b: {  	v44 =	vld [tilespmem:s1+$0x1DE20];
	v6 =	vbroadcast v6, $0xF;
	v9 =	vmul.f32 $1.442695020e+00, v42  }
0x32c: {  	v45 =	vld [tilespmem:s1+$0x1DE30];
	v5 =	vbroadcast v5, $0xF;
	(erf) = vpow2.f32 v7  }
0x32d: {  	v9 =	vbroadcast v9, $0xF;
	(erf) = vpow2.f32 v6  }
0x32e: {  	(erf) = vpow2.f32 v5  }
0x32f: {  	v46 =	vld [tilespmem:s1+$0x1DE40];
	(erf) = vpow2.f32 v9  }
0x330: {  	v48 =	vld [tilespmem:s1+$0x1DE50];
	v47 =	vmul.f32 v41, v4;
	v50 =	vmul.f32 v43, v4  }
0x331: {  	v49 =	vld [tilespmem:s1+$0x1DE60];
	v51 =	vmul.f32 v44, v3;
	v3 =	vmul.f32 v45, v3  }
0x332: {  	v52 =	vld [tilespmem:s1+$0x1DE70];
	[tilespmem:s1+$0x1DE00] =	vst v47  }
0x333: {  	[tilespmem:s1+$0x1DE10] =	vst v50  }
0x334: {  	v53 =	vmul.f32 v46, v2;
	[tilespmem:s1+$0x1DE20] =	vst v51  }
0x335: {  	v2 =	vmul.f32 v48, v2;
	[tilespmem:s1+$0x1DE30] =	vst v3;
	v3 =	vpop (erf)  }
0x336: {  	v54 =	vmul.f32 v49, v1;
	[tilespmem:s1+$0x1DE40] =	vst v53;
	v55 =	vnsel vm0, $0x0, v3;
	v56 =	vpop (erf)  }
0x337: {  	v1 =	vmul.f32 v52, v1;
	[tilespmem:s1+$0x1DE50] =	vst v2;
	v2 =	vsel vm1, v55, v56;
	v57 =	vpop (erf)  }
0x338: {  	[tilespmem:s1+$0x1DE60] =	vst v54;
	v2 =	vsel vm2, v2, v57;
	v58 =	vpop (erf)  }
0x339: {  	s19 =	sadd.s32 $0x10, s6;
	[tilespmem:s1+$0x1DE70] =	vst v1;
	v1 =	vsel vm3, v2, v58  }
0x33a: {  	[tilespmem:s19+$0x0] =	vst v1  }
0x33b: {  	v1 =	vld [tilespmem:s7+$0x1DE00]  }
0x33c: {  	v2 =	vld [tilespmem:s7+$0x1DE10]  }
0x33d: {  	v59 =	vld [tilespmem:s7+$0x1DE20]  }
0x33e: {  	v60 =	vld [tilespmem:s7+$0x1DE30]  }
0x33f: {  	v61 =	vld [tilespmem:s7+$0x1DE40]  }
0x340: {  	v62 =	vld [tilespmem:s7+$0x1DE50];
	v1 =	vmul.f32 v1, v3  }
0x341: {  	v63 =	vld [tilespmem:s7+$0x1DE60];
	v2 =	vmul.f32 v2, v3  }
0x342: {  	v3 =	vld [tilespmem:s7+$0x1DE70];
	[tilespmem:s7+$0x1DE00] =	vst v1;
	v1 =	vmul.f32 v59, v56  }
0x343: {  	[tilespmem:s7+$0x1DE10] =	vst v2;
	v2 =	vmul.f32 v60, v56  }
0x344: {  	[tilespmem:s7+$0x1DE20] =	vst v1;
	v1 =	vmul.f32 v61, v57  }
0x345: {  	[tilespmem:s7+$0x1DE30] =	vst v2;
	v2 =	vmul.f32 v62, v57  }
0x346: {  	[tilespmem:s7+$0x1DE40] =	vst v1;
	v1 =	vmul.f32 v63, v58  }
0x347: {  	[tilespmem:s7+$0x1DE50] =	vst v2;
	v2 =	vmul.f32 v3, v58  }
0x348: {  	[tilespmem:s7+$0x1DE60] =	vst v1  }
0x349: {  	[tilespmem:s7+$0x1DE70] =	vst v2  }
0x34a: {  	[spmem:s2] =	stream.indirect.scatter.add.f32 [tilespmem:s23], [sflag:$0x3], $0x80, s17, s8, $0xb8;
	[tilespmem:$0x1EE00] =	vst v63  }
0x34b: {  	_ =	swait.ge [sflag:s29], $0x1000  }
0x34c: {  	[sflag:s29] =	ssyncset.done $0x0  }
0x34d: {  	s24 =	simm.s32 $0x19E00;
	[sflag:s29] =	ssyncadd.s32 $0xFFFFF000  }
0x34e: {  	[spmem:s3] =	stream.indirect.scatter.add.f32 [tilespmem:s24], [sflag:$0x3], $0x10, s4, s18, $0xb8;
	[tilespmem:$0x1EE00] =	vst v63  }
0x34f: {  	_ =	swait.ge [sflag:s29], $0x800  }
0x350: {  	[sflag:s29] =	ssyncset.done $0x0  }
0x351: {  	s26 =	simm.s32 $0x16C80;
	s30 =	simm.s32 $0x1A600;
	[sflag:s29] =	ssyncadd.s32 $0xFFFFF800  }
0x352: {  	[spmem:s3] =	stream.indirect.scatter.add.f32 [tilespmem:s30], [sflag:$0x3], $0x10, s26, s18, $0xb8;
	[tilespmem:$0x1EE00] =	vst v63  }
0x353: {  	_ =	swait.ge [sflag:s29], $0x800  }
0x354: {  	[sflag:s29] =	ssyncset.done $0x0  }
0x355: {  	s6 =	simm.s32 $0x16D00;
	s7 =	simm.s32 $0x1AE00;
	[sflag:s29] =	ssyncadd.s32 $0xFFFFF800  }
0x356: {  	[spmem:s3] =	stream.indirect.scatter.add.f32 [tilespmem:s7], [sflag:$0x3], $0x10, s6, s18, $0xb8;
	[tilespmem:$0x1EE00] =	vst v63  }
0x357: {  	_ =	swait.ge [sflag:s29], $0x800  }
0x358: {  	[sflag:s29] =	ssyncset.done $0x0  }
0x359: {  	s11 =	simm.s32 $0x16D80;
	s17 =	simm.s32 $0x1B600;
	[sflag:s29] =	ssyncadd.s32 $0xFFFFF800  }
0x35a: {  	[spmem:s3] =	stream.indirect.scatter.add.f32 [tilespmem:s17], [sflag:$0x3], $0x10, s11, s18, $0xb8;
	[tilespmem:$0x1EE00] =	vst v63  }
0x35b: {  	s20 =	sadd.s32 $0x1, s20;
	_ =	swait.ge [sflag:s29], $0x800  }
0x35c: {  	p0 =	slt.s32 s20, $0x13;
	s1 =	smov.u32 s20;
	s19 =	sld [smem:$0x7FB]  }
0x35d: {  	s1 =	simm.s32 @!p0 $0x13  }
0x35e: {  	s1 =	sshll.u32 s1, $0x9  }
0x35f: {  	s1 =	sadd.s32 s19, s1  }
0x360: {  	[sflag:s29] =	ssyncset.done $0x0;
	s24 =	rddreg [dreg:$0x5];
	s1 =	sshrl.u32 s1, $0x3  }
0x361: {  	[sflag:s29] =	ssyncadd.s32 $0xFFFFF800;
	s6 =	sadd.s32 s24, s1  }
0x362: {  	[tilespmem:s31], [sflag:$0x3] =	stream.linear.gather [hbm4b:s6+s5], $0x200, $0x38;
	[tilespmem:$0x1EE00] =	vst v63  }
0x363: {  	_ =	swait.ge [sflag:s29], $0x200  }
0x364: {  	[sflag:s29] =	ssyncset.done $0x0;
	s26 =	rddreg [dreg:$0x6]  }
0x365: {  	[sflag:s29] =	ssyncadd.s32 $0xFFFFFE00;
	s6 =	sadd.s32 s26, s1  }
0x366: {  	[tilespmem:s0], [sflag:$0x3] =	stream.linear.gather [hbm4b:s6+s5], $0x200, $0x38;
	[tilespmem:$0x1EE00] =	vst v63  }
0x367: {  	_ =	swait.ge [sflag:s29], $0x200  }
0x368: {  	[sflag:s29] =	ssyncset.done $0x0  }
0x369: {  	[sflag:s29] =	ssyncadd.s32 $0xFFFFFE00  }
0x36a: {  	s30 =	rddreg [dreg:$0x1]  }
0x36b: {  	s1 =	sadd.s32 s30, s1  }
0x36c: {  	[tilespmem:s4], [sflag:$0x3] =	stream.linear.gather [hbm4b:s1+s5], $0x200, $0x38;
	[tilespmem:$0x1EE00] =	vst v63  }
0x36d: {  	_ =	swait.ge [sflag:s29], $0x200  }
0x36e: {  	[sflag:s29] =	ssyncset.done $0x0  }
0x36f: {  	p0 =	sne.s32 s20, $0x14;
	[sflag:s29] =	ssyncadd.s32 $0xFFFFFE00  }
0x370: {  	[tilespmem:s28], [sflag:$0x1] =	stream.indirect.gather [hbm4b:s13+s8], $0x80, s0, s8, $0xb8;
	[tilespmem:$0x1EE00] =	vst v63  }
.Ltmp7:
0x371: {  	_ = 	snop;
	(pc) =	sbr.rel @p0 .LBB2_6-.Ltmp7, $4  }
0x372: {  	_ = 	snop  }
0x373: {  	[tilespmem:s9], [sflag:$0x1] =	stream.indirect.gather [hbm4b:s14+s8], $0x80, s31, s8, $0xb8;
	[tilespmem:$0x1EE00] =	vst v63  }
0x374: {  	_ = 	snop  }
0x375: {  	[tilespmem:s10], [sflag:$0x1] =	stream.indirect.gather [hbm4b:s15+s8], $0x80, s31, s8, $0xb8;
	[tilespmem:$0x1EE00] =	vst v63  }
0x376: {  	_ =	swait.ge [sflag:s12], $0x1000  }
0x377: {  	[sflag:s12] =	ssyncset.done $0x0  }
0x378: {  	[sflag:s12] =	ssyncadd.s32 $0xFFFFF000  }
0x379: {  	_ =	swait.ge [sflag:s12], $0x1000  }
0x37a: {  	[sflag:s12] =	ssyncset.done $0x0  }
0x37b: {  	[sflag:s12] =	ssyncadd.s32 $0xFFFFF000  }
0x37c: {  	_ =	swait.ge [sflag:s12], $0x1000  }
0x37d: {  	[sflag:s12] =	ssyncset.done $0x0  }
0x37e: {  	[sflag:s12] =	ssyncadd.s32 $0xFFFFF000  }
0x37f: {  	s1 =	stileid.u32;
	[bflag:$0x0] =	sbarrier.arrive $0xFFFF  }
0x380: {  	s1 =	sshll.u32 s1, $0x6;
	s6 =	rddreg [dreg:$0xc]  }
0x381: {  	s1 =	sor.u32 $0x1C03, s1;
	s7 =	rddreg [dreg:$0x7];
	s6 =	sshrl.u32 s6, $0x3  }
0x382: {  	[hbm:s7], [sflag:s1] =	dma.local [spmem:s6], $0x800  }
0x383: {  	_ =	swait.ge [sflag:s29], $0x800  }
0x384: {  	[sflag:s29] =	ssyncset.done $0x0;
	s20 =	rddreg [dreg:$0xd]  }
0x385: {  	s24 =	rddreg [dreg:$0x8];
	[sflag:s29] =	ssyncadd.s32 $0xFFFFF800;
	s6 =	sshrl.u32 s20, $0x3  }
0x386: {  	[hbm:s24], [sflag:s1] =	dma.local [spmem:s6], $0x800  }
0x387: {  	_ =	swait.ge [sflag:s29], $0x800  }
0x388: {  	[sflag:s29] =	ssyncset.done $0x0;
	s26 =	rddreg [dreg:$0xe]  }
0x389: {  	s30 =	rddreg [dreg:$0x9];
	[sflag:s29] =	ssyncadd.s32 $0xFFFFF800;
	s6 =	sshrl.u32 s26, $0x3  }
0x38a: {  	[hbm:s30], [sflag:s1] =	dma.local [spmem:s6], $0x800  }
0x38b: {  	_ =	swait.ge [sflag:s29], $0x800  }
0x38c: {  	[sflag:s29] =	ssyncset.done $0x0;
	s7 =	rddreg [dreg:$0xf]  }
0x38d: {  	s11 =	rddreg [dreg:$0xa];
	[sflag:s29] =	ssyncadd.s32 $0xFFFFF800;
	s6 =	sshrl.u32 s7, $0x3  }
0x38e: {  	[hbm:s11], [sflag:s1] =	dma.local [spmem:s6], $0x800  }
0x38f: {  	_ =	swait.ge [sflag:s29], $0x800  }
0x390: {  	[sflag:s29] =	ssyncset.done $0x0;
	s17 =	rddreg [dreg:$0x10]  }
0x391: {  	s19 =	rddreg [dreg:$0xb];
	[sflag:s29] =	ssyncadd.s32 $0xFFFFF800;
	s6 =	sshrl.u32 s17, $0x3  }
0x392: {  	[hbm:s19], [sflag:s1] =	dma.local [spmem:s6], $0x800  }
0x393: {  	_ =	swait.ge [sflag:s29], $0x800  }
0x394: {  	s20 =	sld [smem:$0x7F6]  }
0x395: {  	s24 =	sld [smem:$0x7FC]  }
0x396: {  	[sflag:s29] =	ssyncset.done $0x0  }
0x397: {  	[sflag:s29] =	ssyncadd.s32 $0xFFFFF800;
	s6 =	sshrl.u32 s20, $0x3  }
0x398: {  	[hbm:s24], [sflag:s1] =	dma.local [spmem:s6], $0x500  }
0x399: {  	_ =	swait.ge [sflag:s29], $0x500  }
0x39a: {  	s26 =	sld [smem:$0x7F5]  }
0x39b: {  	s30 =	sld [smem:$0x7FD];
	_ =	sdelay $0x1  }
0x39c: {  	s6 =	sadd.s32 $0x1, s26  }
0x39d: {  	p0 =	sne.s32 s6, s30  }
.Ltmp8:
0x39e: {  	_ = 	snop;
	(pc) =	sbr.rel @p0 .LBB2_1-.Ltmp8, $3  }
0x39f: {  	_ =	sdelay $0x1  }
0x3a0: {  	[sflag:s29] =	ssyncset.done $0x0  }
0x3a1: {  	[sflag:s29] =	ssyncadd.s32 $0xFFFFFB00  }
0x3a2: {  	_ =	sfence.sel $0x180000  }
0x3a3: {  	[bflag:$0x0] =	sbarrier.arrive $0xFFFF  }
0x3a4: {  	_ =	strace $0x9000004D  }
0x3a5: {  	s0 =	stileid.u32;
	[bflag:$0x2] =	sbarrier.arrive $0xFFFF  }
0x3a6: {  	p0 =	sne.s32 s0, $0x0;
	s0 =	rddreg [dreg:$0x4]  }
0x3a7: {  	s0 =	sadd.s32 @!p0 $0x100000, s0  }
0x3a8: {  	[sflag:s0] =	ssyncadd.tile.s32 @!p0 $0x1;
	_ =	shalt  }
.Lfunc_end2:
_tile_overlayer_lowered:
.L_overlay_start_2:
0x3a9: {  	(tag) =	ssettag $0x2  }
0x3aa: {  	s0 =	rddreg [dreg:$0x0];
	s2 =	stileid.u32  }
0x3ab: {  	s1 =	rddreg [dreg:$0x1];
	p0 =	sne.s32 s2, $0x0  }
0x3ac: {  	s3 =	rddreg [dreg:$0x2];
	[bflag:$0x3] =	sbarrier.arrive $0xFFFF;
	s2 =	simm.s32 @!p0 $0x1C03  }
0x3ad: {  	[timem:s3], [sflag:s2] =	dma.local @!p0 [hbm:s0], s1  }
0x3ae: {  	s0 =	simm.s32 @!p0 $0x3  }
0x3af: {  	_ =	swait.ge @!p0 [sflag:s0], s1  }
0x3b0: {  	s1 =	ssub.s32 @!p0 $0x0, s1;
	[sflag:s0] =	ssyncset.done @!p0 $0x0  }
0x3b1: {  	[sflag:s0] =	ssyncadd.s32 @!p0 s1  }
0x3b2: {  	[bflag:$0x3] =	sbarrier.arrive $0xFFFF  }
0x3b3: {  	_ =	shalt  }

// kernel: kernel.8.cloned.1.call-start
scs
__scs_entry_jumppad:
0x0: {  	(pc) =	sbr.rel $0x88, $3  }
0x1: {  	(tag) =	ssettag $0x0;
	lr =	simm.s32 $0x1  }
0x2: {  	[smem:$0x3F95] =	sst lr;
	_ =	strace $0xD0000000  }
0x3: {  	_ = 	snop  }
0x4: {  	_ = 	snop  }
0x5: {  	_ = 	snop  }
0x6: {  	_ = 	snop  }
0x7: {  	_ = 	snop  }
__scs_overlays_trampoline_lowered:
0x8: {  	[smem:$0x3FA4] =	sst s0  }
0x9: {  	[smem:$0x3FA5] =	sst s1  }
0xa: {  	[smem:$0x3FA6] =	sst s2  }
0xb: {  	[smem:$0x3FA7] =	sst s3  }
0xc: {  	[smem:$0x3FA8] =	sst s4  }
0xd: {  	[smem:$0x3FA9] =	sst s5  }
0xe: {  	[smem:$0x3FAA] =	sst s6  }
0xf: {  	[smem:$0x3FAB] =	sst s7  }
0x10: {  	[smem:$0x3FAC] =	sst s8  }
0x11: {  	[smem:$0x3FAD] =	sst s9;
	s0 =	simm.s32 @!p0 $0x0  }
0x12: {  	s1 =	sld [smem:$0x3F93];
	s0 =	simm.s32 @p0 $0x1  }
0x13: {  	[smem:$0x3FAE] =	sst s0;
	s0 =	simm.s32 @!p1 $0x0  }
0x14: {  	s2 =	sld [smem:$0x3F92];
	s0 =	simm.s32 @p1 $0x1  }
0x15: {  	[smem:$0x3FAF] =	sst s0;
	s0 =	simm.s32 @!p2 $0x0  }
0x16: {  	s3 =	sld [smem:$0x3FDB];
	s0 =	simm.s32 @p2 $0x1  }
0x17: {  	s4 =	simm.s32 $0x1BF5;
	[smem:$0x3FB1] =	sst s0  }
0x18: {  	s0 =	sld [smem:$0x3F94];
	_ =	swait.ge [sflag:s4], $0x0  }
0x19: {  	s7 =	sld [smem:$0x3F95]  }
0x1a: {  	s8 =	sadd.s32 $0xFFFFE003, lr  }
0x1b: {  	s9 =	sadd.s32 $0xFFFFFEF7, lr;
	s5 =	simm.s32 $0xFFFFFFFF;
	p2 =	slt.u32 s8, $0xFFFFF086  }
0x1c: {  	p1 =	slt.u32 s9, $0xF7A;
	s5 =	simm.s32 @!p2 $0x0  }
0x1d: {  	s5 =	simm.s32 @p1 $0x1;
	p0 =	seq.s32 s7, s2  }
0x1e: {  	s7 =	smul.u32 @!p0 $0xF7A, s2;
	p2 =	seq.s32 @!p0 s5, $0x0  }
0x1f: {  	s9 =	smul.u32 $0xF7A, s1;
	s8 =	simm.s32 @!p0 $0x1BF5;
	p2 =	por !p2, p0  }
0x20: {  	[sflag:s8] =	ssyncset.s32 @!p0 $0xFFFFF086;
	s6 =	sadd.s32 @!p0 s3, s7;
	s7 =	simm.s32 @!p0 $0x108  }
0x21: {  	s3 =	sadd.s32 s3, s9;
	s6 =	sadd.s32 @!p0 $0x88, s6;
	s7 =	simm.s32 @p2 $0x1082  }
0x22: {  	[simem:s7], [sflag:s8] =	dma.local @!p0 [hbm:s6], $0xF7A  }
0x23: {  	s9 =	sor.u32 $0xD0000000, s2;
	s6 =	simm.s32 $0x108;
	_ =	swait.ge @!p0 [sflag:s8], $0x0  }
0x24: {  	s3 =	sadd.s32 $0x88, s3;
	s6 =	simm.s32 @!p1 $0x1082;
	[sflag:s4] =	ssyncset.s32 $0xFFFFF086  }
0x25: {  	[simem:s6], [sflag:s4] =	dma.local [hbm:s3], $0xF7A  }
0x26: {  	[smem:$0x3F95] =	sst s1;
	(tag) =	ssettag s2;
	_ =	strace s9  }
0x27: {  	s1 =	sld [smem:$0x3FA5]  }
0x28: {  	s2 =	sld [smem:$0x3FA6]  }
0x29: {  	s4 =	sld [smem:$0x3FA8]  }
0x2a: {  	p0 =	seq.s32 s5, $0x0;
	s5 =	sld [smem:$0x3FA9]  }
0x2b: {  	s6 =	sld [smem:$0x3FAA]  }
0x2c: {  	s7 =	sld [smem:$0x3FAB]  }
0x2d: {  	s3 =	simm.s32 $0x108;
	s8 =	sld [smem:$0x3FAC]  }
0x2e: {  	s3 =	simm.s32 @!p0 $0x1082;
	s9 =	sld [smem:$0x3FAD]  }
0x2f: {  	lr =	sadd.s32 s0, s3;
	s0 =	sld [smem:$0x3FA4]  }
0x30: {  	s3 =	sld [smem:$0x3FA7]  }
0x31: {  	[smem:$0x3FB0] =	sst s10  }
0x32: {  	s10 =	sld [smem:$0x3FAE];
	_ =	sdelay $0x3  }
0x33: {  	p0 =	seq.s32 s10, $0x1;
	s10 =	sld [smem:$0x3FB0];
	_ =	sdelay $0x3  }
0x34: {  	[smem:$0x3FB0] =	sst s10  }
0x35: {  	s10 =	sld [smem:$0x3FAF];
	_ =	sdelay $0x3  }
0x36: {  	p1 =	seq.s32 s10, $0x1;
	s10 =	sld [smem:$0x3FB0];
	_ =	sdelay $0x3  }
0x37: {  	[smem:$0x3FB0] =	sst s10  }
0x38: {  	s10 =	sld [smem:$0x3FB1]  }
0x39: {  	_ = 	snop;
	(pc) =	sbr.ind lr, $3  }
0x3a: {  	_ = 	snop  }
0x3b: {  	_ = 	snop  }
0x3c: {  	p2 =	seq.s32 s10, $0x1;
	s10 =	sld [smem:$0x3FB0]  }
0x3d: {  	_ =	shalt  }
0x3e: {  	_ =	shalt  }
0x3f: {  	_ =	shalt  }
0x40: {  	_ =	shalt  }
0x41: {  	_ =	shalt  }
0x42: {  	_ =	shalt  }
0x43: {  	_ =	shalt  }
0x44: {  	_ =	shalt  }
0x45: {  	_ =	shalt  }
0x46: {  	_ =	shalt  }
0x47: {  	_ =	shalt  }
0x48: {  	_ =	shalt  }
0x49: {  	_ =	shalt  }
0x4a: {  	_ =	shalt  }
0x4b: {  	_ =	shalt  }
0x4c: {  	_ =	shalt  }
0x4d: {  	_ =	shalt  }
0x4e: {  	_ =	shalt  }
0x4f: {  	_ =	shalt  }
0x50: {  	_ =	shalt  }
0x51: {  	_ =	shalt  }
0x52: {  	_ =	shalt  }
0x53: {  	_ =	shalt  }
0x54: {  	_ =	shalt  }
0x55: {  	_ =	shalt  }
0x56: {  	_ =	shalt  }
0x57: {  	_ =	shalt  }
0x58: {  	_ =	shalt  }
0x59: {  	_ =	shalt  }
0x5a: {  	_ =	shalt  }
0x5b: {  	_ =	shalt  }
0x5c: {  	_ =	shalt  }
0x5d: {  	_ =	shalt  }
0x5e: {  	_ =	shalt  }
0x5f: {  	_ =	shalt  }
0x60: {  	_ =	shalt  }
0x61: {  	_ =	shalt  }
0x62: {  	_ =	shalt  }
0x63: {  	_ =	shalt  }
0x64: {  	_ =	shalt  }
0x65: {  	_ =	shalt  }
0x66: {  	_ =	shalt  }
0x67: {  	_ =	shalt  }
0x68: {  	_ =	shalt  }
0x69: {  	_ =	shalt  }
0x6a: {  	_ =	shalt  }
0x6b: {  	_ =	shalt  }
0x6c: {  	_ =	shalt  }
0x6d: {  	_ =	shalt  }
0x6e: {  	_ =	shalt  }
0x6f: {  	_ =	shalt  }
0x70: {  	_ =	shalt  }
0x71: {  	_ =	shalt  }
0x72: {  	_ =	shalt  }
0x73: {  	_ =	shalt  }
0x74: {  	_ =	shalt  }
0x75: {  	_ =	shalt  }
0x76: {  	_ =	shalt  }
0x77: {  	_ =	shalt  }
0x78: {  	_ =	shalt  }
0x79: {  	_ =	shalt  }
0x7a: {  	_ =	shalt  }
0x7b: {  	_ =	shalt  }
0x7c: {  	_ =	shalt  }
0x7d: {  	_ =	shalt  }
0x7e: {  	_ =	shalt  }
0x7f: {  	_ =	shalt  }
0x80: {  	_ =	shalt  }
0x81: {  	_ =	shalt  }
0x82: {  	_ =	shalt  }
0x83: {  	_ =	shalt  }
0x84: {  	_ =	shalt  }
0x85: {  	_ =	shalt  }
0x86: {  	_ =	shalt  }
0x87: {  	_ =	shalt  }
.Lfunc_end0:
.L_simem_size_0:
called_computation_lowered:
.L_overlay_start_0:
0x88: {  	s2 =	sld [smem:$0x3FD9]  }
0x89: {  	s3 =	sld [smem:$0x3FFE];
	_ =	sdelay $0x1  }
0x8a: {  	s1 =	srdreg.scid  }
0x8b: {  	s0 =	sand.u32 $0x1, s1  }
0x8c: {  	s17 =	sshll.u32 s0, $0xA;
	s2 =	sadd.s32 s3, s2  }
0x8d: {  	s2 =	sadd.s32 s2, s17  }
0x8e: {  	[smem:$0x3FBC] =	sst s2  }
0x8f: {  	_ = 	snop  }
0x90: {  	s2 =	sld [smem:$0x3FD0];
	(tm) =	ssettm $0x1  }
0x91: {  	s18 =	sld [smem:$0x3FFB];
	_ =	sdelay $0x3  }
0x92: {  	_ =	strace s18  }
0x93: {  	s3 =	sld [smem:$0x3FFC];
	_ =	sdelay $0x3  }
0x94: {  	_ =	strace s3  }
0x95: {  	s3 =	sld [smem:$0x3FFD];
	_ =	sdelay $0x3  }
0x96: {  	_ =	strace s3  }
0x97: {  	_ =	strace $0x8FFFFFFF  }
0x98: {  	s19 =	sld [smem:$0x3FDB];
	_ =	sdelay $0x1  }
0x99: {  	s4 =	simm.s32 $_scs_section_size  }
0x9a: {  	s5 =	simm.s32 $_size__tile_overlayer_lowered;
	s6 =	simm.s32 $_tile_overlayer_lowered  }
0x9b: {  	s22 =	simm.s32 $0x1BFF;
	s21 =	sshll.u32 s6, $0x1;
	s3 =	sadd.s32 s4, s19  }
0x9c: {  	s7 =	simm.s32 $0x0;
	s20 =	sshll.u32 s5, $0x1;
	s5 =	sadd.s32 s21, s3  }
0x9d: {  	[timem:s7], [sflag:s22] =	dma.local [hbm:s5], s20  }
0x9e: {  	_ =	swait.ge [sflag:s22], s20  }
0x9f: {  	s4 =	ssub.s32 $0x0, s20;
	[sflag:s22] =	ssyncset.done $0x0  }
0xa0: {  	[sflag:s22] =	ssyncadd.s32 s4;
	_ =	sdelay $0x1  }
0xa1: {  	s23 =	simm.s32 $0x1B8B  }
0xa2: {  	_ =	swait.ge [sflag:s23], $0x1  }
0xa3: {  	[sflag:s23] =	ssyncset.done $0x0  }
0xa4: {  	s25 =	simm.s32 $0x1B8E;
	s24 =	sld [smem:$0x3FFE];
	[sflag:s23] =	ssyncadd.s32 $0xFFFFFFFF  }
0xa5: {  	s26 =	simm.s32 $execute0_lowered;
	[smem:$0x3FD2] =	sst s25  }
0xa6: {  	s5 =	sshll.u32 s26, $0x1;
	_ =	strace $0x80000046;
	[dreg:$0x1] =	wrdreg $0xFFFFFFFF  }
0xa7: {  	s28 =	simm.s32 $_size_execute0_lowered;
	s3 =	sadd.s32 s3, s5;
	[dreg:$0x0] =	wrdreg $0x0  }
0xa8: {  	s5 =	sshll.u32 s28, $0x1;
	[dreg:$0x2] =	wrdreg s3  }
0xa9: {  	[dreg:$0x3] =	wrdreg s5  }
0xaa: {  	[dreg:$0x4] =	wrdreg $0xC0  }
0xab: {  	_ =	task [dreg:s7], $0x5FFFF  }
0xac: {  	[dreg:$0x1] =	wrdreg $0xFFFFFFFF  }
0xad: {  	[dreg:$0x0] =	wrdreg $0x60  }
0xae: {  	[dreg:$0x2] =	wrdreg s2  }
0xaf: {  	[dreg:$0x3] =	wrdreg s24  }
0xb0: {  	[dreg:$0x4] =	wrdreg $0x9  }
0xb1: {  	_ =	task.clear_ibuf [dreg:s7], $0x5FFFF;
	_ =	strace $0x90000046  }
0xb2: {  	s29 =	simm.s32 $0x9;
	_ =	strace $0x80000048  }
0xb3: {  	_ =	swait.ge [sflag:s29], $0x1  }
0xb4: {  	[sflag:s29] =	ssyncadd.s32 $0xFFFFFFFF  }
0xb5: {  	_ =	strace $0x90000048  }
0xb6: {  	_ =	sfence  }
0xb7: {  	s30 =	sld [smem:$0x0];
	_ =	sdelay $0x2  }
0xb8: {  	s31 =	sshll.u32 s1, $0xD;
	s1 =	sshrl.u32 s1, $0x2  }
0xb9: {  	s3 =	sand.u32 $0x4000, s31;
	s1 =	sadd.s32 s1, s30  }
0xba: {  	s0 =	sor.u32 s3, s0;
	s1 =	sshll.u32 s1, $0x11  }
0xbb: {  	s0 =	sor.u32 s1, s0  }
0xbc: {  	s0 =	sadd.s32 $0x8F2B, s0  }
0xbd: {  	[sflag:s0] =	ssyncadd.remote.s32 $0x1  }
0xbe: {  	_ =	sfence.sel $0xFFFF  }
0xbf: {  	[dreg:$0x0] =	wrdreg $0xFFFFFFFF;
	(pc) =	sbr.abs _section_cstart, $3  }
0xc0: {  	[dreg:$0x1] =	wrdreg $0xFFFFFFFF  }
0xc1: {  	_ =	task.clear_ibuf [dreg:s7], $0x2FFFF;
	_ =	strace $0x9FFFFFFF  }
0xc2: {  	(tm) =	ssettm $0x7FFFFFFF  }
0xc3: {  	_ =	shalt  }
tec
execute0_lowered:
.L_overlay_start_1:
0x0: {  	(tag) =	ssettag $0x1  }
0x1: {  	s0 =	srdreg.scid;
	s3 =	rddreg [dreg:$0x0]  }
0x2: {  	s5 =	rddreg [dreg:$0x1];
	s4 =	sand.u32 $0x1, s0  }
0x3: {  	s1 =	stileid.u32;
	s8 =	simm.s32 $0x0;
	s2 =	sshll.u32 s4, $0x4  }
0x4: {  	s4 =	ssub.s32 $0x2, s4;
	s6 =	sor.u32 s1, s2;
	s2 =	simm.s32 $0x0  }
0x5: {  	s7 =	sshrl.u32 s4, $0x1;
	s6 =	smul.u32 $0x500, s6;
	[smem:$0x7FF] =	sst s2  }
0x6: {  	s0 =	rddreg [dreg:$0x2];
	s7 =	ssub.s32 s4, s7;
	_ =	strace $0x80000047  }
0x7: {  	s5 =	sadd.s32 s6, s5;
	s3 =	sadd.s32 s3, s6;
	s6 =	simm.s32 $0x2800  }
0x8: {  	v0 =	vimm.f32 $0.0e+00;
	v1 =	vimm.f32 $1.000000000e+00;
	s4 =	sadd.s32 $0xE000, s5;
	s5 =	smax.u32 s7, $0x1;
	s7 =	simm.s32 $0x1  }
.LBB2_1:
0x9: {  	s9 =	simm.s32 $0x40;
	s10 =	simm.s32 $0x0  }
.LBB2_2:
0xa: {  	p0 =	sne.s32 s9, $0x9FC0;
	[tilespmem:s10+$0x0] =	vst v0;
	s10 =	smov.u32 s9;
	s9 =	sadd.s32 $0x40, s9  }
.Ltmp0:
0xb: {  	(pc) =	sbr.rel @p0 .LBB2_2-.Ltmp0, $2  }
0xc: {  	_ =	sdelay $0x2  }
0xd: {  	s10 =	sshra.s32 s10, $0x2  }
0xe: {  	[tilespmem:s10+$0x0] =	vst v0;
	s9 =	simm.s32 $0x0  }
0xf: {  	[tilespmem:s6], [sflag:$0x1] =	stream.linear.gather [hbm4b:s3+s9], $0x2800, $0x38;
	[tilespmem:$0x5000] =	vst v63  }
0x10: {  	s31 =	sand.u32 $0xFE00, s9;
	_ =	swait.ge [sflag:s7], $0x2800  }
0x11: {  	s9 =	sand.u32 $0x70, s9;
	s10 =	sshrl.u32 s31, $0x2;
	[sflag:s7] =	ssyncset.done $0x0  }
0x12: {  	s9 =	sor.u32 s9, s10;
	[sflag:s7] =	ssyncadd.s32 $0xFFFFD800  }
0x13: {  	v2 =	vld [tilespmem:s9+$0x2800];
	_ =	sdelay $0x4  }
0x14: {  	s11 =	simm.s32 $0x40  }
0x15: {  	s11 =	sand.u32 $0xFE00, s11;
	s10 =	simm.s32 $0x80;
	s9 =	simm.s32 $0x10  }
.LBB2_4:
0x16: {  	p0 =	sne.s32 s10, $0x9FC0;
	s12 =	sand.u32 $0x70, s9;
	s11 =	sshrl.u32 s11, $0x2  }
0x17: {  	s11 =	sor.u32 s12, s11;
	[tilespmem:v2+s2+$0x0] =	vst.idx.add.f32.msk $0xffff, v1  }
0x18: {  	v2 =	vld [tilespmem:s11+$0x2800];
	_ =	sdelay $0x1  }
.Ltmp1:
0x19: {  	(pc) =	sbr.rel @p0 .LBB2_4-.Ltmp1, $2  }
0x1a: {  	_ =	sdelay $0x2  }
0x1b: {  	s9 =	sadd.s32 $0x10, s9;
	s11 =	sand.u32 $0xFE00, s10;
	s10 =	sadd.s32 $0x40, s10  }
0x1c: {  	_ =	sdelay $0x2  }
0x1d: {  	s9 =	sand.u32 $0x70, s9;
	s10 =	sshrl.u32 s11, $0x2  }
0x1e: {  	[tilespmem:v2+s2+$0x0] =	vst.idx.add.f32.msk $0xffff, v1;
	s9 =	sor.u32 s9, s10  }
0x1f: {  	v2 =	vld [tilespmem:s9+$0x2800];
	_ =	sdelay $0x5  }
0x20: {  	s8 =	sadd.s32 $0x1, s8  }
0x21: {  	p0 =	sne.s32 s8, s5  }
.Ltmp2:
0x22: {  	[tilespmem:v2+s2+$0x0] =	vst.idx.add.f32.msk $0xffff, v1;
	(pc) =	sbr.rel @p0 .LBB2_1-.Ltmp2, $4  }
0x23: {  	[hbm4b:s4+s2] =	stream.linear.scatter [tilespmem:s2], [sflag:$0x1], $0x2800, $0x38;
	[tilespmem:$0x5000] =	vst v63  }
0x24: {  	_ =	swait.ge [sflag:s7], $0x2800  }
0x25: {  	[sflag:s7] =	ssyncset.done $0x0  }
0x26: {  	[sflag:s7] =	ssyncadd.s32 $0xFFFFD800  }
0x27: {  	_ =	sfence.sel $0x180000  }
0x28: {  	[bflag:$0x0] =	sbarrier.arrive $0xFFFF  }
0x29: {  	p0 =	sne.s32 s1, $0x0;
	_ =	strace $0x90000047  }
0x2a: {  	s0 =	sadd.s32 @!p0 $0x100000, s0;
	[bflag:$0x2] =	sbarrier.arrive $0xFFFF  }
0x2b: {  	[sflag:s0] =	ssyncadd.tile.s32 @!p0 $0x1;
	_ =	shalt  }
.Lfunc_end2:
_tile_overlayer_lowered:
.L_overlay_start_2:
0x2c: {  	(tag) =	ssettag $0x2  }
0x2d: {  	s0 =	rddreg [dreg:$0x0];
	s2 =	stileid.u32  }
0x2e: {  	s1 =	rddreg [dreg:$0x1];
	p0 =	sne.s32 s2, $0x0  }
0x2f: {  	s3 =	rddreg [dreg:$0x2];
	[bflag:$0x3] =	sbarrier.arrive $0xFFFF;
	s2 =	simm.s32 @!p0 $0x1C01  }
0x30: {  	[timem:s3], [sflag:s2] =	dma.local @!p0 [hbm:s0], s1  }
0x31: {  	s0 =	simm.s32 @!p0 $0x1  }
0x32: {  	_ =	swait.ge @!p0 [sflag:s0], s1  }
0x33: {  	s1 =	ssub.s32 @!p0 $0x0, s1;
	[sflag:s0] =	ssyncset.done @!p0 $0x0  }
0x34: {  	[sflag:s0] =	ssyncadd.s32 @!p0 s1  }
0x35: {  	[bflag:$0x3] =	sbarrier.arrive $0xFFFF  }
0x36: {  	_ =	shalt  }

</sc_bundles>
